<compile_context>
chip_gen: v7x
topology: tpu7x:2x2x1
jax: 0.10.2.dev20260603
libtpu: 0.0.44.dev20260713+nightly
codegen_flags: <defaults>
</compile_context>

<pallas_src>
import jax
import jax.numpy as jnp
from jax import lax
from jax.experimental import pallas as pl
from jax.experimental.pallas import tpu as pltpu
from jax.experimental.pallas import tpu_sc as plsc

N_NODES = 10000
D_FEAT = 128
N_EDGES = 320000

_NC = 2
_NS = 16
_L = 16
_NW = _NC * _NS
_PER_TILE = N_EDGES // _NW
_CH = 80
_NCHUNK = _PER_TILE // _CH
_NBUF = 5
_NOUT = _NCHUNK // _NBUF
_NG = _CH // _L
_NK = D_FEAT // _L
_QPAD = 10240
_QPT = _QPAD // _NS
_QCH = _QPT // _CH


def _dot_body(h_hbm, src_hbm, dst_hbm, out_hbm,
              idx_u, idx_v, rows_s, out_b, tr, qsum, q_loc, q_stage, q_sh,
              *sems):
    gsems = sems[:_NBUF]
    osems = sems[_NBUF:2 * _NBUF]
    isems = sems[2 * _NBUF:]
    cid = lax.axis_index("c")
    sid = lax.axis_index("s")
    wid = cid * _NS + sid
    base0 = wid * _PER_TILE
    lanes = lax.iota(jnp.int32, _L)

    node0 = sid * _QPT
    n_qch = jnp.where(sid == _NS - 1, (N_NODES - (_NS - 1) * _QPT) // _CH, _QCH)

    def q_chunk(c, carry):
        nbase = node0 + c * _CH
        pltpu.sync_copy(h_hbm.at[pl.ds(nbase, _CH)], rows_s.at[0])

        @plsc.parallel_loop(0, _CH, unroll=2)
        def _node(r):
            g = r >> 4
            ii = r & (_L - 1)
            sq = []
            for k in range(_NK):
                x = rows_s[0, r, pl.ds(k * _L, _L)]
                sq.append(x * x)
            s4 = [sq[2 * k] + sq[2 * k + 1] for k in range(4)]
            s2 = [s4[0] + s4[1], s4[2] + s4[3]]
            tr[g, ii, pl.ds(0, _L)] = s2[0] + s2[1]

        @plsc.parallel_loop(0, _NG)
        def _qgrp(g):
            gv = jnp.full((_L,), g, jnp.int32)
            cols = [plsc.load_gather(tr, [gv, lanes, jnp.full((_L,), l, jnp.int32)])
                    for l in range(_L)]
            c8 = [cols[2 * k] + cols[2 * k + 1] for k in range(8)]
            c4 = [c8[2 * k] + c8[2 * k + 1] for k in range(4)]
            c2 = [c4[0] + c4[1], c4[2] + c4[3]]
            q_stage[pl.ds(g * _L, _L)] = 0.5 * (c2[0] + c2[1])

        pltpu.sync_copy(q_stage, q_sh.at[pl.ds(nbase, _CH)])
        return carry

    lax.fori_loop(0, n_qch, q_chunk, 0)
    plsc.subcore_barrier()
    pltpu.sync_copy(q_sh, q_loc)

    def idx_cps(j, b):
        sl = pl.ds(base0 + j * _CH, _CH)
        return (pltpu.make_async_copy(src_hbm.at[sl], idx_u.at[b], isems[b]),
                pltpu.make_async_copy(dst_hbm.at[sl], idx_v.at[b], isems[b]))

    def u_cp(b):
        return pltpu.make_async_copy(h_hbm.at[idx_u.at[b]], rows_s.at[b], gsems[b])

    def start_v_add(b):
        pltpu.async_copy(h_hbm.at[idx_v.at[b]], rows_s.at[b], gsems[b], add=True)

    def v_cp(b):
        return pltpu.make_async_copy(h_hbm.at[idx_v.at[b]], rows_s.at[b], gsems[b])

    def out_cp(j, b):
        return pltpu.make_async_copy(
            out_b.at[b], out_hbm.at[pl.ds(base0 + j * _CH, _CH)], osems[b])

    for b in range(_NBUF):
        for cp in idx_cps(b, b):
            cp.start()
    for b in range(_NBUF - 1):
        for cp in idx_cps(b, b):
            cp.wait()
        u_cp(b).start()
    for b in range(2):
        u_cp(b).wait()
        start_v_add(b)

    def outer_body(i, carry):
        for b in range(_NBUF):
            j = i * _NBUF + b
            b4 = (b + 4) % _NBUF
            b2 = (b + 2) % _NBUF

            @pl.when(j + 4 < _NCHUNK)
            def _():
                for cp in idx_cps(j + 4, b4):
                    cp.wait()
                u_cp(b4).start()

            @pl.when(j + 2 < _NCHUNK)
            def _():
                u_cp(b2).wait()
                start_v_add(b2)

            v_cp(b).wait()

            for g in range(_NG):
                iu = idx_u[b, pl.ds(g * _L, _L)]
                iv = idx_v[b, pl.ds(g * _L, _L)]
                qu = plsc.load_gather(q_loc, [iu])
                qv = plsc.load_gather(q_loc, [iv])
                qsum[g, pl.ds(0, _L)] = qu + qv

            @pl.when(j + _NBUF < _NCHUNK)
            def _():
                for cp in idx_cps(j + _NBUF, b):
                    cp.start()

            @pl.when(j >= _NBUF)
            def _():
                out_cp(j - _NBUF, b).wait()

            @plsc.parallel_loop(0, _CH, unroll=4)
            def _edge(e):
                g = e >> 4
                ii = e & (_L - 1)
                sq = []
                for k in range(_NK):
                    s = rows_s[b, e, pl.ds(k * _L, _L)]
                    sq.append(s * s)
                s4 = [sq[2 * k] + sq[2 * k + 1] for k in range(4)]
                s2 = [s4[0] + s4[1], s4[2] + s4[3]]
                tr[g, ii, pl.ds(0, _L)] = s2[0] + s2[1]

            @plsc.parallel_loop(0, _NG)
            def _grp(g):
                gv = jnp.full((_L,), g, jnp.int32)
                cols = [plsc.load_gather(tr, [gv, lanes, jnp.full((_L,), l, jnp.int32)])
                        for l in range(_L)]
                c8 = [cols[2 * k] + cols[2 * k + 1] for k in range(8)]
                c4 = [c8[2 * k] + c8[2 * k + 1] for k in range(4)]
                c2 = [c4[0] + c4[1], c4[2] + c4[3]]
                out_b[b, pl.ds(g * _L, _L)] = (
                    0.5 * (c2[0] + c2[1]) - qsum[g, pl.ds(0, _L)])
            out_cp(j, b).start()
        return carry

    lax.fori_loop(0, _NOUT, outer_body, 0)

    for b in range(_NBUF):
        out_cp((_NOUT - 1) * _NBUF + b, b).wait()


@jax.jit
def kernel(h, edge_index):
    src = edge_index[0]
    dst = edge_index[1]
    mesh = plsc.VectorSubcoreMesh(
        core_axis_name="c", subcore_axis_name="s",
        num_cores=_NC, num_subcores=_NS)
    f = pl.kernel(
        _dot_body,
        out_type=jax.ShapeDtypeStruct((N_EDGES,), jnp.float32),
        mesh=mesh,
        scratch_types=[
            pltpu.VMEM((_NBUF, _CH), jnp.int32),
            pltpu.VMEM((_NBUF, _CH), jnp.int32),
            pltpu.VMEM((_NBUF, _CH, D_FEAT), jnp.float32),
            pltpu.VMEM((_NBUF, _CH), jnp.float32),
            pltpu.VMEM((_NG, _L, _L + 1), jnp.float32),
            pltpu.VMEM((_NG, _L), jnp.float32),
            pltpu.VMEM((_QPAD,), jnp.float32),
            pltpu.VMEM((_CH,), jnp.float32),
            pltpu.VMEM_SHARED((_QPAD,), jnp.float32),
        ] + [pltpu.SemaphoreType.DMA] * (3 * _NBUF),
        compiler_params=pltpu.CompilerParams(needs_layout_passes=False),
    )
    return f(h, src, dst)

# --- scband reference (transcript-rebuilt; emitter-appended) ---
"""Pipeline reference for scband-dot-predictor-26319559590591 (READ-ONLY COPY).

The authoritative reference and input builder live on the scoring server;
editing this copy changes nothing except your own understanding.
"""

import jax, jax.numpy as jnp
import numpy as np

N_NODES = 10000
N_EDGES = 320000
D_FEAT = 128


def setup_inputs(seed: int = 0) -> dict:
    key = jax.random.key(seed)
    k1, k2 = jax.random.split(key)
    h = jax.random.normal(k1, (N_NODES, D_FEAT), dtype=jnp.float32)
    edge_index = jax.random.randint(k2, (2, N_EDGES), 0, N_NODES, dtype=jnp.int32)
    return {"h": h, "edge_index": edge_index}


def reference(h, edge_index):
    # DGL DotPredictor: for each edge (u, v), score = dot(h[u], h[v]).
    # apply_edges(fn.u_dot_v('h', 'h', 'score')) produces edata['score'] of shape [E, 1];
    # the module returns g.edata['score'][:, 0], i.e. shape [E].
    src = edge_index[0]
    dst = edge_index[1]
    h_u = jnp.take(h, src, axis=0)  # gather [E, d]
    h_v = jnp.take(h, dst, axis=0)  # gather [E, d]
    score = jnp.sum(h_u * h_v, axis=-1)  # [E]
    return score

if __name__ == "__main__":
    import jax
    _d = setup_inputs()
    print(jax.jit(kernel)(*tuple(_d.values())))

</pallas_src>

<mosaic_0001>
#map = affine_map<(d0, d1) -> (0, 0)>
#map1 = affine_map<(d0, d1) -> (0)>
module attributes {stable_mosaic.version = 14 : i64} {
  func.func @_dot_body(%arg0: i32, %arg1: i32, %arg2: memref<10000x128xf32, #tpu.memory_space<hbm>>, %arg3: memref<320000xi32, #tpu.memory_space<hbm>>, %arg4: memref<320000xi32, #tpu.memory_space<hbm>>, %arg5: memref<320000xf32, #tpu.memory_space<hbm>>, %arg6: memref<5x80xi32, #tpu.memory_space<vmem>>, %arg7: memref<5x80xi32, #tpu.memory_space<vmem>>, %arg8: memref<5x80x128xf32, #tpu.memory_space<vmem>>, %arg9: memref<5x80xf32, #tpu.memory_space<vmem>>, %arg10: memref<5x16x17xf32, #tpu.memory_space<vmem>>, %arg11: memref<5x16xf32, #tpu.memory_space<vmem>>, %arg12: memref<10240xf32, #tpu.memory_space<vmem>>, %arg13: memref<80xf32, #tpu.memory_space<vmem>>, %arg14: memref<10240xf32, #tpu.memory_space<vmem_shared>>, %arg15: memref<!tpu.dma_semaphore, #tpu.memory_space<semaphore_mem>>, %arg16: memref<!tpu.dma_semaphore, #tpu.memory_space<semaphore_mem>>, %arg17: memref<!tpu.dma_semaphore, #tpu.memory_space<semaphore_mem>>, %arg18: memref<!tpu.dma_semaphore, #tpu.memory_space<semaphore_mem>>, %arg19: memref<!tpu.dma_semaphore, #tpu.memory_space<semaphore_mem>>, %arg20: memref<!tpu.dma_semaphore, #tpu.memory_space<semaphore_mem>>, %arg21: memref<!tpu.dma_semaphore, #tpu.memory_space<semaphore_mem>>, %arg22: memref<!tpu.dma_semaphore, #tpu.memory_space<semaphore_mem>>, %arg23: memref<!tpu.dma_semaphore, #tpu.memory_space<semaphore_mem>>, %arg24: memref<!tpu.dma_semaphore, #tpu.memory_space<semaphore_mem>>, %arg25: memref<!tpu.dma_semaphore, #tpu.memory_space<semaphore_mem>>, %arg26: memref<!tpu.dma_semaphore, #tpu.memory_space<semaphore_mem>>, %arg27: memref<!tpu.dma_semaphore, #tpu.memory_space<semaphore_mem>>, %arg28: memref<!tpu.dma_semaphore, #tpu.memory_space<semaphore_mem>>, %arg29: memref<!tpu.dma_semaphore, #tpu.memory_space<semaphore_mem>>) attributes {dimension_semantics = [#tpu.dimension_semantics<core_parallel>, #tpu.dimension_semantics<subcore_parallel>], iteration_bounds = array<i64: 2, 16>, scalar_prefetch = 0 : i64, scratch_operands = 24 : i64, tpu.core_type = #tpu.core_type<sc_vector_subcore>, window_params = [{transform_indices = #map}, {transform_indices = #map1}, {transform_indices = #map1}, {transform_indices = #map1}]} {
    %mul3A = arith.constant 16 : i32
    %mul3A_0 = arith.muli %arg0, %mul3A : i32
    %add3A = arith.addi %mul3A_0, %arg1 : i32
    %mul3A_1 = arith.constant 10000 : i32
    %mul3A_2 = arith.muli %add3A, %mul3A_1 : i32
    %iota3A = tpu.iota {dimensions = array<i32: 0>} : vector<16xi32>
    %mul3A_3 = arith.constant 640 : i32
    %mul3A_4 = arith.muli %arg1, %mul3A_3 : i32
    %eq3A = arith.constant 15 : i32
    %eq3A_5 = arith.cmpi eq, %arg1, %eq3A : i32
    %jit3A = arith.constant 5 : i32
    %jit3A_6 = arith.constant 8 : i32
    %select_n3A = arith.select %eq3A_5, %jit3A, %jit3A_6 : i32
    %while3A = arith.constant 0 : i32
    %while3A_7 = arith.constant 0 : i32
    %while3A_8 = arith.subi %select_n3A, %while3A_7 : i32
    %while3A_9 = arith.addi %while3A_7, %while3A_8 : i32
    %while3A_10 = arith.constant 1 : i32
    %while3A_11 = arith.divsi %while3A_8, %while3A_10 : i32
    %while3A_12 = arith.muli %while3A_11, %while3A_10 : i32
    %while3A_13 = arith.addi %while3A_7, %while3A_12 : i32
    %while3A_14 = arith.constant 1 : i32
    scf.for %while3A_350 = %while3A_7 to %while3A_13 step %while3A_14  : i32 {
      %mul3A_351 = arith.constant 80 : i32
      %mul3A_352 = arith.muli %while3A_350, %mul3A_351 : i32
      %add3A_353 = arith.addi %mul3A_4, %mul3A_352 : i32
      %run_scoped3A = arith.constant 0 : i32
      "tpu.region"() ({
        %run_scoped3A_359 = tpu.sem_alloc : memref<!tpu.dma_semaphore, #tpu.memory_space<semaphore_mem>>
        %dma_start3A_360 = arith.constant 0 : i32
        %dma_start3A_361 = arith.constant 0 : i32
        %dma_start3A_362 = tpu.memref_slice %arg8[%run_scoped3A, %dma_start3A_360, %dma_start3A_361] : memref<5x80x128xf32, #tpu.memory_space<vmem>> -> memref<1x80x128xf32, #tpu.memory_space<vmem>>
        %dma_start3A_363 = tpu.memref_squeeze %dma_start3A_362 : memref<1x80x128xf32, #tpu.memory_space<vmem>> -> memref<80x128xf32, #tpu.memory_space<vmem>>
        %dma_start3A_364 = arith.constant 0 : i32
        %dma_start3A_365 = tpu.memref_slice %arg2[%add3A_353, %dma_start3A_364] : memref<10000x128xf32, #tpu.memory_space<hbm>> -> memref<80x128xf32, #tpu.memory_space<hbm>>
        %dma_start3A_366 = arith.constant 0 : i32
        %dma_start3A_367 = arith.constant 0 : i32
        %dma_start3A_368 = tpu.memref_slice %arg8[%run_scoped3A, %dma_start3A_366, %dma_start3A_367] : memref<5x80x128xf32, #tpu.memory_space<vmem>> -> memref<1x80x128xf32, #tpu.memory_space<vmem>>
        %dma_start3A_369 = tpu.memref_squeeze %dma_start3A_368 : memref<1x80x128xf32, #tpu.memory_space<vmem>> -> memref<80x128xf32, #tpu.memory_space<vmem>>
        %dma_start3A_370 = arith.constant 0 : i32
        %dma_start3A_371 = tpu.memref_slice %arg2[%add3A_353, %dma_start3A_370] : memref<10000x128xf32, #tpu.memory_space<hbm>> -> memref<80x128xf32, #tpu.memory_space<hbm>>
        tpu.enqueue_dma source(%dma_start3A_371 : memref<80x128xf32, #tpu.memory_space<hbm>>) target(%dma_start3A_369 : memref<80x128xf32, #tpu.memory_space<vmem>>) target_semaphore(%run_scoped3A_359 : memref<!tpu.dma_semaphore, #tpu.memory_space<semaphore_mem>>)
        %dma_wait3A_372 = arith.constant 0 : i32
        %dma_wait3A_373 = arith.constant 0 : i32
        %dma_wait3A_374 = tpu.memref_slice %arg8[%run_scoped3A, %dma_wait3A_372, %dma_wait3A_373] : memref<5x80x128xf32, #tpu.memory_space<vmem>> -> memref<1x80x128xf32, #tpu.memory_space<vmem>>
        %dma_wait3A_375 = tpu.memref_squeeze %dma_wait3A_374 : memref<1x80x128xf32, #tpu.memory_space<vmem>> -> memref<80x128xf32, #tpu.memory_space<vmem>>
        %dma_wait3A_376 = arith.constant 0 : i32
        %dma_wait3A_377 = tpu.memref_slice %arg2[%add3A_353, %dma_wait3A_376] : memref<10000x128xf32, #tpu.memory_space<hbm>> -> memref<80x128xf32, #tpu.memory_space<hbm>>
        %dma_wait3A_378 = arith.constant 0 : i32
        %dma_wait3A_379 = arith.constant 0 : i32
        %dma_wait3A_380 = tpu.memref_slice %arg8[%run_scoped3A, %dma_wait3A_378, %dma_wait3A_379] : memref<5x80x128xf32, #tpu.memory_space<vmem>> -> memref<1x80x128xf32, #tpu.memory_space<vmem>>
        %dma_wait3A_381 = tpu.memref_squeeze %dma_wait3A_380 : memref<1x80x128xf32, #tpu.memory_space<vmem>> -> memref<80x128xf32, #tpu.memory_space<vmem>>
        %dma_wait3A_382 = arith.constant 0 : i32
        %dma_wait3A_383 = tpu.memref_slice %arg2[%add3A_353, %dma_wait3A_382] : memref<10000x128xf32, #tpu.memory_space<hbm>> -> memref<80x128xf32, #tpu.memory_space<hbm>>
        tpu.wait_dma2 semaphore(%run_scoped3A_359 : memref<!tpu.dma_semaphore, #tpu.memory_space<semaphore_mem>>) src(%dma_wait3A_383 : memref<80x128xf32, #tpu.memory_space<hbm>>) dst(%dma_wait3A_381 : memref<80x128xf32, #tpu.memory_space<vmem>>)
        tpu.yield
      }) : () -> ()
      %parallel_loop3A = arith.constant 0 : i32
      %parallel_loop3A_354 = arith.constant 80 : i32
      %parallel_loop3A_355 = arith.constant 1 : i32
      scf.for %parallel_loop3A_359 = %parallel_loop3A to %parallel_loop3A_354 step %parallel_loop3A_355  : i32 {
        %parallel_loop3A_360 = arith.constant 4 : i32
        %parallel_loop3A_361 = arith.shrsi %parallel_loop3A_359, %parallel_loop3A_360 : i32
        %parallel_loop3A_362 = arith.constant 15 : i32
        %parallel_loop3A_363 = arith.andi %parallel_loop3A_359, %parallel_loop3A_362 : i32
        %parallel_loop3A_364 = arith.constant 0 : i32
        %parallel_loop3A_365 = arith.index_cast %parallel_loop3A_364 : i32 to index
        %parallel_loop3A_366 = arith.index_cast %parallel_loop3A_359 : i32 to index
        %parallel_loop3A_367 = arith.constant 0 : index
        %parallel_loop3A_368 = tpu.vector_load %arg8[%parallel_loop3A_365, %parallel_loop3A_366, %parallel_loop3A_367] {strides = array<i32>} : memref<5x80x128xf32, #tpu.memory_space<vmem>>, vector<16xf32>,
        %parallel_loop3A_369 = arith.mulf %parallel_loop3A_368, %parallel_loop3A_368 : vector<16xf32>
        %parallel_loop3A_370 = arith.constant 0 : i32
        %parallel_loop3A_371 = arith.index_cast %parallel_loop3A_370 : i32 to index
        %parallel_loop3A_372 = arith.index_cast %parallel_loop3A_359 : i32 to index
        %parallel_loop3A_373 = arith.constant 16 : index
        %parallel_loop3A_374 = tpu.vector_load %arg8[%parallel_loop3A_371, %parallel_loop3A_372, %parallel_loop3A_373] {strides = array<i32>} : memref<5x80x128xf32, #tpu.memory_space<vmem>>, vector<16xf32>,
        %parallel_loop3A_375 = arith.mulf %parallel_loop3A_374, %parallel_loop3A_374 : vector<16xf32>
        %parallel_loop3A_376 = arith.constant 0 : i32
        %parallel_loop3A_377 = arith.index_cast %parallel_loop3A_376 : i32 to index
        %parallel_loop3A_378 = arith.index_cast %parallel_loop3A_359 : i32 to index
        %parallel_loop3A_379 = arith.constant 32 : index
        %parallel_loop3A_380 = tpu.vector_load %arg8[%parallel_loop3A_377, %parallel_loop3A_378, %parallel_loop3A_379] {strides = array<i32>} : memref<5x80x128xf32, #tpu.memory_space<vmem>>, vector<16xf32>,
        %parallel_loop3A_381 = arith.mulf %parallel_loop3A_380, %parallel_loop3A_380 : vector<16xf32>
        %parallel_loop3A_382 = arith.constant 0 : i32
        %parallel_loop3A_383 = arith.index_cast %parallel_loop3A_382 : i32 to index
        %parallel_loop3A_384 = arith.index_cast %parallel_loop3A_359 : i32 to index
        %parallel_loop3A_385 = arith.constant 48 : index
        %parallel_loop3A_386 = tpu.vector_load %arg8[%parallel_loop3A_383, %parallel_loop3A_384, %parallel_loop3A_385] {strides = array<i32>} : memref<5x80x128xf32, #tpu.memory_space<vmem>>, vector<16xf32>,
        %parallel_loop3A_387 = arith.mulf %parallel_loop3A_386, %parallel_loop3A_386 : vector<16xf32>
        %parallel_loop3A_388 = arith.constant 0 : i32
        %parallel_loop3A_389 = arith.index_cast %parallel_loop3A_388 : i32 to index
        %parallel_loop3A_390 = arith.index_cast %parallel_loop3A_359 : i32 to index
        %parallel_loop3A_391 = arith.constant 64 : index
        %parallel_loop3A_392 = tpu.vector_load %arg8[%parallel_loop3A_389, %parallel_loop3A_390, %parallel_loop3A_391] {strides = array<i32>} : memref<5x80x128xf32, #tpu.memory_space<vmem>>, vector<16xf32>,
        %parallel_loop3A_393 = arith.mulf %parallel_loop3A_392, %parallel_loop3A_392 : vector<16xf32>
        %parallel_loop3A_394 = arith.constant 0 : i32
        %parallel_loop3A_395 = arith.index_cast %parallel_loop3A_394 : i32 to index
        %parallel_loop3A_396 = arith.index_cast %parallel_loop3A_359 : i32 to index
        %parallel_loop3A_397 = arith.constant 80 : index
        %parallel_loop3A_398 = tpu.vector_load %arg8[%parallel_loop3A_395, %parallel_loop3A_396, %parallel_loop3A_397] {strides = array<i32>} : memref<5x80x128xf32, #tpu.memory_space<vmem>>, vector<16xf32>,
        %parallel_loop3A_399 = arith.mulf %parallel_loop3A_398, %parallel_loop3A_398 : vector<16xf32>
        %parallel_loop3A_400 = arith.constant 0 : i32
        %parallel_loop3A_401 = arith.index_cast %parallel_loop3A_400 : i32 to index
        %parallel_loop3A_402 = arith.index_cast %parallel_loop3A_359 : i32 to index
        %parallel_loop3A_403 = arith.constant 96 : index
        %parallel_loop3A_404 = tpu.vector_load %arg8[%parallel_loop3A_401, %parallel_loop3A_402, %parallel_loop3A_403] {strides = array<i32>} : memref<5x80x128xf32, #tpu.memory_space<vmem>>, vector<16xf32>,
        %parallel_loop3A_405 = arith.mulf %parallel_loop3A_404, %parallel_loop3A_404 : vector<16xf32>
        %parallel_loop3A_406 = arith.constant 0 : i32
        %parallel_loop3A_407 = arith.index_cast %parallel_loop3A_406 : i32 to index
        %parallel_loop3A_408 = arith.index_cast %parallel_loop3A_359 : i32 to index
        %parallel_loop3A_409 = arith.constant 112 : index
        %parallel_loop3A_410 = tpu.vector_load %arg8[%parallel_loop3A_407, %parallel_loop3A_408, %parallel_loop3A_409] {strides = array<i32>} : memref<5x80x128xf32, #tpu.memory_space<vmem>>, vector<16xf32>,
        %parallel_loop3A_411 = arith.mulf %parallel_loop3A_410, %parallel_loop3A_410 : vector<16xf32>
        %parallel_loop3A_412 = arith.addf %parallel_loop3A_369, %parallel_loop3A_375 : vector<16xf32>
        %parallel_loop3A_413 = arith.addf %parallel_loop3A_381, %parallel_loop3A_387 : vector<16xf32>
        %parallel_loop3A_414 = arith.addf %parallel_loop3A_393, %parallel_loop3A_399 : vector<16xf32>
        %parallel_loop3A_415 = arith.addf %parallel_loop3A_405, %parallel_loop3A_411 : vector<16xf32>
        %parallel_loop3A_416 = arith.addf %parallel_loop3A_412, %parallel_loop3A_413 : vector<16xf32>
        %parallel_loop3A_417 = arith.addf %parallel_loop3A_414, %parallel_loop3A_415 : vector<16xf32>
        %parallel_loop3A_418 = arith.addf %parallel_loop3A_416, %parallel_loop3A_417 : vector<16xf32>
        %parallel_loop3A_419 = arith.index_cast %parallel_loop3A_361 : i32 to index
        %parallel_loop3A_420 = arith.index_cast %parallel_loop3A_363 : i32 to index
        %parallel_loop3A_421 = arith.constant 0 : index
        %parallel_loop3A_422 = tpu.vector_load %arg10[%parallel_loop3A_419, %parallel_loop3A_420, %parallel_loop3A_421] {strides = array<i32>} : memref<5x16x17xf32, #tpu.memory_space<vmem>>, vector<16xf32>,
        tpu.vector_store %arg10[%parallel_loop3A_419, %parallel_loop3A_420, %parallel_loop3A_421], %parallel_loop3A_418 {strides = array<i32>} : memref<5x16x17xf32, #tpu.memory_space<vmem>>, vector<16xf32>,
      } {sc.loop_unroll_factor = 2 : i64, sc.parallel_access}
      %parallel_loop3A_356 = arith.constant 0 : i32
      %parallel_loop3A_357 = arith.constant 5 : i32
      %parallel_loop3A_358 = arith.constant 1 : i32
      scf.for %parallel_loop3A_359 = %parallel_loop3A_356 to %parallel_loop3A_357 step %parallel_loop3A_358  : i32 {
        %parallel_loop3A_360 = vector.broadcast %parallel_loop3A_359 : i32 to vector<16xi32>
        %parallel_loop3A_361 = arith.constant 0 : i32
        %parallel_loop3A_362 = vector.broadcast %parallel_loop3A_361 : i32 to vector<16xi32>
        %parallel_loop3A_363 = tpu.vector_load_idx %arg10[%parallel_loop3A_360, %iota3A, %parallel_loop3A_362] : memref<5x16x17xf32, #tpu.memory_space<vmem>>[vector<16xi32>, vector<16xi32>, vector<16xi32>], vector<16xf32>,
        %parallel_loop3A_364 = arith.constant 1 : i32
        %parallel_loop3A_365 = vector.broadcast %parallel_loop3A_364 : i32 to vector<16xi32>
        %parallel_loop3A_366 = tpu.vector_load_idx %arg10[%parallel_loop3A_360, %iota3A, %parallel_loop3A_365] : memref<5x16x17xf32, #tpu.memory_space<vmem>>[vector<16xi32>, vector<16xi32>, vector<16xi32>], vector<16xf32>,
        %parallel_loop3A_367 = arith.constant 2 : i32
        %parallel_loop3A_368 = vector.broadcast %parallel_loop3A_367 : i32 to vector<16xi32>
        %parallel_loop3A_369 = tpu.vector_load_idx %arg10[%parallel_loop3A_360, %iota3A, %parallel_loop3A_368] : memref<5x16x17xf32, #tpu.memory_space<vmem>>[vector<16xi32>, vector<16xi32>, vector<16xi32>], vector<16xf32>,
        %parallel_loop3A_370 = arith.constant 3 : i32
        %parallel_loop3A_371 = vector.broadcast %parallel_loop3A_370 : i32 to vector<16xi32>
        %parallel_loop3A_372 = tpu.vector_load_idx %arg10[%parallel_loop3A_360, %iota3A, %parallel_loop3A_371] : memref<5x16x17xf32, #tpu.memory_space<vmem>>[vector<16xi32>, vector<16xi32>, vector<16xi32>], vector<16xf32>,
        %parallel_loop3A_373 = arith.constant 4 : i32
        %parallel_loop3A_374 = vector.broadcast %parallel_loop3A_373 : i32 to vector<16xi32>
        %parallel_loop3A_375 = tpu.vector_load_idx %arg10[%parallel_loop3A_360, %iota3A, %parallel_loop3A_374] : memref<5x16x17xf32, #tpu.memory_space<vmem>>[vector<16xi32>, vector<16xi32>, vector<16xi32>], vector<16xf32>,
        %parallel_loop3A_376 = arith.constant 5 : i32
        %parallel_loop3A_377 = vector.broadcast %parallel_loop3A_376 : i32 to vector<16xi32>
        %parallel_loop3A_378 = tpu.vector_load_idx %arg10[%parallel_loop3A_360, %iota3A, %parallel_loop3A_377] : memref<5x16x17xf32, #tpu.memory_space<vmem>>[vector<16xi32>, vector<16xi32>, vector<16xi32>], vector<16xf32>,
        %parallel_loop3A_379 = arith.constant 6 : i32
        %parallel_loop3A_380 = vector.broadcast %parallel_loop3A_379 : i32 to vector<16xi32>
        %parallel_loop3A_381 = tpu.vector_load_idx %arg10[%parallel_loop3A_360, %iota3A, %parallel_loop3A_380] : memref<5x16x17xf32, #tpu.memory_space<vmem>>[vector<16xi32>, vector<16xi32>, vector<16xi32>], vector<16xf32>,
        %parallel_loop3A_382 = arith.constant 7 : i32
        %parallel_loop3A_383 = vector.broadcast %parallel_loop3A_382 : i32 to vector<16xi32>
        %parallel_loop3A_384 = tpu.vector_load_idx %arg10[%parallel_loop3A_360, %iota3A, %parallel_loop3A_383] : memref<5x16x17xf32, #tpu.memory_space<vmem>>[vector<16xi32>, vector<16xi32>, vector<16xi32>], vector<16xf32>,
        %parallel_loop3A_385 = arith.constant 8 : i32
        %parallel_loop3A_386 = vector.broadcast %parallel_loop3A_385 : i32 to vector<16xi32>
        %parallel_loop3A_387 = tpu.vector_load_idx %arg10[%parallel_loop3A_360, %iota3A, %parallel_loop3A_386] : memref<5x16x17xf32, #tpu.memory_space<vmem>>[vector<16xi32>, vector<16xi32>, vector<16xi32>], vector<16xf32>,
        %parallel_loop3A_388 = arith.constant 9 : i32
        %parallel_loop3A_389 = vector.broadcast %parallel_loop3A_388 : i32 to vector<16xi32>
        %parallel_loop3A_390 = tpu.vector_load_idx %arg10[%parallel_loop3A_360, %iota3A, %parallel_loop3A_389] : memref<5x16x17xf32, #tpu.memory_space<vmem>>[vector<16xi32>, vector<16xi32>, vector<16xi32>], vector<16xf32>,
        %parallel_loop3A_391 = arith.constant 10 : i32
        %parallel_loop3A_392 = vector.broadcast %parallel_loop3A_391 : i32 to vector<16xi32>
        %parallel_loop3A_393 = tpu.vector_load_idx %arg10[%parallel_loop3A_360, %iota3A, %parallel_loop3A_392] : memref<5x16x17xf32, #tpu.memory_space<vmem>>[vector<16xi32>, vector<16xi32>, vector<16xi32>], vector<16xf32>,
        %parallel_loop3A_394 = arith.constant 11 : i32
        %parallel_loop3A_395 = vector.broadcast %parallel_loop3A_394 : i32 to vector<16xi32>
        %parallel_loop3A_396 = tpu.vector_load_idx %arg10[%parallel_loop3A_360, %iota3A, %parallel_loop3A_395] : memref<5x16x17xf32, #tpu.memory_space<vmem>>[vector<16xi32>, vector<16xi32>, vector<16xi32>], vector<16xf32>,
        %parallel_loop3A_397 = arith.constant 12 : i32
        %parallel_loop3A_398 = vector.broadcast %parallel_loop3A_397 : i32 to vector<16xi32>
        %parallel_loop3A_399 = tpu.vector_load_idx %arg10[%parallel_loop3A_360, %iota3A, %parallel_loop3A_398] : memref<5x16x17xf32, #tpu.memory_space<vmem>>[vector<16xi32>, vector<16xi32>, vector<16xi32>], vector<16xf32>,
        %parallel_loop3A_400 = arith.constant 13 : i32
        %parallel_loop3A_401 = vector.broadcast %parallel_loop3A_400 : i32 to vector<16xi32>
        %parallel_loop3A_402 = tpu.vector_load_idx %arg10[%parallel_loop3A_360, %iota3A, %parallel_loop3A_401] : memref<5x16x17xf32, #tpu.memory_space<vmem>>[vector<16xi32>, vector<16xi32>, vector<16xi32>], vector<16xf32>,
        %parallel_loop3A_403 = arith.constant 14 : i32
        %parallel_loop3A_404 = vector.broadcast %parallel_loop3A_403 : i32 to vector<16xi32>
        %parallel_loop3A_405 = tpu.vector_load_idx %arg10[%parallel_loop3A_360, %iota3A, %parallel_loop3A_404] : memref<5x16x17xf32, #tpu.memory_space<vmem>>[vector<16xi32>, vector<16xi32>, vector<16xi32>], vector<16xf32>,
        %parallel_loop3A_406 = arith.constant 15 : i32
        %parallel_loop3A_407 = vector.broadcast %parallel_loop3A_406 : i32 to vector<16xi32>
        %parallel_loop3A_408 = tpu.vector_load_idx %arg10[%parallel_loop3A_360, %iota3A, %parallel_loop3A_407] : memref<5x16x17xf32, #tpu.memory_space<vmem>>[vector<16xi32>, vector<16xi32>, vector<16xi32>], vector<16xf32>,
        %parallel_loop3A_409 = arith.addf %parallel_loop3A_363, %parallel_loop3A_366 : vector<16xf32>
        %parallel_loop3A_410 = arith.addf %parallel_loop3A_369, %parallel_loop3A_372 : vector<16xf32>
        %parallel_loop3A_411 = arith.addf %parallel_loop3A_375, %parallel_loop3A_378 : vector<16xf32>
        %parallel_loop3A_412 = arith.addf %parallel_loop3A_381, %parallel_loop3A_384 : vector<16xf32>
        %parallel_loop3A_413 = arith.addf %parallel_loop3A_387, %parallel_loop3A_390 : vector<16xf32>
        %parallel_loop3A_414 = arith.addf %parallel_loop3A_393, %parallel_loop3A_396 : vector<16xf32>
        %parallel_loop3A_415 = arith.addf %parallel_loop3A_399, %parallel_loop3A_402 : vector<16xf32>
        %parallel_loop3A_416 = arith.addf %parallel_loop3A_405, %parallel_loop3A_408 : vector<16xf32>
        %parallel_loop3A_417 = arith.addf %parallel_loop3A_409, %parallel_loop3A_410 : vector<16xf32>
        %parallel_loop3A_418 = arith.addf %parallel_loop3A_411, %parallel_loop3A_412 : vector<16xf32>
        %parallel_loop3A_419 = arith.addf %parallel_loop3A_413, %parallel_loop3A_414 : vector<16xf32>
        %parallel_loop3A_420 = arith.addf %parallel_loop3A_415, %parallel_loop3A_416 : vector<16xf32>
        %parallel_loop3A_421 = arith.addf %parallel_loop3A_417, %parallel_loop3A_418 : vector<16xf32>
        %parallel_loop3A_422 = arith.addf %parallel_loop3A_419, %parallel_loop3A_420 : vector<16xf32>
        %parallel_loop3A_423 = arith.addf %parallel_loop3A_421, %parallel_loop3A_422 : vector<16xf32>
        %parallel_loop3A_424 = arith.constant 5.000000e-01 : f32
        %parallel_loop3A_425 = vector.broadcast %parallel_loop3A_424 : f32 to vector<16xf32>
        %parallel_loop3A_426 = arith.mulf %parallel_loop3A_425, %parallel_loop3A_423 : vector<16xf32>
        %parallel_loop3A_427 = arith.constant 16 : i32
        %parallel_loop3A_428 = arith.muli %parallel_loop3A_359, %parallel_loop3A_427 : i32
        %parallel_loop3A_429 = arith.index_cast %parallel_loop3A_428 : i32 to index
        %parallel_loop3A_430 = tpu.vector_load %arg13[%parallel_loop3A_429] {strides = array<i32>} : memref<80xf32, #tpu.memory_space<vmem>>, vector<16xf32>,
        tpu.vector_store %arg13[%parallel_loop3A_429], %parallel_loop3A_426 {strides = array<i32>} : memref<80xf32, #tpu.memory_space<vmem>>, vector<16xf32>,
      } {sc.loop_unroll_factor = 1 : i64, sc.parallel_access}
      "tpu.region"() ({
        %run_scoped3A_359 = tpu.sem_alloc : memref<!tpu.dma_semaphore, #tpu.memory_space<semaphore_mem>>
        %dma_start3A_360 = tpu.memref_slice %arg14[%add3A_353] : memref<10240xf32, #tpu.memory_space<vmem_shared>> -> memref<80xf32, #tpu.memory_space<vmem_shared>>
        %dma_start3A_361 = tpu.memref_slice %arg14[%add3A_353] : memref<10240xf32, #tpu.memory_space<vmem_shared>> -> memref<80xf32, #tpu.memory_space<vmem_shared>>
        tpu.enqueue_dma source(%arg13 : memref<80xf32, #tpu.memory_space<vmem>>) target(%dma_start3A_361 : memref<80xf32, #tpu.memory_space<vmem_shared>>) target_semaphore(%run_scoped3A_359 : memref<!tpu.dma_semaphore, #tpu.memory_space<semaphore_mem>>)
        %dma_wait3A_362 = tpu.memref_slice %arg14[%add3A_353] : memref<10240xf32, #tpu.memory_space<vmem_shared>> -> memref<80xf32, #tpu.memory_space<vmem_shared>>
        %dma_wait3A_363 = tpu.memref_slice %arg14[%add3A_353] : memref<10240xf32, #tpu.memory_space<vmem_shared>> -> memref<80xf32, #tpu.memory_space<vmem_shared>>
        tpu.wait_dma2 semaphore(%run_scoped3A_359 : memref<!tpu.dma_semaphore, #tpu.memory_space<semaphore_mem>>) src(%arg13 : memref<80xf32, #tpu.memory_space<vmem>>) dst(%dma_wait3A_363 : memref<80xf32, #tpu.memory_space<vmem_shared>>)
        tpu.yield
      }) : () -> ()
    }
    %while3A_15 = arith.constant 1 : i32
    scf.for %while3A_350 = %while3A_13 to %while3A_9 step %while3A_15  : i32 {
      %mul3A_351 = arith.constant 80 : i32
      %mul3A_352 = arith.muli %while3A_350, %mul3A_351 : i32
      %add3A_353 = arith.addi %mul3A_4, %mul3A_352 : i32
      %run_scoped3A = arith.constant 0 : i32
      "tpu.region"() ({
        %run_scoped3A_359 = tpu.sem_alloc : memref<!tpu.dma_semaphore, #tpu.memory_space<semaphore_mem>>
        %dma_start3A_360 = arith.constant 0 : i32
        %dma_start3A_361 = arith.constant 0 : i32
        %dma_start3A_362 = tpu.memref_slice %arg8[%run_scoped3A, %dma_start3A_360, %dma_start3A_361] : memref<5x80x128xf32, #tpu.memory_space<vmem>> -> memref<1x80x128xf32, #tpu.memory_space<vmem>>
        %dma_start3A_363 = tpu.memref_squeeze %dma_start3A_362 : memref<1x80x128xf32, #tpu.memory_space<vmem>> -> memref<80x128xf32, #tpu.memory_space<vmem>>
        %dma_start3A_364 = arith.constant 0 : i32
        %dma_start3A_365 = tpu.memref_slice %arg2[%add3A_353, %dma_start3A_364] : memref<10000x128xf32, #tpu.memory_space<hbm>> -> memref<80x128xf32, #tpu.memory_space<hbm>>
        %dma_start3A_366 = arith.constant 0 : i32
        %dma_start3A_367 = arith.constant 0 : i32
        %dma_start3A_368 = tpu.memref_slice %arg8[%run_scoped3A, %dma_start3A_366, %dma_start3A_367] : memref<5x80x128xf32, #tpu.memory_space<vmem>> -> memref<1x80x128xf32, #tpu.memory_space<vmem>>
        %dma_start3A_369 = tpu.memref_squeeze %dma_start3A_368 : memref<1x80x128xf32, #tpu.memory_space<vmem>> -> memref<80x128xf32, #tpu.memory_space<vmem>>
        %dma_start3A_370 = arith.constant 0 : i32
        %dma_start3A_371 = tpu.memref_slice %arg2[%add3A_353, %dma_start3A_370] : memref<10000x128xf32, #tpu.memory_space<hbm>> -> memref<80x128xf32, #tpu.memory_space<hbm>>
        tpu.enqueue_dma source(%dma_start3A_371 : memref<80x128xf32, #tpu.memory_space<hbm>>) target(%dma_start3A_369 : memref<80x128xf32, #tpu.memory_space<vmem>>) target_semaphore(%run_scoped3A_359 : memref<!tpu.dma_semaphore, #tpu.memory_space<semaphore_mem>>)
        %dma_wait3A_372 = arith.constant 0 : i32
        %dma_wait3A_373 = arith.constant 0 : i32
        %dma_wait3A_374 = tpu.memref_slice %arg8[%run_scoped3A, %dma_wait3A_372, %dma_wait3A_373] : memref<5x80x128xf32, #tpu.memory_space<vmem>> -> memref<1x80x128xf32, #tpu.memory_space<vmem>>
        %dma_wait3A_375 = tpu.memref_squeeze %dma_wait3A_374 : memref<1x80x128xf32, #tpu.memory_space<vmem>> -> memref<80x128xf32, #tpu.memory_space<vmem>>
        %dma_wait3A_376 = arith.constant 0 : i32
        %dma_wait3A_377 = tpu.memref_slice %arg2[%add3A_353, %dma_wait3A_376] : memref<10000x128xf32, #tpu.memory_space<hbm>> -> memref<80x128xf32, #tpu.memory_space<hbm>>
        %dma_wait3A_378 = arith.constant 0 : i32
        %dma_wait3A_379 = arith.constant 0 : i32
        %dma_wait3A_380 = tpu.memref_slice %arg8[%run_scoped3A, %dma_wait3A_378, %dma_wait3A_379] : memref<5x80x128xf32, #tpu.memory_space<vmem>> -> memref<1x80x128xf32, #tpu.memory_space<vmem>>
        %dma_wait3A_381 = tpu.memref_squeeze %dma_wait3A_380 : memref<1x80x128xf32, #tpu.memory_space<vmem>> -> memref<80x128xf32, #tpu.memory_space<vmem>>
        %dma_wait3A_382 = arith.constant 0 : i32
        %dma_wait3A_383 = tpu.memref_slice %arg2[%add3A_353, %dma_wait3A_382] : memref<10000x128xf32, #tpu.memory_space<hbm>> -> memref<80x128xf32, #tpu.memory_space<hbm>>
        tpu.wait_dma2 semaphore(%run_scoped3A_359 : memref<!tpu.dma_semaphore, #tpu.memory_space<semaphore_mem>>) src(%dma_wait3A_383 : memref<80x128xf32, #tpu.memory_space<hbm>>) dst(%dma_wait3A_381 : memref<80x128xf32, #tpu.memory_space<vmem>>)
        tpu.yield
      }) : () -> ()
      %parallel_loop3A = arith.constant 0 : i32
      %parallel_loop3A_354 = arith.constant 80 : i32
      %parallel_loop3A_355 = arith.constant 1 : i32
      scf.for %parallel_loop3A_359 = %parallel_loop3A to %parallel_loop3A_354 step %parallel_loop3A_355  : i32 {
        %parallel_loop3A_360 = arith.constant 4 : i32
        %parallel_loop3A_361 = arith.shrsi %parallel_loop3A_359, %parallel_loop3A_360 : i32
        %parallel_loop3A_362 = arith.constant 15 : i32
        %parallel_loop3A_363 = arith.andi %parallel_loop3A_359, %parallel_loop3A_362 : i32
        %parallel_loop3A_364 = arith.constant 0 : i32
        %parallel_loop3A_365 = arith.index_cast %parallel_loop3A_364 : i32 to index
        %parallel_loop3A_366 = arith.index_cast %parallel_loop3A_359 : i32 to index
        %parallel_loop3A_367 = arith.constant 0 : index
        %parallel_loop3A_368 = tpu.vector_load %arg8[%parallel_loop3A_365, %parallel_loop3A_366, %parallel_loop3A_367] {strides = array<i32>} : memref<5x80x128xf32, #tpu.memory_space<vmem>>, vector<16xf32>,
        %parallel_loop3A_369 = arith.mulf %parallel_loop3A_368, %parallel_loop3A_368 : vector<16xf32>
        %parallel_loop3A_370 = arith.constant 0 : i32
        %parallel_loop3A_371 = arith.index_cast %parallel_loop3A_370 : i32 to index
        %parallel_loop3A_372 = arith.index_cast %parallel_loop3A_359 : i32 to index
        %parallel_loop3A_373 = arith.constant 16 : index
        %parallel_loop3A_374 = tpu.vector_load %arg8[%parallel_loop3A_371, %parallel_loop3A_372, %parallel_loop3A_373] {strides = array<i32>} : memref<5x80x128xf32, #tpu.memory_space<vmem>>, vector<16xf32>,
        %parallel_loop3A_375 = arith.mulf %parallel_loop3A_374, %parallel_loop3A_374 : vector<16xf32>
        %parallel_loop3A_376 = arith.constant 0 : i32
        %parallel_loop3A_377 = arith.index_cast %parallel_loop3A_376 : i32 to index
        %parallel_loop3A_378 = arith.index_cast %parallel_loop3A_359 : i32 to index
        %parallel_loop3A_379 = arith.constant 32 : index
        %parallel_loop3A_380 = tpu.vector_load %arg8[%parallel_loop3A_377, %parallel_loop3A_378, %parallel_loop3A_379] {strides = array<i32>} : memref<5x80x128xf32, #tpu.memory_space<vmem>>, vector<16xf32>,
        %parallel_loop3A_381 = arith.mulf %parallel_loop3A_380, %parallel_loop3A_380 : vector<16xf32>
        %parallel_loop3A_382 = arith.constant 0 : i32
        %parallel_loop3A_383 = arith.index_cast %parallel_loop3A_382 : i32 to index
        %parallel_loop3A_384 = arith.index_cast %parallel_loop3A_359 : i32 to index
        %parallel_loop3A_385 = arith.constant 48 : index
        %parallel_loop3A_386 = tpu.vector_load %arg8[%parallel_loop3A_383, %parallel_loop3A_384, %parallel_loop3A_385] {strides = array<i32>} : memref<5x80x128xf32, #tpu.memory_space<vmem>>, vector<16xf32>,
        %parallel_loop3A_387 = arith.mulf %parallel_loop3A_386, %parallel_loop3A_386 : vector<16xf32>
        %parallel_loop3A_388 = arith.constant 0 : i32
        %parallel_loop3A_389 = arith.index_cast %parallel_loop3A_388 : i32 to index
        %parallel_loop3A_390 = arith.index_cast %parallel_loop3A_359 : i32 to index
        %parallel_loop3A_391 = arith.constant 64 : index
        %parallel_loop3A_392 = tpu.vector_load %arg8[%parallel_loop3A_389, %parallel_loop3A_390, %parallel_loop3A_391] {strides = array<i32>} : memref<5x80x128xf32, #tpu.memory_space<vmem>>, vector<16xf32>,
        %parallel_loop3A_393 = arith.mulf %parallel_loop3A_392, %parallel_loop3A_392 : vector<16xf32>
        %parallel_loop3A_394 = arith.constant 0 : i32
        %parallel_loop3A_395 = arith.index_cast %parallel_loop3A_394 : i32 to index
        %parallel_loop3A_396 = arith.index_cast %parallel_loop3A_359 : i32 to index
        %parallel_loop3A_397 = arith.constant 80 : index
        %parallel_loop3A_398 = tpu.vector_load %arg8[%parallel_loop3A_395, %parallel_loop3A_396, %parallel_loop3A_397] {strides = array<i32>} : memref<5x80x128xf32, #tpu.memory_space<vmem>>, vector<16xf32>,
        %parallel_loop3A_399 = arith.mulf %parallel_loop3A_398, %parallel_loop3A_398 : vector<16xf32>
        %parallel_loop3A_400 = arith.constant 0 : i32
        %parallel_loop3A_401 = arith.index_cast %parallel_loop3A_400 : i32 to index
        %parallel_loop3A_402 = arith.index_cast %parallel_loop3A_359 : i32 to index
        %parallel_loop3A_403 = arith.constant 96 : index
        %parallel_loop3A_404 = tpu.vector_load %arg8[%parallel_loop3A_401, %parallel_loop3A_402, %parallel_loop3A_403] {strides = array<i32>} : memref<5x80x128xf32, #tpu.memory_space<vmem>>, vector<16xf32>,
        %parallel_loop3A_405 = arith.mulf %parallel_loop3A_404, %parallel_loop3A_404 : vector<16xf32>
        %parallel_loop3A_406 = arith.constant 0 : i32
        %parallel_loop3A_407 = arith.index_cast %parallel_loop3A_406 : i32 to index
        %parallel_loop3A_408 = arith.index_cast %parallel_loop3A_359 : i32 to index
        %parallel_loop3A_409 = arith.constant 112 : index
        %parallel_loop3A_410 = tpu.vector_load %arg8[%parallel_loop3A_407, %parallel_loop3A_408, %parallel_loop3A_409] {strides = array<i32>} : memref<5x80x128xf32, #tpu.memory_space<vmem>>, vector<16xf32>,
        %parallel_loop3A_411 = arith.mulf %parallel_loop3A_410, %parallel_loop3A_410 : vector<16xf32>
        %parallel_loop3A_412 = arith.addf %parallel_loop3A_369, %parallel_loop3A_375 : vector<16xf32>
        %parallel_loop3A_413 = arith.addf %parallel_loop3A_381, %parallel_loop3A_387 : vector<16xf32>
        %parallel_loop3A_414 = arith.addf %parallel_loop3A_393, %parallel_loop3A_399 : vector<16xf32>
        %parallel_loop3A_415 = arith.addf %parallel_loop3A_405, %parallel_loop3A_411 : vector<16xf32>
        %parallel_loop3A_416 = arith.addf %parallel_loop3A_412, %parallel_loop3A_413 : vector<16xf32>
        %parallel_loop3A_417 = arith.addf %parallel_loop3A_414, %parallel_loop3A_415 : vector<16xf32>
        %parallel_loop3A_418 = arith.addf %parallel_loop3A_416, %parallel_loop3A_417 : vector<16xf32>
        %parallel_loop3A_419 = arith.index_cast %parallel_loop3A_361 : i32 to index
        %parallel_loop3A_420 = arith.index_cast %parallel_loop3A_363 : i32 to index
        %parallel_loop3A_421 = arith.constant 0 : index
        %parallel_loop3A_422 = tpu.vector_load %arg10[%parallel_loop3A_419, %parallel_loop3A_420, %parallel_loop3A_421] {strides = array<i32>} : memref<5x16x17xf32, #tpu.memory_space<vmem>>, vector<16xf32>,
        tpu.vector_store %arg10[%parallel_loop3A_419, %parallel_loop3A_420, %parallel_loop3A_421], %parallel_loop3A_418 {strides = array<i32>} : memref<5x16x17xf32, #tpu.memory_space<vmem>>, vector<16xf32>,
      } {sc.loop_unroll_factor = 2 : i64, sc.parallel_access}
      %parallel_loop3A_356 = arith.constant 0 : i32
      %parallel_loop3A_357 = arith.constant 5 : i32
      %parallel_loop3A_358 = arith.constant 1 : i32
      scf.for %parallel_loop3A_359 = %parallel_loop3A_356 to %parallel_loop3A_357 step %parallel_loop3A_358  : i32 {
        %parallel_loop3A_360 = vector.broadcast %parallel_loop3A_359 : i32 to vector<16xi32>
        %parallel_loop3A_361 = arith.constant 0 : i32
        %parallel_loop3A_362 = vector.broadcast %parallel_loop3A_361 : i32 to vector<16xi32>
        %parallel_loop3A_363 = tpu.vector_load_idx %arg10[%parallel_loop3A_360, %iota3A, %parallel_loop3A_362] : memref<5x16x17xf32, #tpu.memory_space<vmem>>[vector<16xi32>, vector<16xi32>, vector<16xi32>], vector<16xf32>,
        %parallel_loop3A_364 = arith.constant 1 : i32
        %parallel_loop3A_365 = vector.broadcast %parallel_loop3A_364 : i32 to vector<16xi32>
        %parallel_loop3A_366 = tpu.vector_load_idx %arg10[%parallel_loop3A_360, %iota3A, %parallel_loop3A_365] : memref<5x16x17xf32, #tpu.memory_space<vmem>>[vector<16xi32>, vector<16xi32>, vector<16xi32>], vector<16xf32>,
        %parallel_loop3A_367 = arith.constant 2 : i32
        %parallel_loop3A_368 = vector.broadcast %parallel_loop3A_367 : i32 to vector<16xi32>
        %parallel_loop3A_369 = tpu.vector_load_idx %arg10[%parallel_loop3A_360, %iota3A, %parallel_loop3A_368] : memref<5x16x17xf32, #tpu.memory_space<vmem>>[vector<16xi32>, vector<16xi32>, vector<16xi32>], vector<16xf32>,
        %parallel_loop3A_370 = arith.constant 3 : i32
        %parallel_loop3A_371 = vector.broadcast %parallel_loop3A_370 : i32 to vector<16xi32>
        %parallel_loop3A_372 = tpu.vector_load_idx %arg10[%parallel_loop3A_360, %iota3A, %parallel_loop3A_371] : memref<5x16x17xf32, #tpu.memory_space<vmem>>[vector<16xi32>, vector<16xi32>, vector<16xi32>], vector<16xf32>,
        %parallel_loop3A_373 = arith.constant 4 : i32
        %parallel_loop3A_374 = vector.broadcast %parallel_loop3A_373 : i32 to vector<16xi32>
        %parallel_loop3A_375 = tpu.vector_load_idx %arg10[%parallel_loop3A_360, %iota3A, %parallel_loop3A_374] : memref<5x16x17xf32, #tpu.memory_space<vmem>>[vector<16xi32>, vector<16xi32>, vector<16xi32>], vector<16xf32>,
        %parallel_loop3A_376 = arith.constant 5 : i32
        %parallel_loop3A_377 = vector.broadcast %parallel_loop3A_376 : i32 to vector<16xi32>
        %parallel_loop3A_378 = tpu.vector_load_idx %arg10[%parallel_loop3A_360, %iota3A, %parallel_loop3A_377] : memref<5x16x17xf32, #tpu.memory_space<vmem>>[vector<16xi32>, vector<16xi32>, vector<16xi32>], vector<16xf32>,
        %parallel_loop3A_379 = arith.constant 6 : i32
        %parallel_loop3A_380 = vector.broadcast %parallel_loop3A_379 : i32 to vector<16xi32>
        %parallel_loop3A_381 = tpu.vector_load_idx %arg10[%parallel_loop3A_360, %iota3A, %parallel_loop3A_380] : memref<5x16x17xf32, #tpu.memory_space<vmem>>[vector<16xi32>, vector<16xi32>, vector<16xi32>], vector<16xf32>,
        %parallel_loop3A_382 = arith.constant 7 : i32
        %parallel_loop3A_383 = vector.broadcast %parallel_loop3A_382 : i32 to vector<16xi32>
        %parallel_loop3A_384 = tpu.vector_load_idx %arg10[%parallel_loop3A_360, %iota3A, %parallel_loop3A_383] : memref<5x16x17xf32, #tpu.memory_space<vmem>>[vector<16xi32>, vector<16xi32>, vector<16xi32>], vector<16xf32>,
        %parallel_loop3A_385 = arith.constant 8 : i32
        %parallel_loop3A_386 = vector.broadcast %parallel_loop3A_385 : i32 to vector<16xi32>
        %parallel_loop3A_387 = tpu.vector_load_idx %arg10[%parallel_loop3A_360, %iota3A, %parallel_loop3A_386] : memref<5x16x17xf32, #tpu.memory_space<vmem>>[vector<16xi32>, vector<16xi32>, vector<16xi32>], vector<16xf32>,
        %parallel_loop3A_388 = arith.constant 9 : i32
        %parallel_loop3A_389 = vector.broadcast %parallel_loop3A_388 : i32 to vector<16xi32>
        %parallel_loop3A_390 = tpu.vector_load_idx %arg10[%parallel_loop3A_360, %iota3A, %parallel_loop3A_389] : memref<5x16x17xf32, #tpu.memory_space<vmem>>[vector<16xi32>, vector<16xi32>, vector<16xi32>], vector<16xf32>,
        %parallel_loop3A_391 = arith.constant 10 : i32
        %parallel_loop3A_392 = vector.broadcast %parallel_loop3A_391 : i32 to vector<16xi32>
        %parallel_loop3A_393 = tpu.vector_load_idx %arg10[%parallel_loop3A_360, %iota3A, %parallel_loop3A_392] : memref<5x16x17xf32, #tpu.memory_space<vmem>>[vector<16xi32>, vector<16xi32>, vector<16xi32>], vector<16xf32>,
        %parallel_loop3A_394 = arith.constant 11 : i32
        %parallel_loop3A_395 = vector.broadcast %parallel_loop3A_394 : i32 to vector<16xi32>
        %parallel_loop3A_396 = tpu.vector_load_idx %arg10[%parallel_loop3A_360, %iota3A, %parallel_loop3A_395] : memref<5x16x17xf32, #tpu.memory_space<vmem>>[vector<16xi32>, vector<16xi32>, vector<16xi32>], vector<16xf32>,
        %parallel_loop3A_397 = arith.constant 12 : i32
        %parallel_loop3A_398 = vector.broadcast %parallel_loop3A_397 : i32 to vector<16xi32>
        %parallel_loop3A_399 = tpu.vector_load_idx %arg10[%parallel_loop3A_360, %iota3A, %parallel_loop3A_398] : memref<5x16x17xf32, #tpu.memory_space<vmem>>[vector<16xi32>, vector<16xi32>, vector<16xi32>], vector<16xf32>,
        %parallel_loop3A_400 = arith.constant 13 : i32
        %parallel_loop3A_401 = vector.broadcast %parallel_loop3A_400 : i32 to vector<16xi32>
        %parallel_loop3A_402 = tpu.vector_load_idx %arg10[%parallel_loop3A_360, %iota3A, %parallel_loop3A_401] : memref<5x16x17xf32, #tpu.memory_space<vmem>>[vector<16xi32>, vector<16xi32>, vector<16xi32>], vector<16xf32>,
        %parallel_loop3A_403 = arith.constant 14 : i32
        %parallel_loop3A_404 = vector.broadcast %parallel_loop3A_403 : i32 to vector<16xi32>
        %parallel_loop3A_405 = tpu.vector_load_idx %arg10[%parallel_loop3A_360, %iota3A, %parallel_loop3A_404] : memref<5x16x17xf32, #tpu.memory_space<vmem>>[vector<16xi32>, vector<16xi32>, vector<16xi32>], vector<16xf32>,
        %parallel_loop3A_406 = arith.constant 15 : i32
        %parallel_loop3A_407 = vector.broadcast %parallel_loop3A_406 : i32 to vector<16xi32>
        %parallel_loop3A_408 = tpu.vector_load_idx %arg10[%parallel_loop3A_360, %iota3A, %parallel_loop3A_407] : memref<5x16x17xf32, #tpu.memory_space<vmem>>[vector<16xi32>, vector<16xi32>, vector<16xi32>], vector<16xf32>,
        %parallel_loop3A_409 = arith.addf %parallel_loop3A_363, %parallel_loop3A_366 : vector<16xf32>
        %parallel_loop3A_410 = arith.addf %parallel_loop3A_369, %parallel_loop3A_372 : vector<16xf32>
        %parallel_loop3A_411 = arith.addf %parallel_loop3A_375, %parallel_loop3A_378 : vector<16xf32>
        %parallel_loop3A_412 = arith.addf %parallel_loop3A_381, %parallel_loop3A_384 : vector<16xf32>
        %parallel_loop3A_413 = arith.addf %parallel_loop3A_387, %parallel_loop3A_390 : vector<16xf32>
        %parallel_loop3A_414 = arith.addf %parallel_loop3A_393, %parallel_loop3A_396 : vector<16xf32>
        %parallel_loop3A_415 = arith.addf %parallel_loop3A_399, %parallel_loop3A_402 : vector<16xf32>
        %parallel_loop3A_416 = arith.addf %parallel_loop3A_405, %parallel_loop3A_408 : vector<16xf32>
        %parallel_loop3A_417 = arith.addf %parallel_loop3A_409, %parallel_loop3A_410 : vector<16xf32>
        %parallel_loop3A_418 = arith.addf %parallel_loop3A_411, %parallel_loop3A_412 : vector<16xf32>
        %parallel_loop3A_419 = arith.addf %parallel_loop3A_413, %parallel_loop3A_414 : vector<16xf32>
        %parallel_loop3A_420 = arith.addf %parallel_loop3A_415, %parallel_loop3A_416 : vector<16xf32>
        %parallel_loop3A_421 = arith.addf %parallel_loop3A_417, %parallel_loop3A_418 : vector<16xf32>
        %parallel_loop3A_422 = arith.addf %parallel_loop3A_419, %parallel_loop3A_420 : vector<16xf32>
        %parallel_loop3A_423 = arith.addf %parallel_loop3A_421, %parallel_loop3A_422 : vector<16xf32>
        %parallel_loop3A_424 = arith.constant 5.000000e-01 : f32
        %parallel_loop3A_425 = vector.broadcast %parallel_loop3A_424 : f32 to vector<16xf32>
        %parallel_loop3A_426 = arith.mulf %parallel_loop3A_425, %parallel_loop3A_423 : vector<16xf32>
        %parallel_loop3A_427 = arith.constant 16 : i32
        %parallel_loop3A_428 = arith.muli %parallel_loop3A_359, %parallel_loop3A_427 : i32
        %parallel_loop3A_429 = arith.index_cast %parallel_loop3A_428 : i32 to index
        %parallel_loop3A_430 = tpu.vector_load %arg13[%parallel_loop3A_429] {strides = array<i32>} : memref<80xf32, #tpu.memory_space<vmem>>, vector<16xf32>,
        tpu.vector_store %arg13[%parallel_loop3A_429], %parallel_loop3A_426 {strides = array<i32>} : memref<80xf32, #tpu.memory_space<vmem>>, vector<16xf32>,
      } {sc.loop_unroll_factor = 1 : i64, sc.parallel_access}
      "tpu.region"() ({
        %run_scoped3A_359 = tpu.sem_alloc : memref<!tpu.dma_semaphore, #tpu.memory_space<semaphore_mem>>
        %dma_start3A_360 = tpu.memref_slice %arg14[%add3A_353] : memref<10240xf32, #tpu.memory_space<vmem_shared>> -> memref<80xf32, #tpu.memory_space<vmem_shared>>
        %dma_start3A_361 = tpu.memref_slice %arg14[%add3A_353] : memref<10240xf32, #tpu.memory_space<vmem_shared>> -> memref<80xf32, #tpu.memory_space<vmem_shared>>
        tpu.enqueue_dma source(%arg13 : memref<80xf32, #tpu.memory_space<vmem>>) target(%dma_start3A_361 : memref<80xf32, #tpu.memory_space<vmem_shared>>) target_semaphore(%run_scoped3A_359 : memref<!tpu.dma_semaphore, #tpu.memory_space<semaphore_mem>>)
        %dma_wait3A_362 = tpu.memref_slice %arg14[%add3A_353] : memref<10240xf32, #tpu.memory_space<vmem_shared>> -> memref<80xf32, #tpu.memory_space<vmem_shared>>
        %dma_wait3A_363 = tpu.memref_slice %arg14[%add3A_353] : memref<10240xf32, #tpu.memory_space<vmem_shared>> -> memref<80xf32, #tpu.memory_space<vmem_shared>>
        tpu.wait_dma2 semaphore(%run_scoped3A_359 : memref<!tpu.dma_semaphore, #tpu.memory_space<semaphore_mem>>) src(%arg13 : memref<80xf32, #tpu.memory_space<vmem>>) dst(%dma_wait3A_363 : memref<80xf32, #tpu.memory_space<vmem_shared>>)
        tpu.yield
      }) : () -> ()
    }
    %barrier3A = arith.constant 0 : index
    tpu.barrier barrier_id(%barrier3A)
    "tpu.region"() ({
      %run_scoped3A = tpu.sem_alloc : memref<!tpu.dma_semaphore, #tpu.memory_space<semaphore_mem>>
      tpu.enqueue_dma source(%arg14 : memref<10240xf32, #tpu.memory_space<vmem_shared>>) target(%arg12 : memref<10240xf32, #tpu.memory_space<vmem>>) target_semaphore(%run_scoped3A : memref<!tpu.dma_semaphore, #tpu.memory_space<semaphore_mem>>)
      tpu.wait_dma2 semaphore(%run_scoped3A : memref<!tpu.dma_semaphore, #tpu.memory_space<semaphore_mem>>) src(%arg14 : memref<10240xf32, #tpu.memory_space<vmem_shared>>) dst(%arg12 : memref<10240xf32, #tpu.memory_space<vmem>>)
      tpu.yield
    }) : () -> ()
    %add3A_16 = arith.constant 0 : i32
    %add3A_17 = arith.addi %mul3A_2, %add3A_16 : i32
    %dma_start3A = arith.constant 0 : i32
    %dma_start3A_18 = arith.constant 0 : i32
    %dma_start3A_19 = tpu.memref_slice %arg6[%dma_start3A, %dma_start3A_18] : memref<5x80xi32, #tpu.memory_space<vmem>> -> memref<1x80xi32, #tpu.memory_space<vmem>>
    %dma_start3A_20 = tpu.memref_squeeze %dma_start3A_19 : memref<1x80xi32, #tpu.memory_space<vmem>> -> memref<80xi32, #tpu.memory_space<vmem>>
    %dma_start3A_21 = tpu.memref_slice %arg3[%add3A_17] : memref<320000xi32, #tpu.memory_space<hbm>> -> memref<80xi32, #tpu.memory_space<hbm>>
    %dma_start3A_22 = arith.constant 0 : i32
    %dma_start3A_23 = tpu.memref_slice %arg6[%dma_start3A, %dma_start3A_22] : memref<5x80xi32, #tpu.memory_space<vmem>> -> memref<1x80xi32, #tpu.memory_space<vmem>>
    %dma_start3A_24 = tpu.memref_squeeze %dma_start3A_23 : memref<1x80xi32, #tpu.memory_space<vmem>> -> memref<80xi32, #tpu.memory_space<vmem>>
    %dma_start3A_25 = tpu.memref_slice %arg3[%add3A_17] : memref<320000xi32, #tpu.memory_space<hbm>> -> memref<80xi32, #tpu.memory_space<hbm>>
    tpu.enqueue_dma source(%dma_start3A_25 : memref<80xi32, #tpu.memory_space<hbm>>) target(%dma_start3A_24 : memref<80xi32, #tpu.memory_space<vmem>>) target_semaphore(%arg25 : memref<!tpu.dma_semaphore, #tpu.memory_space<semaphore_mem>>)
    %dma_start3A_26 = arith.constant 0 : i32
    %dma_start3A_27 = arith.constant 0 : i32
    %dma_start3A_28 = tpu.memref_slice %arg7[%dma_start3A_26, %dma_start3A_27] : memref<5x80xi32, #tpu.memory_space<vmem>> -> memref<1x80xi32, #tpu.memory_space<vmem>>
    %dma_start3A_29 = tpu.memref_squeeze %dma_start3A_28 : memref<1x80xi32, #tpu.memory_space<vmem>> -> memref<80xi32, #tpu.memory_space<vmem>>
    %dma_start3A_30 = tpu.memref_slice %arg4[%add3A_17] : memref<320000xi32, #tpu.memory_space<hbm>> -> memref<80xi32, #tpu.memory_space<hbm>>
    %dma_start3A_31 = arith.constant 0 : i32
    %dma_start3A_32 = tpu.memref_slice %arg7[%dma_start3A_26, %dma_start3A_31] : memref<5x80xi32, #tpu.memory_space<vmem>> -> memref<1x80xi32, #tpu.memory_space<vmem>>
    %dma_start3A_33 = tpu.memref_squeeze %dma_start3A_32 : memref<1x80xi32, #tpu.memory_space<vmem>> -> memref<80xi32, #tpu.memory_space<vmem>>
    %dma_start3A_34 = tpu.memref_slice %arg4[%add3A_17] : memref<320000xi32, #tpu.memory_space<hbm>> -> memref<80xi32, #tpu.memory_space<hbm>>
    tpu.enqueue_dma source(%dma_start3A_34 : memref<80xi32, #tpu.memory_space<hbm>>) target(%dma_start3A_33 : memref<80xi32, #tpu.memory_space<vmem>>) target_semaphore(%arg25 : memref<!tpu.dma_semaphore, #tpu.memory_space<semaphore_mem>>)
    %add3A_35 = arith.constant 80 : i32
    %add3A_36 = arith.addi %mul3A_2, %add3A_35 : i32
    %dma_start3A_37 = arith.constant 1 : i32
    %dma_start3A_38 = arith.constant 0 : i32
    %dma_start3A_39 = tpu.memref_slice %arg6[%dma_start3A_37, %dma_start3A_38] : memref<5x80xi32, #tpu.memory_space<vmem>> -> memref<1x80xi32, #tpu.memory_space<vmem>>
    %dma_start3A_40 = tpu.memref_squeeze %dma_start3A_39 : memref<1x80xi32, #tpu.memory_space<vmem>> -> memref<80xi32, #tpu.memory_space<vmem>>
    %dma_start3A_41 = tpu.memref_slice %arg3[%add3A_36] : memref<320000xi32, #tpu.memory_space<hbm>> -> memref<80xi32, #tpu.memory_space<hbm>>
    %dma_start3A_42 = arith.constant 0 : i32
    %dma_start3A_43 = tpu.memref_slice %arg6[%dma_start3A_37, %dma_start3A_42] : memref<5x80xi32, #tpu.memory_space<vmem>> -> memref<1x80xi32, #tpu.memory_space<vmem>>
    %dma_start3A_44 = tpu.memref_squeeze %dma_start3A_43 : memref<1x80xi32, #tpu.memory_space<vmem>> -> memref<80xi32, #tpu.memory_space<vmem>>
    %dma_start3A_45 = tpu.memref_slice %arg3[%add3A_36] : memref<320000xi32, #tpu.memory_space<hbm>> -> memref<80xi32, #tpu.memory_space<hbm>>
    tpu.enqueue_dma source(%dma_start3A_45 : memref<80xi32, #tpu.memory_space<hbm>>) target(%dma_start3A_44 : memref<80xi32, #tpu.memory_space<vmem>>) target_semaphore(%arg26 : memref<!tpu.dma_semaphore, #tpu.memory_space<semaphore_mem>>)
    %dma_start3A_46 = arith.constant 1 : i32
    %dma_start3A_47 = arith.constant 0 : i32
    %dma_start3A_48 = tpu.memref_slice %arg7[%dma_start3A_46, %dma_start3A_47] : memref<5x80xi32, #tpu.memory_space<vmem>> -> memref<1x80xi32, #tpu.memory_space<vmem>>
    %dma_start3A_49 = tpu.memref_squeeze %dma_start3A_48 : memref<1x80xi32, #tpu.memory_space<vmem>> -> memref<80xi32, #tpu.memory_space<vmem>>
    %dma_start3A_50 = tpu.memref_slice %arg4[%add3A_36] : memref<320000xi32, #tpu.memory_space<hbm>> -> memref<80xi32, #tpu.memory_space<hbm>>
    %dma_start3A_51 = arith.constant 0 : i32
    %dma_start3A_52 = tpu.memref_slice %arg7[%dma_start3A_46, %dma_start3A_51] : memref<5x80xi32, #tpu.memory_space<vmem>> -> memref<1x80xi32, #tpu.memory_space<vmem>>
    %dma_start3A_53 = tpu.memref_squeeze %dma_start3A_52 : memref<1x80xi32, #tpu.memory_space<vmem>> -> memref<80xi32, #tpu.memory_space<vmem>>
    %dma_start3A_54 = tpu.memref_slice %arg4[%add3A_36] : memref<320000xi32, #tpu.memory_space<hbm>> -> memref<80xi32, #tpu.memory_space<hbm>>
    tpu.enqueue_dma source(%dma_start3A_54 : memref<80xi32, #tpu.memory_space<hbm>>) target(%dma_start3A_53 : memref<80xi32, #tpu.memory_space<vmem>>) target_semaphore(%arg26 : memref<!tpu.dma_semaphore, #tpu.memory_space<semaphore_mem>>)
    %add3A_55 = arith.constant 160 : i32
    %add3A_56 = arith.addi %mul3A_2, %add3A_55 : i32
    %dma_start3A_57 = arith.constant 2 : i32
    %dma_start3A_58 = arith.constant 0 : i32
    %dma_start3A_59 = tpu.memref_slice %arg6[%dma_start3A_57, %dma_start3A_58] : memref<5x80xi32, #tpu.memory_space<vmem>> -> memref<1x80xi32, #tpu.memory_space<vmem>>
    %dma_start3A_60 = tpu.memref_squeeze %dma_start3A_59 : memref<1x80xi32, #tpu.memory_space<vmem>> -> memref<80xi32, #tpu.memory_space<vmem>>
    %dma_start3A_61 = tpu.memref_slice %arg3[%add3A_56] : memref<320000xi32, #tpu.memory_space<hbm>> -> memref<80xi32, #tpu.memory_space<hbm>>
    %dma_start3A_62 = arith.constant 0 : i32
    %dma_start3A_63 = tpu.memref_slice %arg6[%dma_start3A_57, %dma_start3A_62] : memref<5x80xi32, #tpu.memory_space<vmem>> -> memref<1x80xi32, #tpu.memory_space<vmem>>
    %dma_start3A_64 = tpu.memref_squeeze %dma_start3A_63 : memref<1x80xi32, #tpu.memory_space<vmem>> -> memref<80xi32, #tpu.memory_space<vmem>>
    %dma_start3A_65 = tpu.memref_slice %arg3[%add3A_56] : memref<320000xi32, #tpu.memory_space<hbm>> -> memref<80xi32, #tpu.memory_space<hbm>>
    tpu.enqueue_dma source(%dma_start3A_65 : memref<80xi32, #tpu.memory_space<hbm>>) target(%dma_start3A_64 : memref<80xi32, #tpu.memory_space<vmem>>) target_semaphore(%arg27 : memref<!tpu.dma_semaphore, #tpu.memory_space<semaphore_mem>>)
    %dma_start3A_66 = arith.constant 2 : i32
    %dma_start3A_67 = arith.constant 0 : i32
    %dma_start3A_68 = tpu.memref_slice %arg7[%dma_start3A_66, %dma_start3A_67] : memref<5x80xi32, #tpu.memory_space<vmem>> -> memref<1x80xi32, #tpu.memory_space<vmem>>
    %dma_start3A_69 = tpu.memref_squeeze %dma_start3A_68 : memref<1x80xi32, #tpu.memory_space<vmem>> -> memref<80xi32, #tpu.memory_space<vmem>>
    %dma_start3A_70 = tpu.memref_slice %arg4[%add3A_56] : memref<320000xi32, #tpu.memory_space<hbm>> -> memref<80xi32, #tpu.memory_space<hbm>>
    %dma_start3A_71 = arith.constant 0 : i32
    %dma_start3A_72 = tpu.memref_slice %arg7[%dma_start3A_66, %dma_start3A_71] : memref<5x80xi32, #tpu.memory_space<vmem>> -> memref<1x80xi32, #tpu.memory_space<vmem>>
    %dma_start3A_73 = tpu.memref_squeeze %dma_start3A_72 : memref<1x80xi32, #tpu.memory_space<vmem>> -> memref<80xi32, #tpu.memory_space<vmem>>
    %dma_start3A_74 = tpu.memref_slice %arg4[%add3A_56] : memref<320000xi32, #tpu.memory_space<hbm>> -> memref<80xi32, #tpu.memory_space<hbm>>
    tpu.enqueue_dma source(%dma_start3A_74 : memref<80xi32, #tpu.memory_space<hbm>>) target(%dma_start3A_73 : memref<80xi32, #tpu.memory_space<vmem>>) target_semaphore(%arg27 : memref<!tpu.dma_semaphore, #tpu.memory_space<semaphore_mem>>)
    %add3A_75 = arith.constant 240 : i32
    %add3A_76 = arith.addi %mul3A_2, %add3A_75 : i32
    %dma_start3A_77 = arith.constant 3 : i32
    %dma_start3A_78 = arith.constant 0 : i32
    %dma_start3A_79 = tpu.memref_slice %arg6[%dma_start3A_77, %dma_start3A_78] : memref<5x80xi32, #tpu.memory_space<vmem>> -> memref<1x80xi32, #tpu.memory_space<vmem>>
    %dma_start3A_80 = tpu.memref_squeeze %dma_start3A_79 : memref<1x80xi32, #tpu.memory_space<vmem>> -> memref<80xi32, #tpu.memory_space<vmem>>
    %dma_start3A_81 = tpu.memref_slice %arg3[%add3A_76] : memref<320000xi32, #tpu.memory_space<hbm>> -> memref<80xi32, #tpu.memory_space<hbm>>
    %dma_start3A_82 = arith.constant 0 : i32
    %dma_start3A_83 = tpu.memref_slice %arg6[%dma_start3A_77, %dma_start3A_82] : memref<5x80xi32, #tpu.memory_space<vmem>> -> memref<1x80xi32, #tpu.memory_space<vmem>>
    %dma_start3A_84 = tpu.memref_squeeze %dma_start3A_83 : memref<1x80xi32, #tpu.memory_space<vmem>> -> memref<80xi32, #tpu.memory_space<vmem>>
    %dma_start3A_85 = tpu.memref_slice %arg3[%add3A_76] : memref<320000xi32, #tpu.memory_space<hbm>> -> memref<80xi32, #tpu.memory_space<hbm>>
    tpu.enqueue_dma source(%dma_start3A_85 : memref<80xi32, #tpu.memory_space<hbm>>) target(%dma_start3A_84 : memref<80xi32, #tpu.memory_space<vmem>>) target_semaphore(%arg28 : memref<!tpu.dma_semaphore, #tpu.memory_space<semaphore_mem>>)
    %dma_start3A_86 = arith.constant 3 : i32
    %dma_start3A_87 = arith.constant 0 : i32
    %dma_start3A_88 = tpu.memref_slice %arg7[%dma_start3A_86, %dma_start3A_87] : memref<5x80xi32, #tpu.memory_space<vmem>> -> memref<1x80xi32, #tpu.memory_space<vmem>>
    %dma_start3A_89 = tpu.memref_squeeze %dma_start3A_88 : memref<1x80xi32, #tpu.memory_space<vmem>> -> memref<80xi32, #tpu.memory_space<vmem>>
    %dma_start3A_90 = tpu.memref_slice %arg4[%add3A_76] : memref<320000xi32, #tpu.memory_space<hbm>> -> memref<80xi32, #tpu.memory_space<hbm>>
    %dma_start3A_91 = arith.constant 0 : i32
    %dma_start3A_92 = tpu.memref_slice %arg7[%dma_start3A_86, %dma_start3A_91] : memref<5x80xi32, #tpu.memory_space<vmem>> -> memref<1x80xi32, #tpu.memory_space<vmem>>
    %dma_start3A_93 = tpu.memref_squeeze %dma_start3A_92 : memref<1x80xi32, #tpu.memory_space<vmem>> -> memref<80xi32, #tpu.memory_space<vmem>>
    %dma_start3A_94 = tpu.memref_slice %arg4[%add3A_76] : memref<320000xi32, #tpu.memory_space<hbm>> -> memref<80xi32, #tpu.memory_space<hbm>>
    tpu.enqueue_dma source(%dma_start3A_94 : memref<80xi32, #tpu.memory_space<hbm>>) target(%dma_start3A_93 : memref<80xi32, #tpu.memory_space<vmem>>) target_semaphore(%arg28 : memref<!tpu.dma_semaphore, #tpu.memory_space<semaphore_mem>>)
    %add3A_95 = arith.constant 320 : i32
    %add3A_96 = arith.addi %mul3A_2, %add3A_95 : i32
    %dma_start3A_97 = arith.constant 4 : i32
    %dma_start3A_98 = arith.constant 0 : i32
    %dma_start3A_99 = tpu.memref_slice %arg6[%dma_start3A_97, %dma_start3A_98] : memref<5x80xi32, #tpu.memory_space<vmem>> -> memref<1x80xi32, #tpu.memory_space<vmem>>
    %dma_start3A_100 = tpu.memref_squeeze %dma_start3A_99 : memref<1x80xi32, #tpu.memory_space<vmem>> -> memref<80xi32, #tpu.memory_space<vmem>>
    %dma_start3A_101 = tpu.memref_slice %arg3[%add3A_96] : memref<320000xi32, #tpu.memory_space<hbm>> -> memref<80xi32, #tpu.memory_space<hbm>>
    %dma_start3A_102 = arith.constant 0 : i32
    %dma_start3A_103 = tpu.memref_slice %arg6[%dma_start3A_97, %dma_start3A_102] : memref<5x80xi32, #tpu.memory_space<vmem>> -> memref<1x80xi32, #tpu.memory_space<vmem>>
    %dma_start3A_104 = tpu.memref_squeeze %dma_start3A_103 : memref<1x80xi32, #tpu.memory_space<vmem>> -> memref<80xi32, #tpu.memory_space<vmem>>
    %dma_start3A_105 = tpu.memref_slice %arg3[%add3A_96] : memref<320000xi32, #tpu.memory_space<hbm>> -> memref<80xi32, #tpu.memory_space<hbm>>
    tpu.enqueue_dma source(%dma_start3A_105 : memref<80xi32, #tpu.memory_space<hbm>>) target(%dma_start3A_104 : memref<80xi32, #tpu.memory_space<vmem>>) target_semaphore(%arg29 : memref<!tpu.dma_semaphore, #tpu.memory_space<semaphore_mem>>)
    %dma_start3A_106 = arith.constant 4 : i32
    %dma_start3A_107 = arith.constant 0 : i32
    %dma_start3A_108 = tpu.memref_slice %arg7[%dma_start3A_106, %dma_start3A_107] : memref<5x80xi32, #tpu.memory_space<vmem>> -> memref<1x80xi32, #tpu.memory_space<vmem>>
    %dma_start3A_109 = tpu.memref_squeeze %dma_start3A_108 : memref<1x80xi32, #tpu.memory_space<vmem>> -> memref<80xi32, #tpu.memory_space<vmem>>
    %dma_start3A_110 = tpu.memref_slice %arg4[%add3A_96] : memref<320000xi32, #tpu.memory_space<hbm>> -> memref<80xi32, #tpu.memory_space<hbm>>
    %dma_start3A_111 = arith.constant 0 : i32
    %dma_start3A_112 = tpu.memref_slice %arg7[%dma_start3A_106, %dma_start3A_111] : memref<5x80xi32, #tpu.memory_space<vmem>> -> memref<1x80xi32, #tpu.memory_space<vmem>>
    %dma_start3A_113 = tpu.memref_squeeze %dma_start3A_112 : memref<1x80xi32, #tpu.memory_space<vmem>> -> memref<80xi32, #tpu.memory_space<vmem>>
    %dma_start3A_114 = tpu.memref_slice %arg4[%add3A_96] : memref<320000xi32, #tpu.memory_space<hbm>> -> memref<80xi32, #tpu.memory_space<hbm>>
    tpu.enqueue_dma source(%dma_start3A_114 : memref<80xi32, #tpu.memory_space<hbm>>) target(%dma_start3A_113 : memref<80xi32, #tpu.memory_space<vmem>>) target_semaphore(%arg29 : memref<!tpu.dma_semaphore, #tpu.memory_space<semaphore_mem>>)
    %add3A_115 = arith.constant 0 : i32
    %add3A_116 = arith.addi %mul3A_2, %add3A_115 : i32
    %dma_wait3A = arith.constant 0 : i32
    %dma_wait3A_117 = arith.constant 0 : i32
    %dma_wait3A_118 = tpu.memref_slice %arg6[%dma_wait3A, %dma_wait3A_117] : memref<5x80xi32, #tpu.memory_space<vmem>> -> memref<1x80xi32, #tpu.memory_space<vmem>>
    %dma_wait3A_119 = tpu.memref_squeeze %dma_wait3A_118 : memref<1x80xi32, #tpu.memory_space<vmem>> -> memref<80xi32, #tpu.memory_space<vmem>>
    %dma_wait3A_120 = tpu.memref_slice %arg3[%add3A_116] : memref<320000xi32, #tpu.memory_space<hbm>> -> memref<80xi32, #tpu.memory_space<hbm>>
    %dma_wait3A_121 = arith.constant 0 : i32
    %dma_wait3A_122 = tpu.memref_slice %arg6[%dma_wait3A, %dma_wait3A_121] : memref<5x80xi32, #tpu.memory_space<vmem>> -> memref<1x80xi32, #tpu.memory_space<vmem>>
    %dma_wait3A_123 = tpu.memref_squeeze %dma_wait3A_122 : memref<1x80xi32, #tpu.memory_space<vmem>> -> memref<80xi32, #tpu.memory_space<vmem>>
    %dma_wait3A_124 = tpu.memref_slice %arg3[%add3A_116] : memref<320000xi32, #tpu.memory_space<hbm>> -> memref<80xi32, #tpu.memory_space<hbm>>
    tpu.wait_dma2 semaphore(%arg25 : memref<!tpu.dma_semaphore, #tpu.memory_space<semaphore_mem>>) src(%dma_wait3A_124 : memref<80xi32, #tpu.memory_space<hbm>>) dst(%dma_wait3A_123 : memref<80xi32, #tpu.memory_space<vmem>>)
    %dma_wait3A_125 = arith.constant 0 : i32
    %dma_wait3A_126 = arith.constant 0 : i32
    %dma_wait3A_127 = tpu.memref_slice %arg7[%dma_wait3A_125, %dma_wait3A_126] : memref<5x80xi32, #tpu.memory_space<vmem>> -> memref<1x80xi32, #tpu.memory_space<vmem>>
    %dma_wait3A_128 = tpu.memref_squeeze %dma_wait3A_127 : memref<1x80xi32, #tpu.memory_space<vmem>> -> memref<80xi32, #tpu.memory_space<vmem>>
    %dma_wait3A_129 = tpu.memref_slice %arg4[%add3A_116] : memref<320000xi32, #tpu.memory_space<hbm>> -> memref<80xi32, #tpu.memory_space<hbm>>
    %dma_wait3A_130 = arith.constant 0 : i32
    %dma_wait3A_131 = tpu.memref_slice %arg7[%dma_wait3A_125, %dma_wait3A_130] : memref<5x80xi32, #tpu.memory_space<vmem>> -> memref<1x80xi32, #tpu.memory_space<vmem>>
    %dma_wait3A_132 = tpu.memref_squeeze %dma_wait3A_131 : memref<1x80xi32, #tpu.memory_space<vmem>> -> memref<80xi32, #tpu.memory_space<vmem>>
    %dma_wait3A_133 = tpu.memref_slice %arg4[%add3A_116] : memref<320000xi32, #tpu.memory_space<hbm>> -> memref<80xi32, #tpu.memory_space<hbm>>
    tpu.wait_dma2 semaphore(%arg25 : memref<!tpu.dma_semaphore, #tpu.memory_space<semaphore_mem>>) src(%dma_wait3A_133 : memref<80xi32, #tpu.memory_space<hbm>>) dst(%dma_wait3A_132 : memref<80xi32, #tpu.memory_space<vmem>>)
    %dma_start3A_134 = arith.constant 0 : i32
    %dma_start3A_135 = arith.constant 0 : i32
    %dma_start3A_136 = arith.constant 0 : i32
    %dma_start3A_137 = arith.constant 0 : i32
    %dma_start3A_138 = tpu.memref_slice %arg8[%dma_start3A_135, %dma_start3A_136, %dma_start3A_137] : memref<5x80x128xf32, #tpu.memory_space<vmem>> -> memref<1x80x128xf32, #tpu.memory_space<vmem>>
    %dma_start3A_139 = tpu.memref_squeeze %dma_start3A_138 : memref<1x80x128xf32, #tpu.memory_space<vmem>> -> memref<80x128xf32, #tpu.memory_space<vmem>>
    %dma_start3A_140 = arith.constant 0 : i32
    %dma_start3A_141 = tpu.memref_slice %arg6[%dma_start3A_134, %dma_start3A_140] : memref<5x80xi32, #tpu.memory_space<vmem>> -> memref<1x80xi32, #tpu.memory_space<vmem>>
    %dma_start3A_142 = tpu.memref_squeeze %dma_start3A_141 : memref<1x80xi32, #tpu.memory_space<vmem>> -> memref<80xi32, #tpu.memory_space<vmem>>
    %dma_start3A_143 = arith.constant 0 : i32
    %dma_start3A_144 = arith.constant 0 : i32
    %dma_start3A_145 = tpu.memref_slice %arg2[%dma_start3A_143, %dma_start3A_144] : memref<10000x128xf32, #tpu.memory_space<hbm>> -> memref<10000x128xf32, #tpu.memory_space<hbm>>
    tpu.enqueue_indirect_dma source(%dma_start3A_145 : memref<10000x128xf32, #tpu.memory_space<hbm>>) target(%dma_start3A_139 : memref<80x128xf32, #tpu.memory_space<vmem>>) offsets(%dma_start3A_142 : memref<80xi32, #tpu.memory_space<vmem>>) semaphore(%arg15 : memref<!tpu.dma_semaphore, #tpu.memory_space<semaphore_mem>>)
    %add3A_146 = arith.constant 80 : i32
    %add3A_147 = arith.addi %mul3A_2, %add3A_146 : i32
    %dma_wait3A_148 = arith.constant 1 : i32
    %dma_wait3A_149 = arith.constant 0 : i32
    %dma_wait3A_150 = tpu.memref_slice %arg6[%dma_wait3A_148, %dma_wait3A_149] : memref<5x80xi32, #tpu.memory_space<vmem>> -> memref<1x80xi32, #tpu.memory_space<vmem>>
    %dma_wait3A_151 = tpu.memref_squeeze %dma_wait3A_150 : memref<1x80xi32, #tpu.memory_space<vmem>> -> memref<80xi32, #tpu.memory_space<vmem>>
    %dma_wait3A_152 = tpu.memref_slice %arg3[%add3A_147] : memref<320000xi32, #tpu.memory_space<hbm>> -> memref<80xi32, #tpu.memory_space<hbm>>
    %dma_wait3A_153 = arith.constant 0 : i32
    %dma_wait3A_154 = tpu.memref_slice %arg6[%dma_wait3A_148, %dma_wait3A_153] : memref<5x80xi32, #tpu.memory_space<vmem>> -> memref<1x80xi32, #tpu.memory_space<vmem>>
    %dma_wait3A_155 = tpu.memref_squeeze %dma_wait3A_154 : memref<1x80xi32, #tpu.memory_space<vmem>> -> memref<80xi32, #tpu.memory_space<vmem>>
    %dma_wait3A_156 = tpu.memref_slice %arg3[%add3A_147] : memref<320000xi32, #tpu.memory_space<hbm>> -> memref<80xi32, #tpu.memory_space<hbm>>
    tpu.wait_dma2 semaphore(%arg26 : memref<!tpu.dma_semaphore, #tpu.memory_space<semaphore_mem>>) src(%dma_wait3A_156 : memref<80xi32, #tpu.memory_space<hbm>>) dst(%dma_wait3A_155 : memref<80xi32, #tpu.memory_space<vmem>>)
    %dma_wait3A_157 = arith.constant 1 : i32
    %dma_wait3A_158 = arith.constant 0 : i32
    %dma_wait3A_159 = tpu.memref_slice %arg7[%dma_wait3A_157, %dma_wait3A_158] : memref<5x80xi32, #tpu.memory_space<vmem>> -> memref<1x80xi32, #tpu.memory_space<vmem>>
    %dma_wait3A_160 = tpu.memref_squeeze %dma_wait3A_159 : memref<1x80xi32, #tpu.memory_space<vmem>> -> memref<80xi32, #tpu.memory_space<vmem>>
    %dma_wait3A_161 = tpu.memref_slice %arg4[%add3A_147] : memref<320000xi32, #tpu.memory_space<hbm>> -> memref<80xi32, #tpu.memory_space<hbm>>
    %dma_wait3A_162 = arith.constant 0 : i32
    %dma_wait3A_163 = tpu.memref_slice %arg7[%dma_wait3A_157, %dma_wait3A_162] : memref<5x80xi32, #tpu.memory_space<vmem>> -> memref<1x80xi32, #tpu.memory_space<vmem>>
    %dma_wait3A_164 = tpu.memref_squeeze %dma_wait3A_163 : memref<1x80xi32, #tpu.memory_space<vmem>> -> memref<80xi32, #tpu.memory_space<vmem>>
    %dma_wait3A_165 = tpu.memref_slice %arg4[%add3A_147] : memref<320000xi32, #tpu.memory_space<hbm>> -> memref<80xi32, #tpu.memory_space<hbm>>
    tpu.wait_dma2 semaphore(%arg26 : memref<!tpu.dma_semaphore, #tpu.memory_space<semaphore_mem>>) src(%dma_wait3A_165 : memref<80xi32, #tpu.memory_space<hbm>>) dst(%dma_wait3A_164 : memref<80xi32, #tpu.memory_space<vmem>>)
    %dma_start3A_166 = arith.constant 1 : i32
    %dma_start3A_167 = arith.constant 1 : i32
    %dma_start3A_168 = arith.constant 0 : i32
    %dma_start3A_169 = arith.constant 0 : i32
    %dma_start3A_170 = tpu.memref_slice %arg8[%dma_start3A_167, %dma_start3A_168, %dma_start3A_169] : memref<5x80x128xf32, #tpu.memory_space<vmem>> -> memref<1x80x128xf32, #tpu.memory_space<vmem>>
    %dma_start3A_171 = tpu.memref_squeeze %dma_start3A_170 : memref<1x80x128xf32, #tpu.memory_space<vmem>> -> memref<80x128xf32, #tpu.memory_space<vmem>>
    %dma_start3A_172 = arith.constant 0 : i32
    %dma_start3A_173 = tpu.memref_slice %arg6[%dma_start3A_166, %dma_start3A_172] : memref<5x80xi32, #tpu.memory_space<vmem>> -> memref<1x80xi32, #tpu.memory_space<vmem>>
    %dma_start3A_174 = tpu.memref_squeeze %dma_start3A_173 : memref<1x80xi32, #tpu.memory_space<vmem>> -> memref<80xi32, #tpu.memory_space<vmem>>
    %dma_start3A_175 = arith.constant 0 : i32
    %dma_start3A_176 = arith.constant 0 : i32
    %dma_start3A_177 = tpu.memref_slice %arg2[%dma_start3A_175, %dma_start3A_176] : memref<10000x128xf32, #tpu.memory_space<hbm>> -> memref<10000x128xf32, #tpu.memory_space<hbm>>
    tpu.enqueue_indirect_dma source(%dma_start3A_177 : memref<10000x128xf32, #tpu.memory_space<hbm>>) target(%dma_start3A_171 : memref<80x128xf32, #tpu.memory_space<vmem>>) offsets(%dma_start3A_174 : memref<80xi32, #tpu.memory_space<vmem>>) semaphore(%arg16 : memref<!tpu.dma_semaphore, #tpu.memory_space<semaphore_mem>>)
    %add3A_178 = arith.constant 160 : i32
    %add3A_179 = arith.addi %mul3A_2, %add3A_178 : i32
    %dma_wait3A_180 = arith.constant 2 : i32
    %dma_wait3A_181 = arith.constant 0 : i32
    %dma_wait3A_182 = tpu.memref_slice %arg6[%dma_wait3A_180, %dma_wait3A_181] : memref<5x80xi32, #tpu.memory_space<vmem>> -> memref<1x80xi32, #tpu.memory_space<vmem>>
    %dma_wait3A_183 = tpu.memref_squeeze %dma_wait3A_182 : memref<1x80xi32, #tpu.memory_space<vmem>> -> memref<80xi32, #tpu.memory_space<vmem>>
    %dma_wait3A_184 = tpu.memref_slice %arg3[%add3A_179] : memref<320000xi32, #tpu.memory_space<hbm>> -> memref<80xi32, #tpu.memory_space<hbm>>
    %dma_wait3A_185 = arith.constant 0 : i32
    %dma_wait3A_186 = tpu.memref_slice %arg6[%dma_wait3A_180, %dma_wait3A_185] : memref<5x80xi32, #tpu.memory_space<vmem>> -> memref<1x80xi32, #tpu.memory_space<vmem>>
    %dma_wait3A_187 = tpu.memref_squeeze %dma_wait3A_186 : memref<1x80xi32, #tpu.memory_space<vmem>> -> memref<80xi32, #tpu.memory_space<vmem>>
    %dma_wait3A_188 = tpu.memref_slice %arg3[%add3A_179] : memref<320000xi32, #tpu.memory_space<hbm>> -> memref<80xi32, #tpu.memory_space<hbm>>
    tpu.wait_dma2 semaphore(%arg27 : memref<!tpu.dma_semaphore, #tpu.memory_space<semaphore_mem>>) src(%dma_wait3A_188 : memref<80xi32, #tpu.memory_space<hbm>>) dst(%dma_wait3A_187 : memref<80xi32, #tpu.memory_space<vmem>>)
    %dma_wait3A_189 = arith.constant 2 : i32
    %dma_wait3A_190 = arith.constant 0 : i32
    %dma_wait3A_191 = tpu.memref_slice %arg7[%dma_wait3A_189, %dma_wait3A_190] : memref<5x80xi32, #tpu.memory_space<vmem>> -> memref<1x80xi32, #tpu.memory_space<vmem>>
    %dma_wait3A_192 = tpu.memref_squeeze %dma_wait3A_191 : memref<1x80xi32, #tpu.memory_space<vmem>> -> memref<80xi32, #tpu.memory_space<vmem>>
    %dma_wait3A_193 = tpu.memref_slice %arg4[%add3A_179] : memref<320000xi32, #tpu.memory_space<hbm>> -> memref<80xi32, #tpu.memory_space<hbm>>
    %dma_wait3A_194 = arith.constant 0 : i32
    %dma_wait3A_195 = tpu.memref_slice %arg7[%dma_wait3A_189, %dma_wait3A_194] : memref<5x80xi32, #tpu.memory_space<vmem>> -> memref<1x80xi32, #tpu.memory_space<vmem>>
    %dma_wait3A_196 = tpu.memref_squeeze %dma_wait3A_195 : memref<1x80xi32, #tpu.memory_space<vmem>> -> memref<80xi32, #tpu.memory_space<vmem>>
    %dma_wait3A_197 = tpu.memref_slice %arg4[%add3A_179] : memref<320000xi32, #tpu.memory_space<hbm>> -> memref<80xi32, #tpu.memory_space<hbm>>
    tpu.wait_dma2 semaphore(%arg27 : memref<!tpu.dma_semaphore, #tpu.memory_space<semaphore_mem>>) src(%dma_wait3A_197 : memref<80xi32, #tpu.memory_space<hbm>>) dst(%dma_wait3A_196 : memref<80xi32, #tpu.memory_space<vmem>>)
    %dma_start3A_198 = arith.constant 2 : i32
    %dma_start3A_199 = arith.constant 2 : i32
    %dma_start3A_200 = arith.constant 0 : i32
    %dma_start3A_201 = arith.constant 0 : i32
    %dma_start3A_202 = tpu.memref_slice %arg8[%dma_start3A_199, %dma_start3A_200, %dma_start3A_201] : memref<5x80x128xf32, #tpu.memory_space<vmem>> -> memref<1x80x128xf32, #tpu.memory_space<vmem>>
    %dma_start3A_203 = tpu.memref_squeeze %dma_start3A_202 : memref<1x80x128xf32, #tpu.memory_space<vmem>> -> memref<80x128xf32, #tpu.memory_space<vmem>>
    %dma_start3A_204 = arith.constant 0 : i32
    %dma_start3A_205 = tpu.memref_slice %arg6[%dma_start3A_198, %dma_start3A_204] : memref<5x80xi32, #tpu.memory_space<vmem>> -> memref<1x80xi32, #tpu.memory_space<vmem>>
    %dma_start3A_206 = tpu.memref_squeeze %dma_start3A_205 : memref<1x80xi32, #tpu.memory_space<vmem>> -> memref<80xi32, #tpu.memory_space<vmem>>
    %dma_start3A_207 = arith.constant 0 : i32
    %dma_start3A_208 = arith.constant 0 : i32
    %dma_start3A_209 = tpu.memref_slice %arg2[%dma_start3A_207, %dma_start3A_208] : memref<10000x128xf32, #tpu.memory_space<hbm>> -> memref<10000x128xf32, #tpu.memory_space<hbm>>
    tpu.enqueue_indirect_dma source(%dma_start3A_209 : memref<10000x128xf32, #tpu.memory_space<hbm>>) target(%dma_start3A_203 : memref<80x128xf32, #tpu.memory_space<vmem>>) offsets(%dma_start3A_206 : memref<80xi32, #tpu.memory_space<vmem>>) semaphore(%arg17 : memref<!tpu.dma_semaphore, #tpu.memory_space<semaphore_mem>>)
    %add3A_210 = arith.constant 240 : i32
    %add3A_211 = arith.addi %mul3A_2, %add3A_210 : i32
    %dma_wait3A_212 = arith.constant 3 : i32
    %dma_wait3A_213 = arith.constant 0 : i32
    %dma_wait3A_214 = tpu.memref_slice %arg6[%dma_wait3A_212, %dma_wait3A_213] : memref<5x80xi32, #tpu.memory_space<vmem>> -> memref<1x80xi32, #tpu.memory_space<vmem>>
    %dma_wait3A_215 = tpu.memref_squeeze %dma_wait3A_214 : memref<1x80xi32, #tpu.memory_space<vmem>> -> memref<80xi32, #tpu.memory_space<vmem>>
    %dma_wait3A_216 = tpu.memref_slice %arg3[%add3A_211] : memref<320000xi32, #tpu.memory_space<hbm>> -> memref<80xi32, #tpu.memory_space<hbm>>
    %dma_wait3A_217 = arith.constant 0 : i32
    %dma_wait3A_218 = tpu.memref_slice %arg6[%dma_wait3A_212, %dma_wait3A_217] : memref<5x80xi32, #tpu.memory_space<vmem>> -> memref<1x80xi32, #tpu.memory_space<vmem>>
    %dma_wait3A_219 = tpu.memref_squeeze %dma_wait3A_218 : memref<1x80xi32, #tpu.memory_space<vmem>> -> memref<80xi32, #tpu.memory_space<vmem>>
    %dma_wait3A_220 = tpu.memref_slice %arg3[%add3A_211] : memref<320000xi32, #tpu.memory_space<hbm>> -> memref<80xi32, #tpu.memory_space<hbm>>
    tpu.wait_dma2 semaphore(%arg28 : memref<!tpu.dma_semaphore, #tpu.memory_space<semaphore_mem>>) src(%dma_wait3A_220 : memref<80xi32, #tpu.memory_space<hbm>>) dst(%dma_wait3A_219 : memref<80xi32, #tpu.memory_space<vmem>>)
    %dma_wait3A_221 = arith.constant 3 : i32
    %dma_wait3A_222 = arith.constant 0 : i32
    %dma_wait3A_223 = tpu.memref_slice %arg7[%dma_wait3A_221, %dma_wait3A_222] : memref<5x80xi32, #tpu.memory_space<vmem>> -> memref<1x80xi32, #tpu.memory_space<vmem>>
    %dma_wait3A_224 = tpu.memref_squeeze %dma_wait3A_223 : memref<1x80xi32, #tpu.memory_space<vmem>> -> memref<80xi32, #tpu.memory_space<vmem>>
    %dma_wait3A_225 = tpu.memref_slice %arg4[%add3A_211] : memref<320000xi32, #tpu.memory_space<hbm>> -> memref<80xi32, #tpu.memory_space<hbm>>
    %dma_wait3A_226 = arith.constant 0 : i32
    %dma_wait3A_227 = tpu.memref_slice %arg7[%dma_wait3A_221, %dma_wait3A_226] : memref<5x80xi32, #tpu.memory_space<vmem>> -> memref<1x80xi32, #tpu.memory_space<vmem>>
    %dma_wait3A_228 = tpu.memref_squeeze %dma_wait3A_227 : memref<1x80xi32, #tpu.memory_space<vmem>> -> memref<80xi32, #tpu.memory_space<vmem>>
    %dma_wait3A_229 = tpu.memref_slice %arg4[%add3A_211] : memref<320000xi32, #tpu.memory_space<hbm>> -> memref<80xi32, #tpu.memory_space<hbm>>
    tpu.wait_dma2 semaphore(%arg28 : memref<!tpu.dma_semaphore, #tpu.memory_space<semaphore_mem>>) src(%dma_wait3A_229 : memref<80xi32, #tpu.memory_space<hbm>>) dst(%dma_wait3A_228 : memref<80xi32, #tpu.memory_space<vmem>>)
    %dma_start3A_230 = arith.constant 3 : i32
    %dma_start3A_231 = arith.constant 3 : i32
    %dma_start3A_232 = arith.constant 0 : i32
    %dma_start3A_233 = arith.constant 0 : i32
    %dma_start3A_234 = tpu.memref_slice %arg8[%dma_start3A_231, %dma_start3A_232, %dma_start3A_233] : memref<5x80x128xf32, #tpu.memory_space<vmem>> -> memref<1x80x128xf32, #tpu.memory_space<vmem>>
    %dma_start3A_235 = tpu.memref_squeeze %dma_start3A_234 : memref<1x80x128xf32, #tpu.memory_space<vmem>> -> memref<80x128xf32, #tpu.memory_space<vmem>>
    %dma_start3A_236 = arith.constant 0 : i32
    %dma_start3A_237 = tpu.memref_slice %arg6[%dma_start3A_230, %dma_start3A_236] : memref<5x80xi32, #tpu.memory_space<vmem>> -> memref<1x80xi32, #tpu.memory_space<vmem>>
    %dma_start3A_238 = tpu.memref_squeeze %dma_start3A_237 : memref<1x80xi32, #tpu.memory_space<vmem>> -> memref<80xi32, #tpu.memory_space<vmem>>
    %dma_start3A_239 = arith.constant 0 : i32
    %dma_start3A_240 = arith.constant 0 : i32
    %dma_start3A_241 = tpu.memref_slice %arg2[%dma_start3A_239, %dma_start3A_240] : memref<10000x128xf32, #tpu.memory_space<hbm>> -> memref<10000x128xf32, #tpu.memory_space<hbm>>
    tpu.enqueue_indirect_dma source(%dma_start3A_241 : memref<10000x128xf32, #tpu.memory_space<hbm>>) target(%dma_start3A_235 : memref<80x128xf32, #tpu.memory_space<vmem>>) offsets(%dma_start3A_238 : memref<80xi32, #tpu.memory_space<vmem>>) semaphore(%arg18 : memref<!tpu.dma_semaphore, #tpu.memory_space<semaphore_mem>>)
    %dma_wait3A_242 = arith.constant 0 : i32
    %dma_wait3A_243 = arith.constant 0 : i32
    %dma_wait3A_244 = arith.constant 0 : i32
    %dma_wait3A_245 = arith.constant 0 : i32
    %dma_wait3A_246 = tpu.memref_slice %arg8[%dma_wait3A_243, %dma_wait3A_244, %dma_wait3A_245] : memref<5x80x128xf32, #tpu.memory_space<vmem>> -> memref<1x80x128xf32, #tpu.memory_space<vmem>>
    %dma_wait3A_247 = tpu.memref_squeeze %dma_wait3A_246 : memref<1x80x128xf32, #tpu.memory_space<vmem>> -> memref<80x128xf32, #tpu.memory_space<vmem>>
    %dma_wait3A_248 = arith.constant 0 : i32
    %dma_wait3A_249 = tpu.memref_slice %arg6[%dma_wait3A_242, %dma_wait3A_248] : memref<5x80xi32, #tpu.memory_space<vmem>> -> memref<1x80xi32, #tpu.memory_space<vmem>>
    %dma_wait3A_250 = tpu.memref_squeeze %dma_wait3A_249 : memref<1x80xi32, #tpu.memory_space<vmem>> -> memref<80xi32, #tpu.memory_space<vmem>>
    %dma_wait3A_251 = arith.constant 0 : i32
    %dma_wait3A_252 = arith.constant 0 : i32
    %dma_wait3A_253 = tpu.memref_slice %arg2[%dma_wait3A_251, %dma_wait3A_252] : memref<10000x128xf32, #tpu.memory_space<hbm>> -> memref<10000x128xf32, #tpu.memory_space<hbm>>
    tpu.wait_indirect_dma semaphore(%arg15 : memref<!tpu.dma_semaphore, #tpu.memory_space<semaphore_mem>>) src(%dma_wait3A_253 : memref<10000x128xf32, #tpu.memory_space<hbm>>) dst(%dma_wait3A_247 : memref<80x128xf32, #tpu.memory_space<vmem>>)
    %dma_start3A_254 = arith.constant 0 : i32
    %dma_start3A_255 = arith.constant 0 : i32
    %dma_start3A_256 = arith.constant 0 : i32
    %dma_start3A_257 = arith.constant 0 : i32
    %dma_start3A_258 = tpu.memref_slice %arg8[%dma_start3A_255, %dma_start3A_256, %dma_start3A_257] : memref<5x80x128xf32, #tpu.memory_space<vmem>> -> memref<1x80x128xf32, #tpu.memory_space<vmem>>
    %dma_start3A_259 = tpu.memref_squeeze %dma_start3A_258 : memref<1x80x128xf32, #tpu.memory_space<vmem>> -> memref<80x128xf32, #tpu.memory_space<vmem>>
    %dma_start3A_260 = arith.constant 0 : i32
    %dma_start3A_261 = tpu.memref_slice %arg7[%dma_start3A_254, %dma_start3A_260] : memref<5x80xi32, #tpu.memory_space<vmem>> -> memref<1x80xi32, #tpu.memory_space<vmem>>
    %dma_start3A_262 = tpu.memref_squeeze %dma_start3A_261 : memref<1x80xi32, #tpu.memory_space<vmem>> -> memref<80xi32, #tpu.memory_space<vmem>>
    %dma_start3A_263 = arith.constant 0 : i32
    %dma_start3A_264 = arith.constant 0 : i32
    %dma_start3A_265 = tpu.memref_slice %arg2[%dma_start3A_263, %dma_start3A_264] : memref<10000x128xf32, #tpu.memory_space<hbm>> -> memref<10000x128xf32, #tpu.memory_space<hbm>>
    tpu.enqueue_indirect_dma source(%dma_start3A_265 : memref<10000x128xf32, #tpu.memory_space<hbm>>) target(%dma_start3A_259 : memref<80x128xf32, #tpu.memory_space<vmem>>) offsets(%dma_start3A_262 : memref<80xi32, #tpu.memory_space<vmem>>) semaphore(%arg15 : memref<!tpu.dma_semaphore, #tpu.memory_space<semaphore_mem>>) {add = true}
    %dma_wait3A_266 = arith.constant 1 : i32
    %dma_wait3A_267 = arith.constant 1 : i32
    %dma_wait3A_268 = arith.constant 0 : i32
    %dma_wait3A_269 = arith.constant 0 : i32
    %dma_wait3A_270 = tpu.memref_slice %arg8[%dma_wait3A_267, %dma_wait3A_268, %dma_wait3A_269] : memref<5x80x128xf32, #tpu.memory_space<vmem>> -> memref<1x80x128xf32, #tpu.memory_space<vmem>>
    %dma_wait3A_271 = tpu.memref_squeeze %dma_wait3A_270 : memref<1x80x128xf32, #tpu.memory_space<vmem>> -> memref<80x128xf32, #tpu.memory_space<vmem>>
    %dma_wait3A_272 = arith.constant 0 : i32
    %dma_wait3A_273 = tpu.memref_slice %arg6[%dma_wait3A_266, %dma_wait3A_272] : memref<5x80xi32, #tpu.memory_space<vmem>> -> memref<1x80xi32, #tpu.memory_space<vmem>>
    %dma_wait3A_274 = tpu.memref_squeeze %dma_wait3A_273 : memref<1x80xi32, #tpu.memory_space<vmem>> -> memref<80xi32, #tpu.memory_space<vmem>>
    %dma_wait3A_275 = arith.constant 0 : i32
    %dma_wait3A_276 = arith.constant 0 : i32
    %dma_wait3A_277 = tpu.memref_slice %arg2[%dma_wait3A_275, %dma_wait3A_276] : memref<10000x128xf32, #tpu.memory_space<hbm>> -> memref<10000x128xf32, #tpu.memory_space<hbm>>
    tpu.wait_indirect_dma semaphore(%arg16 : memref<!tpu.dma_semaphore, #tpu.memory_space<semaphore_mem>>) src(%dma_wait3A_277 : memref<10000x128xf32, #tpu.memory_space<hbm>>) dst(%dma_wait3A_271 : memref<80x128xf32, #tpu.memory_space<vmem>>)
    %dma_start3A_278 = arith.constant 1 : i32
    %dma_start3A_279 = arith.constant 1 : i32
    %dma_start3A_280 = arith.constant 0 : i32
    %dma_start3A_281 = arith.constant 0 : i32
    %dma_start3A_282 = tpu.memref_slice %arg8[%dma_start3A_279, %dma_start3A_280, %dma_start3A_281] : memref<5x80x128xf32, #tpu.memory_space<vmem>> -> memref<1x80x128xf32, #tpu.memory_space<vmem>>
    %dma_start3A_283 = tpu.memref_squeeze %dma_start3A_282 : memref<1x80x128xf32, #tpu.memory_space<vmem>> -> memref<80x128xf32, #tpu.memory_space<vmem>>
    %dma_start3A_284 = arith.constant 0 : i32
    %dma_start3A_285 = tpu.memref_slice %arg7[%dma_start3A_278, %dma_start3A_284] : memref<5x80xi32, #tpu.memory_space<vmem>> -> memref<1x80xi32, #tpu.memory_space<vmem>>
    %dma_start3A_286 = tpu.memref_squeeze %dma_start3A_285 : memref<1x80xi32, #tpu.memory_space<vmem>> -> memref<80xi32, #tpu.memory_space<vmem>>
    %dma_start3A_287 = arith.constant 0 : i32
    %dma_start3A_288 = arith.constant 0 : i32
    %dma_start3A_289 = tpu.memref_slice %arg2[%dma_start3A_287, %dma_start3A_288] : memref<10000x128xf32, #tpu.memory_space<hbm>> -> memref<10000x128xf32, #tpu.memory_space<hbm>>
    tpu.enqueue_indirect_dma source(%dma_start3A_289 : memref<10000x128xf32, #tpu.memory_space<hbm>>) target(%dma_start3A_283 : memref<80x128xf32, #tpu.memory_space<vmem>>) offsets(%dma_start3A_286 : memref<80xi32, #tpu.memory_space<vmem>>) semaphore(%arg16 : memref<!tpu.dma_semaphore, #tpu.memory_space<semaphore_mem>>) {add = true}
    %scan3A = arith.constant 0 : i32
    %scan3A_290 = arith.constant 0 : i32
    %scan3A_291 = arith.constant 25 : i32
    %scan3A_292 = arith.addi %scan3A_290, %scan3A_291 : i32
    %scan3A_293 = arith.constant 1 : i32
    scf.for %scan3A_350 = %scan3A_290 to %scan3A_292 step %scan3A_293  : i32 {
      %mul3A_351 = arith.constant 5 : i32
      %mul3A_352 = arith.muli %scan3A_350, %mul3A_351 : i32
      %add3A_353 = arith.constant 0 : i32
      %add3A_354 = arith.addi %mul3A_352, %add3A_353 : i32
      %add3A_355 = arith.constant 4 : i32
      %add3A_356 = arith.addi %add3A_354, %add3A_355 : i32
      %lt3A = arith.constant 125 : i32
      %lt3A_357 = arith.cmpi slt, %add3A_356, %lt3A : i32
      %convert_element_type3A = arith.extui %lt3A_357 : i1 to i32
      %cond3A = arith.constant 0 : i32
      %cond3A_358 = arith.cmpi ne, %convert_element_type3A, %cond3A : i32
      scf.if %cond3A_358 {
        %add3A_1018 = arith.constant 4 : i32
        %add3A_1019 = arith.addi %add3A_354, %add3A_1018 : i32
        %mul3A_1020 = arith.constant 80 : i32
        %mul3A_1021 = arith.muli %add3A_1019, %mul3A_1020 : i32
        %add3A_1022 = arith.addi %mul3A_2, %mul3A_1021 : i32
        %dma_wait3A_1023 = arith.constant 4 : i32
        %dma_wait3A_1024 = arith.constant 0 : i32
        %dma_wait3A_1025 = tpu.memref_slice %arg6[%dma_wait3A_1023, %dma_wait3A_1024] : memref<5x80xi32, #tpu.memory_space<vmem>> -> memref<1x80xi32, #tpu.memory_space<vmem>>
        %dma_wait3A_1026 = tpu.memref_squeeze %dma_wait3A_1025 : memref<1x80xi32, #tpu.memory_space<vmem>> -> memref<80xi32, #tpu.memory_space<vmem>>
        %dma_wait3A_1027 = tpu.memref_slice %arg3[%add3A_1022] : memref<320000xi32, #tpu.memory_space<hbm>> -> memref<80xi32, #tpu.memory_space<hbm>>
        %dma_wait3A_1028 = arith.constant 0 : i32
        %dma_wait3A_1029 = tpu.memref_slice %arg6[%dma_wait3A_1023, %dma_wait3A_1028] : memref<5x80xi32, #tpu.memory_space<vmem>> -> memref<1x80xi32, #tpu.memory_space<vmem>>
        %dma_wait3A_1030 = tpu.memref_squeeze %dma_wait3A_1029 : memref<1x80xi32, #tpu.memory_space<vmem>> -> memref<80xi32, #tpu.memory_space<vmem>>
        %dma_wait3A_1031 = tpu.memref_slice %arg3[%add3A_1022] : memref<320000xi32, #tpu.memory_space<hbm>> -> memref<80xi32, #tpu.memory_space<hbm>>
        tpu.wait_dma2 semaphore(%arg29 : memref<!tpu.dma_semaphore, #tpu.memory_space<semaphore_mem>>) src(%dma_wait3A_1031 : memref<80xi32, #tpu.memory_space<hbm>>) dst(%dma_wait3A_1030 : memref<80xi32, #tpu.memory_space<vmem>>)
        %dma_wait3A_1032 = arith.constant 4 : i32
        %dma_wait3A_1033 = arith.constant 0 : i32
        %dma_wait3A_1034 = tpu.memref_slice %arg7[%dma_wait3A_1032, %dma_wait3A_1033] : memref<5x80xi32, #tpu.memory_space<vmem>> -> memref<1x80xi32, #tpu.memory_space<vmem>>
        %dma_wait3A_1035 = tpu.memref_squeeze %dma_wait3A_1034 : memref<1x80xi32, #tpu.memory_space<vmem>> -> memref<80xi32, #tpu.memory_space<vmem>>
        %dma_wait3A_1036 = tpu.memref_slice %arg4[%add3A_1022] : memref<320000xi32, #tpu.memory_space<hbm>> -> memref<80xi32, #tpu.memory_space<hbm>>
        %dma_wait3A_1037 = arith.constant 0 : i32
        %dma_wait3A_1038 = tpu.memref_slice %arg7[%dma_wait3A_1032, %dma_wait3A_1037] : memref<5x80xi32, #tpu.memory_space<vmem>> -> memref<1x80xi32, #tpu.memory_space<vmem>>
        %dma_wait3A_1039 = tpu.memref_squeeze %dma_wait3A_1038 : memref<1x80xi32, #tpu.memory_space<vmem>> -> memref<80xi32, #tpu.memory_space<vmem>>
        %dma_wait3A_1040 = tpu.memref_slice %arg4[%add3A_1022] : memref<320000xi32, #tpu.memory_space<hbm>> -> memref<80xi32, #tpu.memory_space<hbm>>
        tpu.wait_dma2 semaphore(%arg29 : memref<!tpu.dma_semaphore, #tpu.memory_space<semaphore_mem>>) src(%dma_wait3A_1040 : memref<80xi32, #tpu.memory_space<hbm>>) dst(%dma_wait3A_1039 : memref<80xi32, #tpu.memory_space<vmem>>)
        %dma_start3A_1041 = arith.constant 4 : i32
        %dma_start3A_1042 = arith.constant 4 : i32
        %dma_start3A_1043 = arith.constant 0 : i32
        %dma_start3A_1044 = arith.constant 0 : i32
        %dma_start3A_1045 = tpu.memref_slice %arg8[%dma_start3A_1042, %dma_start3A_1043, %dma_start3A_1044] : memref<5x80x128xf32, #tpu.memory_space<vmem>> -> memref<1x80x128xf32, #tpu.memory_space<vmem>>
        %dma_start3A_1046 = tpu.memref_squeeze %dma_start3A_1045 : memref<1x80x128xf32, #tpu.memory_space<vmem>> -> memref<80x128xf32, #tpu.memory_space<vmem>>
        %dma_start3A_1047 = arith.constant 0 : i32
        %dma_start3A_1048 = tpu.memref_slice %arg6[%dma_start3A_1041, %dma_start3A_1047] : memref<5x80xi32, #tpu.memory_space<vmem>> -> memref<1x80xi32, #tpu.memory_space<vmem>>
        %dma_start3A_1049 = tpu.memref_squeeze %dma_start3A_1048 : memref<1x80xi32, #tpu.memory_space<vmem>> -> memref<80xi32, #tpu.memory_space<vmem>>
        %dma_start3A_1050 = arith.constant 0 : i32
        %dma_start3A_1051 = arith.constant 0 : i32
        %dma_start3A_1052 = tpu.memref_slice %arg2[%dma_start3A_1050, %dma_start3A_1051] : memref<10000x128xf32, #tpu.memory_space<hbm>> -> memref<10000x128xf32, #tpu.memory_space<hbm>>
        tpu.enqueue_indirect_dma source(%dma_start3A_1052 : memref<10000x128xf32, #tpu.memory_space<hbm>>) target(%dma_start3A_1046 : memref<80x128xf32, #tpu.memory_space<vmem>>) offsets(%dma_start3A_1049 : memref<80xi32, #tpu.memory_space<vmem>>) semaphore(%arg19 : memref<!tpu.dma_semaphore, #tpu.memory_space<semaphore_mem>>)
      } else {
      }
      %add3A_359 = arith.constant 2 : i32
      %add3A_360 = arith.addi %add3A_354, %add3A_359 : i32
      %lt3A_361 = arith.constant 125 : i32
      %lt3A_362 = arith.cmpi slt, %add3A_360, %lt3A_361 : i32
      %convert_element_type3A_363 = arith.extui %lt3A_362 : i1 to i32
      %cond3A_364 = arith.constant 0 : i32
      %cond3A_365 = arith.cmpi ne, %convert_element_type3A_363, %cond3A_364 : i32
      scf.if %cond3A_365 {
        %dma_wait3A_1018 = arith.constant 2 : i32
        %dma_wait3A_1019 = arith.constant 2 : i32
        %dma_wait3A_1020 = arith.constant 0 : i32
        %dma_wait3A_1021 = arith.constant 0 : i32
        %dma_wait3A_1022 = tpu.memref_slice %arg8[%dma_wait3A_1019, %dma_wait3A_1020, %dma_wait3A_1021] : memref<5x80x128xf32, #tpu.memory_space<vmem>> -> memref<1x80x128xf32, #tpu.memory_space<vmem>>
        %dma_wait3A_1023 = tpu.memref_squeeze %dma_wait3A_1022 : memref<1x80x128xf32, #tpu.memory_space<vmem>> -> memref<80x128xf32, #tpu.memory_space<vmem>>
        %dma_wait3A_1024 = arith.constant 0 : i32
        %dma_wait3A_1025 = tpu.memref_slice %arg6[%dma_wait3A_1018, %dma_wait3A_1024] : memref<5x80xi32, #tpu.memory_space<vmem>> -> memref<1x80xi32, #tpu.memory_space<vmem>>
        %dma_wait3A_1026 = tpu.memref_squeeze %dma_wait3A_1025 : memref<1x80xi32, #tpu.memory_space<vmem>> -> memref<80xi32, #tpu.memory_space<vmem>>
        %dma_wait3A_1027 = arith.constant 0 : i32
        %dma_wait3A_1028 = arith.constant 0 : i32
        %dma_wait3A_1029 = tpu.memref_slice %arg2[%dma_wait3A_1027, %dma_wait3A_1028] : memref<10000x128xf32, #tpu.memory_space<hbm>> -> memref<10000x128xf32, #tpu.memory_space<hbm>>
        tpu.wait_indirect_dma semaphore(%arg17 : memref<!tpu.dma_semaphore, #tpu.memory_space<semaphore_mem>>) src(%dma_wait3A_1029 : memref<10000x128xf32, #tpu.memory_space<hbm>>) dst(%dma_wait3A_1023 : memref<80x128xf32, #tpu.memory_space<vmem>>)
        %dma_start3A_1030 = arith.constant 2 : i32
        %dma_start3A_1031 = arith.constant 2 : i32
        %dma_start3A_1032 = arith.constant 0 : i32
        %dma_start3A_1033 = arith.constant 0 : i32
        %dma_start3A_1034 = tpu.memref_slice %arg8[%dma_start3A_1031, %dma_start3A_1032, %dma_start3A_1033] : memref<5x80x128xf32, #tpu.memory_space<vmem>> -> memref<1x80x128xf32, #tpu.memory_space<vmem>>
        %dma_start3A_1035 = tpu.memref_squeeze %dma_start3A_1034 : memref<1x80x128xf32, #tpu.memory_space<vmem>> -> memref<80x128xf32, #tpu.memory_space<vmem>>
        %dma_start3A_1036 = arith.constant 0 : i32
        %dma_start3A_1037 = tpu.memref_slice %arg7[%dma_start3A_1030, %dma_start3A_1036] : memref<5x80xi32, #tpu.memory_space<vmem>> -> memref<1x80xi32, #tpu.memory_space<vmem>>
        %dma_start3A_1038 = tpu.memref_squeeze %dma_start3A_1037 : memref<1x80xi32, #tpu.memory_space<vmem>> -> memref<80xi32, #tpu.memory_space<vmem>>
        %dma_start3A_1039 = arith.constant 0 : i32
        %dma_start3A_1040 = arith.constant 0 : i32
        %dma_start3A_1041 = tpu.memref_slice %arg2[%dma_start3A_1039, %dma_start3A_1040] : memref<10000x128xf32, #tpu.memory_space<hbm>> -> memref<10000x128xf32, #tpu.memory_space<hbm>>
        tpu.enqueue_indirect_dma source(%dma_start3A_1041 : memref<10000x128xf32, #tpu.memory_space<hbm>>) target(%dma_start3A_1035 : memref<80x128xf32, #tpu.memory_space<vmem>>) offsets(%dma_start3A_1038 : memref<80xi32, #tpu.memory_space<vmem>>) semaphore(%arg17 : memref<!tpu.dma_semaphore, #tpu.memory_space<semaphore_mem>>) {add = true}
      } else {
      }
      %dma_wait3A_366 = arith.constant 0 : i32
      %dma_wait3A_367 = arith.constant 0 : i32
      %dma_wait3A_368 = arith.constant 0 : i32
      %dma_wait3A_369 = arith.constant 0 : i32
      %dma_wait3A_370 = tpu.memref_slice %arg8[%dma_wait3A_367, %dma_wait3A_368, %dma_wait3A_369] : memref<5x80x128xf32, #tpu.memory_space<vmem>> -> memref<1x80x128xf32, #tpu.memory_space<vmem>>
      %dma_wait3A_371 = tpu.memref_squeeze %dma_wait3A_370 : memref<1x80x128xf32, #tpu.memory_space<vmem>> -> memref<80x128xf32, #tpu.memory_space<vmem>>
      %dma_wait3A_372 = arith.constant 0 : i32
      %dma_wait3A_373 = tpu.memref_slice %arg7[%dma_wait3A_366, %dma_wait3A_372] : memref<5x80xi32, #tpu.memory_space<vmem>> -> memref<1x80xi32, #tpu.memory_space<vmem>>
      %dma_wait3A_374 = tpu.memref_squeeze %dma_wait3A_373 : memref<1x80xi32, #tpu.memory_space<vmem>> -> memref<80xi32, #tpu.memory_space<vmem>>
      %dma_wait3A_375 = arith.constant 0 : i32
      %dma_wait3A_376 = arith.constant 0 : i32
      %dma_wait3A_377 = tpu.memref_slice %arg2[%dma_wait3A_375, %dma_wait3A_376] : memref<10000x128xf32, #tpu.memory_space<hbm>> -> memref<10000x128xf32, #tpu.memory_space<hbm>>
      tpu.wait_indirect_dma semaphore(%arg15 : memref<!tpu.dma_semaphore, #tpu.memory_space<semaphore_mem>>) src(%dma_wait3A_377 : memref<10000x128xf32, #tpu.memory_space<hbm>>) dst(%dma_wait3A_371 : memref<80x128xf32, #tpu.memory_space<vmem>>)
      %get3A = arith.constant 0 : i32
      %get3A_378 = arith.index_cast %get3A : i32 to index
      %get3A_379 = arith.constant 0 : index
      %get3A_380 = tpu.vector_load %arg6[%get3A_378, %get3A_379] {strides = array<i32>} : memref<5x80xi32, #tpu.memory_space<vmem>>, vector<16xi32>,
      %get3A_381 = arith.constant 0 : i32
      %get3A_382 = arith.index_cast %get3A_381 : i32 to index
      %get3A_383 = arith.constant 0 : index
      %get3A_384 = tpu.vector_load %arg7[%get3A_382, %get3A_383] {strides = array<i32>} : memref<5x80xi32, #tpu.memory_space<vmem>>, vector<16xi32>,
      %gather3A = tpu.vector_load_idx %arg12[%get3A_380] : memref<10240xf32, #tpu.memory_space<vmem>>[vector<16xi32>], vector<16xf32>,
      %gather3A_385 = tpu.vector_load_idx %arg12[%get3A_384] : memref<10240xf32, #tpu.memory_space<vmem>>[vector<16xi32>], vector<16xf32>,
      %add3A_386 = arith.addf %gather3A, %gather3A_385 : vector<16xf32>
      %swap3A = arith.constant 0 : i32
      %swap3A_387 = arith.index_cast %swap3A : i32 to index
      %swap3A_388 = arith.constant 0 : index
      %swap3A_389 = tpu.vector_load %arg11[%swap3A_387, %swap3A_388] {strides = array<i32>} : memref<5x16xf32, #tpu.memory_space<vmem>>, vector<16xf32>,
      tpu.vector_store %arg11[%swap3A_387, %swap3A_388], %add3A_386 {strides = array<i32>} : memref<5x16xf32, #tpu.memory_space<vmem>>, vector<16xf32>,
      %get3A_390 = arith.constant 0 : i32
      %get3A_391 = arith.index_cast %get3A_390 : i32 to index
      %get3A_392 = arith.constant 16 : index
      %get3A_393 = tpu.vector_load %arg6[%get3A_391, %get3A_392] {strides = array<i32>} : memref<5x80xi32, #tpu.memory_space<vmem>>, vector<16xi32>,
      %get3A_394 = arith.constant 0 : i32
      %get3A_395 = arith.index_cast %get3A_394 : i32 to index
      %get3A_396 = arith.constant 16 : index
      %get3A_397 = tpu.vector_load %arg7[%get3A_395, %get3A_396] {strides = array<i32>} : memref<5x80xi32, #tpu.memory_space<vmem>>, vector<16xi32>,
      %gather3A_398 = tpu.vector_load_idx %arg12[%get3A_393] : memref<10240xf32, #tpu.memory_space<vmem>>[vector<16xi32>], vector<16xf32>,
      %gather3A_399 = tpu.vector_load_idx %arg12[%get3A_397] : memref<10240xf32, #tpu.memory_space<vmem>>[vector<16xi32>], vector<16xf32>,
      %add3A_400 = arith.addf %gather3A_398, %gather3A_399 : vector<16xf32>
      %swap3A_401 = arith.constant 1 : i32
      %swap3A_402 = arith.index_cast %swap3A_401 : i32 to index
      %swap3A_403 = arith.constant 0 : index
      %swap3A_404 = tpu.vector_load %arg11[%swap3A_402, %swap3A_403] {strides = array<i32>} : memref<5x16xf32, #tpu.memory_space<vmem>>, vector<16xf32>,
      tpu.vector_store %arg11[%swap3A_402, %swap3A_403], %add3A_400 {strides = array<i32>} : memref<5x16xf32, #tpu.memory_space<vmem>>, vector<16xf32>,
      %get3A_405 = arith.constant 0 : i32
      %get3A_406 = arith.index_cast %get3A_405 : i32 to index
      %get3A_407 = arith.constant 32 : index
      %get3A_408 = tpu.vector_load %arg6[%get3A_406, %get3A_407] {strides = array<i32>} : memref<5x80xi32, #tpu.memory_space<vmem>>, vector<16xi32>,
      %get3A_409 = arith.constant 0 : i32
      %get3A_410 = arith.index_cast %get3A_409 : i32 to index
      %get3A_411 = arith.constant 32 : index
      %get3A_412 = tpu.vector_load %arg7[%get3A_410, %get3A_411] {strides = array<i32>} : memref<5x80xi32, #tpu.memory_space<vmem>>, vector<16xi32>,
      %gather3A_413 = tpu.vector_load_idx %arg12[%get3A_408] : memref<10240xf32, #tpu.memory_space<vmem>>[vector<16xi32>], vector<16xf32>,
      %gather3A_414 = tpu.vector_load_idx %arg12[%get3A_412] : memref<10240xf32, #tpu.memory_space<vmem>>[vector<16xi32>], vector<16xf32>,
      %add3A_415 = arith.addf %gather3A_413, %gather3A_414 : vector<16xf32>
      %swap3A_416 = arith.constant 2 : i32
      %swap3A_417 = arith.index_cast %swap3A_416 : i32 to index
      %swap3A_418 = arith.constant 0 : index
      %swap3A_419 = tpu.vector_load %arg11[%swap3A_417, %swap3A_418] {strides = array<i32>} : memref<5x16xf32, #tpu.memory_space<vmem>>, vector<16xf32>,
      tpu.vector_store %arg11[%swap3A_417, %swap3A_418], %add3A_415 {strides = array<i32>} : memref<5x16xf32, #tpu.memory_space<vmem>>, vector<16xf32>,
      %get3A_420 = arith.constant 0 : i32
      %get3A_421 = arith.index_cast %get3A_420 : i32 to index
      %get3A_422 = arith.constant 48 : index
      %get3A_423 = tpu.vector_load %arg6[%get3A_421, %get3A_422] {strides = array<i32>} : memref<5x80xi32, #tpu.memory_space<vmem>>, vector<16xi32>,
      %get3A_424 = arith.constant 0 : i32
      %get3A_425 = arith.index_cast %get3A_424 : i32 to index
      %get3A_426 = arith.constant 48 : index
      %get3A_427 = tpu.vector_load %arg7[%get3A_425, %get3A_426] {strides = array<i32>} : memref<5x80xi32, #tpu.memory_space<vmem>>, vector<16xi32>,
      %gather3A_428 = tpu.vector_load_idx %arg12[%get3A_423] : memref<10240xf32, #tpu.memory_space<vmem>>[vector<16xi32>], vector<16xf32>,
      %gather3A_429 = tpu.vector_load_idx %arg12[%get3A_427] : memref<10240xf32, #tpu.memory_space<vmem>>[vector<16xi32>], vector<16xf32>,
      %add3A_430 = arith.addf %gather3A_428, %gather3A_429 : vector<16xf32>
      %swap3A_431 = arith.constant 3 : i32
      %swap3A_432 = arith.index_cast %swap3A_431 : i32 to index
      %swap3A_433 = arith.constant 0 : index
      %swap3A_434 = tpu.vector_load %arg11[%swap3A_432, %swap3A_433] {strides = array<i32>} : memref<5x16xf32, #tpu.memory_space<vmem>>, vector<16xf32>,
      tpu.vector_store %arg11[%swap3A_432, %swap3A_433], %add3A_430 {strides = array<i32>} : memref<5x16xf32, #tpu.memory_space<vmem>>, vector<16xf32>,
      %get3A_435 = arith.constant 0 : i32
      %get3A_436 = arith.index_cast %get3A_435 : i32 to index
      %get3A_437 = arith.constant 64 : index
      %get3A_438 = tpu.vector_load %arg6[%get3A_436, %get3A_437] {strides = array<i32>} : memref<5x80xi32, #tpu.memory_space<vmem>>, vector<16xi32>,
      %get3A_439 = arith.constant 0 : i32
      %get3A_440 = arith.index_cast %get3A_439 : i32 to index
      %get3A_441 = arith.constant 64 : index
      %get3A_442 = tpu.vector_load %arg7[%get3A_440, %get3A_441] {strides = array<i32>} : memref<5x80xi32, #tpu.memory_space<vmem>>, vector<16xi32>,
      %gather3A_443 = tpu.vector_load_idx %arg12[%get3A_438] : memref<10240xf32, #tpu.memory_space<vmem>>[vector<16xi32>], vector<16xf32>,
      %gather3A_444 = tpu.vector_load_idx %arg12[%get3A_442] : memref<10240xf32, #tpu.memory_space<vmem>>[vector<16xi32>], vector<16xf32>,
      %add3A_445 = arith.addf %gather3A_443, %gather3A_444 : vector<16xf32>
      %swap3A_446 = arith.constant 4 : i32
      %swap3A_447 = arith.index_cast %swap3A_446 : i32 to index
      %swap3A_448 = arith.constant 0 : index
      %swap3A_449 = tpu.vector_load %arg11[%swap3A_447, %swap3A_448] {strides = array<i32>} : memref<5x16xf32, #tpu.memory_space<vmem>>, vector<16xf32>,
      tpu.vector_store %arg11[%swap3A_447, %swap3A_448], %add3A_445 {strides = array<i32>} : memref<5x16xf32, #tpu.memory_space<vmem>>, vector<16xf32>,
      %add3A_450 = arith.constant 5 : i32
      %add3A_451 = arith.addi %add3A_354, %add3A_450 : i32
      %lt3A_452 = arith.constant 125 : i32
      %lt3A_453 = arith.cmpi slt, %add3A_451, %lt3A_452 : i32
      %convert_element_type3A_454 = arith.extui %lt3A_453 : i1 to i32
      %cond3A_455 = arith.constant 0 : i32
      %cond3A_456 = arith.cmpi ne, %convert_element_type3A_454, %cond3A_455 : i32
      scf.if %cond3A_456 {
        %add3A_1018 = arith.constant 5 : i32
        %add3A_1019 = arith.addi %add3A_354, %add3A_1018 : i32
        %mul3A_1020 = arith.constant 80 : i32
        %mul3A_1021 = arith.muli %add3A_1019, %mul3A_1020 : i32
        %add3A_1022 = arith.addi %mul3A_2, %mul3A_1021 : i32
        %dma_start3A_1023 = arith.constant 0 : i32
        %dma_start3A_1024 = arith.constant 0 : i32
        %dma_start3A_1025 = tpu.memref_slice %arg6[%dma_start3A_1023, %dma_start3A_1024] : memref<5x80xi32, #tpu.memory_space<vmem>> -> memref<1x80xi32, #tpu.memory_space<vmem>>
        %dma_start3A_1026 = tpu.memref_squeeze %dma_start3A_1025 : memref<1x80xi32, #tpu.memory_space<vmem>> -> memref<80xi32, #tpu.memory_space<vmem>>
        %dma_start3A_1027 = tpu.memref_slice %arg3[%add3A_1022] : memref<320000xi32, #tpu.memory_space<hbm>> -> memref<80xi32, #tpu.memory_space<hbm>>
        %dma_start3A_1028 = arith.constant 0 : i32
        %dma_start3A_1029 = tpu.memref_slice %arg6[%dma_start3A_1023, %dma_start3A_1028] : memref<5x80xi32, #tpu.memory_space<vmem>> -> memref<1x80xi32, #tpu.memory_space<vmem>>
        %dma_start3A_1030 = tpu.memref_squeeze %dma_start3A_1029 : memref<1x80xi32, #tpu.memory_space<vmem>> -> memref<80xi32, #tpu.memory_space<vmem>>
        %dma_start3A_1031 = tpu.memref_slice %arg3[%add3A_1022] : memref<320000xi32, #tpu.memory_space<hbm>> -> memref<80xi32, #tpu.memory_space<hbm>>
        tpu.enqueue_dma source(%dma_start3A_1031 : memref<80xi32, #tpu.memory_space<hbm>>) target(%dma_start3A_1030 : memref<80xi32, #tpu.memory_space<vmem>>) target_semaphore(%arg25 : memref<!tpu.dma_semaphore, #tpu.memory_space<semaphore_mem>>)
        %dma_start3A_1032 = arith.constant 0 : i32
        %dma_start3A_1033 = arith.constant 0 : i32
        %dma_start3A_1034 = tpu.memref_slice %arg7[%dma_start3A_1032, %dma_start3A_1033] : memref<5x80xi32, #tpu.memory_space<vmem>> -> memref<1x80xi32, #tpu.memory_space<vmem>>
        %dma_start3A_1035 = tpu.memref_squeeze %dma_start3A_1034 : memref<1x80xi32, #tpu.memory_space<vmem>> -> memref<80xi32, #tpu.memory_space<vmem>>
        %dma_start3A_1036 = tpu.memref_slice %arg4[%add3A_1022] : memref<320000xi32, #tpu.memory_space<hbm>> -> memref<80xi32, #tpu.memory_space<hbm>>
        %dma_start3A_1037 = arith.constant 0 : i32
        %dma_start3A_1038 = tpu.memref_slice %arg7[%dma_start3A_1032, %dma_start3A_1037] : memref<5x80xi32, #tpu.memory_space<vmem>> -> memref<1x80xi32, #tpu.memory_space<vmem>>
        %dma_start3A_1039 = tpu.memref_squeeze %dma_start3A_1038 : memref<1x80xi32, #tpu.memory_space<vmem>> -> memref<80xi32, #tpu.memory_space<vmem>>
        %dma_start3A_1040 = tpu.memref_slice %arg4[%add3A_1022] : memref<320000xi32, #tpu.memory_space<hbm>> -> memref<80xi32, #tpu.memory_space<hbm>>
        tpu.enqueue_dma source(%dma_start3A_1040 : memref<80xi32, #tpu.memory_space<hbm>>) target(%dma_start3A_1039 : memref<80xi32, #tpu.memory_space<vmem>>) target_semaphore(%arg25 : memref<!tpu.dma_semaphore, #tpu.memory_space<semaphore_mem>>)
      } else {
      }
      %ge3A = arith.constant 5 : i32
      %ge3A_457 = arith.cmpi sge, %add3A_354, %ge3A : i32
      %convert_element_type3A_458 = arith.extui %ge3A_457 : i1 to i32
      %cond3A_459 = arith.constant 0 : i32
      %cond3A_460 = arith.cmpi ne, %convert_element_type3A_458, %cond3A_459 : i32
      scf.if %cond3A_460 {
        %sub3A = arith.constant 5 : i32
        %sub3A_1018 = arith.subi %add3A_354, %sub3A : i32
        %mul3A_1019 = arith.constant 80 : i32
        %mul3A_1020 = arith.muli %sub3A_1018, %mul3A_1019 : i32
        %add3A_1021 = arith.addi %mul3A_2, %mul3A_1020 : i32
        %dma_wait3A_1022 = arith.constant 0 : i32
        %dma_wait3A_1023 = arith.constant 0 : i32
        %dma_wait3A_1024 = tpu.memref_slice %arg9[%dma_wait3A_1022, %dma_wait3A_1023] : memref<5x80xf32, #tpu.memory_space<vmem>> -> memref<1x80xf32, #tpu.memory_space<vmem>>
        %dma_wait3A_1025 = tpu.memref_squeeze %dma_wait3A_1024 : memref<1x80xf32, #tpu.memory_space<vmem>> -> memref<80xf32, #tpu.memory_space<vmem>>
        %dma_wait3A_1026 = tpu.memref_slice %arg5[%add3A_1021] : memref<320000xf32, #tpu.memory_space<hbm>> -> memref<80xf32, #tpu.memory_space<hbm>>
        %dma_wait3A_1027 = tpu.memref_slice %arg5[%add3A_1021] : memref<320000xf32, #tpu.memory_space<hbm>> -> memref<80xf32, #tpu.memory_space<hbm>>
        %dma_wait3A_1028 = arith.constant 0 : i32
        %dma_wait3A_1029 = tpu.memref_slice %arg9[%dma_wait3A_1022, %dma_wait3A_1028] : memref<5x80xf32, #tpu.memory_space<vmem>> -> memref<1x80xf32, #tpu.memory_space<vmem>>
        %dma_wait3A_1030 = tpu.memref_squeeze %dma_wait3A_1029 : memref<1x80xf32, #tpu.memory_space<vmem>> -> memref<80xf32, #tpu.memory_space<vmem>>
        tpu.wait_dma2 semaphore(%arg20 : memref<!tpu.dma_semaphore, #tpu.memory_space<semaphore_mem>>) src(%dma_wait3A_1030 : memref<80xf32, #tpu.memory_space<vmem>>) dst(%dma_wait3A_1027 : memref<80xf32, #tpu.memory_space<hbm>>)
      } else {
      }
      %parallel_loop3A = arith.constant 0 : i32
      %parallel_loop3A_461 = arith.constant 80 : i32
      %parallel_loop3A_462 = arith.constant 1 : i32
      scf.for %parallel_loop3A_1018 = %parallel_loop3A to %parallel_loop3A_461 step %parallel_loop3A_462  : i32 {
        %parallel_loop3A_1019 = arith.constant 4 : i32
        %parallel_loop3A_1020 = arith.shrsi %parallel_loop3A_1018, %parallel_loop3A_1019 : i32
        %parallel_loop3A_1021 = arith.constant 15 : i32
        %parallel_loop3A_1022 = arith.andi %parallel_loop3A_1018, %parallel_loop3A_1021 : i32
        %parallel_loop3A_1023 = arith.constant 0 : i32
        %parallel_loop3A_1024 = arith.index_cast %parallel_loop3A_1023 : i32 to index
        %parallel_loop3A_1025 = arith.index_cast %parallel_loop3A_1018 : i32 to index
        %parallel_loop3A_1026 = arith.constant 0 : index
        %parallel_loop3A_1027 = tpu.vector_load %arg8[%parallel_loop3A_1024, %parallel_loop3A_1025, %parallel_loop3A_1026] {strides = array<i32>} : memref<5x80x128xf32, #tpu.memory_space<vmem>>, vector<16xf32>,
        %parallel_loop3A_1028 = arith.mulf %parallel_loop3A_1027, %parallel_loop3A_1027 : vector<16xf32>
        %parallel_loop3A_1029 = arith.constant 0 : i32
        %parallel_loop3A_1030 = arith.index_cast %parallel_loop3A_1029 : i32 to index
        %parallel_loop3A_1031 = arith.index_cast %parallel_loop3A_1018 : i32 to index
        %parallel_loop3A_1032 = arith.constant 16 : index
        %parallel_loop3A_1033 = tpu.vector_load %arg8[%parallel_loop3A_1030, %parallel_loop3A_1031, %parallel_loop3A_1032] {strides = array<i32>} : memref<5x80x128xf32, #tpu.memory_space<vmem>>, vector<16xf32>,
        %parallel_loop3A_1034 = arith.mulf %parallel_loop3A_1033, %parallel_loop3A_1033 : vector<16xf32>
        %parallel_loop3A_1035 = arith.constant 0 : i32
        %parallel_loop3A_1036 = arith.index_cast %parallel_loop3A_1035 : i32 to index
        %parallel_loop3A_1037 = arith.index_cast %parallel_loop3A_1018 : i32 to index
        %parallel_loop3A_1038 = arith.constant 32 : index
        %parallel_loop3A_1039 = tpu.vector_load %arg8[%parallel_loop3A_1036, %parallel_loop3A_1037, %parallel_loop3A_1038] {strides = array<i32>} : memref<5x80x128xf32, #tpu.memory_space<vmem>>, vector<16xf32>,
        %parallel_loop3A_1040 = arith.mulf %parallel_loop3A_1039, %parallel_loop3A_1039 : vector<16xf32>
        %parallel_loop3A_1041 = arith.constant 0 : i32
        %parallel_loop3A_1042 = arith.index_cast %parallel_loop3A_1041 : i32 to index
        %parallel_loop3A_1043 = arith.index_cast %parallel_loop3A_1018 : i32 to index
        %parallel_loop3A_1044 = arith.constant 48 : index
        %parallel_loop3A_1045 = tpu.vector_load %arg8[%parallel_loop3A_1042, %parallel_loop3A_1043, %parallel_loop3A_1044] {strides = array<i32>} : memref<5x80x128xf32, #tpu.memory_space<vmem>>, vector<16xf32>,
        %parallel_loop3A_1046 = arith.mulf %parallel_loop3A_1045, %parallel_loop3A_1045 : vector<16xf32>
        %parallel_loop3A_1047 = arith.constant 0 : i32
        %parallel_loop3A_1048 = arith.index_cast %parallel_loop3A_1047 : i32 to index
        %parallel_loop3A_1049 = arith.index_cast %parallel_loop3A_1018 : i32 to index
        %parallel_loop3A_1050 = arith.constant 64 : index
        %parallel_loop3A_1051 = tpu.vector_load %arg8[%parallel_loop3A_1048, %parallel_loop3A_1049, %parallel_loop3A_1050] {strides = array<i32>} : memref<5x80x128xf32, #tpu.memory_space<vmem>>, vector<16xf32>,
        %parallel_loop3A_1052 = arith.mulf %parallel_loop3A_1051, %parallel_loop3A_1051 : vector<16xf32>
        %parallel_loop3A_1053 = arith.constant 0 : i32
        %parallel_loop3A_1054 = arith.index_cast %parallel_loop3A_1053 : i32 to index
        %parallel_loop3A_1055 = arith.index_cast %parallel_loop3A_1018 : i32 to index
        %parallel_loop3A_1056 = arith.constant 80 : index
        %parallel_loop3A_1057 = tpu.vector_load %arg8[%parallel_loop3A_1054, %parallel_loop3A_1055, %parallel_loop3A_1056] {strides = array<i32>} : memref<5x80x128xf32, #tpu.memory_space<vmem>>, vector<16xf32>,
        %parallel_loop3A_1058 = arith.mulf %parallel_loop3A_1057, %parallel_loop3A_1057 : vector<16xf32>
        %parallel_loop3A_1059 = arith.constant 0 : i32
        %parallel_loop3A_1060 = arith.index_cast %parallel_loop3A_1059 : i32 to index
        %parallel_loop3A_1061 = arith.index_cast %parallel_loop3A_1018 : i32 to index
        %parallel_loop3A_1062 = arith.constant 96 : index
        %parallel_loop3A_1063 = tpu.vector_load %arg8[%parallel_loop3A_1060, %parallel_loop3A_1061, %parallel_loop3A_1062] {strides = array<i32>} : memref<5x80x128xf32, #tpu.memory_space<vmem>>, vector<16xf32>,
        %parallel_loop3A_1064 = arith.mulf %parallel_loop3A_1063, %parallel_loop3A_1063 : vector<16xf32>
        %parallel_loop3A_1065 = arith.constant 0 : i32
        %parallel_loop3A_1066 = arith.index_cast %parallel_loop3A_1065 : i32 to index
        %parallel_loop3A_1067 = arith.index_cast %parallel_loop3A_1018 : i32 to index
        %parallel_loop3A_1068 = arith.constant 112 : index
        %parallel_loop3A_1069 = tpu.vector_load %arg8[%parallel_loop3A_1066, %parallel_loop3A_1067, %parallel_loop3A_1068] {strides = array<i32>} : memref<5x80x128xf32, #tpu.memory_space<vmem>>, vector<16xf32>,
        %parallel_loop3A_1070 = arith.mulf %parallel_loop3A_1069, %parallel_loop3A_1069 : vector<16xf32>
        %parallel_loop3A_1071 = arith.addf %parallel_loop3A_1028, %parallel_loop3A_1034 : vector<16xf32>
        %parallel_loop3A_1072 = arith.addf %parallel_loop3A_1040, %parallel_loop3A_1046 : vector<16xf32>
        %parallel_loop3A_1073 = arith.addf %parallel_loop3A_1052, %parallel_loop3A_1058 : vector<16xf32>
        %parallel_loop3A_1074 = arith.addf %parallel_loop3A_1064, %parallel_loop3A_1070 : vector<16xf32>
        %parallel_loop3A_1075 = arith.addf %parallel_loop3A_1071, %parallel_loop3A_1072 : vector<16xf32>
        %parallel_loop3A_1076 = arith.addf %parallel_loop3A_1073, %parallel_loop3A_1074 : vector<16xf32>
        %parallel_loop3A_1077 = arith.addf %parallel_loop3A_1075, %parallel_loop3A_1076 : vector<16xf32>
        %parallel_loop3A_1078 = arith.index_cast %parallel_loop3A_1020 : i32 to index
        %parallel_loop3A_1079 = arith.index_cast %parallel_loop3A_1022 : i32 to index
        %parallel_loop3A_1080 = arith.constant 0 : index
        %parallel_loop3A_1081 = tpu.vector_load %arg10[%parallel_loop3A_1078, %parallel_loop3A_1079, %parallel_loop3A_1080] {strides = array<i32>} : memref<5x16x17xf32, #tpu.memory_space<vmem>>, vector<16xf32>,
        tpu.vector_store %arg10[%parallel_loop3A_1078, %parallel_loop3A_1079, %parallel_loop3A_1080], %parallel_loop3A_1077 {strides = array<i32>} : memref<5x16x17xf32, #tpu.memory_space<vmem>>, vector<16xf32>,
      } {sc.loop_unroll_factor = 4 : i64, sc.parallel_access}
      %parallel_loop3A_463 = arith.constant 0 : i32
      %parallel_loop3A_464 = arith.constant 5 : i32
      %parallel_loop3A_465 = arith.constant 1 : i32
      scf.for %parallel_loop3A_1018 = %parallel_loop3A_463 to %parallel_loop3A_464 step %parallel_loop3A_465  : i32 {
        %parallel_loop3A_1019 = vector.broadcast %parallel_loop3A_1018 : i32 to vector<16xi32>
        %parallel_loop3A_1020 = arith.constant 0 : i32
        %parallel_loop3A_1021 = vector.broadcast %parallel_loop3A_1020 : i32 to vector<16xi32>
        %parallel_loop3A_1022 = tpu.vector_load_idx %arg10[%parallel_loop3A_1019, %iota3A, %parallel_loop3A_1021] : memref<5x16x17xf32, #tpu.memory_space<vmem>>[vector<16xi32>, vector<16xi32>, vector<16xi32>], vector<16xf32>,
        %parallel_loop3A_1023 = arith.constant 1 : i32
        %parallel_loop3A_1024 = vector.broadcast %parallel_loop3A_1023 : i32 to vector<16xi32>
        %parallel_loop3A_1025 = tpu.vector_load_idx %arg10[%parallel_loop3A_1019, %iota3A, %parallel_loop3A_1024] : memref<5x16x17xf32, #tpu.memory_space<vmem>>[vector<16xi32>, vector<16xi32>, vector<16xi32>], vector<16xf32>,
        %parallel_loop3A_1026 = arith.constant 2 : i32
        %parallel_loop3A_1027 = vector.broadcast %parallel_loop3A_1026 : i32 to vector<16xi32>
        %parallel_loop3A_1028 = tpu.vector_load_idx %arg10[%parallel_loop3A_1019, %iota3A, %parallel_loop3A_1027] : memref<5x16x17xf32, #tpu.memory_space<vmem>>[vector<16xi32>, vector<16xi32>, vector<16xi32>], vector<16xf32>,
        %parallel_loop3A_1029 = arith.constant 3 : i32
        %parallel_loop3A_1030 = vector.broadcast %parallel_loop3A_1029 : i32 to vector<16xi32>
        %parallel_loop3A_1031 = tpu.vector_load_idx %arg10[%parallel_loop3A_1019, %iota3A, %parallel_loop3A_1030] : memref<5x16x17xf32, #tpu.memory_space<vmem>>[vector<16xi32>, vector<16xi32>, vector<16xi32>], vector<16xf32>,
        %parallel_loop3A_1032 = arith.constant 4 : i32
        %parallel_loop3A_1033 = vector.broadcast %parallel_loop3A_1032 : i32 to vector<16xi32>
        %parallel_loop3A_1034 = tpu.vector_load_idx %arg10[%parallel_loop3A_1019, %iota3A, %parallel_loop3A_1033] : memref<5x16x17xf32, #tpu.memory_space<vmem>>[vector<16xi32>, vector<16xi32>, vector<16xi32>], vector<16xf32>,
        %parallel_loop3A_1035 = arith.constant 5 : i32
        %parallel_loop3A_1036 = vector.broadcast %parallel_loop3A_1035 : i32 to vector<16xi32>
        %parallel_loop3A_1037 = tpu.vector_load_idx %arg10[%parallel_loop3A_1019, %iota3A, %parallel_loop3A_1036] : memref<5x16x17xf32, #tpu.memory_space<vmem>>[vector<16xi32>, vector<16xi32>, vector<16xi32>], vector<16xf32>,
        %parallel_loop3A_1038 = arith.constant 6 : i32
        %parallel_loop3A_1039 = vector.broadcast %parallel_loop3A_1038 : i32 to vector<16xi32>
        %parallel_loop3A_1040 = tpu.vector_load_idx %arg10[%parallel_loop3A_1019, %iota3A, %parallel_loop3A_1039] : memref<5x16x17xf32, #tpu.memory_space<vmem>>[vector<16xi32>, vector<16xi32>, vector<16xi32>], vector<16xf32>,
        %parallel_loop3A_1041 = arith.constant 7 : i32
        %parallel_loop3A_1042 = vector.broadcast %parallel_loop3A_1041 : i32 to vector<16xi32>
        %parallel_loop3A_1043 = tpu.vector_load_idx %arg10[%parallel_loop3A_1019, %iota3A, %parallel_loop3A_1042] : memref<5x16x17xf32, #tpu.memory_space<vmem>>[vector<16xi32>, vector<16xi32>, vector<16xi32>], vector<16xf32>,
        %parallel_loop3A_1044 = arith.constant 8 : i32
        %parallel_loop3A_1045 = vector.broadcast %parallel_loop3A_1044 : i32 to vector<16xi32>
        %parallel_loop3A_1046 = tpu.vector_load_idx %arg10[%parallel_loop3A_1019, %iota3A, %parallel_loop3A_1045] : memref<5x16x17xf32, #tpu.memory_space<vmem>>[vector<16xi32>, vector<16xi32>, vector<16xi32>], vector<16xf32>,
        %parallel_loop3A_1047 = arith.constant 9 : i32
        %parallel_loop3A_1048 = vector.broadcast %parallel_loop3A_1047 : i32 to vector<16xi32>
        %parallel_loop3A_1049 = tpu.vector_load_idx %arg10[%parallel_loop3A_1019, %iota3A, %parallel_loop3A_1048] : memref<5x16x17xf32, #tpu.memory_space<vmem>>[vector<16xi32>, vector<16xi32>, vector<16xi32>], vector<16xf32>,
        %parallel_loop3A_1050 = arith.constant 10 : i32
        %parallel_loop3A_1051 = vector.broadcast %parallel_loop3A_1050 : i32 to vector<16xi32>
        %parallel_loop3A_1052 = tpu.vector_load_idx %arg10[%parallel_loop3A_1019, %iota3A, %parallel_loop3A_1051] : memref<5x16x17xf32, #tpu.memory_space<vmem>>[vector<16xi32>, vector<16xi32>, vector<16xi32>], vector<16xf32>,
        %parallel_loop3A_1053 = arith.constant 11 : i32
        %parallel_loop3A_1054 = vector.broadcast %parallel_loop3A_1053 : i32 to vector<16xi32>
        %parallel_loop3A_1055 = tpu.vector_load_idx %arg10[%parallel_loop3A_1019, %iota3A, %parallel_loop3A_1054] : memref<5x16x17xf32, #tpu.memory_space<vmem>>[vector<16xi32>, vector<16xi32>, vector<16xi32>], vector<16xf32>,
        %parallel_loop3A_1056 = arith.constant 12 : i32
        %parallel_loop3A_1057 = vector.broadcast %parallel_loop3A_1056 : i32 to vector<16xi32>
        %parallel_loop3A_1058 = tpu.vector_load_idx %arg10[%parallel_loop3A_1019, %iota3A, %parallel_loop3A_1057] : memref<5x16x17xf32, #tpu.memory_space<vmem>>[vector<16xi32>, vector<16xi32>, vector<16xi32>], vector<16xf32>,
        %parallel_loop3A_1059 = arith.constant 13 : i32
        %parallel_loop3A_1060 = vector.broadcast %parallel_loop3A_1059 : i32 to vector<16xi32>
        %parallel_loop3A_1061 = tpu.vector_load_idx %arg10[%parallel_loop3A_1019, %iota3A, %parallel_loop3A_1060] : memref<5x16x17xf32, #tpu.memory_space<vmem>>[vector<16xi32>, vector<16xi32>, vector<16xi32>], vector<16xf32>,
        %parallel_loop3A_1062 = arith.constant 14 : i32
        %parallel_loop3A_1063 = vector.broadcast %parallel_loop3A_1062 : i32 to vector<16xi32>
        %parallel_loop3A_1064 = tpu.vector_load_idx %arg10[%parallel_loop3A_1019, %iota3A, %parallel_loop3A_1063] : memref<5x16x17xf32, #tpu.memory_space<vmem>>[vector<16xi32>, vector<16xi32>, vector<16xi32>], vector<16xf32>,
        %parallel_loop3A_1065 = arith.constant 15 : i32
        %parallel_loop3A_1066 = vector.broadcast %parallel_loop3A_1065 : i32 to vector<16xi32>
        %parallel_loop3A_1067 = tpu.vector_load_idx %arg10[%parallel_loop3A_1019, %iota3A, %parallel_loop3A_1066] : memref<5x16x17xf32, #tpu.memory_space<vmem>>[vector<16xi32>, vector<16xi32>, vector<16xi32>], vector<16xf32>,
        %parallel_loop3A_1068 = arith.addf %parallel_loop3A_1022, %parallel_loop3A_1025 : vector<16xf32>
        %parallel_loop3A_1069 = arith.addf %parallel_loop3A_1028, %parallel_loop3A_1031 : vector<16xf32>
        %parallel_loop3A_1070 = arith.addf %parallel_loop3A_1034, %parallel_loop3A_1037 : vector<16xf32>
        %parallel_loop3A_1071 = arith.addf %parallel_loop3A_1040, %parallel_loop3A_1043 : vector<16xf32>
        %parallel_loop3A_1072 = arith.addf %parallel_loop3A_1046, %parallel_loop3A_1049 : vector<16xf32>
        %parallel_loop3A_1073 = arith.addf %parallel_loop3A_1052, %parallel_loop3A_1055 : vector<16xf32>
        %parallel_loop3A_1074 = arith.addf %parallel_loop3A_1058, %parallel_loop3A_1061 : vector<16xf32>
        %parallel_loop3A_1075 = arith.addf %parallel_loop3A_1064, %parallel_loop3A_1067 : vector<16xf32>
        %parallel_loop3A_1076 = arith.addf %parallel_loop3A_1068, %parallel_loop3A_1069 : vector<16xf32>
        %parallel_loop3A_1077 = arith.addf %parallel_loop3A_1070, %parallel_loop3A_1071 : vector<16xf32>
        %parallel_loop3A_1078 = arith.addf %parallel_loop3A_1072, %parallel_loop3A_1073 : vector<16xf32>
        %parallel_loop3A_1079 = arith.addf %parallel_loop3A_1074, %parallel_loop3A_1075 : vector<16xf32>
        %parallel_loop3A_1080 = arith.addf %parallel_loop3A_1076, %parallel_loop3A_1077 : vector<16xf32>
        %parallel_loop3A_1081 = arith.addf %parallel_loop3A_1078, %parallel_loop3A_1079 : vector<16xf32>
        %parallel_loop3A_1082 = arith.addf %parallel_loop3A_1080, %parallel_loop3A_1081 : vector<16xf32>
        %parallel_loop3A_1083 = arith.constant 5.000000e-01 : f32
        %parallel_loop3A_1084 = vector.broadcast %parallel_loop3A_1083 : f32 to vector<16xf32>
        %parallel_loop3A_1085 = arith.mulf %parallel_loop3A_1084, %parallel_loop3A_1082 : vector<16xf32>
        %parallel_loop3A_1086 = arith.index_cast %parallel_loop3A_1018 : i32 to index
        %parallel_loop3A_1087 = arith.constant 0 : index
        %parallel_loop3A_1088 = tpu.vector_load %arg11[%parallel_loop3A_1086, %parallel_loop3A_1087] {strides = array<i32>} : memref<5x16xf32, #tpu.memory_space<vmem>>, vector<16xf32>,
        %parallel_loop3A_1089 = arith.subf %parallel_loop3A_1085, %parallel_loop3A_1088 : vector<16xf32>
        %parallel_loop3A_1090 = arith.constant 16 : i32
        %parallel_loop3A_1091 = arith.muli %parallel_loop3A_1018, %parallel_loop3A_1090 : i32
        %parallel_loop3A_1092 = arith.constant 0 : i32
        %parallel_loop3A_1093 = arith.index_cast %parallel_loop3A_1092 : i32 to index
        %parallel_loop3A_1094 = arith.index_cast %parallel_loop3A_1091 : i32 to index
        %parallel_loop3A_1095 = tpu.vector_load %arg9[%parallel_loop3A_1093, %parallel_loop3A_1094] {strides = array<i32>} : memref<5x80xf32, #tpu.memory_space<vmem>>, vector<16xf32>,
        tpu.vector_store %arg9[%parallel_loop3A_1093, %parallel_loop3A_1094], %parallel_loop3A_1089 {strides = array<i32>} : memref<5x80xf32, #tpu.memory_space<vmem>>, vector<16xf32>,
      } {sc.loop_unroll_factor = 1 : i64, sc.parallel_access}
      %mul3A_466 = arith.constant 80 : i32
      %mul3A_467 = arith.muli %add3A_354, %mul3A_466 : i32
      %add3A_468 = arith.addi %mul3A_2, %mul3A_467 : i32
      %dma_start3A_469 = arith.constant 0 : i32
      %dma_start3A_470 = arith.constant 0 : i32
      %dma_start3A_471 = tpu.memref_slice %arg9[%dma_start3A_469, %dma_start3A_470] : memref<5x80xf32, #tpu.memory_space<vmem>> -> memref<1x80xf32, #tpu.memory_space<vmem>>
      %dma_start3A_472 = tpu.memref_squeeze %dma_start3A_471 : memref<1x80xf32, #tpu.memory_space<vmem>> -> memref<80xf32, #tpu.memory_space<vmem>>
      %dma_start3A_473 = tpu.memref_slice %arg5[%add3A_468] : memref<320000xf32, #tpu.memory_space<hbm>> -> memref<80xf32, #tpu.memory_space<hbm>>
      %dma_start3A_474 = tpu.memref_slice %arg5[%add3A_468] : memref<320000xf32, #tpu.memory_space<hbm>> -> memref<80xf32, #tpu.memory_space<hbm>>
      %dma_start3A_475 = arith.constant 0 : i32
      %dma_start3A_476 = tpu.memref_slice %arg9[%dma_start3A_469, %dma_start3A_475] : memref<5x80xf32, #tpu.memory_space<vmem>> -> memref<1x80xf32, #tpu.memory_space<vmem>>
      %dma_start3A_477 = tpu.memref_squeeze %dma_start3A_476 : memref<1x80xf32, #tpu.memory_space<vmem>> -> memref<80xf32, #tpu.memory_space<vmem>>
      tpu.enqueue_dma source(%dma_start3A_477 : memref<80xf32, #tpu.memory_space<vmem>>) target(%dma_start3A_474 : memref<80xf32, #tpu.memory_space<hbm>>) target_semaphore(%arg20 : memref<!tpu.dma_semaphore, #tpu.memory_space<semaphore_mem>>)
      %mul3A_478 = arith.constant 5 : i32
      %mul3A_479 = arith.muli %scan3A_350, %mul3A_478 : i32
      %add3A_480 = arith.constant 1 : i32
      %add3A_481 = arith.addi %mul3A_479, %add3A_480 : i32
      %add3A_482 = arith.constant 4 : i32
      %add3A_483 = arith.addi %add3A_481, %add3A_482 : i32
      %lt3A_484 = arith.constant 125 : i32
      %lt3A_485 = arith.cmpi slt, %add3A_483, %lt3A_484 : i32
      %convert_element_type3A_486 = arith.extui %lt3A_485 : i1 to i32
      %cond3A_487 = arith.constant 0 : i32
      %cond3A_488 = arith.cmpi ne, %convert_element_type3A_486, %cond3A_487 : i32
      scf.if %cond3A_488 {
        %add3A_1018 = arith.constant 4 : i32
        %add3A_1019 = arith.addi %add3A_481, %add3A_1018 : i32
        %mul3A_1020 = arith.constant 80 : i32
        %mul3A_1021 = arith.muli %add3A_1019, %mul3A_1020 : i32
        %add3A_1022 = arith.addi %mul3A_2, %mul3A_1021 : i32
        %dma_wait3A_1023 = arith.constant 0 : i32
        %dma_wait3A_1024 = arith.constant 0 : i32
        %dma_wait3A_1025 = tpu.memref_slice %arg6[%dma_wait3A_1023, %dma_wait3A_1024] : memref<5x80xi32, #tpu.memory_space<vmem>> -> memref<1x80xi32, #tpu.memory_space<vmem>>
        %dma_wait3A_1026 = tpu.memref_squeeze %dma_wait3A_1025 : memref<1x80xi32, #tpu.memory_space<vmem>> -> memref<80xi32, #tpu.memory_space<vmem>>
        %dma_wait3A_1027 = tpu.memref_slice %arg3[%add3A_1022] : memref<320000xi32, #tpu.memory_space<hbm>> -> memref<80xi32, #tpu.memory_space<hbm>>
        %dma_wait3A_1028 = arith.constant 0 : i32
        %dma_wait3A_1029 = tpu.memref_slice %arg6[%dma_wait3A_1023, %dma_wait3A_1028] : memref<5x80xi32, #tpu.memory_space<vmem>> -> memref<1x80xi32, #tpu.memory_space<vmem>>
        %dma_wait3A_1030 = tpu.memref_squeeze %dma_wait3A_1029 : memref<1x80xi32, #tpu.memory_space<vmem>> -> memref<80xi32, #tpu.memory_space<vmem>>
        %dma_wait3A_1031 = tpu.memref_slice %arg3[%add3A_1022] : memref<320000xi32, #tpu.memory_space<hbm>> -> memref<80xi32, #tpu.memory_space<hbm>>
        tpu.wait_dma2 semaphore(%arg25 : memref<!tpu.dma_semaphore, #tpu.memory_space<semaphore_mem>>) src(%dma_wait3A_1031 : memref<80xi32, #tpu.memory_space<hbm>>) dst(%dma_wait3A_1030 : memref<80xi32, #tpu.memory_space<vmem>>)
        %dma_wait3A_1032 = arith.constant 0 : i32
        %dma_wait3A_1033 = arith.constant 0 : i32
        %dma_wait3A_1034 = tpu.memref_slice %arg7[%dma_wait3A_1032, %dma_wait3A_1033] : memref<5x80xi32, #tpu.memory_space<vmem>> -> memref<1x80xi32, #tpu.memory_space<vmem>>
        %dma_wait3A_1035 = tpu.memref_squeeze %dma_wait3A_1034 : memref<1x80xi32, #tpu.memory_space<vmem>> -> memref<80xi32, #tpu.memory_space<vmem>>
        %dma_wait3A_1036 = tpu.memref_slice %arg4[%add3A_1022] : memref<320000xi32, #tpu.memory_space<hbm>> -> memref<80xi32, #tpu.memory_space<hbm>>
        %dma_wait3A_1037 = arith.constant 0 : i32
        %dma_wait3A_1038 = tpu.memref_slice %arg7[%dma_wait3A_1032, %dma_wait3A_1037] : memref<5x80xi32, #tpu.memory_space<vmem>> -> memref<1x80xi32, #tpu.memory_space<vmem>>
        %dma_wait3A_1039 = tpu.memref_squeeze %dma_wait3A_1038 : memref<1x80xi32, #tpu.memory_space<vmem>> -> memref<80xi32, #tpu.memory_space<vmem>>
        %dma_wait3A_1040 = tpu.memref_slice %arg4[%add3A_1022] : memref<320000xi32, #tpu.memory_space<hbm>> -> memref<80xi32, #tpu.memory_space<hbm>>
        tpu.wait_dma2 semaphore(%arg25 : memref<!tpu.dma_semaphore, #tpu.memory_space<semaphore_mem>>) src(%dma_wait3A_1040 : memref<80xi32, #tpu.memory_space<hbm>>) dst(%dma_wait3A_1039 : memref<80xi32, #tpu.memory_space<vmem>>)
        %dma_start3A_1041 = arith.constant 0 : i32
        %dma_start3A_1042 = arith.constant 0 : i32
        %dma_start3A_1043 = arith.constant 0 : i32
        %dma_start3A_1044 = arith.constant 0 : i32
        %dma_start3A_1045 = tpu.memref_slice %arg8[%dma_start3A_1042, %dma_start3A_1043, %dma_start3A_1044] : memref<5x80x128xf32, #tpu.memory_space<vmem>> -> memref<1x80x128xf32, #tpu.memory_space<vmem>>
        %dma_start3A_1046 = tpu.memref_squeeze %dma_start3A_1045 : memref<1x80x128xf32, #tpu.memory_space<vmem>> -> memref<80x128xf32, #tpu.memory_space<vmem>>
        %dma_start3A_1047 = arith.constant 0 : i32
        %dma_start3A_1048 = tpu.memref_slice %arg6[%dma_start3A_1041, %dma_start3A_1047] : memref<5x80xi32, #tpu.memory_space<vmem>> -> memref<1x80xi32, #tpu.memory_space<vmem>>
        %dma_start3A_1049 = tpu.memref_squeeze %dma_start3A_1048 : memref<1x80xi32, #tpu.memory_space<vmem>> -> memref<80xi32, #tpu.memory_space<vmem>>
        %dma_start3A_1050 = arith.constant 0 : i32
        %dma_start3A_1051 = arith.constant 0 : i32
        %dma_start3A_1052 = tpu.memref_slice %arg2[%dma_start3A_1050, %dma_start3A_1051] : memref<10000x128xf32, #tpu.memory_space<hbm>> -> memref<10000x128xf32, #tpu.memory_space<hbm>>
        tpu.enqueue_indirect_dma source(%dma_start3A_1052 : memref<10000x128xf32, #tpu.memory_space<hbm>>) target(%dma_start3A_1046 : memref<80x128xf32, #tpu.memory_space<vmem>>) offsets(%dma_start3A_1049 : memref<80xi32, #tpu.memory_space<vmem>>) semaphore(%arg15 : memref<!tpu.dma_semaphore, #tpu.memory_space<semaphore_mem>>)
      } else {
      }
      %add3A_489 = arith.constant 2 : i32
      %add3A_490 = arith.addi %add3A_481, %add3A_489 : i32
      %lt3A_491 = arith.constant 125 : i32
      %lt3A_492 = arith.cmpi slt, %add3A_490, %lt3A_491 : i32
      %convert_element_type3A_493 = arith.extui %lt3A_492 : i1 to i32
      %cond3A_494 = arith.constant 0 : i32
      %cond3A_495 = arith.cmpi ne, %convert_element_type3A_493, %cond3A_494 : i32
      scf.if %cond3A_495 {
        %dma_wait3A_1018 = arith.constant 3 : i32
        %dma_wait3A_1019 = arith.constant 3 : i32
        %dma_wait3A_1020 = arith.constant 0 : i32
        %dma_wait3A_1021 = arith.constant 0 : i32
        %dma_wait3A_1022 = tpu.memref_slice %arg8[%dma_wait3A_1019, %dma_wait3A_1020, %dma_wait3A_1021] : memref<5x80x128xf32, #tpu.memory_space<vmem>> -> memref<1x80x128xf32, #tpu.memory_space<vmem>>
        %dma_wait3A_1023 = tpu.memref_squeeze %dma_wait3A_1022 : memref<1x80x128xf32, #tpu.memory_space<vmem>> -> memref<80x128xf32, #tpu.memory_space<vmem>>
        %dma_wait3A_1024 = arith.constant 0 : i32
        %dma_wait3A_1025 = tpu.memref_slice %arg6[%dma_wait3A_1018, %dma_wait3A_1024] : memref<5x80xi32, #tpu.memory_space<vmem>> -> memref<1x80xi32, #tpu.memory_space<vmem>>
        %dma_wait3A_1026 = tpu.memref_squeeze %dma_wait3A_1025 : memref<1x80xi32, #tpu.memory_space<vmem>> -> memref<80xi32, #tpu.memory_space<vmem>>
        %dma_wait3A_1027 = arith.constant 0 : i32
        %dma_wait3A_1028 = arith.constant 0 : i32
        %dma_wait3A_1029 = tpu.memref_slice %arg2[%dma_wait3A_1027, %dma_wait3A_1028] : memref<10000x128xf32, #tpu.memory_space<hbm>> -> memref<10000x128xf32, #tpu.memory_space<hbm>>
        tpu.wait_indirect_dma semaphore(%arg18 : memref<!tpu.dma_semaphore, #tpu.memory_space<semaphore_mem>>) src(%dma_wait3A_1029 : memref<10000x128xf32, #tpu.memory_space<hbm>>) dst(%dma_wait3A_1023 : memref<80x128xf32, #tpu.memory_space<vmem>>)
        %dma_start3A_1030 = arith.constant 3 : i32
        %dma_start3A_1031 = arith.constant 3 : i32
        %dma_start3A_1032 = arith.constant 0 : i32
        %dma_start3A_1033 = arith.constant 0 : i32
        %dma_start3A_1034 = tpu.memref_slice %arg8[%dma_start3A_1031, %dma_start3A_1032, %dma_start3A_1033] : memref<5x80x128xf32, #tpu.memory_space<vmem>> -> memref<1x80x128xf32, #tpu.memory_space<vmem>>
        %dma_start3A_1035 = tpu.memref_squeeze %dma_start3A_1034 : memref<1x80x128xf32, #tpu.memory_space<vmem>> -> memref<80x128xf32, #tpu.memory_space<vmem>>
        %dma_start3A_1036 = arith.constant 0 : i32
        %dma_start3A_1037 = tpu.memref_slice %arg7[%dma_start3A_1030, %dma_start3A_1036] : memref<5x80xi32, #tpu.memory_space<vmem>> -> memref<1x80xi32, #tpu.memory_space<vmem>>
        %dma_start3A_1038 = tpu.memref_squeeze %dma_start3A_1037 : memref<1x80xi32, #tpu.memory_space<vmem>> -> memref<80xi32, #tpu.memory_space<vmem>>
        %dma_start3A_1039 = arith.constant 0 : i32
        %dma_start3A_1040 = arith.constant 0 : i32
        %dma_start3A_1041 = tpu.memref_slice %arg2[%dma_start3A_1039, %dma_start3A_1040] : memref<10000x128xf32, #tpu.memory_space<hbm>> -> memref<10000x128xf32, #tpu.memory_space<hbm>>
        tpu.enqueue_indirect_dma source(%dma_start3A_1041 : memref<10000x128xf32, #tpu.memory_space<hbm>>) target(%dma_start3A_1035 : memref<80x128xf32, #tpu.memory_space<vmem>>) offsets(%dma_start3A_1038 : memref<80xi32, #tpu.memory_space<vmem>>) semaphore(%arg18 : memref<!tpu.dma_semaphore, #tpu.memory_space<semaphore_mem>>) {add = true}
      } else {
      }
      %dma_wait3A_496 = arith.constant 1 : i32
      %dma_wait3A_497 = arith.constant 1 : i32
      %dma_wait3A_498 = arith.constant 0 : i32
      %dma_wait3A_499 = arith.constant 0 : i32
      %dma_wait3A_500 = tpu.memref_slice %arg8[%dma_wait3A_497, %dma_wait3A_498, %dma_wait3A_499] : memref<5x80x128xf32, #tpu.memory_space<vmem>> -> memref<1x80x128xf32, #tpu.memory_space<vmem>>
      %dma_wait3A_501 = tpu.memref_squeeze %dma_wait3A_500 : memref<1x80x128xf32, #tpu.memory_space<vmem>> -> memref<80x128xf32, #tpu.memory_space<vmem>>
      %dma_wait3A_502 = arith.constant 0 : i32
      %dma_wait3A_503 = tpu.memref_slice %arg7[%dma_wait3A_496, %dma_wait3A_502] : memref<5x80xi32, #tpu.memory_space<vmem>> -> memref<1x80xi32, #tpu.memory_space<vmem>>
      %dma_wait3A_504 = tpu.memref_squeeze %dma_wait3A_503 : memref<1x80xi32, #tpu.memory_space<vmem>> -> memref<80xi32, #tpu.memory_space<vmem>>
      %dma_wait3A_505 = arith.constant 0 : i32
      %dma_wait3A_506 = arith.constant 0 : i32
      %dma_wait3A_507 = tpu.memref_slice %arg2[%dma_wait3A_505, %dma_wait3A_506] : memref<10000x128xf32, #tpu.memory_space<hbm>> -> memref<10000x128xf32, #tpu.memory_space<hbm>>
      tpu.wait_indirect_dma semaphore(%arg16 : memref<!tpu.dma_semaphore, #tpu.memory_space<semaphore_mem>>) src(%dma_wait3A_507 : memref<10000x128xf32, #tpu.memory_space<hbm>>) dst(%dma_wait3A_501 : memref<80x128xf32, #tpu.memory_space<vmem>>)
      %get3A_508 = arith.constant 1 : i32
      %get3A_509 = arith.index_cast %get3A_508 : i32 to index
      %get3A_510 = arith.constant 0 : index
      %get3A_511 = tpu.vector_load %arg6[%get3A_509, %get3A_510] {strides = array<i32>} : memref<5x80xi32, #tpu.memory_space<vmem>>, vector<16xi32>,
      %get3A_512 = arith.constant 1 : i32
      %get3A_513 = arith.index_cast %get3A_512 : i32 to index
      %get3A_514 = arith.constant 0 : index
      %get3A_515 = tpu.vector_load %arg7[%get3A_513, %get3A_514] {strides = array<i32>} : memref<5x80xi32, #tpu.memory_space<vmem>>, vector<16xi32>,
      %gather3A_516 = tpu.vector_load_idx %arg12[%get3A_511] : memref<10240xf32, #tpu.memory_space<vmem>>[vector<16xi32>], vector<16xf32>,
      %gather3A_517 = tpu.vector_load_idx %arg12[%get3A_515] : memref<10240xf32, #tpu.memory_space<vmem>>[vector<16xi32>], vector<16xf32>,
      %add3A_518 = arith.addf %gather3A_516, %gather3A_517 : vector<16xf32>
      %swap3A_519 = arith.constant 0 : i32
      %swap3A_520 = arith.index_cast %swap3A_519 : i32 to index
      %swap3A_521 = arith.constant 0 : index
      %swap3A_522 = tpu.vector_load %arg11[%swap3A_520, %swap3A_521] {strides = array<i32>} : memref<5x16xf32, #tpu.memory_space<vmem>>, vector<16xf32>,
      tpu.vector_store %arg11[%swap3A_520, %swap3A_521], %add3A_518 {strides = array<i32>} : memref<5x16xf32, #tpu.memory_space<vmem>>, vector<16xf32>,
      %get3A_523 = arith.constant 1 : i32
      %get3A_524 = arith.index_cast %get3A_523 : i32 to index
      %get3A_525 = arith.constant 16 : index
      %get3A_526 = tpu.vector_load %arg6[%get3A_524, %get3A_525] {strides = array<i32>} : memref<5x80xi32, #tpu.memory_space<vmem>>, vector<16xi32>,
      %get3A_527 = arith.constant 1 : i32
      %get3A_528 = arith.index_cast %get3A_527 : i32 to index
      %get3A_529 = arith.constant 16 : index
      %get3A_530 = tpu.vector_load %arg7[%get3A_528, %get3A_529] {strides = array<i32>} : memref<5x80xi32, #tpu.memory_space<vmem>>, vector<16xi32>,
      %gather3A_531 = tpu.vector_load_idx %arg12[%get3A_526] : memref<10240xf32, #tpu.memory_space<vmem>>[vector<16xi32>], vector<16xf32>,
      %gather3A_532 = tpu.vector_load_idx %arg12[%get3A_530] : memref<10240xf32, #tpu.memory_space<vmem>>[vector<16xi32>], vector<16xf32>,
      %add3A_533 = arith.addf %gather3A_531, %gather3A_532 : vector<16xf32>
      %swap3A_534 = arith.constant 1 : i32
      %swap3A_535 = arith.index_cast %swap3A_534 : i32 to index
      %swap3A_536 = arith.constant 0 : index
      %swap3A_537 = tpu.vector_load %arg11[%swap3A_535, %swap3A_536] {strides = array<i32>} : memref<5x16xf32, #tpu.memory_space<vmem>>, vector<16xf32>,
      tpu.vector_store %arg11[%swap3A_535, %swap3A_536], %add3A_533 {strides = array<i32>} : memref<5x16xf32, #tpu.memory_space<vmem>>, vector<16xf32>,
      %get3A_538 = arith.constant 1 : i32
      %get3A_539 = arith.index_cast %get3A_538 : i32 to index
      %get3A_540 = arith.constant 32 : index
      %get3A_541 = tpu.vector_load %arg6[%get3A_539, %get3A_540] {strides = array<i32>} : memref<5x80xi32, #tpu.memory_space<vmem>>, vector<16xi32>,
      %get3A_542 = arith.constant 1 : i32
      %get3A_543 = arith.index_cast %get3A_542 : i32 to index
      %get3A_544 = arith.constant 32 : index
      %get3A_545 = tpu.vector_load %arg7[%get3A_543, %get3A_544] {strides = array<i32>} : memref<5x80xi32, #tpu.memory_space<vmem>>, vector<16xi32>,
      %gather3A_546 = tpu.vector_load_idx %arg12[%get3A_541] : memref<10240xf32, #tpu.memory_space<vmem>>[vector<16xi32>], vector<16xf32>,
      %gather3A_547 = tpu.vector_load_idx %arg12[%get3A_545] : memref<10240xf32, #tpu.memory_space<vmem>>[vector<16xi32>], vector<16xf32>,
      %add3A_548 = arith.addf %gather3A_546, %gather3A_547 : vector<16xf32>
      %swap3A_549 = arith.constant 2 : i32
      %swap3A_550 = arith.index_cast %swap3A_549 : i32 to index
      %swap3A_551 = arith.constant 0 : index
      %swap3A_552 = tpu.vector_load %arg11[%swap3A_550, %swap3A_551] {strides = array<i32>} : memref<5x16xf32, #tpu.memory_space<vmem>>, vector<16xf32>,
      tpu.vector_store %arg11[%swap3A_550, %swap3A_551], %add3A_548 {strides = array<i32>} : memref<5x16xf32, #tpu.memory_space<vmem>>, vector<16xf32>,
      %get3A_553 = arith.constant 1 : i32
      %get3A_554 = arith.index_cast %get3A_553 : i32 to index
      %get3A_555 = arith.constant 48 : index
      %get3A_556 = tpu.vector_load %arg6[%get3A_554, %get3A_555] {strides = array<i32>} : memref<5x80xi32, #tpu.memory_space<vmem>>, vector<16xi32>,
      %get3A_557 = arith.constant 1 : i32
      %get3A_558 = arith.index_cast %get3A_557 : i32 to index
      %get3A_559 = arith.constant 48 : index
      %get3A_560 = tpu.vector_load %arg7[%get3A_558, %get3A_559] {strides = array<i32>} : memref<5x80xi32, #tpu.memory_space<vmem>>, vector<16xi32>,
      %gather3A_561 = tpu.vector_load_idx %arg12[%get3A_556] : memref<10240xf32, #tpu.memory_space<vmem>>[vector<16xi32>], vector<16xf32>,
      %gather3A_562 = tpu.vector_load_idx %arg12[%get3A_560] : memref<10240xf32, #tpu.memory_space<vmem>>[vector<16xi32>], vector<16xf32>,
      %add3A_563 = arith.addf %gather3A_561, %gather3A_562 : vector<16xf32>
      %swap3A_564 = arith.constant 3 : i32
      %swap3A_565 = arith.index_cast %swap3A_564 : i32 to index
      %swap3A_566 = arith.constant 0 : index
      %swap3A_567 = tpu.vector_load %arg11[%swap3A_565, %swap3A_566] {strides = array<i32>} : memref<5x16xf32, #tpu.memory_space<vmem>>, vector<16xf32>,
      tpu.vector_store %arg11[%swap3A_565, %swap3A_566], %add3A_563 {strides = array<i32>} : memref<5x16xf32, #tpu.memory_space<vmem>>, vector<16xf32>,
      %get3A_568 = arith.constant 1 : i32
      %get3A_569 = arith.index_cast %get3A_568 : i32 to index
      %get3A_570 = arith.constant 64 : index
      %get3A_571 = tpu.vector_load %arg6[%get3A_569, %get3A_570] {strides = array<i32>} : memref<5x80xi32, #tpu.memory_space<vmem>>, vector<16xi32>,
      %get3A_572 = arith.constant 1 : i32
      %get3A_573 = arith.index_cast %get3A_572 : i32 to index
      %get3A_574 = arith.constant 64 : index
      %get3A_575 = tpu.vector_load %arg7[%get3A_573, %get3A_574] {strides = array<i32>} : memref<5x80xi32, #tpu.memory_space<vmem>>, vector<16xi32>,
      %gather3A_576 = tpu.vector_load_idx %arg12[%get3A_571] : memref<10240xf32, #tpu.memory_space<vmem>>[vector<16xi32>], vector<16xf32>,
      %gather3A_577 = tpu.vector_load_idx %arg12[%get3A_575] : memref<10240xf32, #tpu.memory_space<vmem>>[vector<16xi32>], vector<16xf32>,
      %add3A_578 = arith.addf %gather3A_576, %gather3A_577 : vector<16xf32>
      %swap3A_579 = arith.constant 4 : i32
      %swap3A_580 = arith.index_cast %swap3A_579 : i32 to index
      %swap3A_581 = arith.constant 0 : index
      %swap3A_582 = tpu.vector_load %arg11[%swap3A_580, %swap3A_581] {strides = array<i32>} : memref<5x16xf32, #tpu.memory_space<vmem>>, vector<16xf32>,
      tpu.vector_store %arg11[%swap3A_580, %swap3A_581], %add3A_578 {strides = array<i32>} : memref<5x16xf32, #tpu.memory_space<vmem>>, vector<16xf32>,
      %add3A_583 = arith.constant 5 : i32
      %add3A_584 = arith.addi %add3A_481, %add3A_583 : i32
      %lt3A_585 = arith.constant 125 : i32
      %lt3A_586 = arith.cmpi slt, %add3A_584, %lt3A_585 : i32
      %convert_element_type3A_587 = arith.extui %lt3A_586 : i1 to i32
      %cond3A_588 = arith.constant 0 : i32
      %cond3A_589 = arith.cmpi ne, %convert_element_type3A_587, %cond3A_588 : i32
      scf.if %cond3A_589 {
        %add3A_1018 = arith.constant 5 : i32
        %add3A_1019 = arith.addi %add3A_481, %add3A_1018 : i32
        %mul3A_1020 = arith.constant 80 : i32
        %mul3A_1021 = arith.muli %add3A_1019, %mul3A_1020 : i32
        %add3A_1022 = arith.addi %mul3A_2, %mul3A_1021 : i32
        %dma_start3A_1023 = arith.constant 1 : i32
        %dma_start3A_1024 = arith.constant 0 : i32
        %dma_start3A_1025 = tpu.memref_slice %arg6[%dma_start3A_1023, %dma_start3A_1024] : memref<5x80xi32, #tpu.memory_space<vmem>> -> memref<1x80xi32, #tpu.memory_space<vmem>>
        %dma_start3A_1026 = tpu.memref_squeeze %dma_start3A_1025 : memref<1x80xi32, #tpu.memory_space<vmem>> -> memref<80xi32, #tpu.memory_space<vmem>>
        %dma_start3A_1027 = tpu.memref_slice %arg3[%add3A_1022] : memref<320000xi32, #tpu.memory_space<hbm>> -> memref<80xi32, #tpu.memory_space<hbm>>
        %dma_start3A_1028 = arith.constant 0 : i32
        %dma_start3A_1029 = tpu.memref_slice %arg6[%dma_start3A_1023, %dma_start3A_1028] : memref<5x80xi32, #tpu.memory_space<vmem>> -> memref<1x80xi32, #tpu.memory_space<vmem>>
        %dma_start3A_1030 = tpu.memref_squeeze %dma_start3A_1029 : memref<1x80xi32, #tpu.memory_space<vmem>> -> memref<80xi32, #tpu.memory_space<vmem>>
        %dma_start3A_1031 = tpu.memref_slice %arg3[%add3A_1022] : memref<320000xi32, #tpu.memory_space<hbm>> -> memref<80xi32, #tpu.memory_space<hbm>>
        tpu.enqueue_dma source(%dma_start3A_1031 : memref<80xi32, #tpu.memory_space<hbm>>) target(%dma_start3A_1030 : memref<80xi32, #tpu.memory_space<vmem>>) target_semaphore(%arg26 : memref<!tpu.dma_semaphore, #tpu.memory_space<semaphore_mem>>)
        %dma_start3A_1032 = arith.constant 1 : i32
        %dma_start3A_1033 = arith.constant 0 : i32
        %dma_start3A_1034 = tpu.memref_slice %arg7[%dma_start3A_1032, %dma_start3A_1033] : memref<5x80xi32, #tpu.memory_space<vmem>> -> memref<1x80xi32, #tpu.memory_space<vmem>>
        %dma_start3A_1035 = tpu.memref_squeeze %dma_start3A_1034 : memref<1x80xi32, #tpu.memory_space<vmem>> -> memref<80xi32, #tpu.memory_space<vmem>>
        %dma_start3A_1036 = tpu.memref_slice %arg4[%add3A_1022] : memref<320000xi32, #tpu.memory_space<hbm>> -> memref<80xi32, #tpu.memory_space<hbm>>
        %dma_start3A_1037 = arith.constant 0 : i32
        %dma_start3A_1038 = tpu.memref_slice %arg7[%dma_start3A_1032, %dma_start3A_1037] : memref<5x80xi32, #tpu.memory_space<vmem>> -> memref<1x80xi32, #tpu.memory_space<vmem>>
        %dma_start3A_1039 = tpu.memref_squeeze %dma_start3A_1038 : memref<1x80xi32, #tpu.memory_space<vmem>> -> memref<80xi32, #tpu.memory_space<vmem>>
        %dma_start3A_1040 = tpu.memref_slice %arg4[%add3A_1022] : memref<320000xi32, #tpu.memory_space<hbm>> -> memref<80xi32, #tpu.memory_space<hbm>>
        tpu.enqueue_dma source(%dma_start3A_1040 : memref<80xi32, #tpu.memory_space<hbm>>) target(%dma_start3A_1039 : memref<80xi32, #tpu.memory_space<vmem>>) target_semaphore(%arg26 : memref<!tpu.dma_semaphore, #tpu.memory_space<semaphore_mem>>)
      } else {
      }
      %ge3A_590 = arith.constant 5 : i32
      %ge3A_591 = arith.cmpi sge, %add3A_481, %ge3A_590 : i32
      %convert_element_type3A_592 = arith.extui %ge3A_591 : i1 to i32
      %cond3A_593 = arith.constant 0 : i32
      %cond3A_594 = arith.cmpi ne, %convert_element_type3A_592, %cond3A_593 : i32
      scf.if %cond3A_594 {
        %sub3A = arith.constant 5 : i32
        %sub3A_1018 = arith.subi %add3A_481, %sub3A : i32
        %mul3A_1019 = arith.constant 80 : i32
        %mul3A_1020 = arith.muli %sub3A_1018, %mul3A_1019 : i32
        %add3A_1021 = arith.addi %mul3A_2, %mul3A_1020 : i32
        %dma_wait3A_1022 = arith.constant 1 : i32
        %dma_wait3A_1023 = arith.constant 0 : i32
        %dma_wait3A_1024 = tpu.memref_slice %arg9[%dma_wait3A_1022, %dma_wait3A_1023] : memref<5x80xf32, #tpu.memory_space<vmem>> -> memref<1x80xf32, #tpu.memory_space<vmem>>
        %dma_wait3A_1025 = tpu.memref_squeeze %dma_wait3A_1024 : memref<1x80xf32, #tpu.memory_space<vmem>> -> memref<80xf32, #tpu.memory_space<vmem>>
        %dma_wait3A_1026 = tpu.memref_slice %arg5[%add3A_1021] : memref<320000xf32, #tpu.memory_space<hbm>> -> memref<80xf32, #tpu.memory_space<hbm>>
        %dma_wait3A_1027 = tpu.memref_slice %arg5[%add3A_1021] : memref<320000xf32, #tpu.memory_space<hbm>> -> memref<80xf32, #tpu.memory_space<hbm>>
        %dma_wait3A_1028 = arith.constant 0 : i32
        %dma_wait3A_1029 = tpu.memref_slice %arg9[%dma_wait3A_1022, %dma_wait3A_1028] : memref<5x80xf32, #tpu.memory_space<vmem>> -> memref<1x80xf32, #tpu.memory_space<vmem>>
        %dma_wait3A_1030 = tpu.memref_squeeze %dma_wait3A_1029 : memref<1x80xf32, #tpu.memory_space<vmem>> -> memref<80xf32, #tpu.memory_space<vmem>>
        tpu.wait_dma2 semaphore(%arg21 : memref<!tpu.dma_semaphore, #tpu.memory_space<semaphore_mem>>) src(%dma_wait3A_1030 : memref<80xf32, #tpu.memory_space<vmem>>) dst(%dma_wait3A_1027 : memref<80xf32, #tpu.memory_space<hbm>>)
      } else {
      }
      %parallel_loop3A_595 = arith.constant 0 : i32
      %parallel_loop3A_596 = arith.constant 80 : i32
      %parallel_loop3A_597 = arith.constant 1 : i32
      scf.for %parallel_loop3A_1018 = %parallel_loop3A_595 to %parallel_loop3A_596 step %parallel_loop3A_597  : i32 {
        %parallel_loop3A_1019 = arith.constant 4 : i32
        %parallel_loop3A_1020 = arith.shrsi %parallel_loop3A_1018, %parallel_loop3A_1019 : i32
        %parallel_loop3A_1021 = arith.constant 15 : i32
        %parallel_loop3A_1022 = arith.andi %parallel_loop3A_1018, %parallel_loop3A_1021 : i32
        %parallel_loop3A_1023 = arith.constant 1 : i32
        %parallel_loop3A_1024 = arith.index_cast %parallel_loop3A_1023 : i32 to index
        %parallel_loop3A_1025 = arith.index_cast %parallel_loop3A_1018 : i32 to index
        %parallel_loop3A_1026 = arith.constant 0 : index
        %parallel_loop3A_1027 = tpu.vector_load %arg8[%parallel_loop3A_1024, %parallel_loop3A_1025, %parallel_loop3A_1026] {strides = array<i32>} : memref<5x80x128xf32, #tpu.memory_space<vmem>>, vector<16xf32>,
        %parallel_loop3A_1028 = arith.mulf %parallel_loop3A_1027, %parallel_loop3A_1027 : vector<16xf32>
        %parallel_loop3A_1029 = arith.constant 1 : i32
        %parallel_loop3A_1030 = arith.index_cast %parallel_loop3A_1029 : i32 to index
        %parallel_loop3A_1031 = arith.index_cast %parallel_loop3A_1018 : i32 to index
        %parallel_loop3A_1032 = arith.constant 16 : index
        %parallel_loop3A_1033 = tpu.vector_load %arg8[%parallel_loop3A_1030, %parallel_loop3A_1031, %parallel_loop3A_1032] {strides = array<i32>} : memref<5x80x128xf32, #tpu.memory_space<vmem>>, vector<16xf32>,
        %parallel_loop3A_1034 = arith.mulf %parallel_loop3A_1033, %parallel_loop3A_1033 : vector<16xf32>
        %parallel_loop3A_1035 = arith.constant 1 : i32
        %parallel_loop3A_1036 = arith.index_cast %parallel_loop3A_1035 : i32 to index
        %parallel_loop3A_1037 = arith.index_cast %parallel_loop3A_1018 : i32 to index
        %parallel_loop3A_1038 = arith.constant 32 : index
        %parallel_loop3A_1039 = tpu.vector_load %arg8[%parallel_loop3A_1036, %parallel_loop3A_1037, %parallel_loop3A_1038] {strides = array<i32>} : memref<5x80x128xf32, #tpu.memory_space<vmem>>, vector<16xf32>,
        %parallel_loop3A_1040 = arith.mulf %parallel_loop3A_1039, %parallel_loop3A_1039 : vector<16xf32>
        %parallel_loop3A_1041 = arith.constant 1 : i32
        %parallel_loop3A_1042 = arith.index_cast %parallel_loop3A_1041 : i32 to index
        %parallel_loop3A_1043 = arith.index_cast %parallel_loop3A_1018 : i32 to index
        %parallel_loop3A_1044 = arith.constant 48 : index
        %parallel_loop3A_1045 = tpu.vector_load %arg8[%parallel_loop3A_1042, %parallel_loop3A_1043, %parallel_loop3A_1044] {strides = array<i32>} : memref<5x80x128xf32, #tpu.memory_space<vmem>>, vector<16xf32>,
        %parallel_loop3A_1046 = arith.mulf %parallel_loop3A_1045, %parallel_loop3A_1045 : vector<16xf32>
        %parallel_loop3A_1047 = arith.constant 1 : i32
        %parallel_loop3A_1048 = arith.index_cast %parallel_loop3A_1047 : i32 to index
        %parallel_loop3A_1049 = arith.index_cast %parallel_loop3A_1018 : i32 to index
        %parallel_loop3A_1050 = arith.constant 64 : index
        %parallel_loop3A_1051 = tpu.vector_load %arg8[%parallel_loop3A_1048, %parallel_loop3A_1049, %parallel_loop3A_1050] {strides = array<i32>} : memref<5x80x128xf32, #tpu.memory_space<vmem>>, vector<16xf32>,
        %parallel_loop3A_1052 = arith.mulf %parallel_loop3A_1051, %parallel_loop3A_1051 : vector<16xf32>
        %parallel_loop3A_1053 = arith.constant 1 : i32
        %parallel_loop3A_1054 = arith.index_cast %parallel_loop3A_1053 : i32 to index
        %parallel_loop3A_1055 = arith.index_cast %parallel_loop3A_1018 : i32 to index
        %parallel_loop3A_1056 = arith.constant 80 : index
        %parallel_loop3A_1057 = tpu.vector_load %arg8[%parallel_loop3A_1054, %parallel_loop3A_1055, %parallel_loop3A_1056] {strides = array<i32>} : memref<5x80x128xf32, #tpu.memory_space<vmem>>, vector<16xf32>,
        %parallel_loop3A_1058 = arith.mulf %parallel_loop3A_1057, %parallel_loop3A_1057 : vector<16xf32>
        %parallel_loop3A_1059 = arith.constant 1 : i32
        %parallel_loop3A_1060 = arith.index_cast %parallel_loop3A_1059 : i32 to index
        %parallel_loop3A_1061 = arith.index_cast %parallel_loop3A_1018 : i32 to index
        %parallel_loop3A_1062 = arith.constant 96 : index
        %parallel_loop3A_1063 = tpu.vector_load %arg8[%parallel_loop3A_1060, %parallel_loop3A_1061, %parallel_loop3A_1062] {strides = array<i32>} : memref<5x80x128xf32, #tpu.memory_space<vmem>>, vector<16xf32>,
        %parallel_loop3A_1064 = arith.mulf %parallel_loop3A_1063, %parallel_loop3A_1063 : vector<16xf32>
        %parallel_loop3A_1065 = arith.constant 1 : i32
        %parallel_loop3A_1066 = arith.index_cast %parallel_loop3A_1065 : i32 to index
        %parallel_loop3A_1067 = arith.index_cast %parallel_loop3A_1018 : i32 to index
        %parallel_loop3A_1068 = arith.constant 112 : index
        %parallel_loop3A_1069 = tpu.vector_load %arg8[%parallel_loop3A_1066, %parallel_loop3A_1067, %parallel_loop3A_1068] {strides = array<i32>} : memref<5x80x128xf32, #tpu.memory_space<vmem>>, vector<16xf32>,
        %parallel_loop3A_1070 = arith.mulf %parallel_loop3A_1069, %parallel_loop3A_1069 : vector<16xf32>
        %parallel_loop3A_1071 = arith.addf %parallel_loop3A_1028, %parallel_loop3A_1034 : vector<16xf32>
        %parallel_loop3A_1072 = arith.addf %parallel_loop3A_1040, %parallel_loop3A_1046 : vector<16xf32>
        %parallel_loop3A_1073 = arith.addf %parallel_loop3A_1052, %parallel_loop3A_1058 : vector<16xf32>
        %parallel_loop3A_1074 = arith.addf %parallel_loop3A_1064, %parallel_loop3A_1070 : vector<16xf32>
        %parallel_loop3A_1075 = arith.addf %parallel_loop3A_1071, %parallel_loop3A_1072 : vector<16xf32>
        %parallel_loop3A_1076 = arith.addf %parallel_loop3A_1073, %parallel_loop3A_1074 : vector<16xf32>
        %parallel_loop3A_1077 = arith.addf %parallel_loop3A_1075, %parallel_loop3A_1076 : vector<16xf32>
        %parallel_loop3A_1078 = arith.index_cast %parallel_loop3A_1020 : i32 to index
        %parallel_loop3A_1079 = arith.index_cast %parallel_loop3A_1022 : i32 to index
        %parallel_loop3A_1080 = arith.constant 0 : index
        %parallel_loop3A_1081 = tpu.vector_load %arg10[%parallel_loop3A_1078, %parallel_loop3A_1079, %parallel_loop3A_1080] {strides = array<i32>} : memref<5x16x17xf32, #tpu.memory_space<vmem>>, vector<16xf32>,
        tpu.vector_store %arg10[%parallel_loop3A_1078, %parallel_loop3A_1079, %parallel_loop3A_1080], %parallel_loop3A_1077 {strides = array<i32>} : memref<5x16x17xf32, #tpu.memory_space<vmem>>, vector<16xf32>,
      } {sc.loop_unroll_factor = 4 : i64, sc.parallel_access}
      %parallel_loop3A_598 = arith.constant 0 : i32
      %parallel_loop3A_599 = arith.constant 5 : i32
      %parallel_loop3A_600 = arith.constant 1 : i32
      scf.for %parallel_loop3A_1018 = %parallel_loop3A_598 to %parallel_loop3A_599 step %parallel_loop3A_600  : i32 {
        %parallel_loop3A_1019 = vector.broadcast %parallel_loop3A_1018 : i32 to vector<16xi32>
        %parallel_loop3A_1020 = arith.constant 0 : i32
        %parallel_loop3A_1021 = vector.broadcast %parallel_loop3A_1020 : i32 to vector<16xi32>
        %parallel_loop3A_1022 = tpu.vector_load_idx %arg10[%parallel_loop3A_1019, %iota3A, %parallel_loop3A_1021] : memref<5x16x17xf32, #tpu.memory_space<vmem>>[vector<16xi32>, vector<16xi32>, vector<16xi32>], vector<16xf32>,
        %parallel_loop3A_1023 = arith.constant 1 : i32
        %parallel_loop3A_1024 = vector.broadcast %parallel_loop3A_1023 : i32 to vector<16xi32>
        %parallel_loop3A_1025 = tpu.vector_load_idx %arg10[%parallel_loop3A_1019, %iota3A, %parallel_loop3A_1024] : memref<5x16x17xf32, #tpu.memory_space<vmem>>[vector<16xi32>, vector<16xi32>, vector<16xi32>], vector<16xf32>,
        %parallel_loop3A_1026 = arith.constant 2 : i32
        %parallel_loop3A_1027 = vector.broadcast %parallel_loop3A_1026 : i32 to vector<16xi32>
        %parallel_loop3A_1028 = tpu.vector_load_idx %arg10[%parallel_loop3A_1019, %iota3A, %parallel_loop3A_1027] : memref<5x16x17xf32, #tpu.memory_space<vmem>>[vector<16xi32>, vector<16xi32>, vector<16xi32>], vector<16xf32>,
        %parallel_loop3A_1029 = arith.constant 3 : i32
        %parallel_loop3A_1030 = vector.broadcast %parallel_loop3A_1029 : i32 to vector<16xi32>
        %parallel_loop3A_1031 = tpu.vector_load_idx %arg10[%parallel_loop3A_1019, %iota3A, %parallel_loop3A_1030] : memref<5x16x17xf32, #tpu.memory_space<vmem>>[vector<16xi32>, vector<16xi32>, vector<16xi32>], vector<16xf32>,
        %parallel_loop3A_1032 = arith.constant 4 : i32
        %parallel_loop3A_1033 = vector.broadcast %parallel_loop3A_1032 : i32 to vector<16xi32>
        %parallel_loop3A_1034 = tpu.vector_load_idx %arg10[%parallel_loop3A_1019, %iota3A, %parallel_loop3A_1033] : memref<5x16x17xf32, #tpu.memory_space<vmem>>[vector<16xi32>, vector<16xi32>, vector<16xi32>], vector<16xf32>,
        %parallel_loop3A_1035 = arith.constant 5 : i32
        %parallel_loop3A_1036 = vector.broadcast %parallel_loop3A_1035 : i32 to vector<16xi32>
        %parallel_loop3A_1037 = tpu.vector_load_idx %arg10[%parallel_loop3A_1019, %iota3A, %parallel_loop3A_1036] : memref<5x16x17xf32, #tpu.memory_space<vmem>>[vector<16xi32>, vector<16xi32>, vector<16xi32>], vector<16xf32>,
        %parallel_loop3A_1038 = arith.constant 6 : i32
        %parallel_loop3A_1039 = vector.broadcast %parallel_loop3A_1038 : i32 to vector<16xi32>
        %parallel_loop3A_1040 = tpu.vector_load_idx %arg10[%parallel_loop3A_1019, %iota3A, %parallel_loop3A_1039] : memref<5x16x17xf32, #tpu.memory_space<vmem>>[vector<16xi32>, vector<16xi32>, vector<16xi32>], vector<16xf32>,
        %parallel_loop3A_1041 = arith.constant 7 : i32
        %parallel_loop3A_1042 = vector.broadcast %parallel_loop3A_1041 : i32 to vector<16xi32>
        %parallel_loop3A_1043 = tpu.vector_load_idx %arg10[%parallel_loop3A_1019, %iota3A, %parallel_loop3A_1042] : memref<5x16x17xf32, #tpu.memory_space<vmem>>[vector<16xi32>, vector<16xi32>, vector<16xi32>], vector<16xf32>,
        %parallel_loop3A_1044 = arith.constant 8 : i32
        %parallel_loop3A_1045 = vector.broadcast %parallel_loop3A_1044 : i32 to vector<16xi32>
        %parallel_loop3A_1046 = tpu.vector_load_idx %arg10[%parallel_loop3A_1019, %iota3A, %parallel_loop3A_1045] : memref<5x16x17xf32, #tpu.memory_space<vmem>>[vector<16xi32>, vector<16xi32>, vector<16xi32>], vector<16xf32>,
        %parallel_loop3A_1047 = arith.constant 9 : i32
        %parallel_loop3A_1048 = vector.broadcast %parallel_loop3A_1047 : i32 to vector<16xi32>
        %parallel_loop3A_1049 = tpu.vector_load_idx %arg10[%parallel_loop3A_1019, %iota3A, %parallel_loop3A_1048] : memref<5x16x17xf32, #tpu.memory_space<vmem>>[vector<16xi32>, vector<16xi32>, vector<16xi32>], vector<16xf32>,
        %parallel_loop3A_1050 = arith.constant 10 : i32
        %parallel_loop3A_1051 = vector.broadcast %parallel_loop3A_1050 : i32 to vector<16xi32>
        %parallel_loop3A_1052 = tpu.vector_load_idx %arg10[%parallel_loop3A_1019, %iota3A, %parallel_loop3A_1051] : memref<5x16x17xf32, #tpu.memory_space<vmem>>[vector<16xi32>, vector<16xi32>, vector<16xi32>], vector<16xf32>,
        %parallel_loop3A_1053 = arith.constant 11 : i32
        %parallel_loop3A_1054 = vector.broadcast %parallel_loop3A_1053 : i32 to vector<16xi32>
        %parallel_loop3A_1055 = tpu.vector_load_idx %arg10[%parallel_loop3A_1019, %iota3A, %parallel_loop3A_1054] : memref<5x16x17xf32, #tpu.memory_space<vmem>>[vector<16xi32>, vector<16xi32>, vector<16xi32>], vector<16xf32>,
        %parallel_loop3A_1056 = arith.constant 12 : i32
        %parallel_loop3A_1057 = vector.broadcast %parallel_loop3A_1056 : i32 to vector<16xi32>
        %parallel_loop3A_1058 = tpu.vector_load_idx %arg10[%parallel_loop3A_1019, %iota3A, %parallel_loop3A_1057] : memref<5x16x17xf32, #tpu.memory_space<vmem>>[vector<16xi32>, vector<16xi32>, vector<16xi32>], vector<16xf32>,
        %parallel_loop3A_1059 = arith.constant 13 : i32
        %parallel_loop3A_1060 = vector.broadcast %parallel_loop3A_1059 : i32 to vector<16xi32>
        %parallel_loop3A_1061 = tpu.vector_load_idx %arg10[%parallel_loop3A_1019, %iota3A, %parallel_loop3A_1060] : memref<5x16x17xf32, #tpu.memory_space<vmem>>[vector<16xi32>, vector<16xi32>, vector<16xi32>], vector<16xf32>,
        %parallel_loop3A_1062 = arith.constant 14 : i32
        %parallel_loop3A_1063 = vector.broadcast %parallel_loop3A_1062 : i32 to vector<16xi32>
        %parallel_loop3A_1064 = tpu.vector_load_idx %arg10[%parallel_loop3A_1019, %iota3A, %parallel_loop3A_1063] : memref<5x16x17xf32, #tpu.memory_space<vmem>>[vector<16xi32>, vector<16xi32>, vector<16xi32>], vector<16xf32>,
        %parallel_loop3A_1065 = arith.constant 15 : i32
        %parallel_loop3A_1066 = vector.broadcast %parallel_loop3A_1065 : i32 to vector<16xi32>
        %parallel_loop3A_1067 = tpu.vector_load_idx %arg10[%parallel_loop3A_1019, %iota3A, %parallel_loop3A_1066] : memref<5x16x17xf32, #tpu.memory_space<vmem>>[vector<16xi32>, vector<16xi32>, vector<16xi32>], vector<16xf32>,
        %parallel_loop3A_1068 = arith.addf %parallel_loop3A_1022, %parallel_loop3A_1025 : vector<16xf32>
        %parallel_loop3A_1069 = arith.addf %parallel_loop3A_1028, %parallel_loop3A_1031 : vector<16xf32>
        %parallel_loop3A_1070 = arith.addf %parallel_loop3A_1034, %parallel_loop3A_1037 : vector<16xf32>
        %parallel_loop3A_1071 = arith.addf %parallel_loop3A_1040, %parallel_loop3A_1043 : vector<16xf32>
        %parallel_loop3A_1072 = arith.addf %parallel_loop3A_1046, %parallel_loop3A_1049 : vector<16xf32>
        %parallel_loop3A_1073 = arith.addf %parallel_loop3A_1052, %parallel_loop3A_1055 : vector<16xf32>
        %parallel_loop3A_1074 = arith.addf %parallel_loop3A_1058, %parallel_loop3A_1061 : vector<16xf32>
        %parallel_loop3A_1075 = arith.addf %parallel_loop3A_1064, %parallel_loop3A_1067 : vector<16xf32>
        %parallel_loop3A_1076 = arith.addf %parallel_loop3A_1068, %parallel_loop3A_1069 : vector<16xf32>
        %parallel_loop3A_1077 = arith.addf %parallel_loop3A_1070, %parallel_loop3A_1071 : vector<16xf32>
        %parallel_loop3A_1078 = arith.addf %parallel_loop3A_1072, %parallel_loop3A_1073 : vector<16xf32>
        %parallel_loop3A_1079 = arith.addf %parallel_loop3A_1074, %parallel_loop3A_1075 : vector<16xf32>
        %parallel_loop3A_1080 = arith.addf %parallel_loop3A_1076, %parallel_loop3A_1077 : vector<16xf32>
        %parallel_loop3A_1081 = arith.addf %parallel_loop3A_1078, %parallel_loop3A_1079 : vector<16xf32>
        %parallel_loop3A_1082 = arith.addf %parallel_loop3A_1080, %parallel_loop3A_1081 : vector<16xf32>
        %parallel_loop3A_1083 = arith.constant 5.000000e-01 : f32
        %parallel_loop3A_1084 = vector.broadcast %parallel_loop3A_1083 : f32 to vector<16xf32>
        %parallel_loop3A_1085 = arith.mulf %parallel_loop3A_1084, %parallel_loop3A_1082 : vector<16xf32>
        %parallel_loop3A_1086 = arith.index_cast %parallel_loop3A_1018 : i32 to index
        %parallel_loop3A_1087 = arith.constant 0 : index
        %parallel_loop3A_1088 = tpu.vector_load %arg11[%parallel_loop3A_1086, %parallel_loop3A_1087] {strides = array<i32>} : memref<5x16xf32, #tpu.memory_space<vmem>>, vector<16xf32>,
        %parallel_loop3A_1089 = arith.subf %parallel_loop3A_1085, %parallel_loop3A_1088 : vector<16xf32>
        %parallel_loop3A_1090 = arith.constant 16 : i32
        %parallel_loop3A_1091 = arith.muli %parallel_loop3A_1018, %parallel_loop3A_1090 : i32
        %parallel_loop3A_1092 = arith.constant 1 : i32
        %parallel_loop3A_1093 = arith.index_cast %parallel_loop3A_1092 : i32 to index
        %parallel_loop3A_1094 = arith.index_cast %parallel_loop3A_1091 : i32 to index
        %parallel_loop3A_1095 = tpu.vector_load %arg9[%parallel_loop3A_1093, %parallel_loop3A_1094] {strides = array<i32>} : memref<5x80xf32, #tpu.memory_space<vmem>>, vector<16xf32>,
        tpu.vector_store %arg9[%parallel_loop3A_1093, %parallel_loop3A_1094], %parallel_loop3A_1089 {strides = array<i32>} : memref<5x80xf32, #tpu.memory_space<vmem>>, vector<16xf32>,
      } {sc.loop_unroll_factor = 1 : i64, sc.parallel_access}
      %mul3A_601 = arith.constant 80 : i32
      %mul3A_602 = arith.muli %add3A_481, %mul3A_601 : i32
      %add3A_603 = arith.addi %mul3A_2, %mul3A_602 : i32
      %dma_start3A_604 = arith.constant 1 : i32
      %dma_start3A_605 = arith.constant 0 : i32
      %dma_start3A_606 = tpu.memref_slice %arg9[%dma_start3A_604, %dma_start3A_605] : memref<5x80xf32, #tpu.memory_space<vmem>> -> memref<1x80xf32, #tpu.memory_space<vmem>>
      %dma_start3A_607 = tpu.memref_squeeze %dma_start3A_606 : memref<1x80xf32, #tpu.memory_space<vmem>> -> memref<80xf32, #tpu.memory_space<vmem>>
      %dma_start3A_608 = tpu.memref_slice %arg5[%add3A_603] : memref<320000xf32, #tpu.memory_space<hbm>> -> memref<80xf32, #tpu.memory_space<hbm>>
      %dma_start3A_609 = tpu.memref_slice %arg5[%add3A_603] : memref<320000xf32, #tpu.memory_space<hbm>> -> memref<80xf32, #tpu.memory_space<hbm>>
      %dma_start3A_610 = arith.constant 0 : i32
      %dma_start3A_611 = tpu.memref_slice %arg9[%dma_start3A_604, %dma_start3A_610] : memref<5x80xf32, #tpu.memory_space<vmem>> -> memref<1x80xf32, #tpu.memory_space<vmem>>
      %dma_start3A_612 = tpu.memref_squeeze %dma_start3A_611 : memref<1x80xf32, #tpu.memory_space<vmem>> -> memref<80xf32, #tpu.memory_space<vmem>>
      tpu.enqueue_dma source(%dma_start3A_612 : memref<80xf32, #tpu.memory_space<vmem>>) target(%dma_start3A_609 : memref<80xf32, #tpu.memory_space<hbm>>) target_semaphore(%arg21 : memref<!tpu.dma_semaphore, #tpu.memory_space<semaphore_mem>>)
      %mul3A_613 = arith.constant 5 : i32
      %mul3A_614 = arith.muli %scan3A_350, %mul3A_613 : i32
      %add3A_615 = arith.constant 2 : i32
      %add3A_616 = arith.addi %mul3A_614, %add3A_615 : i32
      %add3A_617 = arith.constant 4 : i32
      %add3A_618 = arith.addi %add3A_616, %add3A_617 : i32
      %lt3A_619 = arith.constant 125 : i32
      %lt3A_620 = arith.cmpi slt, %add3A_618, %lt3A_619 : i32
      %convert_element_type3A_621 = arith.extui %lt3A_620 : i1 to i32
      %cond3A_622 = arith.constant 0 : i32
      %cond3A_623 = arith.cmpi ne, %convert_element_type3A_621, %cond3A_622 : i32
      scf.if %cond3A_623 {
        %add3A_1018 = arith.constant 4 : i32
        %add3A_1019 = arith.addi %add3A_616, %add3A_1018 : i32
        %mul3A_1020 = arith.constant 80 : i32
        %mul3A_1021 = arith.muli %add3A_1019, %mul3A_1020 : i32
        %add3A_1022 = arith.addi %mul3A_2, %mul3A_1021 : i32
        %dma_wait3A_1023 = arith.constant 1 : i32
        %dma_wait3A_1024 = arith.constant 0 : i32
        %dma_wait3A_1025 = tpu.memref_slice %arg6[%dma_wait3A_1023, %dma_wait3A_1024] : memref<5x80xi32, #tpu.memory_space<vmem>> -> memref<1x80xi32, #tpu.memory_space<vmem>>
        %dma_wait3A_1026 = tpu.memref_squeeze %dma_wait3A_1025 : memref<1x80xi32, #tpu.memory_space<vmem>> -> memref<80xi32, #tpu.memory_space<vmem>>
        %dma_wait3A_1027 = tpu.memref_slice %arg3[%add3A_1022] : memref<320000xi32, #tpu.memory_space<hbm>> -> memref<80xi32, #tpu.memory_space<hbm>>
        %dma_wait3A_1028 = arith.constant 0 : i32
        %dma_wait3A_1029 = tpu.memref_slice %arg6[%dma_wait3A_1023, %dma_wait3A_1028] : memref<5x80xi32, #tpu.memory_space<vmem>> -> memref<1x80xi32, #tpu.memory_space<vmem>>
        %dma_wait3A_1030 = tpu.memref_squeeze %dma_wait3A_1029 : memref<1x80xi32, #tpu.memory_space<vmem>> -> memref<80xi32, #tpu.memory_space<vmem>>
        %dma_wait3A_1031 = tpu.memref_slice %arg3[%add3A_1022] : memref<320000xi32, #tpu.memory_space<hbm>> -> memref<80xi32, #tpu.memory_space<hbm>>
        tpu.wait_dma2 semaphore(%arg26 : memref<!tpu.dma_semaphore, #tpu.memory_space<semaphore_mem>>) src(%dma_wait3A_1031 : memref<80xi32, #tpu.memory_space<hbm>>) dst(%dma_wait3A_1030 : memref<80xi32, #tpu.memory_space<vmem>>)
        %dma_wait3A_1032 = arith.constant 1 : i32
        %dma_wait3A_1033 = arith.constant 0 : i32
        %dma_wait3A_1034 = tpu.memref_slice %arg7[%dma_wait3A_1032, %dma_wait3A_1033] : memref<5x80xi32, #tpu.memory_space<vmem>> -> memref<1x80xi32, #tpu.memory_space<vmem>>
        %dma_wait3A_1035 = tpu.memref_squeeze %dma_wait3A_1034 : memref<1x80xi32, #tpu.memory_space<vmem>> -> memref<80xi32, #tpu.memory_space<vmem>>
        %dma_wait3A_1036 = tpu.memref_slice %arg4[%add3A_1022] : memref<320000xi32, #tpu.memory_space<hbm>> -> memref<80xi32, #tpu.memory_space<hbm>>
        %dma_wait3A_1037 = arith.constant 0 : i32
        %dma_wait3A_1038 = tpu.memref_slice %arg7[%dma_wait3A_1032, %dma_wait3A_1037] : memref<5x80xi32, #tpu.memory_space<vmem>> -> memref<1x80xi32, #tpu.memory_space<vmem>>
        %dma_wait3A_1039 = tpu.memref_squeeze %dma_wait3A_1038 : memref<1x80xi32, #tpu.memory_space<vmem>> -> memref<80xi32, #tpu.memory_space<vmem>>
        %dma_wait3A_1040 = tpu.memref_slice %arg4[%add3A_1022] : memref<320000xi32, #tpu.memory_space<hbm>> -> memref<80xi32, #tpu.memory_space<hbm>>
        tpu.wait_dma2 semaphore(%arg26 : memref<!tpu.dma_semaphore, #tpu.memory_space<semaphore_mem>>) src(%dma_wait3A_1040 : memref<80xi32, #tpu.memory_space<hbm>>) dst(%dma_wait3A_1039 : memref<80xi32, #tpu.memory_space<vmem>>)
        %dma_start3A_1041 = arith.constant 1 : i32
        %dma_start3A_1042 = arith.constant 1 : i32
        %dma_start3A_1043 = arith.constant 0 : i32
        %dma_start3A_1044 = arith.constant 0 : i32
        %dma_start3A_1045 = tpu.memref_slice %arg8[%dma_start3A_1042, %dma_start3A_1043, %dma_start3A_1044] : memref<5x80x128xf32, #tpu.memory_space<vmem>> -> memref<1x80x128xf32, #tpu.memory_space<vmem>>
        %dma_start3A_1046 = tpu.memref_squeeze %dma_start3A_1045 : memref<1x80x128xf32, #tpu.memory_space<vmem>> -> memref<80x128xf32, #tpu.memory_space<vmem>>
        %dma_start3A_1047 = arith.constant 0 : i32
        %dma_start3A_1048 = tpu.memref_slice %arg6[%dma_start3A_1041, %dma_start3A_1047] : memref<5x80xi32, #tpu.memory_space<vmem>> -> memref<1x80xi32, #tpu.memory_space<vmem>>
        %dma_start3A_1049 = tpu.memref_squeeze %dma_start3A_1048 : memref<1x80xi32, #tpu.memory_space<vmem>> -> memref<80xi32, #tpu.memory_space<vmem>>
        %dma_start3A_1050 = arith.constant 0 : i32
        %dma_start3A_1051 = arith.constant 0 : i32
        %dma_start3A_1052 = tpu.memref_slice %arg2[%dma_start3A_1050, %dma_start3A_1051] : memref<10000x128xf32, #tpu.memory_space<hbm>> -> memref<10000x128xf32, #tpu.memory_space<hbm>>
        tpu.enqueue_indirect_dma source(%dma_start3A_1052 : memref<10000x128xf32, #tpu.memory_space<hbm>>) target(%dma_start3A_1046 : memref<80x128xf32, #tpu.memory_space<vmem>>) offsets(%dma_start3A_1049 : memref<80xi32, #tpu.memory_space<vmem>>) semaphore(%arg16 : memref<!tpu.dma_semaphore, #tpu.memory_space<semaphore_mem>>)
      } else {
      }
      %add3A_624 = arith.constant 2 : i32
      %add3A_625 = arith.addi %add3A_616, %add3A_624 : i32
      %lt3A_626 = arith.constant 125 : i32
      %lt3A_627 = arith.cmpi slt, %add3A_625, %lt3A_626 : i32
      %convert_element_type3A_628 = arith.extui %lt3A_627 : i1 to i32
      %cond3A_629 = arith.constant 0 : i32
      %cond3A_630 = arith.cmpi ne, %convert_element_type3A_628, %cond3A_629 : i32
      scf.if %cond3A_630 {
        %dma_wait3A_1018 = arith.constant 4 : i32
        %dma_wait3A_1019 = arith.constant 4 : i32
        %dma_wait3A_1020 = arith.constant 0 : i32
        %dma_wait3A_1021 = arith.constant 0 : i32
        %dma_wait3A_1022 = tpu.memref_slice %arg8[%dma_wait3A_1019, %dma_wait3A_1020, %dma_wait3A_1021] : memref<5x80x128xf32, #tpu.memory_space<vmem>> -> memref<1x80x128xf32, #tpu.memory_space<vmem>>
        %dma_wait3A_1023 = tpu.memref_squeeze %dma_wait3A_1022 : memref<1x80x128xf32, #tpu.memory_space<vmem>> -> memref<80x128xf32, #tpu.memory_space<vmem>>
        %dma_wait3A_1024 = arith.constant 0 : i32
        %dma_wait3A_1025 = tpu.memref_slice %arg6[%dma_wait3A_1018, %dma_wait3A_1024] : memref<5x80xi32, #tpu.memory_space<vmem>> -> memref<1x80xi32, #tpu.memory_space<vmem>>
        %dma_wait3A_1026 = tpu.memref_squeeze %dma_wait3A_1025 : memref<1x80xi32, #tpu.memory_space<vmem>> -> memref<80xi32, #tpu.memory_space<vmem>>
        %dma_wait3A_1027 = arith.constant 0 : i32
        %dma_wait3A_1028 = arith.constant 0 : i32
        %dma_wait3A_1029 = tpu.memref_slice %arg2[%dma_wait3A_1027, %dma_wait3A_1028] : memref<10000x128xf32, #tpu.memory_space<hbm>> -> memref<10000x128xf32, #tpu.memory_space<hbm>>
        tpu.wait_indirect_dma semaphore(%arg19 : memref<!tpu.dma_semaphore, #tpu.memory_space<semaphore_mem>>) src(%dma_wait3A_1029 : memref<10000x128xf32, #tpu.memory_space<hbm>>) dst(%dma_wait3A_1023 : memref<80x128xf32, #tpu.memory_space<vmem>>)
        %dma_start3A_1030 = arith.constant 4 : i32
        %dma_start3A_1031 = arith.constant 4 : i32
        %dma_start3A_1032 = arith.constant 0 : i32
        %dma_start3A_1033 = arith.constant 0 : i32
        %dma_start3A_1034 = tpu.memref_slice %arg8[%dma_start3A_1031, %dma_start3A_1032, %dma_start3A_1033] : memref<5x80x128xf32, #tpu.memory_space<vmem>> -> memref<1x80x128xf32, #tpu.memory_space<vmem>>
        %dma_start3A_1035 = tpu.memref_squeeze %dma_start3A_1034 : memref<1x80x128xf32, #tpu.memory_space<vmem>> -> memref<80x128xf32, #tpu.memory_space<vmem>>
        %dma_start3A_1036 = arith.constant 0 : i32
        %dma_start3A_1037 = tpu.memref_slice %arg7[%dma_start3A_1030, %dma_start3A_1036] : memref<5x80xi32, #tpu.memory_space<vmem>> -> memref<1x80xi32, #tpu.memory_space<vmem>>
        %dma_start3A_1038 = tpu.memref_squeeze %dma_start3A_1037 : memref<1x80xi32, #tpu.memory_space<vmem>> -> memref<80xi32, #tpu.memory_space<vmem>>
        %dma_start3A_1039 = arith.constant 0 : i32
        %dma_start3A_1040 = arith.constant 0 : i32
        %dma_start3A_1041 = tpu.memref_slice %arg2[%dma_start3A_1039, %dma_start3A_1040] : memref<10000x128xf32, #tpu.memory_space<hbm>> -> memref<10000x128xf32, #tpu.memory_space<hbm>>
        tpu.enqueue_indirect_dma source(%dma_start3A_1041 : memref<10000x128xf32, #tpu.memory_space<hbm>>) target(%dma_start3A_1035 : memref<80x128xf32, #tpu.memory_space<vmem>>) offsets(%dma_start3A_1038 : memref<80xi32, #tpu.memory_space<vmem>>) semaphore(%arg19 : memref<!tpu.dma_semaphore, #tpu.memory_space<semaphore_mem>>) {add = true}
      } else {
      }
      %dma_wait3A_631 = arith.constant 2 : i32
      %dma_wait3A_632 = arith.constant 2 : i32
      %dma_wait3A_633 = arith.constant 0 : i32
      %dma_wait3A_634 = arith.constant 0 : i32
      %dma_wait3A_635 = tpu.memref_slice %arg8[%dma_wait3A_632, %dma_wait3A_633, %dma_wait3A_634] : memref<5x80x128xf32, #tpu.memory_space<vmem>> -> memref<1x80x128xf32, #tpu.memory_space<vmem>>
      %dma_wait3A_636 = tpu.memref_squeeze %dma_wait3A_635 : memref<1x80x128xf32, #tpu.memory_space<vmem>> -> memref<80x128xf32, #tpu.memory_space<vmem>>
      %dma_wait3A_637 = arith.constant 0 : i32
      %dma_wait3A_638 = tpu.memref_slice %arg7[%dma_wait3A_631, %dma_wait3A_637] : memref<5x80xi32, #tpu.memory_space<vmem>> -> memref<1x80xi32, #tpu.memory_space<vmem>>
      %dma_wait3A_639 = tpu.memref_squeeze %dma_wait3A_638 : memref<1x80xi32, #tpu.memory_space<vmem>> -> memref<80xi32, #tpu.memory_space<vmem>>
      %dma_wait3A_640 = arith.constant 0 : i32
      %dma_wait3A_641 = arith.constant 0 : i32
      %dma_wait3A_642 = tpu.memref_slice %arg2[%dma_wait3A_640, %dma_wait3A_641] : memref<10000x128xf32, #tpu.memory_space<hbm>> -> memref<10000x128xf32, #tpu.memory_space<hbm>>
      tpu.wait_indirect_dma semaphore(%arg17 : memref<!tpu.dma_semaphore, #tpu.memory_space<semaphore_mem>>) src(%dma_wait3A_642 : memref<10000x128xf32, #tpu.memory_space<hbm>>) dst(%dma_wait3A_636 : memref<80x128xf32, #tpu.memory_space<vmem>>)
      %get3A_643 = arith.constant 2 : i32
      %get3A_644 = arith.index_cast %get3A_643 : i32 to index
      %get3A_645 = arith.constant 0 : index
      %get3A_646 = tpu.vector_load %arg6[%get3A_644, %get3A_645] {strides = array<i32>} : memref<5x80xi32, #tpu.memory_space<vmem>>, vector<16xi32>,
      %get3A_647 = arith.constant 2 : i32
      %get3A_648 = arith.index_cast %get3A_647 : i32 to index
      %get3A_649 = arith.constant 0 : index
      %get3A_650 = tpu.vector_load %arg7[%get3A_648, %get3A_649] {strides = array<i32>} : memref<5x80xi32, #tpu.memory_space<vmem>>, vector<16xi32>,
      %gather3A_651 = tpu.vector_load_idx %arg12[%get3A_646] : memref<10240xf32, #tpu.memory_space<vmem>>[vector<16xi32>], vector<16xf32>,
      %gather3A_652 = tpu.vector_load_idx %arg12[%get3A_650] : memref<10240xf32, #tpu.memory_space<vmem>>[vector<16xi32>], vector<16xf32>,
      %add3A_653 = arith.addf %gather3A_651, %gather3A_652 : vector<16xf32>
      %swap3A_654 = arith.constant 0 : i32
      %swap3A_655 = arith.index_cast %swap3A_654 : i32 to index
      %swap3A_656 = arith.constant 0 : index
      %swap3A_657 = tpu.vector_load %arg11[%swap3A_655, %swap3A_656] {strides = array<i32>} : memref<5x16xf32, #tpu.memory_space<vmem>>, vector<16xf32>,
      tpu.vector_store %arg11[%swap3A_655, %swap3A_656], %add3A_653 {strides = array<i32>} : memref<5x16xf32, #tpu.memory_space<vmem>>, vector<16xf32>,
      %get3A_658 = arith.constant 2 : i32
      %get3A_659 = arith.index_cast %get3A_658 : i32 to index
      %get3A_660 = arith.constant 16 : index
      %get3A_661 = tpu.vector_load %arg6[%get3A_659, %get3A_660] {strides = array<i32>} : memref<5x80xi32, #tpu.memory_space<vmem>>, vector<16xi32>,
      %get3A_662 = arith.constant 2 : i32
      %get3A_663 = arith.index_cast %get3A_662 : i32 to index
      %get3A_664 = arith.constant 16 : index
      %get3A_665 = tpu.vector_load %arg7[%get3A_663, %get3A_664] {strides = array<i32>} : memref<5x80xi32, #tpu.memory_space<vmem>>, vector<16xi32>,
      %gather3A_666 = tpu.vector_load_idx %arg12[%get3A_661] : memref<10240xf32, #tpu.memory_space<vmem>>[vector<16xi32>], vector<16xf32>,
      %gather3A_667 = tpu.vector_load_idx %arg12[%get3A_665] : memref<10240xf32, #tpu.memory_space<vmem>>[vector<16xi32>], vector<16xf32>,
      %add3A_668 = arith.addf %gather3A_666, %gather3A_667 : vector<16xf32>
      %swap3A_669 = arith.constant 1 : i32
      %swap3A_670 = arith.index_cast %swap3A_669 : i32 to index
      %swap3A_671 = arith.constant 0 : index
      %swap3A_672 = tpu.vector_load %arg11[%swap3A_670, %swap3A_671] {strides = array<i32>} : memref<5x16xf32, #tpu.memory_space<vmem>>, vector<16xf32>,
      tpu.vector_store %arg11[%swap3A_670, %swap3A_671], %add3A_668 {strides = array<i32>} : memref<5x16xf32, #tpu.memory_space<vmem>>, vector<16xf32>,
      %get3A_673 = arith.constant 2 : i32
      %get3A_674 = arith.index_cast %get3A_673 : i32 to index
      %get3A_675 = arith.constant 32 : index
      %get3A_676 = tpu.vector_load %arg6[%get3A_674, %get3A_675] {strides = array<i32>} : memref<5x80xi32, #tpu.memory_space<vmem>>, vector<16xi32>,
      %get3A_677 = arith.constant 2 : i32
      %get3A_678 = arith.index_cast %get3A_677 : i32 to index
      %get3A_679 = arith.constant 32 : index
      %get3A_680 = tpu.vector_load %arg7[%get3A_678, %get3A_679] {strides = array<i32>} : memref<5x80xi32, #tpu.memory_space<vmem>>, vector<16xi32>,
      %gather3A_681 = tpu.vector_load_idx %arg12[%get3A_676] : memref<10240xf32, #tpu.memory_space<vmem>>[vector<16xi32>], vector<16xf32>,
      %gather3A_682 = tpu.vector_load_idx %arg12[%get3A_680] : memref<10240xf32, #tpu.memory_space<vmem>>[vector<16xi32>], vector<16xf32>,
      %add3A_683 = arith.addf %gather3A_681, %gather3A_682 : vector<16xf32>
      %swap3A_684 = arith.constant 2 : i32
      %swap3A_685 = arith.index_cast %swap3A_684 : i32 to index
      %swap3A_686 = arith.constant 0 : index
      %swap3A_687 = tpu.vector_load %arg11[%swap3A_685, %swap3A_686] {strides = array<i32>} : memref<5x16xf32, #tpu.memory_space<vmem>>, vector<16xf32>,
      tpu.vector_store %arg11[%swap3A_685, %swap3A_686], %add3A_683 {strides = array<i32>} : memref<5x16xf32, #tpu.memory_space<vmem>>, vector<16xf32>,
      %get3A_688 = arith.constant 2 : i32
      %get3A_689 = arith.index_cast %get3A_688 : i32 to index
      %get3A_690 = arith.constant 48 : index
      %get3A_691 = tpu.vector_load %arg6[%get3A_689, %get3A_690] {strides = array<i32>} : memref<5x80xi32, #tpu.memory_space<vmem>>, vector<16xi32>,
      %get3A_692 = arith.constant 2 : i32
      %get3A_693 = arith.index_cast %get3A_692 : i32 to index
      %get3A_694 = arith.constant 48 : index
      %get3A_695 = tpu.vector_load %arg7[%get3A_693, %get3A_694] {strides = array<i32>} : memref<5x80xi32, #tpu.memory_space<vmem>>, vector<16xi32>,
      %gather3A_696 = tpu.vector_load_idx %arg12[%get3A_691] : memref<10240xf32, #tpu.memory_space<vmem>>[vector<16xi32>], vector<16xf32>,
      %gather3A_697 = tpu.vector_load_idx %arg12[%get3A_695] : memref<10240xf32, #tpu.memory_space<vmem>>[vector<16xi32>], vector<16xf32>,
      %add3A_698 = arith.addf %gather3A_696, %gather3A_697 : vector<16xf32>
      %swap3A_699 = arith.constant 3 : i32
      %swap3A_700 = arith.index_cast %swap3A_699 : i32 to index
      %swap3A_701 = arith.constant 0 : index
      %swap3A_702 = tpu.vector_load %arg11[%swap3A_700, %swap3A_701] {strides = array<i32>} : memref<5x16xf32, #tpu.memory_space<vmem>>, vector<16xf32>,
      tpu.vector_store %arg11[%swap3A_700, %swap3A_701], %add3A_698 {strides = array<i32>} : memref<5x16xf32, #tpu.memory_space<vmem>>, vector<16xf32>,
      %get3A_703 = arith.constant 2 : i32
      %get3A_704 = arith.index_cast %get3A_703 : i32 to index
      %get3A_705 = arith.constant 64 : index
      %get3A_706 = tpu.vector_load %arg6[%get3A_704, %get3A_705] {strides = array<i32>} : memref<5x80xi32, #tpu.memory_space<vmem>>, vector<16xi32>,
      %get3A_707 = arith.constant 2 : i32
      %get3A_708 = arith.index_cast %get3A_707 : i32 to index
      %get3A_709 = arith.constant 64 : index
      %get3A_710 = tpu.vector_load %arg7[%get3A_708, %get3A_709] {strides = array<i32>} : memref<5x80xi32, #tpu.memory_space<vmem>>, vector<16xi32>,
      %gather3A_711 = tpu.vector_load_idx %arg12[%get3A_706] : memref<10240xf32, #tpu.memory_space<vmem>>[vector<16xi32>], vector<16xf32>,
      %gather3A_712 = tpu.vector_load_idx %arg12[%get3A_710] : memref<10240xf32, #tpu.memory_space<vmem>>[vector<16xi32>], vector<16xf32>,
      %add3A_713 = arith.addf %gather3A_711, %gather3A_712 : vector<16xf32>
      %swap3A_714 = arith.constant 4 : i32
      %swap3A_715 = arith.index_cast %swap3A_714 : i32 to index
      %swap3A_716 = arith.constant 0 : index
      %swap3A_717 = tpu.vector_load %arg11[%swap3A_715, %swap3A_716] {strides = array<i32>} : memref<5x16xf32, #tpu.memory_space<vmem>>, vector<16xf32>,
      tpu.vector_store %arg11[%swap3A_715, %swap3A_716], %add3A_713 {strides = array<i32>} : memref<5x16xf32, #tpu.memory_space<vmem>>, vector<16xf32>,
      %add3A_718 = arith.constant 5 : i32
      %add3A_719 = arith.addi %add3A_616, %add3A_718 : i32
      %lt3A_720 = arith.constant 125 : i32
      %lt3A_721 = arith.cmpi slt, %add3A_719, %lt3A_720 : i32
      %convert_element_type3A_722 = arith.extui %lt3A_721 : i1 to i32
      %cond3A_723 = arith.constant 0 : i32
      %cond3A_724 = arith.cmpi ne, %convert_element_type3A_722, %cond3A_723 : i32
      scf.if %cond3A_724 {
        %add3A_1018 = arith.constant 5 : i32
        %add3A_1019 = arith.addi %add3A_616, %add3A_1018 : i32
        %mul3A_1020 = arith.constant 80 : i32
        %mul3A_1021 = arith.muli %add3A_1019, %mul3A_1020 : i32
        %add3A_1022 = arith.addi %mul3A_2, %mul3A_1021 : i32
        %dma_start3A_1023 = arith.constant 2 : i32
        %dma_start3A_1024 = arith.constant 0 : i32
        %dma_start3A_1025 = tpu.memref_slice %arg6[%dma_start3A_1023, %dma_start3A_1024] : memref<5x80xi32, #tpu.memory_space<vmem>> -> memref<1x80xi32, #tpu.memory_space<vmem>>
        %dma_start3A_1026 = tpu.memref_squeeze %dma_start3A_1025 : memref<1x80xi32, #tpu.memory_space<vmem>> -> memref<80xi32, #tpu.memory_space<vmem>>
        %dma_start3A_1027 = tpu.memref_slice %arg3[%add3A_1022] : memref<320000xi32, #tpu.memory_space<hbm>> -> memref<80xi32, #tpu.memory_space<hbm>>
        %dma_start3A_1028 = arith.constant 0 : i32
        %dma_start3A_1029 = tpu.memref_slice %arg6[%dma_start3A_1023, %dma_start3A_1028] : memref<5x80xi32, #tpu.memory_space<vmem>> -> memref<1x80xi32, #tpu.memory_space<vmem>>
        %dma_start3A_1030 = tpu.memref_squeeze %dma_start3A_1029 : memref<1x80xi32, #tpu.memory_space<vmem>> -> memref<80xi32, #tpu.memory_space<vmem>>
        %dma_start3A_1031 = tpu.memref_slice %arg3[%add3A_1022] : memref<320000xi32, #tpu.memory_space<hbm>> -> memref<80xi32, #tpu.memory_space<hbm>>
        tpu.enqueue_dma source(%dma_start3A_1031 : memref<80xi32, #tpu.memory_space<hbm>>) target(%dma_start3A_1030 : memref<80xi32, #tpu.memory_space<vmem>>) target_semaphore(%arg27 : memref<!tpu.dma_semaphore, #tpu.memory_space<semaphore_mem>>)
        %dma_start3A_1032 = arith.constant 2 : i32
        %dma_start3A_1033 = arith.constant 0 : i32
        %dma_start3A_1034 = tpu.memref_slice %arg7[%dma_start3A_1032, %dma_start3A_1033] : memref<5x80xi32, #tpu.memory_space<vmem>> -> memref<1x80xi32, #tpu.memory_space<vmem>>
        %dma_start3A_1035 = tpu.memref_squeeze %dma_start3A_1034 : memref<1x80xi32, #tpu.memory_space<vmem>> -> memref<80xi32, #tpu.memory_space<vmem>>
        %dma_start3A_1036 = tpu.memref_slice %arg4[%add3A_1022] : memref<320000xi32, #tpu.memory_space<hbm>> -> memref<80xi32, #tpu.memory_space<hbm>>
        %dma_start3A_1037 = arith.constant 0 : i32
        %dma_start3A_1038 = tpu.memref_slice %arg7[%dma_start3A_1032, %dma_start3A_1037] : memref<5x80xi32, #tpu.memory_space<vmem>> -> memref<1x80xi32, #tpu.memory_space<vmem>>
        %dma_start3A_1039 = tpu.memref_squeeze %dma_start3A_1038 : memref<1x80xi32, #tpu.memory_space<vmem>> -> memref<80xi32, #tpu.memory_space<vmem>>
        %dma_start3A_1040 = tpu.memref_slice %arg4[%add3A_1022] : memref<320000xi32, #tpu.memory_space<hbm>> -> memref<80xi32, #tpu.memory_space<hbm>>
        tpu.enqueue_dma source(%dma_start3A_1040 : memref<80xi32, #tpu.memory_space<hbm>>) target(%dma_start3A_1039 : memref<80xi32, #tpu.memory_space<vmem>>) target_semaphore(%arg27 : memref<!tpu.dma_semaphore, #tpu.memory_space<semaphore_mem>>)
      } else {
      }
      %ge3A_725 = arith.constant 5 : i32
      %ge3A_726 = arith.cmpi sge, %add3A_616, %ge3A_725 : i32
      %convert_element_type3A_727 = arith.extui %ge3A_726 : i1 to i32
      %cond3A_728 = arith.constant 0 : i32
      %cond3A_729 = arith.cmpi ne, %convert_element_type3A_727, %cond3A_728 : i32
      scf.if %cond3A_729 {
        %sub3A = arith.constant 5 : i32
        %sub3A_1018 = arith.subi %add3A_616, %sub3A : i32
        %mul3A_1019 = arith.constant 80 : i32
        %mul3A_1020 = arith.muli %sub3A_1018, %mul3A_1019 : i32
        %add3A_1021 = arith.addi %mul3A_2, %mul3A_1020 : i32
        %dma_wait3A_1022 = arith.constant 2 : i32
        %dma_wait3A_1023 = arith.constant 0 : i32
        %dma_wait3A_1024 = tpu.memref_slice %arg9[%dma_wait3A_1022, %dma_wait3A_1023] : memref<5x80xf32, #tpu.memory_space<vmem>> -> memref<1x80xf32, #tpu.memory_space<vmem>>
        %dma_wait3A_1025 = tpu.memref_squeeze %dma_wait3A_1024 : memref<1x80xf32, #tpu.memory_space<vmem>> -> memref<80xf32, #tpu.memory_space<vmem>>
        %dma_wait3A_1026 = tpu.memref_slice %arg5[%add3A_1021] : memref<320000xf32, #tpu.memory_space<hbm>> -> memref<80xf32, #tpu.memory_space<hbm>>
        %dma_wait3A_1027 = tpu.memref_slice %arg5[%add3A_1021] : memref<320000xf32, #tpu.memory_space<hbm>> -> memref<80xf32, #tpu.memory_space<hbm>>
        %dma_wait3A_1028 = arith.constant 0 : i32
        %dma_wait3A_1029 = tpu.memref_slice %arg9[%dma_wait3A_1022, %dma_wait3A_1028] : memref<5x80xf32, #tpu.memory_space<vmem>> -> memref<1x80xf32, #tpu.memory_space<vmem>>
        %dma_wait3A_1030 = tpu.memref_squeeze %dma_wait3A_1029 : memref<1x80xf32, #tpu.memory_space<vmem>> -> memref<80xf32, #tpu.memory_space<vmem>>
        tpu.wait_dma2 semaphore(%arg22 : memref<!tpu.dma_semaphore, #tpu.memory_space<semaphore_mem>>) src(%dma_wait3A_1030 : memref<80xf32, #tpu.memory_space<vmem>>) dst(%dma_wait3A_1027 : memref<80xf32, #tpu.memory_space<hbm>>)
      } else {
      }
      %parallel_loop3A_730 = arith.constant 0 : i32
      %parallel_loop3A_731 = arith.constant 80 : i32
      %parallel_loop3A_732 = arith.constant 1 : i32
      scf.for %parallel_loop3A_1018 = %parallel_loop3A_730 to %parallel_loop3A_731 step %parallel_loop3A_732  : i32 {
        %parallel_loop3A_1019 = arith.constant 4 : i32
        %parallel_loop3A_1020 = arith.shrsi %parallel_loop3A_1018, %parallel_loop3A_1019 : i32
        %parallel_loop3A_1021 = arith.constant 15 : i32
        %parallel_loop3A_1022 = arith.andi %parallel_loop3A_1018, %parallel_loop3A_1021 : i32
        %parallel_loop3A_1023 = arith.constant 2 : i32
        %parallel_loop3A_1024 = arith.index_cast %parallel_loop3A_1023 : i32 to index
        %parallel_loop3A_1025 = arith.index_cast %parallel_loop3A_1018 : i32 to index
        %parallel_loop3A_1026 = arith.constant 0 : index
        %parallel_loop3A_1027 = tpu.vector_load %arg8[%parallel_loop3A_1024, %parallel_loop3A_1025, %parallel_loop3A_1026] {strides = array<i32>} : memref<5x80x128xf32, #tpu.memory_space<vmem>>, vector<16xf32>,
        %parallel_loop3A_1028 = arith.mulf %parallel_loop3A_1027, %parallel_loop3A_1027 : vector<16xf32>
        %parallel_loop3A_1029 = arith.constant 2 : i32
        %parallel_loop3A_1030 = arith.index_cast %parallel_loop3A_1029 : i32 to index
        %parallel_loop3A_1031 = arith.index_cast %parallel_loop3A_1018 : i32 to index
        %parallel_loop3A_1032 = arith.constant 16 : index
        %parallel_loop3A_1033 = tpu.vector_load %arg8[%parallel_loop3A_1030, %parallel_loop3A_1031, %parallel_loop3A_1032] {strides = array<i32>} : memref<5x80x128xf32, #tpu.memory_space<vmem>>, vector<16xf32>,
        %parallel_loop3A_1034 = arith.mulf %parallel_loop3A_1033, %parallel_loop3A_1033 : vector<16xf32>
        %parallel_loop3A_1035 = arith.constant 2 : i32
        %parallel_loop3A_1036 = arith.index_cast %parallel_loop3A_1035 : i32 to index
        %parallel_loop3A_1037 = arith.index_cast %parallel_loop3A_1018 : i32 to index
        %parallel_loop3A_1038 = arith.constant 32 : index
        %parallel_loop3A_1039 = tpu.vector_load %arg8[%parallel_loop3A_1036, %parallel_loop3A_1037, %parallel_loop3A_1038] {strides = array<i32>} : memref<5x80x128xf32, #tpu.memory_space<vmem>>, vector<16xf32>,
        %parallel_loop3A_1040 = arith.mulf %parallel_loop3A_1039, %parallel_loop3A_1039 : vector<16xf32>
        %parallel_loop3A_1041 = arith.constant 2 : i32
        %parallel_loop3A_1042 = arith.index_cast %parallel_loop3A_1041 : i32 to index
        %parallel_loop3A_1043 = arith.index_cast %parallel_loop3A_1018 : i32 to index
        %parallel_loop3A_1044 = arith.constant 48 : index
        %parallel_loop3A_1045 = tpu.vector_load %arg8[%parallel_loop3A_1042, %parallel_loop3A_1043, %parallel_loop3A_1044] {strides = array<i32>} : memref<5x80x128xf32, #tpu.memory_space<vmem>>, vector<16xf32>,
        %parallel_loop3A_1046 = arith.mulf %parallel_loop3A_1045, %parallel_loop3A_1045 : vector<16xf32>
        %parallel_loop3A_1047 = arith.constant 2 : i32
        %parallel_loop3A_1048 = arith.index_cast %parallel_loop3A_1047 : i32 to index
        %parallel_loop3A_1049 = arith.index_cast %parallel_loop3A_1018 : i32 to index
        %parallel_loop3A_1050 = arith.constant 64 : index
        %parallel_loop3A_1051 = tpu.vector_load %arg8[%parallel_loop3A_1048, %parallel_loop3A_1049, %parallel_loop3A_1050] {strides = array<i32>} : memref<5x80x128xf32, #tpu.memory_space<vmem>>, vector<16xf32>,
        %parallel_loop3A_1052 = arith.mulf %parallel_loop3A_1051, %parallel_loop3A_1051 : vector<16xf32>
        %parallel_loop3A_1053 = arith.constant 2 : i32
        %parallel_loop3A_1054 = arith.index_cast %parallel_loop3A_1053 : i32 to index
        %parallel_loop3A_1055 = arith.index_cast %parallel_loop3A_1018 : i32 to index
        %parallel_loop3A_1056 = arith.constant 80 : index
        %parallel_loop3A_1057 = tpu.vector_load %arg8[%parallel_loop3A_1054, %parallel_loop3A_1055, %parallel_loop3A_1056] {strides = array<i32>} : memref<5x80x128xf32, #tpu.memory_space<vmem>>, vector<16xf32>,
        %parallel_loop3A_1058 = arith.mulf %parallel_loop3A_1057, %parallel_loop3A_1057 : vector<16xf32>
        %parallel_loop3A_1059 = arith.constant 2 : i32
        %parallel_loop3A_1060 = arith.index_cast %parallel_loop3A_1059 : i32 to index
        %parallel_loop3A_1061 = arith.index_cast %parallel_loop3A_1018 : i32 to index
        %parallel_loop3A_1062 = arith.constant 96 : index
        %parallel_loop3A_1063 = tpu.vector_load %arg8[%parallel_loop3A_1060, %parallel_loop3A_1061, %parallel_loop3A_1062] {strides = array<i32>} : memref<5x80x128xf32, #tpu.memory_space<vmem>>, vector<16xf32>,
        %parallel_loop3A_1064 = arith.mulf %parallel_loop3A_1063, %parallel_loop3A_1063 : vector<16xf32>
        %parallel_loop3A_1065 = arith.constant 2 : i32
        %parallel_loop3A_1066 = arith.index_cast %parallel_loop3A_1065 : i32 to index
        %parallel_loop3A_1067 = arith.index_cast %parallel_loop3A_1018 : i32 to index
        %parallel_loop3A_1068 = arith.constant 112 : index
        %parallel_loop3A_1069 = tpu.vector_load %arg8[%parallel_loop3A_1066, %parallel_loop3A_1067, %parallel_loop3A_1068] {strides = array<i32>} : memref<5x80x128xf32, #tpu.memory_space<vmem>>, vector<16xf32>,
        %parallel_loop3A_1070 = arith.mulf %parallel_loop3A_1069, %parallel_loop3A_1069 : vector<16xf32>
        %parallel_loop3A_1071 = arith.addf %parallel_loop3A_1028, %parallel_loop3A_1034 : vector<16xf32>
        %parallel_loop3A_1072 = arith.addf %parallel_loop3A_1040, %parallel_loop3A_1046 : vector<16xf32>
        %parallel_loop3A_1073 = arith.addf %parallel_loop3A_1052, %parallel_loop3A_1058 : vector<16xf32>
        %parallel_loop3A_1074 = arith.addf %parallel_loop3A_1064, %parallel_loop3A_1070 : vector<16xf32>
        %parallel_loop3A_1075 = arith.addf %parallel_loop3A_1071, %parallel_loop3A_1072 : vector<16xf32>
        %parallel_loop3A_1076 = arith.addf %parallel_loop3A_1073, %parallel_loop3A_1074 : vector<16xf32>
        %parallel_loop3A_1077 = arith.addf %parallel_loop3A_1075, %parallel_loop3A_1076 : vector<16xf32>
        %parallel_loop3A_1078 = arith.index_cast %parallel_loop3A_1020 : i32 to index
        %parallel_loop3A_1079 = arith.index_cast %parallel_loop3A_1022 : i32 to index
        %parallel_loop3A_1080 = arith.constant 0 : index
        %parallel_loop3A_1081 = tpu.vector_load %arg10[%parallel_loop3A_1078, %parallel_loop3A_1079, %parallel_loop3A_1080] {strides = array<i32>} : memref<5x16x17xf32, #tpu.memory_space<vmem>>, vector<16xf32>,
        tpu.vector_store %arg10[%parallel_loop3A_1078, %parallel_loop3A_1079, %parallel_loop3A_1080], %parallel_loop3A_1077 {strides = array<i32>} : memref<5x16x17xf32, #tpu.memory_space<vmem>>, vector<16xf32>,
      } {sc.loop_unroll_factor = 4 : i64, sc.parallel_access}
      %parallel_loop3A_733 = arith.constant 0 : i32
      %parallel_loop3A_734 = arith.constant 5 : i32
      %parallel_loop3A_735 = arith.constant 1 : i32
      scf.for %parallel_loop3A_1018 = %parallel_loop3A_733 to %parallel_loop3A_734 step %parallel_loop3A_735  : i32 {
        %parallel_loop3A_1019 = vector.broadcast %parallel_loop3A_1018 : i32 to vector<16xi32>
        %parallel_loop3A_1020 = arith.constant 0 : i32
        %parallel_loop3A_1021 = vector.broadcast %parallel_loop3A_1020 : i32 to vector<16xi32>
        %parallel_loop3A_1022 = tpu.vector_load_idx %arg10[%parallel_loop3A_1019, %iota3A, %parallel_loop3A_1021] : memref<5x16x17xf32, #tpu.memory_space<vmem>>[vector<16xi32>, vector<16xi32>, vector<16xi32>], vector<16xf32>,
        %parallel_loop3A_1023 = arith.constant 1 : i32
        %parallel_loop3A_1024 = vector.broadcast %parallel_loop3A_1023 : i32 to vector<16xi32>
        %parallel_loop3A_1025 = tpu.vector_load_idx %arg10[%parallel_loop3A_1019, %iota3A, %parallel_loop3A_1024] : memref<5x16x17xf32, #tpu.memory_space<vmem>>[vector<16xi32>, vector<16xi32>, vector<16xi32>], vector<16xf32>,
        %parallel_loop3A_1026 = arith.constant 2 : i32
        %parallel_loop3A_1027 = vector.broadcast %parallel_loop3A_1026 : i32 to vector<16xi32>
        %parallel_loop3A_1028 = tpu.vector_load_idx %arg10[%parallel_loop3A_1019, %iota3A, %parallel_loop3A_1027] : memref<5x16x17xf32, #tpu.memory_space<vmem>>[vector<16xi32>, vector<16xi32>, vector<16xi32>], vector<16xf32>,
        %parallel_loop3A_1029 = arith.constant 3 : i32
        %parallel_loop3A_1030 = vector.broadcast %parallel_loop3A_1029 : i32 to vector<16xi32>
        %parallel_loop3A_1031 = tpu.vector_load_idx %arg10[%parallel_loop3A_1019, %iota3A, %parallel_loop3A_1030] : memref<5x16x17xf32, #tpu.memory_space<vmem>>[vector<16xi32>, vector<16xi32>, vector<16xi32>], vector<16xf32>,
        %parallel_loop3A_1032 = arith.constant 4 : i32
        %parallel_loop3A_1033 = vector.broadcast %parallel_loop3A_1032 : i32 to vector<16xi32>
        %parallel_loop3A_1034 = tpu.vector_load_idx %arg10[%parallel_loop3A_1019, %iota3A, %parallel_loop3A_1033] : memref<5x16x17xf32, #tpu.memory_space<vmem>>[vector<16xi32>, vector<16xi32>, vector<16xi32>], vector<16xf32>,
        %parallel_loop3A_1035 = arith.constant 5 : i32
        %parallel_loop3A_1036 = vector.broadcast %parallel_loop3A_1035 : i32 to vector<16xi32>
        %parallel_loop3A_1037 = tpu.vector_load_idx %arg10[%parallel_loop3A_1019, %iota3A, %parallel_loop3A_1036] : memref<5x16x17xf32, #tpu.memory_space<vmem>>[vector<16xi32>, vector<16xi32>, vector<16xi32>], vector<16xf32>,
        %parallel_loop3A_1038 = arith.constant 6 : i32
        %parallel_loop3A_1039 = vector.broadcast %parallel_loop3A_1038 : i32 to vector<16xi32>
        %parallel_loop3A_1040 = tpu.vector_load_idx %arg10[%parallel_loop3A_1019, %iota3A, %parallel_loop3A_1039] : memref<5x16x17xf32, #tpu.memory_space<vmem>>[vector<16xi32>, vector<16xi32>, vector<16xi32>], vector<16xf32>,
        %parallel_loop3A_1041 = arith.constant 7 : i32
        %parallel_loop3A_1042 = vector.broadcast %parallel_loop3A_1041 : i32 to vector<16xi32>
        %parallel_loop3A_1043 = tpu.vector_load_idx %arg10[%parallel_loop3A_1019, %iota3A, %parallel_loop3A_1042] : memref<5x16x17xf32, #tpu.memory_space<vmem>>[vector<16xi32>, vector<16xi32>, vector<16xi32>], vector<16xf32>,
        %parallel_loop3A_1044 = arith.constant 8 : i32
        %parallel_loop3A_1045 = vector.broadcast %parallel_loop3A_1044 : i32 to vector<16xi32>
        %parallel_loop3A_1046 = tpu.vector_load_idx %arg10[%parallel_loop3A_1019, %iota3A, %parallel_loop3A_1045] : memref<5x16x17xf32, #tpu.memory_space<vmem>>[vector<16xi32>, vector<16xi32>, vector<16xi32>], vector<16xf32>,
        %parallel_loop3A_1047 = arith.constant 9 : i32
        %parallel_loop3A_1048 = vector.broadcast %parallel_loop3A_1047 : i32 to vector<16xi32>
        %parallel_loop3A_1049 = tpu.vector_load_idx %arg10[%parallel_loop3A_1019, %iota3A, %parallel_loop3A_1048] : memref<5x16x17xf32, #tpu.memory_space<vmem>>[vector<16xi32>, vector<16xi32>, vector<16xi32>], vector<16xf32>,
        %parallel_loop3A_1050 = arith.constant 10 : i32
        %parallel_loop3A_1051 = vector.broadcast %parallel_loop3A_1050 : i32 to vector<16xi32>
        %parallel_loop3A_1052 = tpu.vector_load_idx %arg10[%parallel_loop3A_1019, %iota3A, %parallel_loop3A_1051] : memref<5x16x17xf32, #tpu.memory_space<vmem>>[vector<16xi32>, vector<16xi32>, vector<16xi32>], vector<16xf32>,
        %parallel_loop3A_1053 = arith.constant 11 : i32
        %parallel_loop3A_1054 = vector.broadcast %parallel_loop3A_1053 : i32 to vector<16xi32>
        %parallel_loop3A_1055 = tpu.vector_load_idx %arg10[%parallel_loop3A_1019, %iota3A, %parallel_loop3A_1054] : memref<5x16x17xf32, #tpu.memory_space<vmem>>[vector<16xi32>, vector<16xi32>, vector<16xi32>], vector<16xf32>,
        %parallel_loop3A_1056 = arith.constant 12 : i32
        %parallel_loop3A_1057 = vector.broadcast %parallel_loop3A_1056 : i32 to vector<16xi32>
        %parallel_loop3A_1058 = tpu.vector_load_idx %arg10[%parallel_loop3A_1019, %iota3A, %parallel_loop3A_1057] : memref<5x16x17xf32, #tpu.memory_space<vmem>>[vector<16xi32>, vector<16xi32>, vector<16xi32>], vector<16xf32>,
        %parallel_loop3A_1059 = arith.constant 13 : i32
        %parallel_loop3A_1060 = vector.broadcast %parallel_loop3A_1059 : i32 to vector<16xi32>
        %parallel_loop3A_1061 = tpu.vector_load_idx %arg10[%parallel_loop3A_1019, %iota3A, %parallel_loop3A_1060] : memref<5x16x17xf32, #tpu.memory_space<vmem>>[vector<16xi32>, vector<16xi32>, vector<16xi32>], vector<16xf32>,
        %parallel_loop3A_1062 = arith.constant 14 : i32
        %parallel_loop3A_1063 = vector.broadcast %parallel_loop3A_1062 : i32 to vector<16xi32>
        %parallel_loop3A_1064 = tpu.vector_load_idx %arg10[%parallel_loop3A_1019, %iota3A, %parallel_loop3A_1063] : memref<5x16x17xf32, #tpu.memory_space<vmem>>[vector<16xi32>, vector<16xi32>, vector<16xi32>], vector<16xf32>,
        %parallel_loop3A_1065 = arith.constant 15 : i32
        %parallel_loop3A_1066 = vector.broadcast %parallel_loop3A_1065 : i32 to vector<16xi32>
        %parallel_loop3A_1067 = tpu.vector_load_idx %arg10[%parallel_loop3A_1019, %iota3A, %parallel_loop3A_1066] : memref<5x16x17xf32, #tpu.memory_space<vmem>>[vector<16xi32>, vector<16xi32>, vector<16xi32>], vector<16xf32>,
        %parallel_loop3A_1068 = arith.addf %parallel_loop3A_1022, %parallel_loop3A_1025 : vector<16xf32>
        %parallel_loop3A_1069 = arith.addf %parallel_loop3A_1028, %parallel_loop3A_1031 : vector<16xf32>
        %parallel_loop3A_1070 = arith.addf %parallel_loop3A_1034, %parallel_loop3A_1037 : vector<16xf32>
        %parallel_loop3A_1071 = arith.addf %parallel_loop3A_1040, %parallel_loop3A_1043 : vector<16xf32>
        %parallel_loop3A_1072 = arith.addf %parallel_loop3A_1046, %parallel_loop3A_1049 : vector<16xf32>
        %parallel_loop3A_1073 = arith.addf %parallel_loop3A_1052, %parallel_loop3A_1055 : vector<16xf32>
        %parallel_loop3A_1074 = arith.addf %parallel_loop3A_1058, %parallel_loop3A_1061 : vector<16xf32>
        %parallel_loop3A_1075 = arith.addf %parallel_loop3A_1064, %parallel_loop3A_1067 : vector<16xf32>
        %parallel_loop3A_1076 = arith.addf %parallel_loop3A_1068, %parallel_loop3A_1069 : vector<16xf32>
        %parallel_loop3A_1077 = arith.addf %parallel_loop3A_1070, %parallel_loop3A_1071 : vector<16xf32>
        %parallel_loop3A_1078 = arith.addf %parallel_loop3A_1072, %parallel_loop3A_1073 : vector<16xf32>
        %parallel_loop3A_1079 = arith.addf %parallel_loop3A_1074, %parallel_loop3A_1075 : vector<16xf32>
        %parallel_loop3A_1080 = arith.addf %parallel_loop3A_1076, %parallel_loop3A_1077 : vector<16xf32>
        %parallel_loop3A_1081 = arith.addf %parallel_loop3A_1078, %parallel_loop3A_1079 : vector<16xf32>
        %parallel_loop3A_1082 = arith.addf %parallel_loop3A_1080, %parallel_loop3A_1081 : vector<16xf32>
        %parallel_loop3A_1083 = arith.constant 5.000000e-01 : f32
        %parallel_loop3A_1084 = vector.broadcast %parallel_loop3A_1083 : f32 to vector<16xf32>
        %parallel_loop3A_1085 = arith.mulf %parallel_loop3A_1084, %parallel_loop3A_1082 : vector<16xf32>
        %parallel_loop3A_1086 = arith.index_cast %parallel_loop3A_1018 : i32 to index
        %parallel_loop3A_1087 = arith.constant 0 : index
        %parallel_loop3A_1088 = tpu.vector_load %arg11[%parallel_loop3A_1086, %parallel_loop3A_1087] {strides = array<i32>} : memref<5x16xf32, #tpu.memory_space<vmem>>, vector<16xf32>,
        %parallel_loop3A_1089 = arith.subf %parallel_loop3A_1085, %parallel_loop3A_1088 : vector<16xf32>
        %parallel_loop3A_1090 = arith.constant 16 : i32
        %parallel_loop3A_1091 = arith.muli %parallel_loop3A_1018, %parallel_loop3A_1090 : i32
        %parallel_loop3A_1092 = arith.constant 2 : i32
        %parallel_loop3A_1093 = arith.index_cast %parallel_loop3A_1092 : i32 to index
        %parallel_loop3A_1094 = arith.index_cast %parallel_loop3A_1091 : i32 to index
        %parallel_loop3A_1095 = tpu.vector_load %arg9[%parallel_loop3A_1093, %parallel_loop3A_1094] {strides = array<i32>} : memref<5x80xf32, #tpu.memory_space<vmem>>, vector<16xf32>,
        tpu.vector_store %arg9[%parallel_loop3A_1093, %parallel_loop3A_1094], %parallel_loop3A_1089 {strides = array<i32>} : memref<5x80xf32, #tpu.memory_space<vmem>>, vector<16xf32>,
      } {sc.loop_unroll_factor = 1 : i64, sc.parallel_access}
      %mul3A_736 = arith.constant 80 : i32
      %mul3A_737 = arith.muli %add3A_616, %mul3A_736 : i32
      %add3A_738 = arith.addi %mul3A_2, %mul3A_737 : i32
      %dma_start3A_739 = arith.constant 2 : i32
      %dma_start3A_740 = arith.constant 0 : i32
      %dma_start3A_741 = tpu.memref_slice %arg9[%dma_start3A_739, %dma_start3A_740] : memref<5x80xf32, #tpu.memory_space<vmem>> -> memref<1x80xf32, #tpu.memory_space<vmem>>
      %dma_start3A_742 = tpu.memref_squeeze %dma_start3A_741 : memref<1x80xf32, #tpu.memory_space<vmem>> -> memref<80xf32, #tpu.memory_space<vmem>>
      %dma_start3A_743 = tpu.memref_slice %arg5[%add3A_738] : memref<320000xf32, #tpu.memory_space<hbm>> -> memref<80xf32, #tpu.memory_space<hbm>>
      %dma_start3A_744 = tpu.memref_slice %arg5[%add3A_738] : memref<320000xf32, #tpu.memory_space<hbm>> -> memref<80xf32, #tpu.memory_space<hbm>>
      %dma_start3A_745 = arith.constant 0 : i32
      %dma_start3A_746 = tpu.memref_slice %arg9[%dma_start3A_739, %dma_start3A_745] : memref<5x80xf32, #tpu.memory_space<vmem>> -> memref<1x80xf32, #tpu.memory_space<vmem>>
      %dma_start3A_747 = tpu.memref_squeeze %dma_start3A_746 : memref<1x80xf32, #tpu.memory_space<vmem>> -> memref<80xf32, #tpu.memory_space<vmem>>
      tpu.enqueue_dma source(%dma_start3A_747 : memref<80xf32, #tpu.memory_space<vmem>>) target(%dma_start3A_744 : memref<80xf32, #tpu.memory_space<hbm>>) target_semaphore(%arg22 : memref<!tpu.dma_semaphore, #tpu.memory_space<semaphore_mem>>)
      %mul3A_748 = arith.constant 5 : i32
      %mul3A_749 = arith.muli %scan3A_350, %mul3A_748 : i32
      %add3A_750 = arith.constant 3 : i32
      %add3A_751 = arith.addi %mul3A_749, %add3A_750 : i32
      %add3A_752 = arith.constant 4 : i32
      %add3A_753 = arith.addi %add3A_751, %add3A_752 : i32
      %lt3A_754 = arith.constant 125 : i32
      %lt3A_755 = arith.cmpi slt, %add3A_753, %lt3A_754 : i32
      %convert_element_type3A_756 = arith.extui %lt3A_755 : i1 to i32
      %cond3A_757 = arith.constant 0 : i32
      %cond3A_758 = arith.cmpi ne, %convert_element_type3A_756, %cond3A_757 : i32
      scf.if %cond3A_758 {
        %add3A_1018 = arith.constant 4 : i32
        %add3A_1019 = arith.addi %add3A_751, %add3A_1018 : i32
        %mul3A_1020 = arith.constant 80 : i32
        %mul3A_1021 = arith.muli %add3A_1019, %mul3A_1020 : i32
        %add3A_1022 = arith.addi %mul3A_2, %mul3A_1021 : i32
        %dma_wait3A_1023 = arith.constant 2 : i32
        %dma_wait3A_1024 = arith.constant 0 : i32
        %dma_wait3A_1025 = tpu.memref_slice %arg6[%dma_wait3A_1023, %dma_wait3A_1024] : memref<5x80xi32, #tpu.memory_space<vmem>> -> memref<1x80xi32, #tpu.memory_space<vmem>>
        %dma_wait3A_1026 = tpu.memref_squeeze %dma_wait3A_1025 : memref<1x80xi32, #tpu.memory_space<vmem>> -> memref<80xi32, #tpu.memory_space<vmem>>
        %dma_wait3A_1027 = tpu.memref_slice %arg3[%add3A_1022] : memref<320000xi32, #tpu.memory_space<hbm>> -> memref<80xi32, #tpu.memory_space<hbm>>
        %dma_wait3A_1028 = arith.constant 0 : i32
        %dma_wait3A_1029 = tpu.memref_slice %arg6[%dma_wait3A_1023, %dma_wait3A_1028] : memref<5x80xi32, #tpu.memory_space<vmem>> -> memref<1x80xi32, #tpu.memory_space<vmem>>
        %dma_wait3A_1030 = tpu.memref_squeeze %dma_wait3A_1029 : memref<1x80xi32, #tpu.memory_space<vmem>> -> memref<80xi32, #tpu.memory_space<vmem>>
        %dma_wait3A_1031 = tpu.memref_slice %arg3[%add3A_1022] : memref<320000xi32, #tpu.memory_space<hbm>> -> memref<80xi32, #tpu.memory_space<hbm>>
        tpu.wait_dma2 semaphore(%arg27 : memref<!tpu.dma_semaphore, #tpu.memory_space<semaphore_mem>>) src(%dma_wait3A_1031 : memref<80xi32, #tpu.memory_space<hbm>>) dst(%dma_wait3A_1030 : memref<80xi32, #tpu.memory_space<vmem>>)
        %dma_wait3A_1032 = arith.constant 2 : i32
        %dma_wait3A_1033 = arith.constant 0 : i32
        %dma_wait3A_1034 = tpu.memref_slice %arg7[%dma_wait3A_1032, %dma_wait3A_1033] : memref<5x80xi32, #tpu.memory_space<vmem>> -> memref<1x80xi32, #tpu.memory_space<vmem>>
        %dma_wait3A_1035 = tpu.memref_squeeze %dma_wait3A_1034 : memref<1x80xi32, #tpu.memory_space<vmem>> -> memref<80xi32, #tpu.memory_space<vmem>>
        %dma_wait3A_1036 = tpu.memref_slice %arg4[%add3A_1022] : memref<320000xi32, #tpu.memory_space<hbm>> -> memref<80xi32, #tpu.memory_space<hbm>>
        %dma_wait3A_1037 = arith.constant 0 : i32
        %dma_wait3A_1038 = tpu.memref_slice %arg7[%dma_wait3A_1032, %dma_wait3A_1037] : memref<5x80xi32, #tpu.memory_space<vmem>> -> memref<1x80xi32, #tpu.memory_space<vmem>>
        %dma_wait3A_1039 = tpu.memref_squeeze %dma_wait3A_1038 : memref<1x80xi32, #tpu.memory_space<vmem>> -> memref<80xi32, #tpu.memory_space<vmem>>
        %dma_wait3A_1040 = tpu.memref_slice %arg4[%add3A_1022] : memref<320000xi32, #tpu.memory_space<hbm>> -> memref<80xi32, #tpu.memory_space<hbm>>
        tpu.wait_dma2 semaphore(%arg27 : memref<!tpu.dma_semaphore, #tpu.memory_space<semaphore_mem>>) src(%dma_wait3A_1040 : memref<80xi32, #tpu.memory_space<hbm>>) dst(%dma_wait3A_1039 : memref<80xi32, #tpu.memory_space<vmem>>)
        %dma_start3A_1041 = arith.constant 2 : i32
        %dma_start3A_1042 = arith.constant 2 : i32
        %dma_start3A_1043 = arith.constant 0 : i32
        %dma_start3A_1044 = arith.constant 0 : i32
        %dma_start3A_1045 = tpu.memref_slice %arg8[%dma_start3A_1042, %dma_start3A_1043, %dma_start3A_1044] : memref<5x80x128xf32, #tpu.memory_space<vmem>> -> memref<1x80x128xf32, #tpu.memory_space<vmem>>
        %dma_start3A_1046 = tpu.memref_squeeze %dma_start3A_1045 : memref<1x80x128xf32, #tpu.memory_space<vmem>> -> memref<80x128xf32, #tpu.memory_space<vmem>>
        %dma_start3A_1047 = arith.constant 0 : i32
        %dma_start3A_1048 = tpu.memref_slice %arg6[%dma_start3A_1041, %dma_start3A_1047] : memref<5x80xi32, #tpu.memory_space<vmem>> -> memref<1x80xi32, #tpu.memory_space<vmem>>
        %dma_start3A_1049 = tpu.memref_squeeze %dma_start3A_1048 : memref<1x80xi32, #tpu.memory_space<vmem>> -> memref<80xi32, #tpu.memory_space<vmem>>
        %dma_start3A_1050 = arith.constant 0 : i32
        %dma_start3A_1051 = arith.constant 0 : i32
        %dma_start3A_1052 = tpu.memref_slice %arg2[%dma_start3A_1050, %dma_start3A_1051] : memref<10000x128xf32, #tpu.memory_space<hbm>> -> memref<10000x128xf32, #tpu.memory_space<hbm>>
        tpu.enqueue_indirect_dma source(%dma_start3A_1052 : memref<10000x128xf32, #tpu.memory_space<hbm>>) target(%dma_start3A_1046 : memref<80x128xf32, #tpu.memory_space<vmem>>) offsets(%dma_start3A_1049 : memref<80xi32, #tpu.memory_space<vmem>>) semaphore(%arg17 : memref<!tpu.dma_semaphore, #tpu.memory_space<semaphore_mem>>)
      } else {
      }
      %add3A_759 = arith.constant 2 : i32
      %add3A_760 = arith.addi %add3A_751, %add3A_759 : i32
      %lt3A_761 = arith.constant 125 : i32
      %lt3A_762 = arith.cmpi slt, %add3A_760, %lt3A_761 : i32
      %convert_element_type3A_763 = arith.extui %lt3A_762 : i1 to i32
      %cond3A_764 = arith.constant 0 : i32
      %cond3A_765 = arith.cmpi ne, %convert_element_type3A_763, %cond3A_764 : i32
      scf.if %cond3A_765 {
        %dma_wait3A_1018 = arith.constant 0 : i32
        %dma_wait3A_1019 = arith.constant 0 : i32
        %dma_wait3A_1020 = arith.constant 0 : i32
        %dma_wait3A_1021 = arith.constant 0 : i32
        %dma_wait3A_1022 = tpu.memref_slice %arg8[%dma_wait3A_1019, %dma_wait3A_1020, %dma_wait3A_1021] : memref<5x80x128xf32, #tpu.memory_space<vmem>> -> memref<1x80x128xf32, #tpu.memory_space<vmem>>
        %dma_wait3A_1023 = tpu.memref_squeeze %dma_wait3A_1022 : memref<1x80x128xf32, #tpu.memory_space<vmem>> -> memref<80x128xf32, #tpu.memory_space<vmem>>
        %dma_wait3A_1024 = arith.constant 0 : i32
        %dma_wait3A_1025 = tpu.memref_slice %arg6[%dma_wait3A_1018, %dma_wait3A_1024] : memref<5x80xi32, #tpu.memory_space<vmem>> -> memref<1x80xi32, #tpu.memory_space<vmem>>
        %dma_wait3A_1026 = tpu.memref_squeeze %dma_wait3A_1025 : memref<1x80xi32, #tpu.memory_space<vmem>> -> memref<80xi32, #tpu.memory_space<vmem>>
        %dma_wait3A_1027 = arith.constant 0 : i32
        %dma_wait3A_1028 = arith.constant 0 : i32
        %dma_wait3A_1029 = tpu.memref_slice %arg2[%dma_wait3A_1027, %dma_wait3A_1028] : memref<10000x128xf32, #tpu.memory_space<hbm>> -> memref<10000x128xf32, #tpu.memory_space<hbm>>
        tpu.wait_indirect_dma semaphore(%arg15 : memref<!tpu.dma_semaphore, #tpu.memory_space<semaphore_mem>>) src(%dma_wait3A_1029 : memref<10000x128xf32, #tpu.memory_space<hbm>>) dst(%dma_wait3A_1023 : memref<80x128xf32, #tpu.memory_space<vmem>>)
        %dma_start3A_1030 = arith.constant 0 : i32
        %dma_start3A_1031 = arith.constant 0 : i32
        %dma_start3A_1032 = arith.constant 0 : i32
        %dma_start3A_1033 = arith.constant 0 : i32
        %dma_start3A_1034 = tpu.memref_slice %arg8[%dma_start3A_1031, %dma_start3A_1032, %dma_start3A_1033] : memref<5x80x128xf32, #tpu.memory_space<vmem>> -> memref<1x80x128xf32, #tpu.memory_space<vmem>>
        %dma_start3A_1035 = tpu.memref_squeeze %dma_start3A_1034 : memref<1x80x128xf32, #tpu.memory_space<vmem>> -> memref<80x128xf32, #tpu.memory_space<vmem>>
        %dma_start3A_1036 = arith.constant 0 : i32
        %dma_start3A_1037 = tpu.memref_slice %arg7[%dma_start3A_1030, %dma_start3A_1036] : memref<5x80xi32, #tpu.memory_space<vmem>> -> memref<1x80xi32, #tpu.memory_space<vmem>>
        %dma_start3A_1038 = tpu.memref_squeeze %dma_start3A_1037 : memref<1x80xi32, #tpu.memory_space<vmem>> -> memref<80xi32, #tpu.memory_space<vmem>>
        %dma_start3A_1039 = arith.constant 0 : i32
        %dma_start3A_1040 = arith.constant 0 : i32
        %dma_start3A_1041 = tpu.memref_slice %arg2[%dma_start3A_1039, %dma_start3A_1040] : memref<10000x128xf32, #tpu.memory_space<hbm>> -> memref<10000x128xf32, #tpu.memory_space<hbm>>
        tpu.enqueue_indirect_dma source(%dma_start3A_1041 : memref<10000x128xf32, #tpu.memory_space<hbm>>) target(%dma_start3A_1035 : memref<80x128xf32, #tpu.memory_space<vmem>>) offsets(%dma_start3A_1038 : memref<80xi32, #tpu.memory_space<vmem>>) semaphore(%arg15 : memref<!tpu.dma_semaphore, #tpu.memory_space<semaphore_mem>>) {add = true}
      } else {
      }
      %dma_wait3A_766 = arith.constant 3 : i32
      %dma_wait3A_767 = arith.constant 3 : i32
      %dma_wait3A_768 = arith.constant 0 : i32
      %dma_wait3A_769 = arith.constant 0 : i32
      %dma_wait3A_770 = tpu.memref_slice %arg8[%dma_wait3A_767, %dma_wait3A_768, %dma_wait3A_769] : memref<5x80x128xf32, #tpu.memory_space<vmem>> -> memref<1x80x128xf32, #tpu.memory_space<vmem>>
      %dma_wait3A_771 = tpu.memref_squeeze %dma_wait3A_770 : memref<1x80x128xf32, #tpu.memory_space<vmem>> -> memref<80x128xf32, #tpu.memory_space<vmem>>
      %dma_wait3A_772 = arith.constant 0 : i32
      %dma_wait3A_773 = tpu.memref_slice %arg7[%dma_wait3A_766, %dma_wait3A_772] : memref<5x80xi32, #tpu.memory_space<vmem>> -> memref<1x80xi32, #tpu.memory_space<vmem>>
      %dma_wait3A_774 = tpu.memref_squeeze %dma_wait3A_773 : memref<1x80xi32, #tpu.memory_space<vmem>> -> memref<80xi32, #tpu.memory_space<vmem>>
      %dma_wait3A_775 = arith.constant 0 : i32
      %dma_wait3A_776 = arith.constant 0 : i32
      %dma_wait3A_777 = tpu.memref_slice %arg2[%dma_wait3A_775, %dma_wait3A_776] : memref<10000x128xf32, #tpu.memory_space<hbm>> -> memref<10000x128xf32, #tpu.memory_space<hbm>>
      tpu.wait_indirect_dma semaphore(%arg18 : memref<!tpu.dma_semaphore, #tpu.memory_space<semaphore_mem>>) src(%dma_wait3A_777 : memref<10000x128xf32, #tpu.memory_space<hbm>>) dst(%dma_wait3A_771 : memref<80x128xf32, #tpu.memory_space<vmem>>)
      %get3A_778 = arith.constant 3 : i32
      %get3A_779 = arith.index_cast %get3A_778 : i32 to index
      %get3A_780 = arith.constant 0 : index
      %get3A_781 = tpu.vector_load %arg6[%get3A_779, %get3A_780] {strides = array<i32>} : memref<5x80xi32, #tpu.memory_space<vmem>>, vector<16xi32>,
      %get3A_782 = arith.constant 3 : i32
      %get3A_783 = arith.index_cast %get3A_782 : i32 to index
      %get3A_784 = arith.constant 0 : index
      %get3A_785 = tpu.vector_load %arg7[%get3A_783, %get3A_784] {strides = array<i32>} : memref<5x80xi32, #tpu.memory_space<vmem>>, vector<16xi32>,
      %gather3A_786 = tpu.vector_load_idx %arg12[%get3A_781] : memref<10240xf32, #tpu.memory_space<vmem>>[vector<16xi32>], vector<16xf32>,
      %gather3A_787 = tpu.vector_load_idx %arg12[%get3A_785] : memref<10240xf32, #tpu.memory_space<vmem>>[vector<16xi32>], vector<16xf32>,
      %add3A_788 = arith.addf %gather3A_786, %gather3A_787 : vector<16xf32>
      %swap3A_789 = arith.constant 0 : i32
      %swap3A_790 = arith.index_cast %swap3A_789 : i32 to index
      %swap3A_791 = arith.constant 0 : index
      %swap3A_792 = tpu.vector_load %arg11[%swap3A_790, %swap3A_791] {strides = array<i32>} : memref<5x16xf32, #tpu.memory_space<vmem>>, vector<16xf32>,
      tpu.vector_store %arg11[%swap3A_790, %swap3A_791], %add3A_788 {strides = array<i32>} : memref<5x16xf32, #tpu.memory_space<vmem>>, vector<16xf32>,
      %get3A_793 = arith.constant 3 : i32
      %get3A_794 = arith.index_cast %get3A_793 : i32 to index
      %get3A_795 = arith.constant 16 : index
      %get3A_796 = tpu.vector_load %arg6[%get3A_794, %get3A_795] {strides = array<i32>} : memref<5x80xi32, #tpu.memory_space<vmem>>, vector<16xi32>,
      %get3A_797 = arith.constant 3 : i32
      %get3A_798 = arith.index_cast %get3A_797 : i32 to index
      %get3A_799 = arith.constant 16 : index
      %get3A_800 = tpu.vector_load %arg7[%get3A_798, %get3A_799] {strides = array<i32>} : memref<5x80xi32, #tpu.memory_space<vmem>>, vector<16xi32>,
      %gather3A_801 = tpu.vector_load_idx %arg12[%get3A_796] : memref<10240xf32, #tpu.memory_space<vmem>>[vector<16xi32>], vector<16xf32>,
      %gather3A_802 = tpu.vector_load_idx %arg12[%get3A_800] : memref<10240xf32, #tpu.memory_space<vmem>>[vector<16xi32>], vector<16xf32>,
      %add3A_803 = arith.addf %gather3A_801, %gather3A_802 : vector<16xf32>
      %swap3A_804 = arith.constant 1 : i32
      %swap3A_805 = arith.index_cast %swap3A_804 : i32 to index
      %swap3A_806 = arith.constant 0 : index
      %swap3A_807 = tpu.vector_load %arg11[%swap3A_805, %swap3A_806] {strides = array<i32>} : memref<5x16xf32, #tpu.memory_space<vmem>>, vector<16xf32>,
      tpu.vector_store %arg11[%swap3A_805, %swap3A_806], %add3A_803 {strides = array<i32>} : memref<5x16xf32, #tpu.memory_space<vmem>>, vector<16xf32>,
      %get3A_808 = arith.constant 3 : i32
      %get3A_809 = arith.index_cast %get3A_808 : i32 to index
      %get3A_810 = arith.constant 32 : index
      %get3A_811 = tpu.vector_load %arg6[%get3A_809, %get3A_810] {strides = array<i32>} : memref<5x80xi32, #tpu.memory_space<vmem>>, vector<16xi32>,
      %get3A_812 = arith.constant 3 : i32
      %get3A_813 = arith.index_cast %get3A_812 : i32 to index
      %get3A_814 = arith.constant 32 : index
      %get3A_815 = tpu.vector_load %arg7[%get3A_813, %get3A_814] {strides = array<i32>} : memref<5x80xi32, #tpu.memory_space<vmem>>, vector<16xi32>,
      %gather3A_816 = tpu.vector_load_idx %arg12[%get3A_811] : memref<10240xf32, #tpu.memory_space<vmem>>[vector<16xi32>], vector<16xf32>,
      %gather3A_817 = tpu.vector_load_idx %arg12[%get3A_815] : memref<10240xf32, #tpu.memory_space<vmem>>[vector<16xi32>], vector<16xf32>,
      %add3A_818 = arith.addf %gather3A_816, %gather3A_817 : vector<16xf32>
      %swap3A_819 = arith.constant 2 : i32
      %swap3A_820 = arith.index_cast %swap3A_819 : i32 to index
      %swap3A_821 = arith.constant 0 : index
      %swap3A_822 = tpu.vector_load %arg11[%swap3A_820, %swap3A_821] {strides = array<i32>} : memref<5x16xf32, #tpu.memory_space<vmem>>, vector<16xf32>,
      tpu.vector_store %arg11[%swap3A_820, %swap3A_821], %add3A_818 {strides = array<i32>} : memref<5x16xf32, #tpu.memory_space<vmem>>, vector<16xf32>,
      %get3A_823 = arith.constant 3 : i32
      %get3A_824 = arith.index_cast %get3A_823 : i32 to index
      %get3A_825 = arith.constant 48 : index
      %get3A_826 = tpu.vector_load %arg6[%get3A_824, %get3A_825] {strides = array<i32>} : memref<5x80xi32, #tpu.memory_space<vmem>>, vector<16xi32>,
      %get3A_827 = arith.constant 3 : i32
      %get3A_828 = arith.index_cast %get3A_827 : i32 to index
      %get3A_829 = arith.constant 48 : index
      %get3A_830 = tpu.vector_load %arg7[%get3A_828, %get3A_829] {strides = array<i32>} : memref<5x80xi32, #tpu.memory_space<vmem>>, vector<16xi32>,
      %gather3A_831 = tpu.vector_load_idx %arg12[%get3A_826] : memref<10240xf32, #tpu.memory_space<vmem>>[vector<16xi32>], vector<16xf32>,
      %gather3A_832 = tpu.vector_load_idx %arg12[%get3A_830] : memref<10240xf32, #tpu.memory_space<vmem>>[vector<16xi32>], vector<16xf32>,
      %add3A_833 = arith.addf %gather3A_831, %gather3A_832 : vector<16xf32>
      %swap3A_834 = arith.constant 3 : i32
      %swap3A_835 = arith.index_cast %swap3A_834 : i32 to index
      %swap3A_836 = arith.constant 0 : index
      %swap3A_837 = tpu.vector_load %arg11[%swap3A_835, %swap3A_836] {strides = array<i32>} : memref<5x16xf32, #tpu.memory_space<vmem>>, vector<16xf32>,
      tpu.vector_store %arg11[%swap3A_835, %swap3A_836], %add3A_833 {strides = array<i32>} : memref<5x16xf32, #tpu.memory_space<vmem>>, vector<16xf32>,
      %get3A_838 = arith.constant 3 : i32
      %get3A_839 = arith.index_cast %get3A_838 : i32 to index
      %get3A_840 = arith.constant 64 : index
      %get3A_841 = tpu.vector_load %arg6[%get3A_839, %get3A_840] {strides = array<i32>} : memref<5x80xi32, #tpu.memory_space<vmem>>, vector<16xi32>,
      %get3A_842 = arith.constant 3 : i32
      %get3A_843 = arith.index_cast %get3A_842 : i32 to index
      %get3A_844 = arith.constant 64 : index
      %get3A_845 = tpu.vector_load %arg7[%get3A_843, %get3A_844] {strides = array<i32>} : memref<5x80xi32, #tpu.memory_space<vmem>>, vector<16xi32>,
      %gather3A_846 = tpu.vector_load_idx %arg12[%get3A_841] : memref<10240xf32, #tpu.memory_space<vmem>>[vector<16xi32>], vector<16xf32>,
      %gather3A_847 = tpu.vector_load_idx %arg12[%get3A_845] : memref<10240xf32, #tpu.memory_space<vmem>>[vector<16xi32>], vector<16xf32>,
      %add3A_848 = arith.addf %gather3A_846, %gather3A_847 : vector<16xf32>
      %swap3A_849 = arith.constant 4 : i32
      %swap3A_850 = arith.index_cast %swap3A_849 : i32 to index
      %swap3A_851 = arith.constant 0 : index
      %swap3A_852 = tpu.vector_load %arg11[%swap3A_850, %swap3A_851] {strides = array<i32>} : memref<5x16xf32, #tpu.memory_space<vmem>>, vector<16xf32>,
      tpu.vector_store %arg11[%swap3A_850, %swap3A_851], %add3A_848 {strides = array<i32>} : memref<5x16xf32, #tpu.memory_space<vmem>>, vector<16xf32>,
      %add3A_853 = arith.constant 5 : i32
      %add3A_854 = arith.addi %add3A_751, %add3A_853 : i32
      %lt3A_855 = arith.constant 125 : i32
      %lt3A_856 = arith.cmpi slt, %add3A_854, %lt3A_855 : i32
      %convert_element_type3A_857 = arith.extui %lt3A_856 : i1 to i32
      %cond3A_858 = arith.constant 0 : i32
      %cond3A_859 = arith.cmpi ne, %convert_element_type3A_857, %cond3A_858 : i32
      scf.if %cond3A_859 {
        %add3A_1018 = arith.constant 5 : i32
        %add3A_1019 = arith.addi %add3A_751, %add3A_1018 : i32
        %mul3A_1020 = arith.constant 80 : i32
        %mul3A_1021 = arith.muli %add3A_1019, %mul3A_1020 : i32
        %add3A_1022 = arith.addi %mul3A_2, %mul3A_1021 : i32
        %dma_start3A_1023 = arith.constant 3 : i32
        %dma_start3A_1024 = arith.constant 0 : i32
        %dma_start3A_1025 = tpu.memref_slice %arg6[%dma_start3A_1023, %dma_start3A_1024] : memref<5x80xi32, #tpu.memory_space<vmem>> -> memref<1x80xi32, #tpu.memory_space<vmem>>
        %dma_start3A_1026 = tpu.memref_squeeze %dma_start3A_1025 : memref<1x80xi32, #tpu.memory_space<vmem>> -> memref<80xi32, #tpu.memory_space<vmem>>
        %dma_start3A_1027 = tpu.memref_slice %arg3[%add3A_1022] : memref<320000xi32, #tpu.memory_space<hbm>> -> memref<80xi32, #tpu.memory_space<hbm>>
        %dma_start3A_1028 = arith.constant 0 : i32
        %dma_start3A_1029 = tpu.memref_slice %arg6[%dma_start3A_1023, %dma_start3A_1028] : memref<5x80xi32, #tpu.memory_space<vmem>> -> memref<1x80xi32, #tpu.memory_space<vmem>>
        %dma_start3A_1030 = tpu.memref_squeeze %dma_start3A_1029 : memref<1x80xi32, #tpu.memory_space<vmem>> -> memref<80xi32, #tpu.memory_space<vmem>>
        %dma_start3A_1031 = tpu.memref_slice %arg3[%add3A_1022] : memref<320000xi32, #tpu.memory_space<hbm>> -> memref<80xi32, #tpu.memory_space<hbm>>
        tpu.enqueue_dma source(%dma_start3A_1031 : memref<80xi32, #tpu.memory_space<hbm>>) target(%dma_start3A_1030 : memref<80xi32, #tpu.memory_space<vmem>>) target_semaphore(%arg28 : memref<!tpu.dma_semaphore, #tpu.memory_space<semaphore_mem>>)
        %dma_start3A_1032 = arith.constant 3 : i32
        %dma_start3A_1033 = arith.constant 0 : i32
        %dma_start3A_1034 = tpu.memref_slice %arg7[%dma_start3A_1032, %dma_start3A_1033] : memref<5x80xi32, #tpu.memory_space<vmem>> -> memref<1x80xi32, #tpu.memory_space<vmem>>
        %dma_start3A_1035 = tpu.memref_squeeze %dma_start3A_1034 : memref<1x80xi32, #tpu.memory_space<vmem>> -> memref<80xi32, #tpu.memory_space<vmem>>
        %dma_start3A_1036 = tpu.memref_slice %arg4[%add3A_1022] : memref<320000xi32, #tpu.memory_space<hbm>> -> memref<80xi32, #tpu.memory_space<hbm>>
        %dma_start3A_1037 = arith.constant 0 : i32
        %dma_start3A_1038 = tpu.memref_slice %arg7[%dma_start3A_1032, %dma_start3A_1037] : memref<5x80xi32, #tpu.memory_space<vmem>> -> memref<1x80xi32, #tpu.memory_space<vmem>>
        %dma_start3A_1039 = tpu.memref_squeeze %dma_start3A_1038 : memref<1x80xi32, #tpu.memory_space<vmem>> -> memref<80xi32, #tpu.memory_space<vmem>>
        %dma_start3A_1040 = tpu.memref_slice %arg4[%add3A_1022] : memref<320000xi32, #tpu.memory_space<hbm>> -> memref<80xi32, #tpu.memory_space<hbm>>
        tpu.enqueue_dma source(%dma_start3A_1040 : memref<80xi32, #tpu.memory_space<hbm>>) target(%dma_start3A_1039 : memref<80xi32, #tpu.memory_space<vmem>>) target_semaphore(%arg28 : memref<!tpu.dma_semaphore, #tpu.memory_space<semaphore_mem>>)
      } else {
      }
      %ge3A_860 = arith.constant 5 : i32
      %ge3A_861 = arith.cmpi sge, %add3A_751, %ge3A_860 : i32
      %convert_element_type3A_862 = arith.extui %ge3A_861 : i1 to i32
      %cond3A_863 = arith.constant 0 : i32
      %cond3A_864 = arith.cmpi ne, %convert_element_type3A_862, %cond3A_863 : i32
      scf.if %cond3A_864 {
        %sub3A = arith.constant 5 : i32
        %sub3A_1018 = arith.subi %add3A_751, %sub3A : i32
        %mul3A_1019 = arith.constant 80 : i32
        %mul3A_1020 = arith.muli %sub3A_1018, %mul3A_1019 : i32
        %add3A_1021 = arith.addi %mul3A_2, %mul3A_1020 : i32
        %dma_wait3A_1022 = arith.constant 3 : i32
        %dma_wait3A_1023 = arith.constant 0 : i32
        %dma_wait3A_1024 = tpu.memref_slice %arg9[%dma_wait3A_1022, %dma_wait3A_1023] : memref<5x80xf32, #tpu.memory_space<vmem>> -> memref<1x80xf32, #tpu.memory_space<vmem>>
        %dma_wait3A_1025 = tpu.memref_squeeze %dma_wait3A_1024 : memref<1x80xf32, #tpu.memory_space<vmem>> -> memref<80xf32, #tpu.memory_space<vmem>>
        %dma_wait3A_1026 = tpu.memref_slice %arg5[%add3A_1021] : memref<320000xf32, #tpu.memory_space<hbm>> -> memref<80xf32, #tpu.memory_space<hbm>>
        %dma_wait3A_1027 = tpu.memref_slice %arg5[%add3A_1021] : memref<320000xf32, #tpu.memory_space<hbm>> -> memref<80xf32, #tpu.memory_space<hbm>>
        %dma_wait3A_1028 = arith.constant 0 : i32
        %dma_wait3A_1029 = tpu.memref_slice %arg9[%dma_wait3A_1022, %dma_wait3A_1028] : memref<5x80xf32, #tpu.memory_space<vmem>> -> memref<1x80xf32, #tpu.memory_space<vmem>>
        %dma_wait3A_1030 = tpu.memref_squeeze %dma_wait3A_1029 : memref<1x80xf32, #tpu.memory_space<vmem>> -> memref<80xf32, #tpu.memory_space<vmem>>
        tpu.wait_dma2 semaphore(%arg23 : memref<!tpu.dma_semaphore, #tpu.memory_space<semaphore_mem>>) src(%dma_wait3A_1030 : memref<80xf32, #tpu.memory_space<vmem>>) dst(%dma_wait3A_1027 : memref<80xf32, #tpu.memory_space<hbm>>)
      } else {
      }
      %parallel_loop3A_865 = arith.constant 0 : i32
      %parallel_loop3A_866 = arith.constant 80 : i32
      %parallel_loop3A_867 = arith.constant 1 : i32
      scf.for %parallel_loop3A_1018 = %parallel_loop3A_865 to %parallel_loop3A_866 step %parallel_loop3A_867  : i32 {
        %parallel_loop3A_1019 = arith.constant 4 : i32
        %parallel_loop3A_1020 = arith.shrsi %parallel_loop3A_1018, %parallel_loop3A_1019 : i32
        %parallel_loop3A_1021 = arith.constant 15 : i32
        %parallel_loop3A_1022 = arith.andi %parallel_loop3A_1018, %parallel_loop3A_1021 : i32
        %parallel_loop3A_1023 = arith.constant 3 : i32
        %parallel_loop3A_1024 = arith.index_cast %parallel_loop3A_1023 : i32 to index
        %parallel_loop3A_1025 = arith.index_cast %parallel_loop3A_1018 : i32 to index
        %parallel_loop3A_1026 = arith.constant 0 : index
        %parallel_loop3A_1027 = tpu.vector_load %arg8[%parallel_loop3A_1024, %parallel_loop3A_1025, %parallel_loop3A_1026] {strides = array<i32>} : memref<5x80x128xf32, #tpu.memory_space<vmem>>, vector<16xf32>,
        %parallel_loop3A_1028 = arith.mulf %parallel_loop3A_1027, %parallel_loop3A_1027 : vector<16xf32>
        %parallel_loop3A_1029 = arith.constant 3 : i32
        %parallel_loop3A_1030 = arith.index_cast %parallel_loop3A_1029 : i32 to index
        %parallel_loop3A_1031 = arith.index_cast %parallel_loop3A_1018 : i32 to index
        %parallel_loop3A_1032 = arith.constant 16 : index
        %parallel_loop3A_1033 = tpu.vector_load %arg8[%parallel_loop3A_1030, %parallel_loop3A_1031, %parallel_loop3A_1032] {strides = array<i32>} : memref<5x80x128xf32, #tpu.memory_space<vmem>>, vector<16xf32>,
        %parallel_loop3A_1034 = arith.mulf %parallel_loop3A_1033, %parallel_loop3A_1033 : vector<16xf32>
        %parallel_loop3A_1035 = arith.constant 3 : i32
        %parallel_loop3A_1036 = arith.index_cast %parallel_loop3A_1035 : i32 to index
        %parallel_loop3A_1037 = arith.index_cast %parallel_loop3A_1018 : i32 to index
        %parallel_loop3A_1038 = arith.constant 32 : index
        %parallel_loop3A_1039 = tpu.vector_load %arg8[%parallel_loop3A_1036, %parallel_loop3A_1037, %parallel_loop3A_1038] {strides = array<i32>} : memref<5x80x128xf32, #tpu.memory_space<vmem>>, vector<16xf32>,
        %parallel_loop3A_1040 = arith.mulf %parallel_loop3A_1039, %parallel_loop3A_1039 : vector<16xf32>
        %parallel_loop3A_1041 = arith.constant 3 : i32
        %parallel_loop3A_1042 = arith.index_cast %parallel_loop3A_1041 : i32 to index
        %parallel_loop3A_1043 = arith.index_cast %parallel_loop3A_1018 : i32 to index
        %parallel_loop3A_1044 = arith.constant 48 : index
        %parallel_loop3A_1045 = tpu.vector_load %arg8[%parallel_loop3A_1042, %parallel_loop3A_1043, %parallel_loop3A_1044] {strides = array<i32>} : memref<5x80x128xf32, #tpu.memory_space<vmem>>, vector<16xf32>,
        %parallel_loop3A_1046 = arith.mulf %parallel_loop3A_1045, %parallel_loop3A_1045 : vector<16xf32>
        %parallel_loop3A_1047 = arith.constant 3 : i32
        %parallel_loop3A_1048 = arith.index_cast %parallel_loop3A_1047 : i32 to index
        %parallel_loop3A_1049 = arith.index_cast %parallel_loop3A_1018 : i32 to index
        %parallel_loop3A_1050 = arith.constant 64 : index
        %parallel_loop3A_1051 = tpu.vector_load %arg8[%parallel_loop3A_1048, %parallel_loop3A_1049, %parallel_loop3A_1050] {strides = array<i32>} : memref<5x80x128xf32, #tpu.memory_space<vmem>>, vector<16xf32>,
        %parallel_loop3A_1052 = arith.mulf %parallel_loop3A_1051, %parallel_loop3A_1051 : vector<16xf32>
        %parallel_loop3A_1053 = arith.constant 3 : i32
        %parallel_loop3A_1054 = arith.index_cast %parallel_loop3A_1053 : i32 to index
        %parallel_loop3A_1055 = arith.index_cast %parallel_loop3A_1018 : i32 to index
        %parallel_loop3A_1056 = arith.constant 80 : index
        %parallel_loop3A_1057 = tpu.vector_load %arg8[%parallel_loop3A_1054, %parallel_loop3A_1055, %parallel_loop3A_1056] {strides = array<i32>} : memref<5x80x128xf32, #tpu.memory_space<vmem>>, vector<16xf32>,
        %parallel_loop3A_1058 = arith.mulf %parallel_loop3A_1057, %parallel_loop3A_1057 : vector<16xf32>
        %parallel_loop3A_1059 = arith.constant 3 : i32
        %parallel_loop3A_1060 = arith.index_cast %parallel_loop3A_1059 : i32 to index
        %parallel_loop3A_1061 = arith.index_cast %parallel_loop3A_1018 : i32 to index
        %parallel_loop3A_1062 = arith.constant 96 : index
        %parallel_loop3A_1063 = tpu.vector_load %arg8[%parallel_loop3A_1060, %parallel_loop3A_1061, %parallel_loop3A_1062] {strides = array<i32>} : memref<5x80x128xf32, #tpu.memory_space<vmem>>, vector<16xf32>,
        %parallel_loop3A_1064 = arith.mulf %parallel_loop3A_1063, %parallel_loop3A_1063 : vector<16xf32>
        %parallel_loop3A_1065 = arith.constant 3 : i32
        %parallel_loop3A_1066 = arith.index_cast %parallel_loop3A_1065 : i32 to index
        %parallel_loop3A_1067 = arith.index_cast %parallel_loop3A_1018 : i32 to index
        %parallel_loop3A_1068 = arith.constant 112 : index
        %parallel_loop3A_1069 = tpu.vector_load %arg8[%parallel_loop3A_1066, %parallel_loop3A_1067, %parallel_loop3A_1068] {strides = array<i32>} : memref<5x80x128xf32, #tpu.memory_space<vmem>>, vector<16xf32>,
        %parallel_loop3A_1070 = arith.mulf %parallel_loop3A_1069, %parallel_loop3A_1069 : vector<16xf32>
        %parallel_loop3A_1071 = arith.addf %parallel_loop3A_1028, %parallel_loop3A_1034 : vector<16xf32>
        %parallel_loop3A_1072 = arith.addf %parallel_loop3A_1040, %parallel_loop3A_1046 : vector<16xf32>
        %parallel_loop3A_1073 = arith.addf %parallel_loop3A_1052, %parallel_loop3A_1058 : vector<16xf32>
        %parallel_loop3A_1074 = arith.addf %parallel_loop3A_1064, %parallel_loop3A_1070 : vector<16xf32>
        %parallel_loop3A_1075 = arith.addf %parallel_loop3A_1071, %parallel_loop3A_1072 : vector<16xf32>
        %parallel_loop3A_1076 = arith.addf %parallel_loop3A_1073, %parallel_loop3A_1074 : vector<16xf32>
        %parallel_loop3A_1077 = arith.addf %parallel_loop3A_1075, %parallel_loop3A_1076 : vector<16xf32>
        %parallel_loop3A_1078 = arith.index_cast %parallel_loop3A_1020 : i32 to index
        %parallel_loop3A_1079 = arith.index_cast %parallel_loop3A_1022 : i32 to index
        %parallel_loop3A_1080 = arith.constant 0 : index
        %parallel_loop3A_1081 = tpu.vector_load %arg10[%parallel_loop3A_1078, %parallel_loop3A_1079, %parallel_loop3A_1080] {strides = array<i32>} : memref<5x16x17xf32, #tpu.memory_space<vmem>>, vector<16xf32>,
        tpu.vector_store %arg10[%parallel_loop3A_1078, %parallel_loop3A_1079, %parallel_loop3A_1080], %parallel_loop3A_1077 {strides = array<i32>} : memref<5x16x17xf32, #tpu.memory_space<vmem>>, vector<16xf32>,
      } {sc.loop_unroll_factor = 4 : i64, sc.parallel_access}
      %parallel_loop3A_868 = arith.constant 0 : i32
      %parallel_loop3A_869 = arith.constant 5 : i32
      %parallel_loop3A_870 = arith.constant 1 : i32
      scf.for %parallel_loop3A_1018 = %parallel_loop3A_868 to %parallel_loop3A_869 step %parallel_loop3A_870  : i32 {
        %parallel_loop3A_1019 = vector.broadcast %parallel_loop3A_1018 : i32 to vector<16xi32>
        %parallel_loop3A_1020 = arith.constant 0 : i32
        %parallel_loop3A_1021 = vector.broadcast %parallel_loop3A_1020 : i32 to vector<16xi32>
        %parallel_loop3A_1022 = tpu.vector_load_idx %arg10[%parallel_loop3A_1019, %iota3A, %parallel_loop3A_1021] : memref<5x16x17xf32, #tpu.memory_space<vmem>>[vector<16xi32>, vector<16xi32>, vector<16xi32>], vector<16xf32>,
        %parallel_loop3A_1023 = arith.constant 1 : i32
        %parallel_loop3A_1024 = vector.broadcast %parallel_loop3A_1023 : i32 to vector<16xi32>
        %parallel_loop3A_1025 = tpu.vector_load_idx %arg10[%parallel_loop3A_1019, %iota3A, %parallel_loop3A_1024] : memref<5x16x17xf32, #tpu.memory_space<vmem>>[vector<16xi32>, vector<16xi32>, vector<16xi32>], vector<16xf32>,
        %parallel_loop3A_1026 = arith.constant 2 : i32
        %parallel_loop3A_1027 = vector.broadcast %parallel_loop3A_1026 : i32 to vector<16xi32>
        %parallel_loop3A_1028 = tpu.vector_load_idx %arg10[%parallel_loop3A_1019, %iota3A, %parallel_loop3A_1027] : memref<5x16x17xf32, #tpu.memory_space<vmem>>[vector<16xi32>, vector<16xi32>, vector<16xi32>], vector<16xf32>,
        %parallel_loop3A_1029 = arith.constant 3 : i32
        %parallel_loop3A_1030 = vector.broadcast %parallel_loop3A_1029 : i32 to vector<16xi32>
        %parallel_loop3A_1031 = tpu.vector_load_idx %arg10[%parallel_loop3A_1019, %iota3A, %parallel_loop3A_1030] : memref<5x16x17xf32, #tpu.memory_space<vmem>>[vector<16xi32>, vector<16xi32>, vector<16xi32>], vector<16xf32>,
        %parallel_loop3A_1032 = arith.constant 4 : i32
        %parallel_loop3A_1033 = vector.broadcast %parallel_loop3A_1032 : i32 to vector<16xi32>
        %parallel_loop3A_1034 = tpu.vector_load_idx %arg10[%parallel_loop3A_1019, %iota3A, %parallel_loop3A_1033] : memref<5x16x17xf32, #tpu.memory_space<vmem>>[vector<16xi32>, vector<16xi32>, vector<16xi32>], vector<16xf32>,
        %parallel_loop3A_1035 = arith.constant 5 : i32
        %parallel_loop3A_1036 = vector.broadcast %parallel_loop3A_1035 : i32 to vector<16xi32>
        %parallel_loop3A_1037 = tpu.vector_load_idx %arg10[%parallel_loop3A_1019, %iota3A, %parallel_loop3A_1036] : memref<5x16x17xf32, #tpu.memory_space<vmem>>[vector<16xi32>, vector<16xi32>, vector<16xi32>], vector<16xf32>,
        %parallel_loop3A_1038 = arith.constant 6 : i32
        %parallel_loop3A_1039 = vector.broadcast %parallel_loop3A_1038 : i32 to vector<16xi32>
        %parallel_loop3A_1040 = tpu.vector_load_idx %arg10[%parallel_loop3A_1019, %iota3A, %parallel_loop3A_1039] : memref<5x16x17xf32, #tpu.memory_space<vmem>>[vector<16xi32>, vector<16xi32>, vector<16xi32>], vector<16xf32>,
        %parallel_loop3A_1041 = arith.constant 7 : i32
        %parallel_loop3A_1042 = vector.broadcast %parallel_loop3A_1041 : i32 to vector<16xi32>
        %parallel_loop3A_1043 = tpu.vector_load_idx %arg10[%parallel_loop3A_1019, %iota3A, %parallel_loop3A_1042] : memref<5x16x17xf32, #tpu.memory_space<vmem>>[vector<16xi32>, vector<16xi32>, vector<16xi32>], vector<16xf32>,
        %parallel_loop3A_1044 = arith.constant 8 : i32
        %parallel_loop3A_1045 = vector.broadcast %parallel_loop3A_1044 : i32 to vector<16xi32>
        %parallel_loop3A_1046 = tpu.vector_load_idx %arg10[%parallel_loop3A_1019, %iota3A, %parallel_loop3A_1045] : memref<5x16x17xf32, #tpu.memory_space<vmem>>[vector<16xi32>, vector<16xi32>, vector<16xi32>], vector<16xf32>,
        %parallel_loop3A_1047 = arith.constant 9 : i32
        %parallel_loop3A_1048 = vector.broadcast %parallel_loop3A_1047 : i32 to vector<16xi32>
        %parallel_loop3A_1049 = tpu.vector_load_idx %arg10[%parallel_loop3A_1019, %iota3A, %parallel_loop3A_1048] : memref<5x16x17xf32, #tpu.memory_space<vmem>>[vector<16xi32>, vector<16xi32>, vector<16xi32>], vector<16xf32>,
        %parallel_loop3A_1050 = arith.constant 10 : i32
        %parallel_loop3A_1051 = vector.broadcast %parallel_loop3A_1050 : i32 to vector<16xi32>
        %parallel_loop3A_1052 = tpu.vector_load_idx %arg10[%parallel_loop3A_1019, %iota3A, %parallel_loop3A_1051] : memref<5x16x17xf32, #tpu.memory_space<vmem>>[vector<16xi32>, vector<16xi32>, vector<16xi32>], vector<16xf32>,
        %parallel_loop3A_1053 = arith.constant 11 : i32
        %parallel_loop3A_1054 = vector.broadcast %parallel_loop3A_1053 : i32 to vector<16xi32>
        %parallel_loop3A_1055 = tpu.vector_load_idx %arg10[%parallel_loop3A_1019, %iota3A, %parallel_loop3A_1054] : memref<5x16x17xf32, #tpu.memory_space<vmem>>[vector<16xi32>, vector<16xi32>, vector<16xi32>], vector<16xf32>,
        %parallel_loop3A_1056 = arith.constant 12 : i32
        %parallel_loop3A_1057 = vector.broadcast %parallel_loop3A_1056 : i32 to vector<16xi32>
        %parallel_loop3A_1058 = tpu.vector_load_idx %arg10[%parallel_loop3A_1019, %iota3A, %parallel_loop3A_1057] : memref<5x16x17xf32, #tpu.memory_space<vmem>>[vector<16xi32>, vector<16xi32>, vector<16xi32>], vector<16xf32>,
        %parallel_loop3A_1059 = arith.constant 13 : i32
        %parallel_loop3A_1060 = vector.broadcast %parallel_loop3A_1059 : i32 to vector<16xi32>
        %parallel_loop3A_1061 = tpu.vector_load_idx %arg10[%parallel_loop3A_1019, %iota3A, %parallel_loop3A_1060] : memref<5x16x17xf32, #tpu.memory_space<vmem>>[vector<16xi32>, vector<16xi32>, vector<16xi32>], vector<16xf32>,
        %parallel_loop3A_1062 = arith.constant 14 : i32
        %parallel_loop3A_1063 = vector.broadcast %parallel_loop3A_1062 : i32 to vector<16xi32>
        %parallel_loop3A_1064 = tpu.vector_load_idx %arg10[%parallel_loop3A_1019, %iota3A, %parallel_loop3A_1063] : memref<5x16x17xf32, #tpu.memory_space<vmem>>[vector<16xi32>, vector<16xi32>, vector<16xi32>], vector<16xf32>,
        %parallel_loop3A_1065 = arith.constant 15 : i32
        %parallel_loop3A_1066 = vector.broadcast %parallel_loop3A_1065 : i32 to vector<16xi32>
        %parallel_loop3A_1067 = tpu.vector_load_idx %arg10[%parallel_loop3A_1019, %iota3A, %parallel_loop3A_1066] : memref<5x16x17xf32, #tpu.memory_space<vmem>>[vector<16xi32>, vector<16xi32>, vector<16xi32>], vector<16xf32>,
        %parallel_loop3A_1068 = arith.addf %parallel_loop3A_1022, %parallel_loop3A_1025 : vector<16xf32>
        %parallel_loop3A_1069 = arith.addf %parallel_loop3A_1028, %parallel_loop3A_1031 : vector<16xf32>
        %parallel_loop3A_1070 = arith.addf %parallel_loop3A_1034, %parallel_loop3A_1037 : vector<16xf32>
        %parallel_loop3A_1071 = arith.addf %parallel_loop3A_1040, %parallel_loop3A_1043 : vector<16xf32>
        %parallel_loop3A_1072 = arith.addf %parallel_loop3A_1046, %parallel_loop3A_1049 : vector<16xf32>
        %parallel_loop3A_1073 = arith.addf %parallel_loop3A_1052, %parallel_loop3A_1055 : vector<16xf32>
        %parallel_loop3A_1074 = arith.addf %parallel_loop3A_1058, %parallel_loop3A_1061 : vector<16xf32>
        %parallel_loop3A_1075 = arith.addf %parallel_loop3A_1064, %parallel_loop3A_1067 : vector<16xf32>
        %parallel_loop3A_1076 = arith.addf %parallel_loop3A_1068, %parallel_loop3A_1069 : vector<16xf32>
        %parallel_loop3A_1077 = arith.addf %parallel_loop3A_1070, %parallel_loop3A_1071 : vector<16xf32>
        %parallel_loop3A_1078 = arith.addf %parallel_loop3A_1072, %parallel_loop3A_1073 : vector<16xf32>
        %parallel_loop3A_1079 = arith.addf %parallel_loop3A_1074, %parallel_loop3A_1075 : vector<16xf32>
        %parallel_loop3A_1080 = arith.addf %parallel_loop3A_1076, %parallel_loop3A_1077 : vector<16xf32>
        %parallel_loop3A_1081 = arith.addf %parallel_loop3A_1078, %parallel_loop3A_1079 : vector<16xf32>
        %parallel_loop3A_1082 = arith.addf %parallel_loop3A_1080, %parallel_loop3A_1081 : vector<16xf32>
        %parallel_loop3A_1083 = arith.constant 5.000000e-01 : f32
        %parallel_loop3A_1084 = vector.broadcast %parallel_loop3A_1083 : f32 to vector<16xf32>
        %parallel_loop3A_1085 = arith.mulf %parallel_loop3A_1084, %parallel_loop3A_1082 : vector<16xf32>
        %parallel_loop3A_1086 = arith.index_cast %parallel_loop3A_1018 : i32 to index
        %parallel_loop3A_1087 = arith.constant 0 : index
        %parallel_loop3A_1088 = tpu.vector_load %arg11[%parallel_loop3A_1086, %parallel_loop3A_1087] {strides = array<i32>} : memref<5x16xf32, #tpu.memory_space<vmem>>, vector<16xf32>,
        %parallel_loop3A_1089 = arith.subf %parallel_loop3A_1085, %parallel_loop3A_1088 : vector<16xf32>
        %parallel_loop3A_1090 = arith.constant 16 : i32
        %parallel_loop3A_1091 = arith.muli %parallel_loop3A_1018, %parallel_loop3A_1090 : i32
        %parallel_loop3A_1092 = arith.constant 3 : i32
        %parallel_loop3A_1093 = arith.index_cast %parallel_loop3A_1092 : i32 to index
        %parallel_loop3A_1094 = arith.index_cast %parallel_loop3A_1091 : i32 to index
        %parallel_loop3A_1095 = tpu.vector_load %arg9[%parallel_loop3A_1093, %parallel_loop3A_1094] {strides = array<i32>} : memref<5x80xf32, #tpu.memory_space<vmem>>, vector<16xf32>,
        tpu.vector_store %arg9[%parallel_loop3A_1093, %parallel_loop3A_1094], %parallel_loop3A_1089 {strides = array<i32>} : memref<5x80xf32, #tpu.memory_space<vmem>>, vector<16xf32>,
      } {sc.loop_unroll_factor = 1 : i64, sc.parallel_access}
      %mul3A_871 = arith.constant 80 : i32
      %mul3A_872 = arith.muli %add3A_751, %mul3A_871 : i32
      %add3A_873 = arith.addi %mul3A_2, %mul3A_872 : i32
      %dma_start3A_874 = arith.constant 3 : i32
      %dma_start3A_875 = arith.constant 0 : i32
      %dma_start3A_876 = tpu.memref_slice %arg9[%dma_start3A_874, %dma_start3A_875] : memref<5x80xf32, #tpu.memory_space<vmem>> -> memref<1x80xf32, #tpu.memory_space<vmem>>
      %dma_start3A_877 = tpu.memref_squeeze %dma_start3A_876 : memref<1x80xf32, #tpu.memory_space<vmem>> -> memref<80xf32, #tpu.memory_space<vmem>>
      %dma_start3A_878 = tpu.memref_slice %arg5[%add3A_873] : memref<320000xf32, #tpu.memory_space<hbm>> -> memref<80xf32, #tpu.memory_space<hbm>>
      %dma_start3A_879 = tpu.memref_slice %arg5[%add3A_873] : memref<320000xf32, #tpu.memory_space<hbm>> -> memref<80xf32, #tpu.memory_space<hbm>>
      %dma_start3A_880 = arith.constant 0 : i32
      %dma_start3A_881 = tpu.memref_slice %arg9[%dma_start3A_874, %dma_start3A_880] : memref<5x80xf32, #tpu.memory_space<vmem>> -> memref<1x80xf32, #tpu.memory_space<vmem>>
      %dma_start3A_882 = tpu.memref_squeeze %dma_start3A_881 : memref<1x80xf32, #tpu.memory_space<vmem>> -> memref<80xf32, #tpu.memory_space<vmem>>
      tpu.enqueue_dma source(%dma_start3A_882 : memref<80xf32, #tpu.memory_space<vmem>>) target(%dma_start3A_879 : memref<80xf32, #tpu.memory_space<hbm>>) target_semaphore(%arg23 : memref<!tpu.dma_semaphore, #tpu.memory_space<semaphore_mem>>)
      %mul3A_883 = arith.constant 5 : i32
      %mul3A_884 = arith.muli %scan3A_350, %mul3A_883 : i32
      %add3A_885 = arith.constant 4 : i32
      %add3A_886 = arith.addi %mul3A_884, %add3A_885 : i32
      %add3A_887 = arith.constant 4 : i32
      %add3A_888 = arith.addi %add3A_886, %add3A_887 : i32
      %lt3A_889 = arith.constant 125 : i32
      %lt3A_890 = arith.cmpi slt, %add3A_888, %lt3A_889 : i32
      %convert_element_type3A_891 = arith.extui %lt3A_890 : i1 to i32
      %cond3A_892 = arith.constant 0 : i32
      %cond3A_893 = arith.cmpi ne, %convert_element_type3A_891, %cond3A_892 : i32
      scf.if %cond3A_893 {
        %add3A_1018 = arith.constant 4 : i32
        %add3A_1019 = arith.addi %add3A_886, %add3A_1018 : i32
        %mul3A_1020 = arith.constant 80 : i32
        %mul3A_1021 = arith.muli %add3A_1019, %mul3A_1020 : i32
        %add3A_1022 = arith.addi %mul3A_2, %mul3A_1021 : i32
        %dma_wait3A_1023 = arith.constant 3 : i32
        %dma_wait3A_1024 = arith.constant 0 : i32
        %dma_wait3A_1025 = tpu.memref_slice %arg6[%dma_wait3A_1023, %dma_wait3A_1024] : memref<5x80xi32, #tpu.memory_space<vmem>> -> memref<1x80xi32, #tpu.memory_space<vmem>>
        %dma_wait3A_1026 = tpu.memref_squeeze %dma_wait3A_1025 : memref<1x80xi32, #tpu.memory_space<vmem>> -> memref<80xi32, #tpu.memory_space<vmem>>
        %dma_wait3A_1027 = tpu.memref_slice %arg3[%add3A_1022] : memref<320000xi32, #tpu.memory_space<hbm>> -> memref<80xi32, #tpu.memory_space<hbm>>
        %dma_wait3A_1028 = arith.constant 0 : i32
        %dma_wait3A_1029 = tpu.memref_slice %arg6[%dma_wait3A_1023, %dma_wait3A_1028] : memref<5x80xi32, #tpu.memory_space<vmem>> -> memref<1x80xi32, #tpu.memory_space<vmem>>
        %dma_wait3A_1030 = tpu.memref_squeeze %dma_wait3A_1029 : memref<1x80xi32, #tpu.memory_space<vmem>> -> memref<80xi32, #tpu.memory_space<vmem>>
        %dma_wait3A_1031 = tpu.memref_slice %arg3[%add3A_1022] : memref<320000xi32, #tpu.memory_space<hbm>> -> memref<80xi32, #tpu.memory_space<hbm>>
        tpu.wait_dma2 semaphore(%arg28 : memref<!tpu.dma_semaphore, #tpu.memory_space<semaphore_mem>>) src(%dma_wait3A_1031 : memref<80xi32, #tpu.memory_space<hbm>>) dst(%dma_wait3A_1030 : memref<80xi32, #tpu.memory_space<vmem>>)
        %dma_wait3A_1032 = arith.constant 3 : i32
        %dma_wait3A_1033 = arith.constant 0 : i32
        %dma_wait3A_1034 = tpu.memref_slice %arg7[%dma_wait3A_1032, %dma_wait3A_1033] : memref<5x80xi32, #tpu.memory_space<vmem>> -> memref<1x80xi32, #tpu.memory_space<vmem>>
        %dma_wait3A_1035 = tpu.memref_squeeze %dma_wait3A_1034 : memref<1x80xi32, #tpu.memory_space<vmem>> -> memref<80xi32, #tpu.memory_space<vmem>>
        %dma_wait3A_1036 = tpu.memref_slice %arg4[%add3A_1022] : memref<320000xi32, #tpu.memory_space<hbm>> -> memref<80xi32, #tpu.memory_space<hbm>>
        %dma_wait3A_1037 = arith.constant 0 : i32
        %dma_wait3A_1038 = tpu.memref_slice %arg7[%dma_wait3A_1032, %dma_wait3A_1037] : memref<5x80xi32, #tpu.memory_space<vmem>> -> memref<1x80xi32, #tpu.memory_space<vmem>>
        %dma_wait3A_1039 = tpu.memref_squeeze %dma_wait3A_1038 : memref<1x80xi32, #tpu.memory_space<vmem>> -> memref<80xi32, #tpu.memory_space<vmem>>
        %dma_wait3A_1040 = tpu.memref_slice %arg4[%add3A_1022] : memref<320000xi32, #tpu.memory_space<hbm>> -> memref<80xi32, #tpu.memory_space<hbm>>
        tpu.wait_dma2 semaphore(%arg28 : memref<!tpu.dma_semaphore, #tpu.memory_space<semaphore_mem>>) src(%dma_wait3A_1040 : memref<80xi32, #tpu.memory_space<hbm>>) dst(%dma_wait3A_1039 : memref<80xi32, #tpu.memory_space<vmem>>)
        %dma_start3A_1041 = arith.constant 3 : i32
        %dma_start3A_1042 = arith.constant 3 : i32
        %dma_start3A_1043 = arith.constant 0 : i32
        %dma_start3A_1044 = arith.constant 0 : i32
        %dma_start3A_1045 = tpu.memref_slice %arg8[%dma_start3A_1042, %dma_start3A_1043, %dma_start3A_1044] : memref<5x80x128xf32, #tpu.memory_space<vmem>> -> memref<1x80x128xf32, #tpu.memory_space<vmem>>
        %dma_start3A_1046 = tpu.memref_squeeze %dma_start3A_1045 : memref<1x80x128xf32, #tpu.memory_space<vmem>> -> memref<80x128xf32, #tpu.memory_space<vmem>>
        %dma_start3A_1047 = arith.constant 0 : i32
        %dma_start3A_1048 = tpu.memref_slice %arg6[%dma_start3A_1041, %dma_start3A_1047] : memref<5x80xi32, #tpu.memory_space<vmem>> -> memref<1x80xi32, #tpu.memory_space<vmem>>
        %dma_start3A_1049 = tpu.memref_squeeze %dma_start3A_1048 : memref<1x80xi32, #tpu.memory_space<vmem>> -> memref<80xi32, #tpu.memory_space<vmem>>
        %dma_start3A_1050 = arith.constant 0 : i32
        %dma_start3A_1051 = arith.constant 0 : i32
        %dma_start3A_1052 = tpu.memref_slice %arg2[%dma_start3A_1050, %dma_start3A_1051] : memref<10000x128xf32, #tpu.memory_space<hbm>> -> memref<10000x128xf32, #tpu.memory_space<hbm>>
        tpu.enqueue_indirect_dma source(%dma_start3A_1052 : memref<10000x128xf32, #tpu.memory_space<hbm>>) target(%dma_start3A_1046 : memref<80x128xf32, #tpu.memory_space<vmem>>) offsets(%dma_start3A_1049 : memref<80xi32, #tpu.memory_space<vmem>>) semaphore(%arg18 : memref<!tpu.dma_semaphore, #tpu.memory_space<semaphore_mem>>)
      } else {
      }
      %add3A_894 = arith.constant 2 : i32
      %add3A_895 = arith.addi %add3A_886, %add3A_894 : i32
      %lt3A_896 = arith.constant 125 : i32
      %lt3A_897 = arith.cmpi slt, %add3A_895, %lt3A_896 : i32
      %convert_element_type3A_898 = arith.extui %lt3A_897 : i1 to i32
      %cond3A_899 = arith.constant 0 : i32
      %cond3A_900 = arith.cmpi ne, %convert_element_type3A_898, %cond3A_899 : i32
      scf.if %cond3A_900 {
        %dma_wait3A_1018 = arith.constant 1 : i32
        %dma_wait3A_1019 = arith.constant 1 : i32
        %dma_wait3A_1020 = arith.constant 0 : i32
        %dma_wait3A_1021 = arith.constant 0 : i32
        %dma_wait3A_1022 = tpu.memref_slice %arg8[%dma_wait3A_1019, %dma_wait3A_1020, %dma_wait3A_1021] : memref<5x80x128xf32, #tpu.memory_space<vmem>> -> memref<1x80x128xf32, #tpu.memory_space<vmem>>
        %dma_wait3A_1023 = tpu.memref_squeeze %dma_wait3A_1022 : memref<1x80x128xf32, #tpu.memory_space<vmem>> -> memref<80x128xf32, #tpu.memory_space<vmem>>
        %dma_wait3A_1024 = arith.constant 0 : i32
        %dma_wait3A_1025 = tpu.memref_slice %arg6[%dma_wait3A_1018, %dma_wait3A_1024] : memref<5x80xi32, #tpu.memory_space<vmem>> -> memref<1x80xi32, #tpu.memory_space<vmem>>
        %dma_wait3A_1026 = tpu.memref_squeeze %dma_wait3A_1025 : memref<1x80xi32, #tpu.memory_space<vmem>> -> memref<80xi32, #tpu.memory_space<vmem>>
        %dma_wait3A_1027 = arith.constant 0 : i32
        %dma_wait3A_1028 = arith.constant 0 : i32
        %dma_wait3A_1029 = tpu.memref_slice %arg2[%dma_wait3A_1027, %dma_wait3A_1028] : memref<10000x128xf32, #tpu.memory_space<hbm>> -> memref<10000x128xf32, #tpu.memory_space<hbm>>
        tpu.wait_indirect_dma semaphore(%arg16 : memref<!tpu.dma_semaphore, #tpu.memory_space<semaphore_mem>>) src(%dma_wait3A_1029 : memref<10000x128xf32, #tpu.memory_space<hbm>>) dst(%dma_wait3A_1023 : memref<80x128xf32, #tpu.memory_space<vmem>>)
        %dma_start3A_1030 = arith.constant 1 : i32
        %dma_start3A_1031 = arith.constant 1 : i32
        %dma_start3A_1032 = arith.constant 0 : i32
        %dma_start3A_1033 = arith.constant 0 : i32
        %dma_start3A_1034 = tpu.memref_slice %arg8[%dma_start3A_1031, %dma_start3A_1032, %dma_start3A_1033] : memref<5x80x128xf32, #tpu.memory_space<vmem>> -> memref<1x80x128xf32, #tpu.memory_space<vmem>>
        %dma_start3A_1035 = tpu.memref_squeeze %dma_start3A_1034 : memref<1x80x128xf32, #tpu.memory_space<vmem>> -> memref<80x128xf32, #tpu.memory_space<vmem>>
        %dma_start3A_1036 = arith.constant 0 : i32
        %dma_start3A_1037 = tpu.memref_slice %arg7[%dma_start3A_1030, %dma_start3A_1036] : memref<5x80xi32, #tpu.memory_space<vmem>> -> memref<1x80xi32, #tpu.memory_space<vmem>>
        %dma_start3A_1038 = tpu.memref_squeeze %dma_start3A_1037 : memref<1x80xi32, #tpu.memory_space<vmem>> -> memref<80xi32, #tpu.memory_space<vmem>>
        %dma_start3A_1039 = arith.constant 0 : i32
        %dma_start3A_1040 = arith.constant 0 : i32
        %dma_start3A_1041 = tpu.memref_slice %arg2[%dma_start3A_1039, %dma_start3A_1040] : memref<10000x128xf32, #tpu.memory_space<hbm>> -> memref<10000x128xf32, #tpu.memory_space<hbm>>
        tpu.enqueue_indirect_dma source(%dma_start3A_1041 : memref<10000x128xf32, #tpu.memory_space<hbm>>) target(%dma_start3A_1035 : memref<80x128xf32, #tpu.memory_space<vmem>>) offsets(%dma_start3A_1038 : memref<80xi32, #tpu.memory_space<vmem>>) semaphore(%arg16 : memref<!tpu.dma_semaphore, #tpu.memory_space<semaphore_mem>>) {add = true}
      } else {
      }
      %dma_wait3A_901 = arith.constant 4 : i32
      %dma_wait3A_902 = arith.constant 4 : i32
      %dma_wait3A_903 = arith.constant 0 : i32
      %dma_wait3A_904 = arith.constant 0 : i32
      %dma_wait3A_905 = tpu.memref_slice %arg8[%dma_wait3A_902, %dma_wait3A_903, %dma_wait3A_904] : memref<5x80x128xf32, #tpu.memory_space<vmem>> -> memref<1x80x128xf32, #tpu.memory_space<vmem>>
      %dma_wait3A_906 = tpu.memref_squeeze %dma_wait3A_905 : memref<1x80x128xf32, #tpu.memory_space<vmem>> -> memref<80x128xf32, #tpu.memory_space<vmem>>
      %dma_wait3A_907 = arith.constant 0 : i32
      %dma_wait3A_908 = tpu.memref_slice %arg7[%dma_wait3A_901, %dma_wait3A_907] : memref<5x80xi32, #tpu.memory_space<vmem>> -> memref<1x80xi32, #tpu.memory_space<vmem>>
      %dma_wait3A_909 = tpu.memref_squeeze %dma_wait3A_908 : memref<1x80xi32, #tpu.memory_space<vmem>> -> memref<80xi32, #tpu.memory_space<vmem>>
      %dma_wait3A_910 = arith.constant 0 : i32
      %dma_wait3A_911 = arith.constant 0 : i32
      %dma_wait3A_912 = tpu.memref_slice %arg2[%dma_wait3A_910, %dma_wait3A_911] : memref<10000x128xf32, #tpu.memory_space<hbm>> -> memref<10000x128xf32, #tpu.memory_space<hbm>>
      tpu.wait_indirect_dma semaphore(%arg19 : memref<!tpu.dma_semaphore, #tpu.memory_space<semaphore_mem>>) src(%dma_wait3A_912 : memref<10000x128xf32, #tpu.memory_space<hbm>>) dst(%dma_wait3A_906 : memref<80x128xf32, #tpu.memory_space<vmem>>)
      %get3A_913 = arith.constant 4 : i32
      %get3A_914 = arith.index_cast %get3A_913 : i32 to index
      %get3A_915 = arith.constant 0 : index
      %get3A_916 = tpu.vector_load %arg6[%get3A_914, %get3A_915] {strides = array<i32>} : memref<5x80xi32, #tpu.memory_space<vmem>>, vector<16xi32>,
      %get3A_917 = arith.constant 4 : i32
      %get3A_918 = arith.index_cast %get3A_917 : i32 to index
      %get3A_919 = arith.constant 0 : index
      %get3A_920 = tpu.vector_load %arg7[%get3A_918, %get3A_919] {strides = array<i32>} : memref<5x80xi32, #tpu.memory_space<vmem>>, vector<16xi32>,
      %gather3A_921 = tpu.vector_load_idx %arg12[%get3A_916] : memref<10240xf32, #tpu.memory_space<vmem>>[vector<16xi32>], vector<16xf32>,
      %gather3A_922 = tpu.vector_load_idx %arg12[%get3A_920] : memref<10240xf32, #tpu.memory_space<vmem>>[vector<16xi32>], vector<16xf32>,
      %add3A_923 = arith.addf %gather3A_921, %gather3A_922 : vector<16xf32>
      %swap3A_924 = arith.constant 0 : i32
      %swap3A_925 = arith.index_cast %swap3A_924 : i32 to index
      %swap3A_926 = arith.constant 0 : index
      %swap3A_927 = tpu.vector_load %arg11[%swap3A_925, %swap3A_926] {strides = array<i32>} : memref<5x16xf32, #tpu.memory_space<vmem>>, vector<16xf32>,
      tpu.vector_store %arg11[%swap3A_925, %swap3A_926], %add3A_923 {strides = array<i32>} : memref<5x16xf32, #tpu.memory_space<vmem>>, vector<16xf32>,
      %get3A_928 = arith.constant 4 : i32
      %get3A_929 = arith.index_cast %get3A_928 : i32 to index
      %get3A_930 = arith.constant 16 : index
      %get3A_931 = tpu.vector_load %arg6[%get3A_929, %get3A_930] {strides = array<i32>} : memref<5x80xi32, #tpu.memory_space<vmem>>, vector<16xi32>,
      %get3A_932 = arith.constant 4 : i32
      %get3A_933 = arith.index_cast %get3A_932 : i32 to index
      %get3A_934 = arith.constant 16 : index
      %get3A_935 = tpu.vector_load %arg7[%get3A_933, %get3A_934] {strides = array<i32>} : memref<5x80xi32, #tpu.memory_space<vmem>>, vector<16xi32>,
      %gather3A_936 = tpu.vector_load_idx %arg12[%get3A_931] : memref<10240xf32, #tpu.memory_space<vmem>>[vector<16xi32>], vector<16xf32>,
      %gather3A_937 = tpu.vector_load_idx %arg12[%get3A_935] : memref<10240xf32, #tpu.memory_space<vmem>>[vector<16xi32>], vector<16xf32>,
      %add3A_938 = arith.addf %gather3A_936, %gather3A_937 : vector<16xf32>
      %swap3A_939 = arith.constant 1 : i32
      %swap3A_940 = arith.index_cast %swap3A_939 : i32 to index
      %swap3A_941 = arith.constant 0 : index
      %swap3A_942 = tpu.vector_load %arg11[%swap3A_940, %swap3A_941] {strides = array<i32>} : memref<5x16xf32, #tpu.memory_space<vmem>>, vector<16xf32>,
      tpu.vector_store %arg11[%swap3A_940, %swap3A_941], %add3A_938 {strides = array<i32>} : memref<5x16xf32, #tpu.memory_space<vmem>>, vector<16xf32>,
      %get3A_943 = arith.constant 4 : i32
      %get3A_944 = arith.index_cast %get3A_943 : i32 to index
      %get3A_945 = arith.constant 32 : index
      %get3A_946 = tpu.vector_load %arg6[%get3A_944, %get3A_945] {strides = array<i32>} : memref<5x80xi32, #tpu.memory_space<vmem>>, vector<16xi32>,
      %get3A_947 = arith.constant 4 : i32
      %get3A_948 = arith.index_cast %get3A_947 : i32 to index
      %get3A_949 = arith.constant 32 : index
      %get3A_950 = tpu.vector_load %arg7[%get3A_948, %get3A_949] {strides = array<i32>} : memref<5x80xi32, #tpu.memory_space<vmem>>, vector<16xi32>,
      %gather3A_951 = tpu.vector_load_idx %arg12[%get3A_946] : memref<10240xf32, #tpu.memory_space<vmem>>[vector<16xi32>], vector<16xf32>,
      %gather3A_952 = tpu.vector_load_idx %arg12[%get3A_950] : memref<10240xf32, #tpu.memory_space<vmem>>[vector<16xi32>], vector<16xf32>,
      %add3A_953 = arith.addf %gather3A_951, %gather3A_952 : vector<16xf32>
      %swap3A_954 = arith.constant 2 : i32
      %swap3A_955 = arith.index_cast %swap3A_954 : i32 to index
      %swap3A_956 = arith.constant 0 : index
      %swap3A_957 = tpu.vector_load %arg11[%swap3A_955, %swap3A_956] {strides = array<i32>} : memref<5x16xf32, #tpu.memory_space<vmem>>, vector<16xf32>,
      tpu.vector_store %arg11[%swap3A_955, %swap3A_956], %add3A_953 {strides = array<i32>} : memref<5x16xf32, #tpu.memory_space<vmem>>, vector<16xf32>,
      %get3A_958 = arith.constant 4 : i32
      %get3A_959 = arith.index_cast %get3A_958 : i32 to index
      %get3A_960 = arith.constant 48 : index
      %get3A_961 = tpu.vector_load %arg6[%get3A_959, %get3A_960] {strides = array<i32>} : memref<5x80xi32, #tpu.memory_space<vmem>>, vector<16xi32>,
      %get3A_962 = arith.constant 4 : i32
      %get3A_963 = arith.index_cast %get3A_962 : i32 to index
      %get3A_964 = arith.constant 48 : index
      %get3A_965 = tpu.vector_load %arg7[%get3A_963, %get3A_964] {strides = array<i32>} : memref<5x80xi32, #tpu.memory_space<vmem>>, vector<16xi32>,
      %gather3A_966 = tpu.vector_load_idx %arg12[%get3A_961] : memref<10240xf32, #tpu.memory_space<vmem>>[vector<16xi32>], vector<16xf32>,
      %gather3A_967 = tpu.vector_load_idx %arg12[%get3A_965] : memref<10240xf32, #tpu.memory_space<vmem>>[vector<16xi32>], vector<16xf32>,
      %add3A_968 = arith.addf %gather3A_966, %gather3A_967 : vector<16xf32>
      %swap3A_969 = arith.constant 3 : i32
      %swap3A_970 = arith.index_cast %swap3A_969 : i32 to index
      %swap3A_971 = arith.constant 0 : index
      %swap3A_972 = tpu.vector_load %arg11[%swap3A_970, %swap3A_971] {strides = array<i32>} : memref<5x16xf32, #tpu.memory_space<vmem>>, vector<16xf32>,
      tpu.vector_store %arg11[%swap3A_970, %swap3A_971], %add3A_968 {strides = array<i32>} : memref<5x16xf32, #tpu.memory_space<vmem>>, vector<16xf32>,
      %get3A_973 = arith.constant 4 : i32
      %get3A_974 = arith.index_cast %get3A_973 : i32 to index
      %get3A_975 = arith.constant 64 : index
      %get3A_976 = tpu.vector_load %arg6[%get3A_974, %get3A_975] {strides = array<i32>} : memref<5x80xi32, #tpu.memory_space<vmem>>, vector<16xi32>,
      %get3A_977 = arith.constant 4 : i32
      %get3A_978 = arith.index_cast %get3A_977 : i32 to index
      %get3A_979 = arith.constant 64 : index
      %get3A_980 = tpu.vector_load %arg7[%get3A_978, %get3A_979] {strides = array<i32>} : memref<5x80xi32, #tpu.memory_space<vmem>>, vector<16xi32>,
      %gather3A_981 = tpu.vector_load_idx %arg12[%get3A_976] : memref<10240xf32, #tpu.memory_space<vmem>>[vector<16xi32>], vector<16xf32>,
      %gather3A_982 = tpu.vector_load_idx %arg12[%get3A_980] : memref<10240xf32, #tpu.memory_space<vmem>>[vector<16xi32>], vector<16xf32>,
      %add3A_983 = arith.addf %gather3A_981, %gather3A_982 : vector<16xf32>
      %swap3A_984 = arith.constant 4 : i32
      %swap3A_985 = arith.index_cast %swap3A_984 : i32 to index
      %swap3A_986 = arith.constant 0 : index
      %swap3A_987 = tpu.vector_load %arg11[%swap3A_985, %swap3A_986] {strides = array<i32>} : memref<5x16xf32, #tpu.memory_space<vmem>>, vector<16xf32>,
      tpu.vector_store %arg11[%swap3A_985, %swap3A_986], %add3A_983 {strides = array<i32>} : memref<5x16xf32, #tpu.memory_space<vmem>>, vector<16xf32>,
      %add3A_988 = arith.constant 5 : i32
      %add3A_989 = arith.addi %add3A_886, %add3A_988 : i32
      %lt3A_990 = arith.constant 125 : i32
      %lt3A_991 = arith.cmpi slt, %add3A_989, %lt3A_990 : i32
      %convert_element_type3A_992 = arith.extui %lt3A_991 : i1 to i32
      %cond3A_993 = arith.constant 0 : i32
      %cond3A_994 = arith.cmpi ne, %convert_element_type3A_992, %cond3A_993 : i32
      scf.if %cond3A_994 {
        %add3A_1018 = arith.constant 5 : i32
        %add3A_1019 = arith.addi %add3A_886, %add3A_1018 : i32
        %mul3A_1020 = arith.constant 80 : i32
        %mul3A_1021 = arith.muli %add3A_1019, %mul3A_1020 : i32
        %add3A_1022 = arith.addi %mul3A_2, %mul3A_1021 : i32
        %dma_start3A_1023 = arith.constant 4 : i32
        %dma_start3A_1024 = arith.constant 0 : i32
        %dma_start3A_1025 = tpu.memref_slice %arg6[%dma_start3A_1023, %dma_start3A_1024] : memref<5x80xi32, #tpu.memory_space<vmem>> -> memref<1x80xi32, #tpu.memory_space<vmem>>
        %dma_start3A_1026 = tpu.memref_squeeze %dma_start3A_1025 : memref<1x80xi32, #tpu.memory_space<vmem>> -> memref<80xi32, #tpu.memory_space<vmem>>
        %dma_start3A_1027 = tpu.memref_slice %arg3[%add3A_1022] : memref<320000xi32, #tpu.memory_space<hbm>> -> memref<80xi32, #tpu.memory_space<hbm>>
        %dma_start3A_1028 = arith.constant 0 : i32
        %dma_start3A_1029 = tpu.memref_slice %arg6[%dma_start3A_1023, %dma_start3A_1028] : memref<5x80xi32, #tpu.memory_space<vmem>> -> memref<1x80xi32, #tpu.memory_space<vmem>>
        %dma_start3A_1030 = tpu.memref_squeeze %dma_start3A_1029 : memref<1x80xi32, #tpu.memory_space<vmem>> -> memref<80xi32, #tpu.memory_space<vmem>>
        %dma_start3A_1031 = tpu.memref_slice %arg3[%add3A_1022] : memref<320000xi32, #tpu.memory_space<hbm>> -> memref<80xi32, #tpu.memory_space<hbm>>
        tpu.enqueue_dma source(%dma_start3A_1031 : memref<80xi32, #tpu.memory_space<hbm>>) target(%dma_start3A_1030 : memref<80xi32, #tpu.memory_space<vmem>>) target_semaphore(%arg29 : memref<!tpu.dma_semaphore, #tpu.memory_space<semaphore_mem>>)
        %dma_start3A_1032 = arith.constant 4 : i32
        %dma_start3A_1033 = arith.constant 0 : i32
        %dma_start3A_1034 = tpu.memref_slice %arg7[%dma_start3A_1032, %dma_start3A_1033] : memref<5x80xi32, #tpu.memory_space<vmem>> -> memref<1x80xi32, #tpu.memory_space<vmem>>
        %dma_start3A_1035 = tpu.memref_squeeze %dma_start3A_1034 : memref<1x80xi32, #tpu.memory_space<vmem>> -> memref<80xi32, #tpu.memory_space<vmem>>
        %dma_start3A_1036 = tpu.memref_slice %arg4[%add3A_1022] : memref<320000xi32, #tpu.memory_space<hbm>> -> memref<80xi32, #tpu.memory_space<hbm>>
        %dma_start3A_1037 = arith.constant 0 : i32
        %dma_start3A_1038 = tpu.memref_slice %arg7[%dma_start3A_1032, %dma_start3A_1037] : memref<5x80xi32, #tpu.memory_space<vmem>> -> memref<1x80xi32, #tpu.memory_space<vmem>>
        %dma_start3A_1039 = tpu.memref_squeeze %dma_start3A_1038 : memref<1x80xi32, #tpu.memory_space<vmem>> -> memref<80xi32, #tpu.memory_space<vmem>>
        %dma_start3A_1040 = tpu.memref_slice %arg4[%add3A_1022] : memref<320000xi32, #tpu.memory_space<hbm>> -> memref<80xi32, #tpu.memory_space<hbm>>
        tpu.enqueue_dma source(%dma_start3A_1040 : memref<80xi32, #tpu.memory_space<hbm>>) target(%dma_start3A_1039 : memref<80xi32, #tpu.memory_space<vmem>>) target_semaphore(%arg29 : memref<!tpu.dma_semaphore, #tpu.memory_space<semaphore_mem>>)
      } else {
      }
      %ge3A_995 = arith.constant 5 : i32
      %ge3A_996 = arith.cmpi sge, %add3A_886, %ge3A_995 : i32
      %convert_element_type3A_997 = arith.extui %ge3A_996 : i1 to i32
      %cond3A_998 = arith.constant 0 : i32
      %cond3A_999 = arith.cmpi ne, %convert_element_type3A_997, %cond3A_998 : i32
      scf.if %cond3A_999 {
        %sub3A = arith.constant 5 : i32
        %sub3A_1018 = arith.subi %add3A_886, %sub3A : i32
        %mul3A_1019 = arith.constant 80 : i32
        %mul3A_1020 = arith.muli %sub3A_1018, %mul3A_1019 : i32
        %add3A_1021 = arith.addi %mul3A_2, %mul3A_1020 : i32
        %dma_wait3A_1022 = arith.constant 4 : i32
        %dma_wait3A_1023 = arith.constant 0 : i32
        %dma_wait3A_1024 = tpu.memref_slice %arg9[%dma_wait3A_1022, %dma_wait3A_1023] : memref<5x80xf32, #tpu.memory_space<vmem>> -> memref<1x80xf32, #tpu.memory_space<vmem>>
        %dma_wait3A_1025 = tpu.memref_squeeze %dma_wait3A_1024 : memref<1x80xf32, #tpu.memory_space<vmem>> -> memref<80xf32, #tpu.memory_space<vmem>>
        %dma_wait3A_1026 = tpu.memref_slice %arg5[%add3A_1021] : memref<320000xf32, #tpu.memory_space<hbm>> -> memref<80xf32, #tpu.memory_space<hbm>>
        %dma_wait3A_1027 = tpu.memref_slice %arg5[%add3A_1021] : memref<320000xf32, #tpu.memory_space<hbm>> -> memref<80xf32, #tpu.memory_space<hbm>>
        %dma_wait3A_1028 = arith.constant 0 : i32
        %dma_wait3A_1029 = tpu.memref_slice %arg9[%dma_wait3A_1022, %dma_wait3A_1028] : memref<5x80xf32, #tpu.memory_space<vmem>> -> memref<1x80xf32, #tpu.memory_space<vmem>>
        %dma_wait3A_1030 = tpu.memref_squeeze %dma_wait3A_1029 : memref<1x80xf32, #tpu.memory_space<vmem>> -> memref<80xf32, #tpu.memory_space<vmem>>
        tpu.wait_dma2 semaphore(%arg24 : memref<!tpu.dma_semaphore, #tpu.memory_space<semaphore_mem>>) src(%dma_wait3A_1030 : memref<80xf32, #tpu.memory_space<vmem>>) dst(%dma_wait3A_1027 : memref<80xf32, #tpu.memory_space<hbm>>)
      } else {
      }
      %parallel_loop3A_1000 = arith.constant 0 : i32
      %parallel_loop3A_1001 = arith.constant 80 : i32
      %parallel_loop3A_1002 = arith.constant 1 : i32
      scf.for %parallel_loop3A_1018 = %parallel_loop3A_1000 to %parallel_loop3A_1001 step %parallel_loop3A_1002  : i32 {
        %parallel_loop3A_1019 = arith.constant 4 : i32
        %parallel_loop3A_1020 = arith.shrsi %parallel_loop3A_1018, %parallel_loop3A_1019 : i32
        %parallel_loop3A_1021 = arith.constant 15 : i32
        %parallel_loop3A_1022 = arith.andi %parallel_loop3A_1018, %parallel_loop3A_1021 : i32
        %parallel_loop3A_1023 = arith.constant 4 : i32
        %parallel_loop3A_1024 = arith.index_cast %parallel_loop3A_1023 : i32 to index
        %parallel_loop3A_1025 = arith.index_cast %parallel_loop3A_1018 : i32 to index
        %parallel_loop3A_1026 = arith.constant 0 : index
        %parallel_loop3A_1027 = tpu.vector_load %arg8[%parallel_loop3A_1024, %parallel_loop3A_1025, %parallel_loop3A_1026] {strides = array<i32>} : memref<5x80x128xf32, #tpu.memory_space<vmem>>, vector<16xf32>,
        %parallel_loop3A_1028 = arith.mulf %parallel_loop3A_1027, %parallel_loop3A_1027 : vector<16xf32>
        %parallel_loop3A_1029 = arith.constant 4 : i32
        %parallel_loop3A_1030 = arith.index_cast %parallel_loop3A_1029 : i32 to index
        %parallel_loop3A_1031 = arith.index_cast %parallel_loop3A_1018 : i32 to index
        %parallel_loop3A_1032 = arith.constant 16 : index
        %parallel_loop3A_1033 = tpu.vector_load %arg8[%parallel_loop3A_1030, %parallel_loop3A_1031, %parallel_loop3A_1032] {strides = array<i32>} : memref<5x80x128xf32, #tpu.memory_space<vmem>>, vector<16xf32>,
        %parallel_loop3A_1034 = arith.mulf %parallel_loop3A_1033, %parallel_loop3A_1033 : vector<16xf32>
        %parallel_loop3A_1035 = arith.constant 4 : i32
        %parallel_loop3A_1036 = arith.index_cast %parallel_loop3A_1035 : i32 to index
        %parallel_loop3A_1037 = arith.index_cast %parallel_loop3A_1018 : i32 to index
        %parallel_loop3A_1038 = arith.constant 32 : index
        %parallel_loop3A_1039 = tpu.vector_load %arg8[%parallel_loop3A_1036, %parallel_loop3A_1037, %parallel_loop3A_1038] {strides = array<i32>} : memref<5x80x128xf32, #tpu.memory_space<vmem>>, vector<16xf32>,
        %parallel_loop3A_1040 = arith.mulf %parallel_loop3A_1039, %parallel_loop3A_1039 : vector<16xf32>
        %parallel_loop3A_1041 = arith.constant 4 : i32
        %parallel_loop3A_1042 = arith.index_cast %parallel_loop3A_1041 : i32 to index
        %parallel_loop3A_1043 = arith.index_cast %parallel_loop3A_1018 : i32 to index
        %parallel_loop3A_1044 = arith.constant 48 : index
        %parallel_loop3A_1045 = tpu.vector_load %arg8[%parallel_loop3A_1042, %parallel_loop3A_1043, %parallel_loop3A_1044] {strides = array<i32>} : memref<5x80x128xf32, #tpu.memory_space<vmem>>, vector<16xf32>,
        %parallel_loop3A_1046 = arith.mulf %parallel_loop3A_1045, %parallel_loop3A_1045 : vector<16xf32>
        %parallel_loop3A_1047 = arith.constant 4 : i32
        %parallel_loop3A_1048 = arith.index_cast %parallel_loop3A_1047 : i32 to index
        %parallel_loop3A_1049 = arith.index_cast %parallel_loop3A_1018 : i32 to index
        %parallel_loop3A_1050 = arith.constant 64 : index
        %parallel_loop3A_1051 = tpu.vector_load %arg8[%parallel_loop3A_1048, %parallel_loop3A_1049, %parallel_loop3A_1050] {strides = array<i32>} : memref<5x80x128xf32, #tpu.memory_space<vmem>>, vector<16xf32>,
        %parallel_loop3A_1052 = arith.mulf %parallel_loop3A_1051, %parallel_loop3A_1051 : vector<16xf32>
        %parallel_loop3A_1053 = arith.constant 4 : i32
        %parallel_loop3A_1054 = arith.index_cast %parallel_loop3A_1053 : i32 to index
        %parallel_loop3A_1055 = arith.index_cast %parallel_loop3A_1018 : i32 to index
        %parallel_loop3A_1056 = arith.constant 80 : index
        %parallel_loop3A_1057 = tpu.vector_load %arg8[%parallel_loop3A_1054, %parallel_loop3A_1055, %parallel_loop3A_1056] {strides = array<i32>} : memref<5x80x128xf32, #tpu.memory_space<vmem>>, vector<16xf32>,
        %parallel_loop3A_1058 = arith.mulf %parallel_loop3A_1057, %parallel_loop3A_1057 : vector<16xf32>
        %parallel_loop3A_1059 = arith.constant 4 : i32
        %parallel_loop3A_1060 = arith.index_cast %parallel_loop3A_1059 : i32 to index
        %parallel_loop3A_1061 = arith.index_cast %parallel_loop3A_1018 : i32 to index
        %parallel_loop3A_1062 = arith.constant 96 : index
        %parallel_loop3A_1063 = tpu.vector_load %arg8[%parallel_loop3A_1060, %parallel_loop3A_1061, %parallel_loop3A_1062] {strides = array<i32>} : memref<5x80x128xf32, #tpu.memory_space<vmem>>, vector<16xf32>,
        %parallel_loop3A_1064 = arith.mulf %parallel_loop3A_1063, %parallel_loop3A_1063 : vector<16xf32>
        %parallel_loop3A_1065 = arith.constant 4 : i32
        %parallel_loop3A_1066 = arith.index_cast %parallel_loop3A_1065 : i32 to index
        %parallel_loop3A_1067 = arith.index_cast %parallel_loop3A_1018 : i32 to index
        %parallel_loop3A_1068 = arith.constant 112 : index
        %parallel_loop3A_1069 = tpu.vector_load %arg8[%parallel_loop3A_1066, %parallel_loop3A_1067, %parallel_loop3A_1068] {strides = array<i32>} : memref<5x80x128xf32, #tpu.memory_space<vmem>>, vector<16xf32>,
        %parallel_loop3A_1070 = arith.mulf %parallel_loop3A_1069, %parallel_loop3A_1069 : vector<16xf32>
        %parallel_loop3A_1071 = arith.addf %parallel_loop3A_1028, %parallel_loop3A_1034 : vector<16xf32>
        %parallel_loop3A_1072 = arith.addf %parallel_loop3A_1040, %parallel_loop3A_1046 : vector<16xf32>
        %parallel_loop3A_1073 = arith.addf %parallel_loop3A_1052, %parallel_loop3A_1058 : vector<16xf32>
        %parallel_loop3A_1074 = arith.addf %parallel_loop3A_1064, %parallel_loop3A_1070 : vector<16xf32>
        %parallel_loop3A_1075 = arith.addf %parallel_loop3A_1071, %parallel_loop3A_1072 : vector<16xf32>
        %parallel_loop3A_1076 = arith.addf %parallel_loop3A_1073, %parallel_loop3A_1074 : vector<16xf32>
        %parallel_loop3A_1077 = arith.addf %parallel_loop3A_1075, %parallel_loop3A_1076 : vector<16xf32>
        %parallel_loop3A_1078 = arith.index_cast %parallel_loop3A_1020 : i32 to index
        %parallel_loop3A_1079 = arith.index_cast %parallel_loop3A_1022 : i32 to index
        %parallel_loop3A_1080 = arith.constant 0 : index
        %parallel_loop3A_1081 = tpu.vector_load %arg10[%parallel_loop3A_1078, %parallel_loop3A_1079, %parallel_loop3A_1080] {strides = array<i32>} : memref<5x16x17xf32, #tpu.memory_space<vmem>>, vector<16xf32>,
        tpu.vector_store %arg10[%parallel_loop3A_1078, %parallel_loop3A_1079, %parallel_loop3A_1080], %parallel_loop3A_1077 {strides = array<i32>} : memref<5x16x17xf32, #tpu.memory_space<vmem>>, vector<16xf32>,
      } {sc.loop_unroll_factor = 4 : i64, sc.parallel_access}
      %parallel_loop3A_1003 = arith.constant 0 : i32
      %parallel_loop3A_1004 = arith.constant 5 : i32
      %parallel_loop3A_1005 = arith.constant 1 : i32
      scf.for %parallel_loop3A_1018 = %parallel_loop3A_1003 to %parallel_loop3A_1004 step %parallel_loop3A_1005  : i32 {
        %parallel_loop3A_1019 = vector.broadcast %parallel_loop3A_1018 : i32 to vector<16xi32>
        %parallel_loop3A_1020 = arith.constant 0 : i32
        %parallel_loop3A_1021 = vector.broadcast %parallel_loop3A_1020 : i32 to vector<16xi32>
        %parallel_loop3A_1022 = tpu.vector_load_idx %arg10[%parallel_loop3A_1019, %iota3A, %parallel_loop3A_1021] : memref<5x16x17xf32, #tpu.memory_space<vmem>>[vector<16xi32>, vector<16xi32>, vector<16xi32>], vector<16xf32>,
        %parallel_loop3A_1023 = arith.constant 1 : i32
        %parallel_loop3A_1024 = vector.broadcast %parallel_loop3A_1023 : i32 to vector<16xi32>
        %parallel_loop3A_1025 = tpu.vector_load_idx %arg10[%parallel_loop3A_1019, %iota3A, %parallel_loop3A_1024] : memref<5x16x17xf32, #tpu.memory_space<vmem>>[vector<16xi32>, vector<16xi32>, vector<16xi32>], vector<16xf32>,
        %parallel_loop3A_1026 = arith.constant 2 : i32
        %parallel_loop3A_1027 = vector.broadcast %parallel_loop3A_1026 : i32 to vector<16xi32>
        %parallel_loop3A_1028 = tpu.vector_load_idx %arg10[%parallel_loop3A_1019, %iota3A, %parallel_loop3A_1027] : memref<5x16x17xf32, #tpu.memory_space<vmem>>[vector<16xi32>, vector<16xi32>, vector<16xi32>], vector<16xf32>,
        %parallel_loop3A_1029 = arith.constant 3 : i32
        %parallel_loop3A_1030 = vector.broadcast %parallel_loop3A_1029 : i32 to vector<16xi32>
        %parallel_loop3A_1031 = tpu.vector_load_idx %arg10[%parallel_loop3A_1019, %iota3A, %parallel_loop3A_1030] : memref<5x16x17xf32, #tpu.memory_space<vmem>>[vector<16xi32>, vector<16xi32>, vector<16xi32>], vector<16xf32>,
        %parallel_loop3A_1032 = arith.constant 4 : i32
        %parallel_loop3A_1033 = vector.broadcast %parallel_loop3A_1032 : i32 to vector<16xi32>
        %parallel_loop3A_1034 = tpu.vector_load_idx %arg10[%parallel_loop3A_1019, %iota3A, %parallel_loop3A_1033] : memref<5x16x17xf32, #tpu.memory_space<vmem>>[vector<16xi32>, vector<16xi32>, vector<16xi32>], vector<16xf32>,
        %parallel_loop3A_1035 = arith.constant 5 : i32
        %parallel_loop3A_1036 = vector.broadcast %parallel_loop3A_1035 : i32 to vector<16xi32>
        %parallel_loop3A_1037 = tpu.vector_load_idx %arg10[%parallel_loop3A_1019, %iota3A, %parallel_loop3A_1036] : memref<5x16x17xf32, #tpu.memory_space<vmem>>[vector<16xi32>, vector<16xi32>, vector<16xi32>], vector<16xf32>,
        %parallel_loop3A_1038 = arith.constant 6 : i32
        %parallel_loop3A_1039 = vector.broadcast %parallel_loop3A_1038 : i32 to vector<16xi32>
        %parallel_loop3A_1040 = tpu.vector_load_idx %arg10[%parallel_loop3A_1019, %iota3A, %parallel_loop3A_1039] : memref<5x16x17xf32, #tpu.memory_space<vmem>>[vector<16xi32>, vector<16xi32>, vector<16xi32>], vector<16xf32>,
        %parallel_loop3A_1041 = arith.constant 7 : i32
        %parallel_loop3A_1042 = vector.broadcast %parallel_loop3A_1041 : i32 to vector<16xi32>
        %parallel_loop3A_1043 = tpu.vector_load_idx %arg10[%parallel_loop3A_1019, %iota3A, %parallel_loop3A_1042] : memref<5x16x17xf32, #tpu.memory_space<vmem>>[vector<16xi32>, vector<16xi32>, vector<16xi32>], vector<16xf32>,
        %parallel_loop3A_1044 = arith.constant 8 : i32
        %parallel_loop3A_1045 = vector.broadcast %parallel_loop3A_1044 : i32 to vector<16xi32>
        %parallel_loop3A_1046 = tpu.vector_load_idx %arg10[%parallel_loop3A_1019, %iota3A, %parallel_loop3A_1045] : memref<5x16x17xf32, #tpu.memory_space<vmem>>[vector<16xi32>, vector<16xi32>, vector<16xi32>], vector<16xf32>,
        %parallel_loop3A_1047 = arith.constant 9 : i32
        %parallel_loop3A_1048 = vector.broadcast %parallel_loop3A_1047 : i32 to vector<16xi32>
        %parallel_loop3A_1049 = tpu.vector_load_idx %arg10[%parallel_loop3A_1019, %iota3A, %parallel_loop3A_1048] : memref<5x16x17xf32, #tpu.memory_space<vmem>>[vector<16xi32>, vector<16xi32>, vector<16xi32>], vector<16xf32>,
        %parallel_loop3A_1050 = arith.constant 10 : i32
        %parallel_loop3A_1051 = vector.broadcast %parallel_loop3A_1050 : i32 to vector<16xi32>
        %parallel_loop3A_1052 = tpu.vector_load_idx %arg10[%parallel_loop3A_1019, %iota3A, %parallel_loop3A_1051] : memref<5x16x17xf32, #tpu.memory_space<vmem>>[vector<16xi32>, vector<16xi32>, vector<16xi32>], vector<16xf32>,
        %parallel_loop3A_1053 = arith.constant 11 : i32
        %parallel_loop3A_1054 = vector.broadcast %parallel_loop3A_1053 : i32 to vector<16xi32>
        %parallel_loop3A_1055 = tpu.vector_load_idx %arg10[%parallel_loop3A_1019, %iota3A, %parallel_loop3A_1054] : memref<5x16x17xf32, #tpu.memory_space<vmem>>[vector<16xi32>, vector<16xi32>, vector<16xi32>], vector<16xf32>,
        %parallel_loop3A_1056 = arith.constant 12 : i32
        %parallel_loop3A_1057 = vector.broadcast %parallel_loop3A_1056 : i32 to vector<16xi32>
        %parallel_loop3A_1058 = tpu.vector_load_idx %arg10[%parallel_loop3A_1019, %iota3A, %parallel_loop3A_1057] : memref<5x16x17xf32, #tpu.memory_space<vmem>>[vector<16xi32>, vector<16xi32>, vector<16xi32>], vector<16xf32>,
        %parallel_loop3A_1059 = arith.constant 13 : i32
        %parallel_loop3A_1060 = vector.broadcast %parallel_loop3A_1059 : i32 to vector<16xi32>
        %parallel_loop3A_1061 = tpu.vector_load_idx %arg10[%parallel_loop3A_1019, %iota3A, %parallel_loop3A_1060] : memref<5x16x17xf32, #tpu.memory_space<vmem>>[vector<16xi32>, vector<16xi32>, vector<16xi32>], vector<16xf32>,
        %parallel_loop3A_1062 = arith.constant 14 : i32
        %parallel_loop3A_1063 = vector.broadcast %parallel_loop3A_1062 : i32 to vector<16xi32>
        %parallel_loop3A_1064 = tpu.vector_load_idx %arg10[%parallel_loop3A_1019, %iota3A, %parallel_loop3A_1063] : memref<5x16x17xf32, #tpu.memory_space<vmem>>[vector<16xi32>, vector<16xi32>, vector<16xi32>], vector<16xf32>,
        %parallel_loop3A_1065 = arith.constant 15 : i32
        %parallel_loop3A_1066 = vector.broadcast %parallel_loop3A_1065 : i32 to vector<16xi32>
        %parallel_loop3A_1067 = tpu.vector_load_idx %arg10[%parallel_loop3A_1019, %iota3A, %parallel_loop3A_1066] : memref<5x16x17xf32, #tpu.memory_space<vmem>>[vector<16xi32>, vector<16xi32>, vector<16xi32>], vector<16xf32>,
        %parallel_loop3A_1068 = arith.addf %parallel_loop3A_1022, %parallel_loop3A_1025 : vector<16xf32>
        %parallel_loop3A_1069 = arith.addf %parallel_loop3A_1028, %parallel_loop3A_1031 : vector<16xf32>
        %parallel_loop3A_1070 = arith.addf %parallel_loop3A_1034, %parallel_loop3A_1037 : vector<16xf32>
        %parallel_loop3A_1071 = arith.addf %parallel_loop3A_1040, %parallel_loop3A_1043 : vector<16xf32>
        %parallel_loop3A_1072 = arith.addf %parallel_loop3A_1046, %parallel_loop3A_1049 : vector<16xf32>
        %parallel_loop3A_1073 = arith.addf %parallel_loop3A_1052, %parallel_loop3A_1055 : vector<16xf32>
        %parallel_loop3A_1074 = arith.addf %parallel_loop3A_1058, %parallel_loop3A_1061 : vector<16xf32>
        %parallel_loop3A_1075 = arith.addf %parallel_loop3A_1064, %parallel_loop3A_1067 : vector<16xf32>
        %parallel_loop3A_1076 = arith.addf %parallel_loop3A_1068, %parallel_loop3A_1069 : vector<16xf32>
        %parallel_loop3A_1077 = arith.addf %parallel_loop3A_1070, %parallel_loop3A_1071 : vector<16xf32>
        %parallel_loop3A_1078 = arith.addf %parallel_loop3A_1072, %parallel_loop3A_1073 : vector<16xf32>
        %parallel_loop3A_1079 = arith.addf %parallel_loop3A_1074, %parallel_loop3A_1075 : vector<16xf32>
        %parallel_loop3A_1080 = arith.addf %parallel_loop3A_1076, %parallel_loop3A_1077 : vector<16xf32>
        %parallel_loop3A_1081 = arith.addf %parallel_loop3A_1078, %parallel_loop3A_1079 : vector<16xf32>
        %parallel_loop3A_1082 = arith.addf %parallel_loop3A_1080, %parallel_loop3A_1081 : vector<16xf32>
        %parallel_loop3A_1083 = arith.constant 5.000000e-01 : f32
        %parallel_loop3A_1084 = vector.broadcast %parallel_loop3A_1083 : f32 to vector<16xf32>
        %parallel_loop3A_1085 = arith.mulf %parallel_loop3A_1084, %parallel_loop3A_1082 : vector<16xf32>
        %parallel_loop3A_1086 = arith.index_cast %parallel_loop3A_1018 : i32 to index
        %parallel_loop3A_1087 = arith.constant 0 : index
        %parallel_loop3A_1088 = tpu.vector_load %arg11[%parallel_loop3A_1086, %parallel_loop3A_1087] {strides = array<i32>} : memref<5x16xf32, #tpu.memory_space<vmem>>, vector<16xf32>,
        %parallel_loop3A_1089 = arith.subf %parallel_loop3A_1085, %parallel_loop3A_1088 : vector<16xf32>
        %parallel_loop3A_1090 = arith.constant 16 : i32
        %parallel_loop3A_1091 = arith.muli %parallel_loop3A_1018, %parallel_loop3A_1090 : i32
        %parallel_loop3A_1092 = arith.constant 4 : i32
        %parallel_loop3A_1093 = arith.index_cast %parallel_loop3A_1092 : i32 to index
        %parallel_loop3A_1094 = arith.index_cast %parallel_loop3A_1091 : i32 to index
        %parallel_loop3A_1095 = tpu.vector_load %arg9[%parallel_loop3A_1093, %parallel_loop3A_1094] {strides = array<i32>} : memref<5x80xf32, #tpu.memory_space<vmem>>, vector<16xf32>,
        tpu.vector_store %arg9[%parallel_loop3A_1093, %parallel_loop3A_1094], %parallel_loop3A_1089 {strides = array<i32>} : memref<5x80xf32, #tpu.memory_space<vmem>>, vector<16xf32>,
      } {sc.loop_unroll_factor = 1 : i64, sc.parallel_access}
      %mul3A_1006 = arith.constant 80 : i32
      %mul3A_1007 = arith.muli %add3A_886, %mul3A_1006 : i32
      %add3A_1008 = arith.addi %mul3A_2, %mul3A_1007 : i32
      %dma_start3A_1009 = arith.constant 4 : i32
      %dma_start3A_1010 = arith.constant 0 : i32
      %dma_start3A_1011 = tpu.memref_slice %arg9[%dma_start3A_1009, %dma_start3A_1010] : memref<5x80xf32, #tpu.memory_space<vmem>> -> memref<1x80xf32, #tpu.memory_space<vmem>>
      %dma_start3A_1012 = tpu.memref_squeeze %dma_start3A_1011 : memref<1x80xf32, #tpu.memory_space<vmem>> -> memref<80xf32, #tpu.memory_space<vmem>>
      %dma_start3A_1013 = tpu.memref_slice %arg5[%add3A_1008] : memref<320000xf32, #tpu.memory_space<hbm>> -> memref<80xf32, #tpu.memory_space<hbm>>
      %dma_start3A_1014 = tpu.memref_slice %arg5[%add3A_1008] : memref<320000xf32, #tpu.memory_space<hbm>> -> memref<80xf32, #tpu.memory_space<hbm>>
      %dma_start3A_1015 = arith.constant 0 : i32
      %dma_start3A_1016 = tpu.memref_slice %arg9[%dma_start3A_1009, %dma_start3A_1015] : memref<5x80xf32, #tpu.memory_space<vmem>> -> memref<1x80xf32, #tpu.memory_space<vmem>>
      %dma_start3A_1017 = tpu.memref_squeeze %dma_start3A_1016 : memref<1x80xf32, #tpu.memory_space<vmem>> -> memref<80xf32, #tpu.memory_space<vmem>>
      tpu.enqueue_dma source(%dma_start3A_1017 : memref<80xf32, #tpu.memory_space<vmem>>) target(%dma_start3A_1014 : memref<80xf32, #tpu.memory_space<hbm>>) target_semaphore(%arg24 : memref<!tpu.dma_semaphore, #tpu.memory_space<semaphore_mem>>)
    }
    %scan3A_294 = arith.constant 25 : i32
    %add3A_295 = arith.constant 9600 : i32
    %add3A_296 = arith.addi %mul3A_2, %add3A_295 : i32
    %dma_wait3A_297 = arith.constant 0 : i32
    %dma_wait3A_298 = arith.constant 0 : i32
    %dma_wait3A_299 = tpu.memref_slice %arg9[%dma_wait3A_297, %dma_wait3A_298] : memref<5x80xf32, #tpu.memory_space<vmem>> -> memref<1x80xf32, #tpu.memory_space<vmem>>
    %dma_wait3A_300 = tpu.memref_squeeze %dma_wait3A_299 : memref<1x80xf32, #tpu.memory_space<vmem>> -> memref<80xf32, #tpu.memory_space<vmem>>
    %dma_wait3A_301 = tpu.memref_slice %arg5[%add3A_296] : memref<320000xf32, #tpu.memory_space<hbm>> -> memref<80xf32, #tpu.memory_space<hbm>>
    %dma_wait3A_302 = tpu.memref_slice %arg5[%add3A_296] : memref<320000xf32, #tpu.memory_space<hbm>> -> memref<80xf32, #tpu.memory_space<hbm>>
    %dma_wait3A_303 = arith.constant 0 : i32
    %dma_wait3A_304 = tpu.memref_slice %arg9[%dma_wait3A_297, %dma_wait3A_303] : memref<5x80xf32, #tpu.memory_space<vmem>> -> memref<1x80xf32, #tpu.memory_space<vmem>>
    %dma_wait3A_305 = tpu.memref_squeeze %dma_wait3A_304 : memref<1x80xf32, #tpu.memory_space<vmem>> -> memref<80xf32, #tpu.memory_space<vmem>>
    tpu.wait_dma2 semaphore(%arg20 : memref<!tpu.dma_semaphore, #tpu.memory_space<semaphore_mem>>) src(%dma_wait3A_305 : memref<80xf32, #tpu.memory_space<vmem>>) dst(%dma_wait3A_302 : memref<80xf32, #tpu.memory_space<hbm>>)
    %add3A_306 = arith.constant 9680 : i32
    %add3A_307 = arith.addi %mul3A_2, %add3A_306 : i32
    %dma_wait3A_308 = arith.constant 1 : i32
    %dma_wait3A_309 = arith.constant 0 : i32
    %dma_wait3A_310 = tpu.memref_slice %arg9[%dma_wait3A_308, %dma_wait3A_309] : memref<5x80xf32, #tpu.memory_space<vmem>> -> memref<1x80xf32, #tpu.memory_space<vmem>>
    %dma_wait3A_311 = tpu.memref_squeeze %dma_wait3A_310 : memref<1x80xf32, #tpu.memory_space<vmem>> -> memref<80xf32, #tpu.memory_space<vmem>>
    %dma_wait3A_312 = tpu.memref_slice %arg5[%add3A_307] : memref<320000xf32, #tpu.memory_space<hbm>> -> memref<80xf32, #tpu.memory_space<hbm>>
    %dma_wait3A_313 = tpu.memref_slice %arg5[%add3A_307] : memref<320000xf32, #tpu.memory_space<hbm>> -> memref<80xf32, #tpu.memory_space<hbm>>
    %dma_wait3A_314 = arith.constant 0 : i32
    %dma_wait3A_315 = tpu.memref_slice %arg9[%dma_wait3A_308, %dma_wait3A_314] : memref<5x80xf32, #tpu.memory_space<vmem>> -> memref<1x80xf32, #tpu.memory_space<vmem>>
    %dma_wait3A_316 = tpu.memref_squeeze %dma_wait3A_315 : memref<1x80xf32, #tpu.memory_space<vmem>> -> memref<80xf32, #tpu.memory_space<vmem>>
    tpu.wait_dma2 semaphore(%arg21 : memref<!tpu.dma_semaphore, #tpu.memory_space<semaphore_mem>>) src(%dma_wait3A_316 : memref<80xf32, #tpu.memory_space<vmem>>) dst(%dma_wait3A_313 : memref<80xf32, #tpu.memory_space<hbm>>)
    %add3A_317 = arith.constant 9760 : i32
    %add3A_318 = arith.addi %mul3A_2, %add3A_317 : i32
    %dma_wait3A_319 = arith.constant 2 : i32
    %dma_wait3A_320 = arith.constant 0 : i32
    %dma_wait3A_321 = tpu.memref_slice %arg9[%dma_wait3A_319, %dma_wait3A_320] : memref<5x80xf32, #tpu.memory_space<vmem>> -> memref<1x80xf32, #tpu.memory_space<vmem>>
    %dma_wait3A_322 = tpu.memref_squeeze %dma_wait3A_321 : memref<1x80xf32, #tpu.memory_space<vmem>> -> memref<80xf32, #tpu.memory_space<vmem>>
    %dma_wait3A_323 = tpu.memref_slice %arg5[%add3A_318] : memref<320000xf32, #tpu.memory_space<hbm>> -> memref<80xf32, #tpu.memory_space<hbm>>
    %dma_wait3A_324 = tpu.memref_slice %arg5[%add3A_318] : memref<320000xf32, #tpu.memory_space<hbm>> -> memref<80xf32, #tpu.memory_space<hbm>>
    %dma_wait3A_325 = arith.constant 0 : i32
    %dma_wait3A_326 = tpu.memref_slice %arg9[%dma_wait3A_319, %dma_wait3A_325] : memref<5x80xf32, #tpu.memory_space<vmem>> -> memref<1x80xf32, #tpu.memory_space<vmem>>
    %dma_wait3A_327 = tpu.memref_squeeze %dma_wait3A_326 : memref<1x80xf32, #tpu.memory_space<vmem>> -> memref<80xf32, #tpu.memory_space<vmem>>
    tpu.wait_dma2 semaphore(%arg22 : memref<!tpu.dma_semaphore, #tpu.memory_space<semaphore_mem>>) src(%dma_wait3A_327 : memref<80xf32, #tpu.memory_space<vmem>>) dst(%dma_wait3A_324 : memref<80xf32, #tpu.memory_space<hbm>>)
    %add3A_328 = arith.constant 9840 : i32
    %add3A_329 = arith.addi %mul3A_2, %add3A_328 : i32
    %dma_wait3A_330 = arith.constant 3 : i32
    %dma_wait3A_331 = arith.constant 0 : i32
    %dma_wait3A_332 = tpu.memref_slice %arg9[%dma_wait3A_330, %dma_wait3A_331] : memref<5x80xf32, #tpu.memory_space<vmem>> -> memref<1x80xf32, #tpu.memory_space<vmem>>
    %dma_wait3A_333 = tpu.memref_squeeze %dma_wait3A_332 : memref<1x80xf32, #tpu.memory_space<vmem>> -> memref<80xf32, #tpu.memory_space<vmem>>
    %dma_wait3A_334 = tpu.memref_slice %arg5[%add3A_329] : memref<320000xf32, #tpu.memory_space<hbm>> -> memref<80xf32, #tpu.memory_space<hbm>>
    %dma_wait3A_335 = tpu.memref_slice %arg5[%add3A_329] : memref<320000xf32, #tpu.memory_space<hbm>> -> memref<80xf32, #tpu.memory_space<hbm>>
    %dma_wait3A_336 = arith.constant 0 : i32
    %dma_wait3A_337 = tpu.memref_slice %arg9[%dma_wait3A_330, %dma_wait3A_336] : memref<5x80xf32, #tpu.memory_space<vmem>> -> memref<1x80xf32, #tpu.memory_space<vmem>>
    %dma_wait3A_338 = tpu.memref_squeeze %dma_wait3A_337 : memref<1x80xf32, #tpu.memory_space<vmem>> -> memref<80xf32, #tpu.memory_space<vmem>>
    tpu.wait_dma2 semaphore(%arg23 : memref<!tpu.dma_semaphore, #tpu.memory_space<semaphore_mem>>) src(%dma_wait3A_338 : memref<80xf32, #tpu.memory_space<vmem>>) dst(%dma_wait3A_335 : memref<80xf32, #tpu.memory_space<hbm>>)
    %add3A_339 = arith.constant 9920 : i32
    %add3A_340 = arith.addi %mul3A_2, %add3A_339 : i32
    %dma_wait3A_341 = arith.constant 4 : i32
    %dma_wait3A_342 = arith.constant 0 : i32
    %dma_wait3A_343 = tpu.memref_slice %arg9[%dma_wait3A_341, %dma_wait3A_342] : memref<5x80xf32, #tpu.memory_space<vmem>> -> memref<1x80xf32, #tpu.memory_space<vmem>>
    %dma_wait3A_344 = tpu.memref_squeeze %dma_wait3A_343 : memref<1x80xf32, #tpu.memory_space<vmem>> -> memref<80xf32, #tpu.memory_space<vmem>>
    %dma_wait3A_345 = tpu.memref_slice %arg5[%add3A_340] : memref<320000xf32, #tpu.memory_space<hbm>> -> memref<80xf32, #tpu.memory_space<hbm>>
    %dma_wait3A_346 = tpu.memref_slice %arg5[%add3A_340] : memref<320000xf32, #tpu.memory_space<hbm>> -> memref<80xf32, #tpu.memory_space<hbm>>
    %dma_wait3A_347 = arith.constant 0 : i32
    %dma_wait3A_348 = tpu.memref_slice %arg9[%dma_wait3A_341, %dma_wait3A_347] : memref<5x80xf32, #tpu.memory_space<vmem>> -> memref<1x80xf32, #tpu.memory_space<vmem>>
    %dma_wait3A_349 = tpu.memref_squeeze %dma_wait3A_348 : memref<1x80xf32, #tpu.memory_space<vmem>> -> memref<80xf32, #tpu.memory_space<vmem>>
    tpu.wait_dma2 semaphore(%arg24 : memref<!tpu.dma_semaphore, #tpu.memory_space<semaphore_mem>>) src(%dma_wait3A_349 : memref<80xf32, #tpu.memory_space<vmem>>) dst(%dma_wait3A_346 : memref<80xf32, #tpu.memory_space<hbm>>)
    return
  }
}

</mosaic_0001>

<sc_bundles>
// kernel: kernel.3.cloned.1.call-start
scs
__scs_entry_jumppad:
0x0: {  	(pc) =	sbr.rel $0x88, $3  }
0x1: {  	(tag) =	ssettag $0x0;
	lr =	simm.s32 $0x1  }
0x2: {  	[smem:$0x3F9F] =	sst lr;
	_ =	strace $0xD0000000  }
0x3: {  	_ = 	snop  }
0x4: {  	_ = 	snop  }
0x5: {  	_ = 	snop  }
0x6: {  	_ = 	snop  }
0x7: {  	_ = 	snop  }
__scs_overlays_trampoline_lowered:
0x8: {  	[smem:$0x3FAE] =	sst s0  }
0x9: {  	[smem:$0x3FAF] =	sst s1  }
0xa: {  	[smem:$0x3FB0] =	sst s2  }
0xb: {  	[smem:$0x3FB1] =	sst s3  }
0xc: {  	[smem:$0x3FB2] =	sst s4  }
0xd: {  	[smem:$0x3FB3] =	sst s5  }
0xe: {  	[smem:$0x3FB4] =	sst s6  }
0xf: {  	[smem:$0x3FB5] =	sst s7  }
0x10: {  	[smem:$0x3FB6] =	sst s8  }
0x11: {  	[smem:$0x3FB7] =	sst s9;
	s0 =	simm.s32 @!p0 $0x0  }
0x12: {  	s1 =	sld [smem:$0x3F9D];
	s0 =	simm.s32 @p0 $0x1  }
0x13: {  	[smem:$0x3FB8] =	sst s0;
	s0 =	simm.s32 @!p1 $0x0  }
0x14: {  	s2 =	sld [smem:$0x3F9C];
	s0 =	simm.s32 @p1 $0x1  }
0x15: {  	[smem:$0x3FB9] =	sst s0;
	s0 =	simm.s32 @!p2 $0x0  }
0x16: {  	s3 =	sld [smem:$0x3FDB];
	s0 =	simm.s32 @p2 $0x1  }
0x17: {  	s4 =	simm.s32 $0x1BF5;
	[smem:$0x3FBB] =	sst s0  }
0x18: {  	s0 =	sld [smem:$0x3F9E];
	_ =	swait.ge [sflag:s4], $0x0  }
0x19: {  	s7 =	sld [smem:$0x3F9F]  }
0x1a: {  	s8 =	sadd.s32 $0xFFFFE003, lr  }
0x1b: {  	s9 =	sadd.s32 $0xFFFFFEF7, lr;
	s5 =	simm.s32 $0xFFFFFFFF;
	p2 =	slt.u32 s8, $0xFFFFF086  }
0x1c: {  	p1 =	slt.u32 s9, $0xF7A;
	s5 =	simm.s32 @!p2 $0x0  }
0x1d: {  	s5 =	simm.s32 @p1 $0x1;
	p0 =	seq.s32 s7, s2  }
0x1e: {  	s7 =	smul.u32 @!p0 $0xF7A, s2;
	p2 =	seq.s32 @!p0 s5, $0x0  }
0x1f: {  	s9 =	smul.u32 $0xF7A, s1;
	s8 =	simm.s32 @!p0 $0x1BF5;
	p2 =	por !p2, p0  }
0x20: {  	[sflag:s8] =	ssyncset.s32 @!p0 $0xFFFFF086;
	s6 =	sadd.s32 @!p0 s3, s7;
	s7 =	simm.s32 @!p0 $0x108  }
0x21: {  	s3 =	sadd.s32 s3, s9;
	s6 =	sadd.s32 @!p0 $0x88, s6;
	s7 =	simm.s32 @p2 $0x1082  }
0x22: {  	[simem:s7], [sflag:s8] =	dma.local @!p0 [hbm:s6], $0xF7A  }
0x23: {  	s9 =	sor.u32 $0xD0000000, s2;
	s6 =	simm.s32 $0x108;
	_ =	swait.ge @!p0 [sflag:s8], $0x0  }
0x24: {  	s3 =	sadd.s32 $0x88, s3;
	s6 =	simm.s32 @!p1 $0x1082;
	[sflag:s4] =	ssyncset.s32 $0xFFFFF086  }
0x25: {  	[simem:s6], [sflag:s4] =	dma.local [hbm:s3], $0xF7A  }
0x26: {  	[smem:$0x3F9F] =	sst s1;
	(tag) =	ssettag s2;
	_ =	strace s9  }
0x27: {  	s1 =	sld [smem:$0x3FAF]  }
0x28: {  	s2 =	sld [smem:$0x3FB0]  }
0x29: {  	s4 =	sld [smem:$0x3FB2]  }
0x2a: {  	p0 =	seq.s32 s5, $0x0;
	s5 =	sld [smem:$0x3FB3]  }
0x2b: {  	s6 =	sld [smem:$0x3FB4]  }
0x2c: {  	s7 =	sld [smem:$0x3FB5]  }
0x2d: {  	s3 =	simm.s32 $0x108;
	s8 =	sld [smem:$0x3FB6]  }
0x2e: {  	s3 =	simm.s32 @!p0 $0x1082;
	s9 =	sld [smem:$0x3FB7]  }
0x2f: {  	lr =	sadd.s32 s0, s3;
	s0 =	sld [smem:$0x3FAE]  }
0x30: {  	s3 =	sld [smem:$0x3FB1]  }
0x31: {  	[smem:$0x3FBA] =	sst s10  }
0x32: {  	s10 =	sld [smem:$0x3FB8];
	_ =	sdelay $0x3  }
0x33: {  	p0 =	seq.s32 s10, $0x1;
	s10 =	sld [smem:$0x3FBA];
	_ =	sdelay $0x3  }
0x34: {  	[smem:$0x3FBA] =	sst s10  }
0x35: {  	s10 =	sld [smem:$0x3FB9];
	_ =	sdelay $0x3  }
0x36: {  	p1 =	seq.s32 s10, $0x1;
	s10 =	sld [smem:$0x3FBA];
	_ =	sdelay $0x3  }
0x37: {  	[smem:$0x3FBA] =	sst s10  }
0x38: {  	s10 =	sld [smem:$0x3FBB]  }
0x39: {  	_ = 	snop;
	(pc) =	sbr.ind lr, $3  }
0x3a: {  	_ = 	snop  }
0x3b: {  	_ = 	snop  }
0x3c: {  	p2 =	seq.s32 s10, $0x1;
	s10 =	sld [smem:$0x3FBA]  }
0x3d: {  	_ =	shalt  }
0x3e: {  	_ =	shalt  }
0x3f: {  	_ =	shalt  }
0x40: {  	_ =	shalt  }
0x41: {  	_ =	shalt  }
0x42: {  	_ =	shalt  }
0x43: {  	_ =	shalt  }
0x44: {  	_ =	shalt  }
0x45: {  	_ =	shalt  }
0x46: {  	_ =	shalt  }
0x47: {  	_ =	shalt  }
0x48: {  	_ =	shalt  }
0x49: {  	_ =	shalt  }
0x4a: {  	_ =	shalt  }
0x4b: {  	_ =	shalt  }
0x4c: {  	_ =	shalt  }
0x4d: {  	_ =	shalt  }
0x4e: {  	_ =	shalt  }
0x4f: {  	_ =	shalt  }
0x50: {  	_ =	shalt  }
0x51: {  	_ =	shalt  }
0x52: {  	_ =	shalt  }
0x53: {  	_ =	shalt  }
0x54: {  	_ =	shalt  }
0x55: {  	_ =	shalt  }
0x56: {  	_ =	shalt  }
0x57: {  	_ =	shalt  }
0x58: {  	_ =	shalt  }
0x59: {  	_ =	shalt  }
0x5a: {  	_ =	shalt  }
0x5b: {  	_ =	shalt  }
0x5c: {  	_ =	shalt  }
0x5d: {  	_ =	shalt  }
0x5e: {  	_ =	shalt  }
0x5f: {  	_ =	shalt  }
0x60: {  	_ =	shalt  }
0x61: {  	_ =	shalt  }
0x62: {  	_ =	shalt  }
0x63: {  	_ =	shalt  }
0x64: {  	_ =	shalt  }
0x65: {  	_ =	shalt  }
0x66: {  	_ =	shalt  }
0x67: {  	_ =	shalt  }
0x68: {  	_ =	shalt  }
0x69: {  	_ =	shalt  }
0x6a: {  	_ =	shalt  }
0x6b: {  	_ =	shalt  }
0x6c: {  	_ =	shalt  }
0x6d: {  	_ =	shalt  }
0x6e: {  	_ =	shalt  }
0x6f: {  	_ =	shalt  }
0x70: {  	_ =	shalt  }
0x71: {  	_ =	shalt  }
0x72: {  	_ =	shalt  }
0x73: {  	_ =	shalt  }
0x74: {  	_ =	shalt  }
0x75: {  	_ =	shalt  }
0x76: {  	_ =	shalt  }
0x77: {  	_ =	shalt  }
0x78: {  	_ =	shalt  }
0x79: {  	_ =	shalt  }
0x7a: {  	_ =	shalt  }
0x7b: {  	_ =	shalt  }
0x7c: {  	_ =	shalt  }
0x7d: {  	_ =	shalt  }
0x7e: {  	_ =	shalt  }
0x7f: {  	_ =	shalt  }
0x80: {  	_ =	shalt  }
0x81: {  	_ =	shalt  }
0x82: {  	_ =	shalt  }
0x83: {  	_ =	shalt  }
0x84: {  	_ =	shalt  }
0x85: {  	_ =	shalt  }
0x86: {  	_ =	shalt  }
0x87: {  	_ =	shalt  }
.Lfunc_end0:
.L_simem_size_0:
called_computation_lowered:
.L_overlay_start_0:
0x88: {  	s2 =	sld [smem:$0x3FD9]  }
0x89: {  	s3 =	sld [smem:$0x3FFE];
	_ =	sdelay $0x1  }
0x8a: {  	s1 =	srdreg.scid  }
0x8b: {  	s0 =	sand.u32 $0x1, s1  }
0x8c: {  	s17 =	sshll.u32 s0, $0xA;
	s2 =	sadd.s32 s3, s2  }
0x8d: {  	s2 =	sadd.s32 s2, s17  }
0x8e: {  	[smem:$0x3FC6] =	sst s2  }
0x8f: {  	_ = 	snop  }
0x90: {  	s2 =	sld [smem:$0x3FC9]  }
0x91: {  	s18 =	sld [smem:$0x3FD0];
	(tm) =	ssettm $0x1  }
0x92: {  	s4 =	sld [smem:$0x3FFB];
	_ =	sdelay $0x3  }
0x93: {  	_ =	strace s4  }
0x94: {  	s4 =	sld [smem:$0x3FFC];
	_ =	sdelay $0x3  }
0x95: {  	_ =	strace s4  }
0x96: {  	s4 =	sld [smem:$0x3FFD];
	_ =	sdelay $0x3  }
0x97: {  	_ =	strace s4  }
0x98: {  	_ =	strace $0x8FFFFFFF  }
0x99: {  	s19 =	sld [smem:$0x3FDB];
	_ =	sdelay $0x1  }
0x9a: {  	s5 =	simm.s32 $_scs_section_size  }
0x9b: {  	s6 =	simm.s32 $_size__tile_overlayer_lowered;
	s7 =	simm.s32 $_tile_overlayer_lowered  }
0x9c: {  	s22 =	simm.s32 $0x1BFF;
	s21 =	sshll.u32 s7, $0x1;
	s4 =	sadd.s32 s5, s19  }
0x9d: {  	s8 =	simm.s32 $0x0;
	s20 =	sshll.u32 s6, $0x1;
	s6 =	sadd.s32 s21, s4  }
0x9e: {  	[timem:s8], [sflag:s22] =	dma.local [hbm:s6], s20  }
0x9f: {  	_ =	swait.ge [sflag:s22], s20  }
0xa0: {  	s5 =	ssub.s32 $0x0, s20;
	[sflag:s22] =	ssyncset.done $0x0  }
0xa1: {  	[sflag:s22] =	ssyncadd.s32 s5;
	_ =	sdelay $0x1  }
0xa2: {  	s23 =	simm.s32 $0x1B8B  }
0xa3: {  	_ =	swait.ge [sflag:s23], $0x1  }
0xa4: {  	[sflag:s23] =	ssyncset.done $0x0  }
0xa5: {  	s25 =	simm.s32 $0x1B8E;
	s24 =	sld [smem:$0x3FFE];
	[sflag:s23] =	ssyncadd.s32 $0xFFFFFFFF  }
0xa6: {  	s26 =	simm.s32 $execute0_lowered;
	[smem:$0x3FD2] =	sst s25  }
0xa7: {  	s6 =	sshll.u32 s26, $0x1;
	_ =	strace $0x80000046;
	[dreg:$0x1] =	wrdreg $0xFFFFFFFF  }
0xa8: {  	s28 =	simm.s32 $_size_execute0_lowered;
	s4 =	sadd.s32 s4, s6;
	[dreg:$0x0] =	wrdreg $0x0  }
0xa9: {  	s6 =	sshll.u32 s28, $0x1;
	[dreg:$0x2] =	wrdreg s4  }
0xaa: {  	[dreg:$0x3] =	wrdreg s6  }
0xab: {  	[dreg:$0x4] =	wrdreg $0xC0  }
0xac: {  	_ =	task [dreg:s8], $0x5FFFF  }
0xad: {  	[dreg:$0x1] =	wrdreg $0xFFFFFFFF  }
0xae: {  	[dreg:$0x0] =	wrdreg $0x60  }
0xaf: {  	[dreg:$0x2] =	wrdreg s2  }
0xb0: {  	[dreg:$0x3] =	wrdreg s24  }
0xb1: {  	[dreg:$0x4] =	wrdreg s18  }
0xb2: {  	[dreg:$0x5] =	wrdreg $0x128800  }
0xb3: {  	[dreg:$0x6] =	wrdreg $0x9  }
0xb4: {  	_ =	task.clear_ibuf [dreg:s8], $0x7FFFF;
	_ =	strace $0x90000046  }
0xb5: {  	s29 =	simm.s32 $0x9;
	_ =	strace $0x80000048  }
0xb6: {  	_ =	swait.ge [sflag:s29], $0x1  }
0xb7: {  	[sflag:s29] =	ssyncadd.s32 $0xFFFFFFFF  }
0xb8: {  	_ =	strace $0x90000048  }
0xb9: {  	_ =	sfence  }
0xba: {  	s30 =	sld [smem:$0x0];
	_ =	sdelay $0x2  }
0xbb: {  	s31 =	sshll.u32 s1, $0xD;
	s1 =	sshrl.u32 s1, $0x2  }
0xbc: {  	s3 =	sand.u32 $0x4000, s31;
	s1 =	sadd.s32 s1, s30  }
0xbd: {  	s0 =	sor.u32 s3, s0;
	s1 =	sshll.u32 s1, $0x11  }
0xbe: {  	s0 =	sor.u32 s1, s0  }
0xbf: {  	s0 =	sadd.s32 $0x8F2B, s0  }
0xc0: {  	[sflag:s0] =	ssyncadd.remote.s32 $0x1  }
0xc1: {  	_ =	sfence.sel $0xFFFF  }
0xc2: {  	[dreg:$0x0] =	wrdreg $0xFFFFFFFF;
	(pc) =	sbr.abs _section_cstart, $3  }
0xc3: {  	[dreg:$0x1] =	wrdreg $0xFFFFFFFF  }
0xc4: {  	_ =	task.clear_ibuf [dreg:s8], $0x2FFFF;
	_ =	strace $0x9FFFFFFF  }
0xc5: {  	(tm) =	ssettm $0x7FFFFFFF  }
tec
execute0_lowered:
.L_overlay_start_1:
0x0: {  	(tag) =	ssettag $0x1  }
0x1: {  	s1 =	rddreg [dreg:$0x0]  }
0x2: {  	s2 =	rddreg [dreg:$0x1]  }
0x3: {  	s3 =	rddreg [dreg:$0x2];
	s6 =	simm.s32 $0x0;
	s0 =	srdreg.scid  }
0x4: {  	s9 =	stileid.u32;
	[smem:$0x7FF] =	sst s6;
	s0 =	sand.u32 $0x1, s0  }
0x5: {  	s11 =	smul.u32 $0x280, s9;
	s4 =	ssub.s32 $0x2, s0;
	s0 =	sshll.u32 s0, $0x4  }
0x6: {  	p0 =	seq.s32 s9, $0xF;
	_ =	strace $0x80000047;
	s0 =	sor.u32 s9, s0  }
0x7: {  	s5 =	sshrl.u32 s4, $0x1;
	s10 =	smul.u32 $0x2710, s0;
	s0 =	simm.s32 $0x5  }
0x8: {  	[dreg:$0x5] =	wrdreg s11;
	s4 =	ssub.s32 s4, s5;
	s0 =	simm.s32 @!p0 $0x8  }
0x9: {  	s4 =	smax.u32 s4, $0x1;
	[dreg:$0x6] =	wrdreg s0  }
0xa: {  	s13 =	sadd.s32 $0x50, s10;
	[dreg:$0x14] =	wrdreg s4  }
0xb: {  	s8 =	sadd.s32 $0xA0, s10;
	[dreg:$0x8] =	wrdreg s13  }
0xc: {  	s19 =	sadd.s32 $0xF0, s10;
	[dreg:$0xd] =	wrdreg s8  }
0xd: {  	s21 =	sadd.s32 $0x140, s10;
	[dreg:$0xf] =	wrdreg s19  }
0xe: {  	s26 =	simm.s32 $0x5;
	s25 =	sadd.s32 $0x190, s10;
	[dreg:$0x1a] =	wrdreg s21  }
0xf: {  	s7 =	sadd.s32 $0x9E00, s2;
	s28 =	sadd.s32 $0x1E0, s10;
	[dreg:$0x15] =	wrdreg s25  }
0x10: {  	s12 =	sshrl.u32 s10, $0x3;
	s29 =	sadd.s32 $0x230, s10;
	[dreg:$0x16] =	wrdreg s28  }
0x11: {  	s30 =	sadd.s32 $0x280, s10;
	s31 =	sadd.s32 $0x2D0, s10;
	[dreg:$0x17] =	wrdreg s29  }
0x12: {  	s0 =	simm.s32 $0x800;
	s4 =	simm.s32 $0x2;
	[dreg:$0x18] =	wrdreg s30  }
0x13: {  	s14 =	sadd.s32 s7, s12;
	s5 =	sshrl.u32 s13, $0x3;
	[dreg:$0x19] =	wrdreg s31  }
0x14: {  	s15 =	sadd.s32 s2, s12;
	s17 =	sshrl.u32 s8, $0x3;
	[dreg:$0x7] =	wrdreg s14  }
0x15: {  	s24 =	sshrl.u32 s21, $0x3;
	[dreg:$0x9] =	wrdreg s15;
	s16 =	sadd.s32 s7, s5  }
0x16: {  	s12 =	simm.s32 $0x10;
	s5 =	sadd.s32 s2, s5;
	[dreg:$0xa] =	wrdreg s16  }
0x17: {  	v0 =	vlaneseq.u32;
	s21 =	simm.s32 $0x3;
	s18 =	sadd.s32 s7, s17;
	[dreg:$0xb] =	wrdreg s5  }
0x18: {  	v0 =	vmul.u32 $0x80, v0;
	s20 =	sadd.s32 s2, s17;
	s8 =	sadd.s32 s7, s24;
	[dreg:$0xc] =	wrdreg s18  }
0x19: {  	s14 =	simm.s32 $0xD400;
	s15 =	simm.s32 $0x1;
	[dreg:$0xe] =	wrdreg s20  }
0x1a: {  	v1 =	vor.u32 $0x1, v0;
	v2 =	vor.u32 $0x2, v0;
	v3 =	vor.u32 $0x3, v0;
	s17 =	simm.s32 $0xF;
	s5 =	sshrl.u32 s19, $0x3;
	[dreg:$0x12] =	wrdreg s8  }
0x1b: {  	v4 =	vor.u32 $0x4, v0;
	v5 =	vor.u32 $0x5, v0;
	v6 =	vor.u32 $0x6, v0;
	s8 =	smov.u32 s10;
	s16 =	simm.s32 $0x10000;
	s22 =	sadd.s32 s7, s5  }
0x1c: {  	v7 =	vor.u32 $0x7, v0;
	v8 =	vor.u32 $0x8, v0;
	v9 =	vor.u32 $0x9, v0;
	s19 =	simm.s32 $0xA800;
	s23 =	sadd.s32 s2, s5;
	[dreg:$0x10] =	wrdreg s22  }
0x1d: {  	v10 =	vor.u32 $0xA, v0;
	v11 =	vor.u32 $0xB, v0;
	v12 =	vor.u32 $0xC, v0;
	s10 =	simm.s32 $0x0;
	s5 =	sadd.s32 s2, s24;
	[dreg:$0x11] =	wrdreg s23  }
0x1e: {  	v13 =	vor.u32 $0xD, v0;
	v14 =	vor.u32 $0xE, v0;
	v15 =	vor.u32 $0xF, v0;
	s24 =	simm.s32 $0x50;
	[dreg:$0x13] =	wrdreg s5;
	s22 =	simm.s32 $0x4  }
.LBB2_1:
0x1f: {  	[dreg:$0x1b] =	wrdreg s10;
	s5 =	simm.s32 $0x0  }
.LBB2_2:
0x20: {  	s9 =	smul.u32 $0x50, s5  }
0x21: {  	s10 =	rddreg [dreg:$0x5]  }
0x22: {  	s23 =	sadd.s32 s10, s9  }
0x23: {  	s9 =	sshll.u32 s23, $0x4  }
0x24: {  	s28 =	sadd.s32 s1, s9;
	s9 =	simm.s32 $0x0  }
0x25: {  	[tilespmem:s0], [sflag:$0x10] =	stream.linear.gather [hbm4b:s28+s9], $0x2800, $0x38;
	[tilespmem:$0x12B00] =	vst v63  }
0x26: {  	_ =	swait.ge [sflag:s12], $0x2800  }
0x27: {  	[sflag:s12] =	ssyncset.done $0x0  }
0x28: {  	s29 =	simm.s32 $0x880;
	[sflag:s12] =	ssyncadd.s32 $0xFFFFD800  }
0x29: {  	v16 =	vld [tilespmem:s29+$0x0]  }
0x2a: {  	v17 =	vld [tilespmem:s29+$0x10]  }
0x2b: {  	v18 =	vld [tilespmem:s29+$0x20]  }
0x2c: {  	v19 =	vld [tilespmem:s29+$0x30]  }
0x2d: {  	v20 =	vld [tilespmem:s29+$0x40]  }
0x2e: {  	v21 =	vld [tilespmem:s29+$0x50]  }
0x2f: {  	v22 =	vld [tilespmem:s29+$0x60]  }
0x30: {  	v23 =	vld [tilespmem:s29+$0x70]  }
0x31: {  	v24 =	vld [tilespmem:s29+$0xFFFFFF90]  }
0x32: {  	v25 =	vld [tilespmem:s29+$0xFFFFFFA0]  }
0x33: {  	v26 =	vld [tilespmem:s29+$0xFFFFFFB0]  }
0x34: {  	v27 =	vld [tilespmem:s29+$0xFFFFFFC0]  }
0x35: {  	v28 =	vld [tilespmem:s29+$0xFFFFFFD0]  }
0x36: {  	v29 =	vld [tilespmem:s29+$0xFFFFFFE0]  }
0x37: {  	v30 =	vld [tilespmem:s29+$0xFFFFFFF0];
	v16 =	vmul.f32 v16, v16;
	v17 =	vmul.f32 v17, v17  }
0x38: {  	s11 =	simm.s32 $0x980;
	v31 =	vld [tilespmem:s29+$0xFFFFFF80];
	v18 =	vmul.f32 v18, v18;
	v19 =	vmul.f32 v19, v19  }
0x39: {  	v32 =	vld [tilespmem:s11+$0x0];
	v20 =	vmul.f32 v20, v20;
	v21 =	vmul.f32 v21, v21  }
0x3a: {  	v33 =	vld [tilespmem:s11+$0x10];
	v22 =	vmul.f32 v22, v22;
	v23 =	vmul.f32 v23, v23  }
0x3b: {  	v62 =	vld [tilespmem:s11+$0x50];
	v24 =	vmul.f32 v24, v24;
	v26 =	vmul.f32 v26, v26  }
0x3c: {  	v63 =	vld [tilespmem:s11+$0x60];
	v16 =	vadd.f32 v17, v16;
	v18 =	vadd.f32 v19, v18;
	v19 =	vmul.f32 v25, v25  }
0x3d: {  	v17 =	vld [tilespmem:s11+$0x20];
	v20 =	vadd.f32 v21, v20;
	v21 =	vmul.f32 v27, v27;
	v27 =	vmul.f32 v28, v28  }
0x3e: {  	v25 =	vld [tilespmem:s11+$0x30];
	v22 =	vadd.f32 v23, v22;
	v23 =	vmul.f32 v29, v29;
	v29 =	vmul.f32 v30, v30  }
0x3f: {  	v28 =	vld [tilespmem:s11+$0x40];
	v16 =	vadd.f32 v18, v16;
	v18 =	vmul.f32 v31, v31;
	v21 =	vadd.f32 v27, v21  }
0x40: {  	v23 =	vadd.f32 v29, v23;
	v27 =	vld [tilespmem:s11+$0x70];
	v19 =	vadd.f32 v26, v19  }
0x41: {  	v30 =	vmul.f32 v62, v62;
	v20 =	vadd.f32 v22, v20;
	v22 =	vld [tilespmem:s11+$0xFFFFFFA0];
	v18 =	vadd.f32 v24, v18  }
0x42: {  	v31 =	vmul.f32 v63, v63;
	v24 =	vld [tilespmem:s11+$0xFFFFFF90];
	v21 =	vadd.f32 v23, v21;
	v23 =	vmul.f32 v33, v33  }
0x43: {  	s13 =	simm.s32 $0x80;
	s30 =	sand.u32 $0x3800, s9;
	v29 =	vld [tilespmem:s11+$0xFFFFFFB0];
	v16 =	vadd.f32 v20, v16;
	v20 =	vmul.f32 v17, v17;
	v18 =	vadd.f32 v19, v18  }
0x44: {  	s13 =	sand.u32 $0x780, s13;
	s10 =	sadd.s32 $0xD400, s30;
	v25 =	vmul.f32 v25, v25;
	v17 =	vld [tilespmem:s11+$0xFFFFFFC0];
	v19 =	vmul.f32 v32, v32  }
0x45: {  	s18 =	sand.u32 $0x700, s9;
	s13 =	sadd.s32 s13, s10;
	v28 =	vmul.f32 v28, v28;
	v27 =	vmul.f32 v27, v27;
	v26 =	vadd.f32 v21, v18;
	v18 =	vld [tilespmem:s11+$0xFFFFFFD0]  }
0x46: {  	s31 =	sadd.s32 s18, s10;
	[tilespmem:s13+$0x0] =	vst v16;
	v21 =	vadd.f32 v23, v19;
	v19 =	vld [tilespmem:s11+$0xFFFFFFE0];
	v23 =	vadd.f32 v25, v20  }
0x47: {  	v20 =	vld [tilespmem:s11+$0xFFFFFFF0];
	v25 =	vadd.f32 v30, v28;
	v16 =	vmul.f32 v24, v24;
	[tilespmem:s31+$0x0] =	vst v26;
	v26 =	vadd.f32 v27, v31  }
0x48: {  	s10 =	simm.s32 $0x2;
	v24 =	vmul.f32 v22, v22;
	v22 =	vld [tilespmem:s11+$0xFFFFFF80];
	s11 =	simm.s32 $0xA80;
	v27 =	vmul.f32 v29, v29  }
.LBB2_3:
0x49: {  	v28 =	vld [tilespmem:s11+$0x0];
	v17 =	vmul.f32 v17, v17;
	v21 =	vadd.f32 v23, v21;
	v23 =	vadd.f32 v26, v25;
	s9 =	sadd.s32 $0x100, s9  }
0x4a: {  	v25 =	vld [tilespmem:s11+$0x10];
	v18 =	vmul.f32 v18, v18;
	v24 =	vadd.f32 v27, v24;
	s13 =	sand.u32 $0x3800, s9;
	s18 =	sand.u32 $0x700, s9;
	s20 =	sadd.s32 $0x80, s9  }
0x4b: {  	v26 =	vld [tilespmem:s11+$0x20];
	v19 =	vmul.f32 v19, v19;
	s13 =	sadd.s32 $0xD400, s13;
	v21 =	vadd.f32 v23, v21;
	s20 =	sand.u32 $0x780, s20  }
0x4c: {  	v23 =	vld [tilespmem:s11+$0x30];
	v20 =	vmul.f32 v20, v20;
	v17 =	vadd.f32 v18, v17;
	s18 =	sadd.s32 s18, s13;
	s13 =	sadd.s32 s20, s13  }
0x4d: {  	v18 =	vld [tilespmem:s11+$0x40];
	v22 =	vmul.f32 v22, v22;
	[tilespmem:s13+$0x0] =	vst v21  }
0x4e: {  	v21 =	vld [tilespmem:s11+$0x50];
	v19 =	vadd.f32 v20, v19  }
0x4f: {  	v20 =	vld [tilespmem:s11+$0x60];
	v16 =	vadd.f32 v16, v22  }
0x50: {  	s10 =	sadd.s32 $0x2, s10;
	v22 =	vld [tilespmem:s11+$0x70];
	v17 =	vadd.f32 v19, v17  }
0x51: {  	p0 =	slt.u32 s10, $0x4E;
	v19 =	vld [tilespmem:s11+$0xFFFFFF90];
	v16 =	vadd.f32 v24, v16  }
0x52: {  	v27 =	vmul.f32 v28, v28;
	v25 =	vmul.f32 v25, v25;
	v24 =	vld [tilespmem:s11+$0xFFFFFFA0]  }
0x53: {  	v26 =	vmul.f32 v26, v26;
	v23 =	vmul.f32 v23, v23;
	v28 =	vld [tilespmem:s11+$0xFFFFFFB0];
	v16 =	vadd.f32 v17, v16  }
.Ltmp0:
0x54: {  	v29 =	vmul.f32 v18, v18;
	v30 =	vmul.f32 v21, v21;
	v17 =	vld [tilespmem:s11+$0xFFFFFFC0];
	(pc) =	sbr.rel @p0 .LBB2_3-.Ltmp0, $4  }
0x55: {  	v31 =	vmul.f32 v20, v20;
	v18 =	vld [tilespmem:s11+$0xFFFFFFD0];
	v22 =	vmul.f32 v22, v22;
	[tilespmem:s18+$0x0] =	vst v16  }
0x56: {  	v21 =	vadd.f32 v25, v27;
	v23 =	vadd.f32 v23, v26;
	v16 =	vmul.f32 v19, v19;
	v19 =	vld [tilespmem:s11+$0xFFFFFFE0]  }
0x57: {  	v25 =	vadd.f32 v30, v29;
	v24 =	vmul.f32 v24, v24;
	v20 =	vld [tilespmem:s11+$0xFFFFFFF0];
	v26 =	vadd.f32 v22, v31  }
0x58: {  	v22 =	vld [tilespmem:s11+$0xFFFFFF80];
	v27 =	vmul.f32 v28, v28;
	s11 =	sadd.s32 $0x100, s11  }
0x59: {  	_ =	sdelay $0x1  }
0x5a: {  	v17 =	vmul.f32 v17, v17  }
0x5b: {  	v18 =	vmul.f32 v18, v18;
	v19 =	vmul.f32 v19, v19  }
0x5c: {  	v20 =	vmul.f32 v20, v20;
	v22 =	vmul.f32 v22, v22  }
0x5d: {  	v24 =	vadd.f32 v27, v24;
	v17 =	vadd.f32 v18, v17  }
0x5e: {  	v18 =	vadd.f32 v20, v19;
	v16 =	vadd.f32 v16, v22  }
0x5f: {  	s9 =	sadd.s32 $0x100, s9;
	s10 =	simm.s32 $0x0;
	v19 =	vadd.f32 v23, v21;
	v20 =	vadd.f32 v26, v25  }
0x60: {  	s11 =	sand.u32 $0x3800, s9;
	s13 =	sadd.s32 $0x80, s9;
	v17 =	vadd.f32 v18, v17;
	v18 =	vor.u32 s10, v0;
	v16 =	vadd.f32 v24, v16  }
0x61: {  	s11 =	sadd.s32 $0xD400, s11;
	s13 =	sand.u32 $0x780, s13;
	v19 =	vadd.f32 v20, v19;
	v20 =	vor.u32 s10, v1  }
0x62: {  	s9 =	sand.u32 $0x700, s9;
	s13 =	sadd.s32 s13, s11;
	v21 =	vor.u32 s10, v5;
	v16 =	vadd.f32 v17, v16  }
0x63: {  	s9 =	sadd.s32 s9, s11;
	v22 =	vor.u32 s10, v6;
	[tilespmem:s13+$0x0] =	vst v19  }
0x64: {  	v23 =	vor.u32 s10, v7;
	[tilespmem:s9+$0x0] =	vst v16  }
0x65: {  	v24 =	vor.u32 s10, v8;
	v18 =	vld.idx.msk [tilespmem:v18+s14+$0x0], $0xffff  }
0x66: {  	v25 =	vor.u32 s10, v9;
	v20 =	vld.idx.msk [tilespmem:v20+s14+$0x0], $0xffff  }
0x67: {  	v26 =	vor.u32 s10, v10;
	v21 =	vld.idx.msk [tilespmem:v21+s14+$0x0], $0xffff  }
0x68: {  	v27 =	vor.u32 s10, v11;
	v22 =	vld.idx.msk [tilespmem:v22+s14+$0x0], $0xffff  }
0x69: {  	v28 =	vor.u32 s10, v12;
	v23 =	vld.idx.msk [tilespmem:v23+s14+$0x0], $0xffff  }
0x6a: {  	v29 =	vor.u32 s10, v13;
	v24 =	vld.idx.msk [tilespmem:v24+s14+$0x0], $0xffff  }
0x6b: {  	v30 =	vor.u32 s10, v14;
	v25 =	vld.idx.msk [tilespmem:v25+s14+$0x0], $0xffff  }
0x6c: {  	s31 =	simm.s32 $0x800;
	v31 =	vor.u32 s10, v15;
	v26 =	vld.idx.msk [tilespmem:v26+s14+$0x0], $0xffff  }
0x6d: {  	v32 =	vor.u32 s31, v0;
	v27 =	vld.idx.msk [tilespmem:v27+s14+$0x0], $0xffff  }
0x6e: {  	v33 =	vor.u32 s31, v1;
	v28 =	vld.idx.msk [tilespmem:v28+s14+$0x0], $0xffff  }
0x6f: {  	v34 =	vor.u32 s31, v2;
	v29 =	vld.idx.msk [tilespmem:v29+s14+$0x0], $0xffff  }
0x70: {  	v35 =	vor.u32 s31, v3;
	v30 =	vld.idx.msk [tilespmem:v30+s14+$0x0], $0xffff  }
0x71: {  	v36 =	vor.u32 s31, v4;
	v31 =	vld.idx.msk [tilespmem:v31+s14+$0x0], $0xffff  }
0x72: {  	v19 =	vor.u32 s10, v3;
	v32 =	vld.idx.msk [tilespmem:v32+s14+$0x0], $0xffff  }
0x73: {  	v17 =	vor.u32 s10, v2;
	v33 =	vld.idx.msk [tilespmem:v33+s14+$0x0], $0xffff  }
0x74: {  	v37 =	vor.u32 s31, v5;
	v34 =	vld.idx.msk [tilespmem:v34+s14+$0x0], $0xffff  }
0x75: {  	v16 =	vor.u32 s10, v4;
	v35 =	vld.idx.msk [tilespmem:v35+s14+$0x0], $0xffff  }
0x76: {  	v38 =	vor.u32 s31, v6;
	v36 =	vld.idx.msk [tilespmem:v36+s14+$0x0], $0xffff  }
0x77: {  	v39 =	vor.u32 s31, v7;
	v19 =	vld.idx.msk [tilespmem:v19+s14+$0x0], $0xffff  }
0x78: {  	v40 =	vor.u32 s31, v8;
	v17 =	vld.idx.msk [tilespmem:v17+s14+$0x0], $0xffff  }
0x79: {  	v42 =	vor.u32 s31, v10;
	v37 =	vld.idx.msk [tilespmem:v37+s14+$0x0], $0xffff  }
0x7a: {  	v43 =	vor.u32 s31, v11;
	v16 =	vld.idx.msk [tilespmem:v16+s14+$0x0], $0xffff  }
0x7b: {  	v41 =	vor.u32 s31, v9;
	v38 =	vld.idx.msk [tilespmem:v38+s14+$0x0], $0xffff  }
0x7c: {  	v44 =	vor.u32 s31, v12;
	v39 =	vld.idx.msk [tilespmem:v39+s14+$0x0], $0xffff;
	v18 =	vadd.f32 v20, v18;
	v24 =	vadd.f32 v25, v24  }
0x7d: {  	v20 =	vld.idx.msk [tilespmem:v40+s14+$0x0], $0xffff;
	v25 =	vadd.f32 v27, v26;
	v17 =	vadd.f32 v19, v17;
	v19 =	vor.u32 s31, v13  }
0x7e: {  	v26 =	vld.idx.msk [tilespmem:v42+s14+$0x0], $0xffff;
	v27 =	vor.u32 s31, v15;
	v28 =	vadd.f32 v29, v28;
	v29 =	vadd.f32 v31, v30  }
0x7f: {  	s9 =	simm.s32 $0x1000;
	v31 =	vld.idx.msk [tilespmem:v43+s14+$0x0], $0xffff;
	v16 =	vadd.f32 v21, v16;
	v21 =	vadd.f32 v23, v22;
	v22 =	vor.u32 s31, v14  }
0x80: {  	v30 =	vor.u32 s9, v0;
	v24 =	vadd.f32 v25, v24;
	v25 =	vadd.f32 v29, v28;
	v23 =	vld.idx.msk [tilespmem:v41+s14+$0x0], $0xffff  }
0x81: {  	v17 =	vadd.f32 v17, v18;
	v18 =	vor.u32 s9, v1;
	v16 =	vadd.f32 v21, v16;
	v21 =	vld.idx.msk [tilespmem:v44+s14+$0x0], $0xffff  }
0x82: {  	v28 =	vor.u32 s9, v2;
	v29 =	vld.idx.msk [tilespmem:v19+s14+$0x0], $0xffff  }
0x83: {  	v16 =	vadd.f32 v16, v17;
	v17 =	vadd.f32 v25, v24;
	v24 =	vor.u32 s9, v4;
	v25 =	vld.idx.msk [tilespmem:v27+s14+$0x0], $0xffff  }
0x84: {  	v27 =	vor.u32 s9, v5;
	v55 =	vld.idx.msk [tilespmem:v22+s14+$0x0], $0xffff  }
0x85: {  	v54 =	vor.u32 s9, v3;
	v19 =	vld.idx.msk [tilespmem:v30+s14+$0x0], $0xffff  }
0x86: {  	v56 =	vor.u32 s9, v6;
	v58 =	vadd.f32 v35, v34;
	v60 =	vadd.f32 v37, v36;
	v22 =	vld.idx.msk [tilespmem:v18+s14+$0x0], $0xffff  }
0x87: {  	v57 =	vor.u32 s9, v7;
	v61 =	vadd.f32 v39, v38;
	v30 =	vadd.f32 v17, v16;
	v16 =	vld.idx.msk [tilespmem:v28+s14+$0x0], $0xffff  }
0x88: {  	v59 =	vor.u32 s9, v8;
	v28 =	vadd.f32 v33, v32;
	v18 =	vld.idx.msk [tilespmem:v24+s14+$0x0], $0xffff;
	v24 =	vadd.f32 v23, v20  }
0x89: {  	v62 =	vor.u32 s9, v9;
	v20 =	vld.idx.msk [tilespmem:v27+s14+$0x0], $0xffff;
	v27 =	vadd.f32 v29, v21;
	v25 =	vadd.f32 v25, v55  }
0x8a: {  	v35 =	vadd.f32 v61, v60;
	v31 =	vadd.f32 v31, v26;
	v26 =	vor.u32 s9, v10;
	v17 =	vld.idx.msk [tilespmem:v54+s14+$0x0], $0xffff  }
0x8b: {  	v33 =	vadd.f32 v58, v28;
	v21 =	vld.idx.msk [tilespmem:v56+s14+$0x0], $0xffff;
	v63 =	vadd.f32 v25, v27;
	v27 =	vor.u32 s9, v11  }
0x8c: {  	v28 =	vor.u32 s9, v12;
	v29 =	vmul.f32 $5.000000000e-01, v30;
	v23 =	vld.idx.msk [tilespmem:v57+s14+$0x0], $0xffff;
	v31 =	vadd.f32 v31, v24  }
0x8d: {  	s10 =	simm.s32 $0x12800;
	v30 =	vor.u32 s9, v13;
	v24 =	vld.idx.msk [tilespmem:v59+s14+$0x0], $0xffff  }
0x8e: {  	s11 =	simm.s32 $0x3;
	v32 =	vor.u32 s9, v14;
	[tilespmem:s10+$0x0] =	vst v29;
	v29 =	vadd.f32 v35, v33;
	v25 =	vld.idx.msk [tilespmem:v62+s14+$0x0], $0xffff;
	v31 =	vadd.f32 v63, v31  }
.LBB2_5:
0x8f: {  	p0 =	sne.s32 s11, $0x4;
	v26 =	vld.idx.msk [tilespmem:v26+s14+$0x0], $0xffff;
	v33 =	vor.u32 s9, v15;
	s9 =	sshll.u32 s11, $0xB  }
0x90: {  	v34 =	vor.u32 s9, v0;
	v27 =	vld.idx.msk [tilespmem:v27+s14+$0x0], $0xffff;
	v29 =	vadd.f32 v31, v29  }
0x91: {  	v31 =	vor.u32 s9, v1;
	v28 =	vld.idx.msk [tilespmem:v28+s14+$0x0], $0xffff  }
0x92: {  	v35 =	vor.u32 s9, v2;
	v30 =	vld.idx.msk [tilespmem:v30+s14+$0x0], $0xffff;
	v29 =	vmul.f32 $5.000000000e-01, v29  }
0x93: {  	s10 =	sadd.s32 $0x10, s10;
	v36 =	vor.u32 s9, v3;
	v32 =	vld.idx.msk [tilespmem:v32+s14+$0x0], $0xffff  }
0x94: {  	v37 =	vor.u32 s9, v4;
	v33 =	vld.idx.msk [tilespmem:v33+s14+$0x0], $0xffff;
	[tilespmem:s10+$0x0] =	vst v29  }
0x95: {  	v29 =	vld.idx.msk [tilespmem:v34+s14+$0x0], $0xffff;
	v34 =	vor.u32 s9, v5  }
0x96: {  	v38 =	vor.u32 s9, v6;
	v31 =	vld.idx.msk [tilespmem:v31+s14+$0x0], $0xffff  }
0x97: {  	v19 =	vadd.f32 v22, v19;
	v22 =	vadd.f32 v17, v16;
	v39 =	vor.u32 s9, v7;
	v16 =	vld.idx.msk [tilespmem:v35+s14+$0x0], $0xffff  }
0x98: {  	v23 =	vadd.f32 v23, v21;
	v35 =	vor.u32 s9, v8;
	v17 =	vld.idx.msk [tilespmem:v36+s14+$0x0], $0xffff;
	v36 =	vadd.f32 v20, v18  }
0x99: {  	v24 =	vadd.f32 v25, v24;
	v25 =	vadd.f32 v27, v26;
	v18 =	vld.idx.msk [tilespmem:v37+s14+$0x0], $0xffff;
	v37 =	vor.u32 s9, v9  }
.Ltmp1:
0x9a: {  	v26 =	vor.u32 s9, v10;
	v30 =	vadd.f32 v30, v28;
	v32 =	vadd.f32 v33, v32;
	v20 =	vld.idx.msk [tilespmem:v34+s14+$0x0], $0xffff;
	(pc) =	sbr.rel @p0 .LBB2_5-.Ltmp1, $4  }
0x9b: {  	v27 =	vor.u32 s9, v11;
	v33 =	vadd.f32 v22, v19;
	v34 =	vadd.f32 v23, v36;
	v19 =	vmovc v29;
	v21 =	vld.idx.msk [tilespmem:v38+s14+$0x0], $0xffff  }
0x9c: {  	v28 =	vor.u32 s9, v12;
	v36 =	vadd.f32 v25, v24;
	v38 =	vadd.f32 v32, v30;
	v22 =	vmovc v31;
	v23 =	vld.idx.msk [tilespmem:v39+s14+$0x0], $0xffff  }
0x9d: {  	v30 =	vor.u32 s9, v13;
	v24 =	vld.idx.msk [tilespmem:v35+s14+$0x0], $0xffff  }
0x9e: {  	s11 =	sadd.s32 $0x1, s11;
	v32 =	vor.u32 s9, v14;
	v29 =	vadd.f32 v34, v33;
	v31 =	vadd.f32 v38, v36;
	v25 =	vld.idx.msk [tilespmem:v37+s14+$0x0], $0xffff  }
0x9f: {  	_ =	sdelay $0x3  }
0xa0: {  	v26 =	vld.idx.msk [tilespmem:v26+s14+$0x0], $0xffff;
	v33 =	vor.u32 s9, v15  }
0xa1: {  	v27 =	vld.idx.msk [tilespmem:v27+s14+$0x0], $0xffff  }
0xa2: {  	v28 =	vld.idx.msk [tilespmem:v28+s14+$0x0], $0xffff  }
0xa3: {  	v30 =	vld.idx.msk [tilespmem:v30+s14+$0x0], $0xffff  }
0xa4: {  	v32 =	vld.idx.msk [tilespmem:v32+s14+$0x0], $0xffff  }
0xa5: {  	v33 =	vld.idx.msk [tilespmem:v33+s14+$0x0], $0xffff;
	_ =	sdelay $0x1  }
0xa6: {  	v19 =	vadd.f32 v22, v19;
	v16 =	vadd.f32 v17, v16  }
0xa7: {  	v17 =	vadd.f32 v20, v18;
	v56 =	vadd.f32 v23, v21  }
0xa8: {  	v57 =	vadd.f32 v25, v24;
	v58 =	vadd.f32 v27, v26  }
0xa9: {  	v59 =	vadd.f32 v30, v28;
	v60 =	vadd.f32 v33, v32  }
0xaa: {  	v16 =	vadd.f32 v16, v19;
	v17 =	vadd.f32 v56, v17  }
0xab: {  	v61 =	vadd.f32 v58, v57;
	v62 =	vadd.f32 v60, v59;
	_ =	sdelay $0x1  }
0xac: {  	v16 =	vadd.f32 v17, v16;
	v17 =	vadd.f32 v62, v61  }
0xad: {  	v63 =	vadd.f32 v31, v29  }
0xae: {  	v16 =	vadd.f32 v17, v16  }
0xaf: {  	v17 =	vmul.f32 $5.000000000e-01, v63  }
0xb0: {  	s28 =	sadd.s32 $0x10, s10;
	v16 =	vmul.f32 $5.000000000e-01, v16  }
0xb1: {  	s29 =	rddreg [dreg:$0x3];
	s9 =	sadd.s32 $0x10, s28;
	[tilespmem:s28+$0x0] =	vst v17  }
0xb2: {  	s30 =	simm.s32 $0x12800;
	[tilespmem:s9+$0x0] =	vst v16;
	s9 =	sadd.s32 s23, s29  }
0xb3: {  	[spmem:s9] =	stream.linear.scatter [tilespmem:s30], [sflag:$0x10], $0x50, $0x38;
	[tilespmem:$0x12B00] =	vst v63  }
0xb4: {  	_ =	swait.ge [sflag:s12], $0x50  }
0xb5: {  	s5 =	sadd.s32 $0x1, s5;
	s31 =	rddreg [dreg:$0x6]  }
0xb6: {  	p0 =	sne.s32 s5, s31  }
.Ltmp2:
0xb7: {  	_ = 	snop;
	(pc) =	sbr.rel @p0 .LBB2_2-.Ltmp2, $3  }
0xb8: {  	_ =	sdelay $0x1  }
0xb9: {  	[sflag:s12] =	ssyncset.done $0x0  }
0xba: {  	[sflag:s12] =	ssyncadd.s32 $0xFFFFFFB0  }
0xbb: {  	[bflag:$0x0] =	sbarrier.arrive $0xFFFF  }
0xbc: {  	s5 =	rddreg [dreg:$0x3]  }
0xbd: {  	[tilespmem:s16], [sflag:$0x10] =	stream.linear.gather [spmem:s5], $0x2800, $0x38;
	[tilespmem:$0x12B00] =	vst v63  }
0xbe: {  	_ =	swait.ge [sflag:s12], $0x2800  }
0xbf: {  	[sflag:s12] =	ssyncset.done $0x0  }
0xc0: {  	s5 =	simm.s32 $0x0;
	s9 =	rddreg [dreg:$0x7];
	[sflag:s12] =	ssyncadd.s32 $0xFFFFD800  }
0xc1: {  	[tilespmem:s5], [sflag:$0xB] =	stream.linear.gather [hbm4b:s9+s5], $0x50, $0x38;
	[tilespmem:$0x12B00] =	vst v63  }
0xc2: {  	s10 =	simm.s32 $0x400;
	s0 =	rddreg [dreg:$0x9]  }
0xc3: {  	[tilespmem:s10], [sflag:$0xB] =	stream.linear.gather [hbm4b:s0+s5], $0x50, $0x38;
	[tilespmem:$0x12B00] =	vst v63  }
0xc4: {  	s11 =	rddreg [dreg:$0xa];
	s0 =	simm.s32 $0x80  }
0xc5: {  	[tilespmem:s0], [sflag:$0xC] =	stream.linear.gather [hbm4b:s11+s5], $0x50, $0x38;
	[tilespmem:$0x12B00] =	vst v63  }
0xc6: {  	s13 =	rddreg [dreg:$0xb];
	s11 =	simm.s32 $0x480  }
0xc7: {  	[tilespmem:s11], [sflag:$0xC] =	stream.linear.gather [hbm4b:s13+s5], $0x50, $0x38;
	[tilespmem:$0x12B00] =	vst v63  }
0xc8: {  	s18 =	rddreg [dreg:$0xc];
	s13 =	simm.s32 $0x100  }
0xc9: {  	[tilespmem:s13], [sflag:$0xD] =	stream.linear.gather [hbm4b:s18+s5], $0x50, $0x38;
	[tilespmem:$0x12B00] =	vst v63  }
0xca: {  	s20 =	rddreg [dreg:$0xe];
	s18 =	simm.s32 $0x500  }
0xcb: {  	[tilespmem:s18], [sflag:$0xD] =	stream.linear.gather [hbm4b:s20+s5], $0x50, $0x38;
	[tilespmem:$0x12B00] =	vst v63  }
0xcc: {  	s23 =	rddreg [dreg:$0x10];
	s18 =	simm.s32 $0x180  }
0xcd: {  	[tilespmem:s18], [sflag:$0xE] =	stream.linear.gather [hbm4b:s23+s5], $0x50, $0x38;
	[tilespmem:$0x12B00] =	vst v63  }
0xce: {  	s25 =	rddreg [dreg:$0x11];
	s20 =	simm.s32 $0x580  }
0xcf: {  	[tilespmem:s20], [sflag:$0xE] =	stream.linear.gather [hbm4b:s25+s5], $0x50, $0x38;
	[tilespmem:$0x12B00] =	vst v63  }
0xd0: {  	s29 =	simm.s32 $0x200;
	s28 =	rddreg [dreg:$0x12]  }
0xd1: {  	[tilespmem:s29], [sflag:$0xF] =	stream.linear.gather [hbm4b:s28+s5], $0x50, $0x38;
	[tilespmem:$0x12B00] =	vst v63  }
0xd2: {  	s31 =	simm.s32 $0x600;
	s30 =	rddreg [dreg:$0x13];
	s20 =	simm.s32 $0xB  }
0xd3: {  	[tilespmem:s31], [sflag:$0xF] =	stream.linear.gather [hbm4b:s30+s5], $0x50, $0x38;
	[tilespmem:$0x12B00] =	vst v63  }
0xd4: {  	_ =	swait.ge [sflag:s20], $0x50  }
0xd5: {  	[sflag:s20] =	ssyncset.done $0x0  }
0xd6: {  	[sflag:s20] =	ssyncadd.s32 $0xFFFFFFB0  }
0xd7: {  	_ =	swait.ge [sflag:s20], $0x50  }
0xd8: {  	[sflag:s20] =	ssyncset.done $0x0  }
0xd9: {  	s9 =	simm.s32 $0x800;
	s23 =	simm.s32 $0xC;
	[sflag:s20] =	ssyncadd.s32 $0xFFFFFFB0  }
0xda: {  	[tilespmem:s9], [sflag:$0x1] =	stream.indirect.gather [hbm4b:s1+s24], $0x80, s5, s24, $0xb8;
	[tilespmem:$0x12B00] =	vst v63  }
0xdb: {  	_ =	swait.ge [sflag:s23], $0x50  }
0xdc: {  	[sflag:s23] =	ssyncset.done $0x0  }
0xdd: {  	[sflag:s23] =	ssyncadd.s32 $0xFFFFFFB0  }
0xde: {  	_ =	swait.ge [sflag:s23], $0x50  }
0xdf: {  	[sflag:s23] =	ssyncset.done $0x0  }
0xe0: {  	s25 =	simm.s32 $0x3000;
	s28 =	simm.s32 $0xD;
	[sflag:s23] =	ssyncadd.s32 $0xFFFFFFB0  }
0xe1: {  	[tilespmem:s25], [sflag:$0x2] =	stream.indirect.gather [hbm4b:s1+s24], $0x80, s0, s24, $0xb8;
	[tilespmem:$0x12B00] =	vst v63  }
0xe2: {  	_ =	swait.ge [sflag:s28], $0x50  }
0xe3: {  	[sflag:s28] =	ssyncset.done $0x0  }
0xe4: {  	[sflag:s28] =	ssyncadd.s32 $0xFFFFFFB0  }
0xe5: {  	_ =	swait.ge [sflag:s28], $0x50  }
0xe6: {  	[sflag:s28] =	ssyncset.done $0x0  }
0xe7: {  	s29 =	simm.s32 $0x5800;
	s30 =	simm.s32 $0xE;
	[sflag:s28] =	ssyncadd.s32 $0xFFFFFFB0  }
0xe8: {  	[tilespmem:s29], [sflag:$0x3] =	stream.indirect.gather [hbm4b:s1+s24], $0x80, s13, s24, $0xb8;
	[tilespmem:$0x12B00] =	vst v63  }
0xe9: {  	_ =	swait.ge [sflag:s30], $0x50  }
0xea: {  	[sflag:s30] =	ssyncset.done $0x0  }
0xeb: {  	[sflag:s30] =	ssyncadd.s32 $0xFFFFFFB0  }
0xec: {  	_ =	swait.ge [sflag:s30], $0x50  }
0xed: {  	[sflag:s30] =	ssyncset.done $0x0  }
0xee: {  	s31 =	simm.s32 $0x8000;
	[sflag:s30] =	ssyncadd.s32 $0xFFFFFFB0  }
0xef: {  	[tilespmem:s31], [sflag:$0x4] =	stream.indirect.gather [hbm4b:s1+s24], $0x80, s18, s24, $0xb8;
	[tilespmem:$0x12B00] =	vst v63  }
0xf0: {  	_ =	swait.ge [sflag:s15], $0x2800  }
0xf1: {  	[sflag:s15] =	ssyncset.done $0x0  }
0xf2: {  	[sflag:s15] =	ssyncadd.s32 $0xFFFFD800  }
0xf3: {  	[tilespmem:s9], [sflag:$0x1] =	stream.indirect.gather.add.f32 [hbm:s1], $0x80, s10, s24, $0xb8;
	[tilespmem:$0x12B00] =	vst v63  }
0xf4: {  	_ =	swait.ge [sflag:s4], $0x2800  }
0xf5: {  	[sflag:s4] =	ssyncset.done $0x0  }
0xf6: {  	s0 =	simm.s32 $0x800;
	[sflag:s4] =	ssyncadd.s32 $0xFFFFD800  }
0xf7: {  	[tilespmem:s25], [sflag:$0x2] =	stream.indirect.gather.add.f32 [hbm:s1], $0x80, s11, s24, $0xb8;
	[tilespmem:$0x12B00] =	vst v63  }
.LBB2_8:
0xf8: {  	_ =	swait.ge [sflag:s17], $0x50  }
0xf9: {  	[sflag:s17] =	ssyncset.done $0x0  }
0xfa: {  	[sflag:s17] =	ssyncadd.s32 $0xFFFFFFB0  }
0xfb: {  	_ =	swait.ge [sflag:s17], $0x50  }
0xfc: {  	[sflag:s17] =	ssyncset.done $0x0  }
0xfd: {  	s9 =	simm.s32 $0x200;
	[sflag:s17] =	ssyncadd.s32 $0xFFFFFFB0  }
0xfe: {  	[tilespmem:s19], [sflag:$0x5] =	stream.indirect.gather [hbm4b:s1+s24], $0x80, s9, s24, $0xb8;
	[tilespmem:$0x12B00] =	vst v63  }
0xff: {  	_ =	swait.ge [sflag:s21], $0x2800  }
0x100: {  	[sflag:s21] =	ssyncset.done $0x0  }
0x101: {  	s31 =	simm.s32 $0x500;
	s10 =	simm.s32 $0x5800;
	[sflag:s21] =	ssyncadd.s32 $0xFFFFD800  }
0x102: {  	[tilespmem:s10], [sflag:$0x3] =	stream.indirect.gather.add.f32 [hbm:s1], $0x80, s31, s24, $0xb8;
	[tilespmem:$0x12B00] =	vst v63  }
0x103: {  	_ =	swait.ge [sflag:s15], $0x2800  }
0x104: {  	[sflag:s15] =	ssyncset.done $0x0  }
0x105: {  	[sflag:s15] =	ssyncadd.s32 $0xFFFFD800  }
0x106: {  	v16 =	vld [tilespmem:$0x0]  }
0x107: {  	v17 =	vld [tilespmem:$0x400];
	_ =	sdelay $0x5  }
0x108: {  	v18 =	vld [tilespmem:$0x10]  }
0x109: {  	v16 =	vld.idx.msk [tilespmem:v16+s16+$0x0], $0xffff  }
0x10a: {  	v17 =	vld.idx.msk [tilespmem:v17+s16+$0x0], $0xffff  }
0x10b: {  	v19 =	vld [tilespmem:$0x410];
	_ =	sdelay $0x3  }
0x10c: {  	v16 =	vadd.f32 v17, v16;
	_ =	sdelay $0x1  }
0x10d: {  	v58 =	vld [tilespmem:$0x20];
	[tilespmem:$0xFC00] =	vst v16  }
0x10e: {  	v16 =	vld.idx.msk [tilespmem:v18+s16+$0x0], $0xffff  }
0x10f: {  	v17 =	vld.idx.msk [tilespmem:v19+s16+$0x0], $0xffff  }
0x110: {  	v59 =	vld [tilespmem:$0x420];
	_ =	sdelay $0x3  }
0x111: {  	v16 =	vadd.f32 v17, v16;
	_ =	sdelay $0x1  }
0x112: {  	v60 =	vld [tilespmem:$0x30];
	[tilespmem:$0xFC80] =	vst v16  }
0x113: {  	v16 =	vld.idx.msk [tilespmem:v58+s16+$0x0], $0xffff  }
0x114: {  	v17 =	vld.idx.msk [tilespmem:v59+s16+$0x0], $0xffff  }
0x115: {  	v61 =	vld [tilespmem:$0x430];
	_ =	sdelay $0x3  }
0x116: {  	v16 =	vadd.f32 v17, v16;
	_ =	sdelay $0x1  }
0x117: {  	v62 =	vld [tilespmem:$0x40];
	[tilespmem:$0xFD00] =	vst v16  }
0x118: {  	v16 =	vld.idx.msk [tilespmem:v60+s16+$0x0], $0xffff  }
0x119: {  	v17 =	vld.idx.msk [tilespmem:v61+s16+$0x0], $0xffff  }
0x11a: {  	v63 =	vld [tilespmem:$0x440];
	_ =	sdelay $0x3  }
0x11b: {  	v16 =	vadd.f32 v17, v16;
	_ =	sdelay $0x1  }
0x11c: {  	[tilespmem:$0xFD80] =	vst v16  }
0x11d: {  	v16 =	vld.idx.msk [tilespmem:v62+s16+$0x0], $0xffff  }
0x11e: {  	v17 =	vld.idx.msk [tilespmem:v63+s16+$0x0], $0xffff;
	_ =	sdelay $0x1  }
0x11f: {  	p0 =	seq.s32 s5, $0x18  }
0x120: {  	s9 =	smul.u32 @!p0 $0x190, s5  }
0x121: {  	p1 =	seq.s32 @!p0 s5, $0x0;
	s10 =	rddreg [dreg:$0x15]  }
0x122: {  	p1 =	por p0, !p1;
	s9 =	sadd.s32 @!p0 s9, s10;
	v16 =	vadd.f32 v17, v16  }
.Ltmp3:
0x123: {  	s9 =	sshrl.u32 @!p0 s9, $0x3;
	(pc) =	sbr.rel @!p1 .LBB2_9-.Ltmp3, $4  }
0x124: {  	s11 =	simm.s32 @!p0 $0x0;
	s10 =	sadd.s32 @!p0 s7, s9;
	[tilespmem:$0xFE00] =	vst v16  }
0x125: {  	[tilespmem:s11], [sflag:$0xB] =	stream.linear.gather @!p0 [hbm4b:s10+s11], $0x50, $0x38;
	[tilespmem:$0x12B00] =	vst v63  }
0x126: {  	s9 =	sadd.s32 @!p0 s2, s9;
	s10 =	simm.s32 @!p0 $0x400  }
0x127: {  	[tilespmem:s10], [sflag:$0xB] =	stream.linear.gather @!p0 [hbm4b:s9+s11], $0x50, $0x38;
	[tilespmem:$0x12B00] =	vst v63  }
.Ltmp4:
0x128: {  	(pc) =	sbr.rel .LBB2_11-.Ltmp4, $4  }
0x129: {  	s9 =	simm.s32 $0x6  }
0x12a: {  	_ =	swait.ge [sflag:s9], $0x50  }
0x12b: {  	[sflag:s9] =	ssyncset.done $0x0  }
0x12c: {  	p1 =	por $0x0, $0x0;
	[sflag:s9] =	ssyncadd.s32 $0xFFFFFFB0  }
.LBB2_9:
0x12d: {  	p1 =	por @!p0 $0x1, $0x1  }
.LBB2_11:
0x12e: {  	s9 =	simm.s32 $0x900  }
0x12f: {  	v16 =	vld [tilespmem:s9+$0x80]  }
0x130: {  	v17 =	vld [tilespmem:s9+$0x90]  }
0x131: {  	v18 =	vld [tilespmem:s9+$0xA0]  }
0x132: {  	v19 =	vld [tilespmem:s9+$0xB0]  }
0x133: {  	v20 =	vld [tilespmem:s9+$0xC0]  }
0x134: {  	v21 =	vld [tilespmem:s9+$0xD0]  }
0x135: {  	v22 =	vld [tilespmem:s9+$0xE0]  }
0x136: {  	v23 =	vld [tilespmem:s9+$0xF0]  }
0x137: {  	v24 =	vld [tilespmem:s9+$0xFFFFFF10]  }
0x138: {  	v25 =	vld [tilespmem:s9+$0xFFFFFF20]  }
0x139: {  	v26 =	vld [tilespmem:s9+$0xFFFFFF30]  }
0x13a: {  	v27 =	vld [tilespmem:s9+$0xFFFFFF40]  }
0x13b: {  	v28 =	vld [tilespmem:s9+$0xFFFFFF50]  }
0x13c: {  	v29 =	vld [tilespmem:s9+$0xFFFFFF60]  }
0x13d: {  	v30 =	vld [tilespmem:s9+$0xFFFFFF70]  }
0x13e: {  	v31 =	vld [tilespmem:s9+$0xFFFFFF80];
	v16 =	vmul.f32 v16, v16;
	v17 =	vmul.f32 v17, v17  }
0x13f: {  	v32 =	vld [tilespmem:s9+$0xFFFFFF90];
	v18 =	vmul.f32 v18, v18;
	v19 =	vmul.f32 v19, v19  }
0x140: {  	v33 =	vld [tilespmem:s9+$0xFFFFFFA0];
	v20 =	vmul.f32 v20, v20;
	v21 =	vmul.f32 v21, v21  }
0x141: {  	v22 =	vmul.f32 v22, v22;
	v23 =	vmul.f32 v23, v23;
	v16 =	vadd.f32 v17, v16;
	v17 =	vld [tilespmem:s9+$0xFFFFFFB0]  }
0x142: {  	v18 =	vadd.f32 v19, v18;
	v19 =	vadd.f32 v21, v20;
	v20 =	vld [tilespmem:s9+$0xFFFFFFC0]  }
0x143: {  	v21 =	vmul.f32 v25, v25;
	v22 =	vadd.f32 v23, v22;
	v23 =	vmul.f32 v26, v26;
	v25 =	vld [tilespmem:s9+$0xFFFFFFD0]  }
0x144: {  	v26 =	vmul.f32 v27, v27;
	v27 =	vmul.f32 v28, v28;
	v28 =	vld [tilespmem:s9+$0xFFFFFFE0]  }
0x145: {  	v19 =	vadd.f32 v22, v19;
	v22 =	vmul.f32 v29, v29;
	v29 =	vmul.f32 v30, v30;
	v30 =	vld [tilespmem:s9+$0xFFFFFFF0]  }
0x146: {  	v62 =	vmul.f32 v33, v33;
	v18 =	vadd.f32 v18, v16;
	v16 =	vadd.f32 v23, v21;
	v23 =	vld [tilespmem:s9+$0x0]  }
0x147: {  	v21 =	vadd.f32 v27, v26;
	v26 =	vmul.f32 v31, v31;
	v22 =	vadd.f32 v29, v22;
	v29 =	vld [tilespmem:s9+$0x10]  }
0x148: {  	v63 =	vld [tilespmem:s9+$0x20];
	v27 =	vmul.f32 v32, v32;
	v31 =	vadd.f32 v19, v18;
	v17 =	vmul.f32 v17, v17  }
0x149: {  	s11 =	simm.s32 $0x0;
	s10 =	simm.s32 $0x0;
	v34 =	vld [tilespmem:s9+$0x30];
	v20 =	vmul.f32 v20, v20;
	v18 =	vadd.f32 v22, v21;
	v21 =	vmul.f32 v25, v25  }
0x14a: {  	s23 =	simm.s32 $0xFC00;
	s18 =	simm.s32 $0x80;
	s20 =	simm.s32 $0x180;
	v19 =	vld [tilespmem:s9+$0x40];
	v25 =	vadd.f32 v27, v26;
	v22 =	vmul.f32 v28, v28;
	v26 =	vmul.f32 v30, v30  }
0x14b: {  	s25 =	simm.s32 $0x100;
	s13 =	sand.u32 $0x3800, s11;
	s20 =	sand.u32 $0x780, s20;
	v27 =	vadd.f32 v17, v62;
	v28 =	vadd.f32 v21, v20;
	v21 =	vld [tilespmem:s9+$0x50]  }
0x14c: {  	s18 =	sand.u32 $0x680, s18;
	s28 =	sand.u32 $0x700, s25;
	s13 =	sadd.s32 $0xD400, s13;
	v30 =	vmul.f32 v23, v23;
	v26 =	vadd.f32 v26, v22;
	v29 =	vmul.f32 v29, v29;
	v22 =	vld [tilespmem:s9+$0x60]  }
0x14d: {  	s30 =	sand.u32 $0x600, s11;
	s29 =	sadd.s32 s20, s13;
	s25 =	sadd.s32 s18, s13;
	v17 =	vmul.f32 v24, v24;
	v24 =	vld [tilespmem:s9+$0x70];
	v20 =	vadd.f32 v27, v25;
	v25 =	vmul.f32 v63, v63  }
0x14e: {  	s20 =	sadd.s32 s28, s13;
	s18 =	sadd.s32 s30, s13;
	s13 =	simm.s32 $0xB00;
	[tilespmem:s29+$0x0] =	vst v31;
	v23 =	vld [tilespmem:s9+$0xFFFFFF00];
	v27 =	vadd.f32 v26, v28;
	v28 =	vmul.f32 v34, v34;
	v26 =	vadd.f32 v29, v30  }
.LBB2_12:
0x14f: {  	v29 =	vld [tilespmem:s13+$0x80];
	v19 =	vmul.f32 v19, v19  }
0x150: {  	v30 =	vld [tilespmem:s13+$0x90];
	v20 =	vadd.f32 v27, v20;
	v21 =	vmul.f32 v21, v21;
	v25 =	vadd.f32 v28, v25  }
0x151: {  	v27 =	vld [tilespmem:s13+$0xA0];
	v22 =	vmul.f32 v22, v22  }
0x152: {  	v28 =	vld [tilespmem:s13+$0xB0];
	[tilespmem:s25+$0x0] =	vst v20;
	v20 =	vmul.f32 v24, v24;
	v19 =	vadd.f32 v21, v19;
	v21 =	vadd.f32 v25, v26  }
0x153: {  	v24 =	vld [tilespmem:s13+$0xC0];
	v23 =	vmul.f32 v23, v23  }
0x154: {  	v25 =	vld [tilespmem:s13+$0xD0];
	v20 =	vadd.f32 v20, v22  }
0x155: {  	v22 =	vld [tilespmem:s13+$0xE0];
	v17 =	vadd.f32 v17, v23  }
0x156: {  	s10 =	sadd.s32 $0x4, s10;
	v23 =	vld [tilespmem:s13+$0xF0];
	v19 =	vadd.f32 v20, v19  }
0x157: {  	p2 =	slt.u32 s10, $0x4C;
	v20 =	vld [tilespmem:s13+$0xFFFFFF10];
	v16 =	vadd.f32 v16, v17  }
0x158: {  	v29 =	vmul.f32 v29, v29;
	v30 =	vmul.f32 v30, v30;
	v26 =	vld [tilespmem:s13+$0xFFFFFF20];
	v17 =	vadd.f32 v19, v21  }
0x159: {  	v21 =	vmul.f32 v27, v27;
	v27 =	vmul.f32 v28, v28;
	v19 =	vld [tilespmem:s13+$0xFFFFFF30];
	v16 =	vadd.f32 v18, v16  }
0x15a: {  	v24 =	vmul.f32 v24, v24;
	v25 =	vmul.f32 v25, v25;
	v18 =	vld [tilespmem:s13+$0xFFFFFF40];
	[tilespmem:s20+$0x0] =	vst v17  }
0x15b: {  	v22 =	vmul.f32 v22, v22;
	v28 =	vld [tilespmem:s13+$0xFFFFFF50];
	v23 =	vmul.f32 v23, v23;
	[tilespmem:s18+$0x0] =	vst v16  }
0x15c: {  	v21 =	vadd.f32 v27, v21;
	v16 =	vadd.f32 v30, v29;
	v17 =	vmul.f32 v20, v20;
	v20 =	vld [tilespmem:s13+$0xFFFFFF60]  }
0x15d: {  	v24 =	vadd.f32 v25, v24;
	v26 =	vmul.f32 v26, v26;
	v27 =	vld [tilespmem:s13+$0xFFFFFF70];
	v22 =	vadd.f32 v23, v22  }
0x15e: {  	v19 =	vmul.f32 v19, v19;
	v23 =	vld [tilespmem:s13+$0xFFFFFF80]  }
0x15f: {  	s9 =	simm.s32 $0xD000;
	s11 =	sadd.s32 $0x200, s11;
	v21 =	vadd.f32 v21, v16;
	v18 =	vmul.f32 v18, v18;
	v25 =	vld [tilespmem:s13+$0xFFFFFF90];
	v22 =	vadd.f32 v22, v24  }
0x160: {  	s25 =	sadd.s32 $0x180, s11;
	s20 =	sadd.s32 $0x80, s11;
	s18 =	sand.u32 $0x3800, s11;
	v24 =	vmul.f32 v28, v28;
	v16 =	vadd.f32 v19, v26;
	v19 =	vld [tilespmem:s13+$0xFFFFFFA0]  }
0x161: {  	s28 =	sadd.s32 $0x100, s11;
	s25 =	sand.u32 $0x780, s25;
	s18 =	sadd.s32 $0xD400, s18;
	v20 =	vmul.f32 v20, v20;
	v26 =	vld [tilespmem:s13+$0xFFFFFFB0];
	v21 =	vadd.f32 v22, v21  }
0x162: {  	s28 =	sand.u32 $0x700, s28;
	s20 =	sand.u32 $0x680, s20;
	s29 =	sadd.s32 s25, s18;
	v22 =	vmul.f32 v27, v27;
	v18 =	vadd.f32 v24, v18;
	v24 =	vld [tilespmem:s13+$0xFFFFFFC0]  }
0x163: {  	s30 =	sand.u32 $0x600, s11;
	s25 =	sadd.s32 s20, s18;
	s20 =	sadd.s32 s28, s18;
	v23 =	vmul.f32 v23, v23;
	v27 =	vld [tilespmem:s13+$0xFFFFFFD0];
	[tilespmem:s29+$0x0] =	vst v21  }
0x164: {  	s18 =	sadd.s32 s30, s18;
	v20 =	vadd.f32 v22, v20;
	v21 =	vmul.f32 v25, v25;
	v22 =	vld [tilespmem:s13+$0xFFFFFFE0]  }
0x165: {  	v19 =	vmul.f32 v19, v19;
	v25 =	vld [tilespmem:s13+$0xFFFFFFF0]  }
0x166: {  	v18 =	vadd.f32 v20, v18;
	v20 =	vmul.f32 v26, v26;
	v21 =	vadd.f32 v21, v23;
	v23 =	vld [tilespmem:s13+$0x0]  }
0x167: {  	v24 =	vmul.f32 v24, v24;
	v26 =	vld [tilespmem:s13+$0x10]  }
0x168: {  	v27 =	vmul.f32 v27, v27;
	v19 =	vadd.f32 v20, v19;
	v28 =	vld [tilespmem:s13+$0x20]  }
0x169: {  	v22 =	vmul.f32 v22, v22;
	v29 =	vld [tilespmem:s13+$0x30]  }
.Ltmp5:
0x16a: {  	v25 =	vmul.f32 v25, v25;
	v27 =	vadd.f32 v27, v24;
	v20 =	vadd.f32 v19, v21;
	v19 =	vld [tilespmem:s13+$0x40];
	(pc) =	sbr.rel @p2 .LBB2_12-.Ltmp5, $4  }
0x16b: {  	v30 =	vmul.f32 v23, v23;
	v21 =	vld [tilespmem:s13+$0x50]  }
0x16c: {  	v31 =	vadd.f32 v25, v22;
	v26 =	vmul.f32 v26, v26;
	v22 =	vld [tilespmem:s13+$0x60]  }
0x16d: {  	v25 =	vmul.f32 v28, v28;
	v24 =	vld [tilespmem:s13+$0x70]  }
0x16e: {  	v23 =	vld [tilespmem:s13+$0xFFFFFF00];
	v27 =	vadd.f32 v31, v27;
	v28 =	vmul.f32 v29, v29;
	v26 =	vadd.f32 v26, v30;
	s13 =	sadd.s32 $0x200, s13  }
0x16f: {  	_ =	sdelay $0x1  }
0x170: {  	v19 =	vmul.f32 v19, v19;
	v21 =	vmul.f32 v21, v21  }
0x171: {  	v22 =	vmul.f32 v22, v22;
	v24 =	vmul.f32 v24, v24  }
0x172: {  	v25 =	vadd.f32 v28, v25;
	v23 =	vmul.f32 v23, v23  }
0x173: {  	v19 =	vadd.f32 v21, v19;
	v21 =	vadd.f32 v24, v22  }
0x174: {  	v17 =	vadd.f32 v17, v23  }
0x175: {  	s10 =	simm.s32 $0x0;
	v22 =	vadd.f32 v25, v26;
	v19 =	vadd.f32 v21, v19  }
0x176: {  	v20 =	vadd.f32 v27, v20;
	v16 =	vadd.f32 v16, v17;
	v17 =	vor.u32 s10, v0  }
0x177: {  	v21 =	vor.u32 s10, v1;
	v19 =	vadd.f32 v19, v22  }
0x178: {  	[tilespmem:s25+$0x0] =	vst v20;
	v20 =	vor.u32 s10, v5;
	v16 =	vadd.f32 v18, v16  }
0x179: {  	v23 =	vor.u32 s10, v7;
	[tilespmem:s20+$0x0] =	vst v19  }
0x17a: {  	v24 =	vor.u32 s10, v8;
	[tilespmem:s18+$0x0] =	vst v16  }
0x17b: {  	v25 =	vor.u32 s10, v9;
	v17 =	vld.idx.msk [tilespmem:v17+s14+$0x0], $0xffff  }
0x17c: {  	v26 =	vor.u32 s10, v10;
	v21 =	vld.idx.msk [tilespmem:v21+s14+$0x0], $0xffff  }
0x17d: {  	v27 =	vor.u32 s10, v11;
	v20 =	vld.idx.msk [tilespmem:v20+s14+$0x0], $0xffff  }
0x17e: {  	v28 =	vor.u32 s10, v12;
	v23 =	vld.idx.msk [tilespmem:v23+s14+$0x0], $0xffff  }
0x17f: {  	v29 =	vor.u32 s10, v13;
	v24 =	vld.idx.msk [tilespmem:v24+s14+$0x0], $0xffff  }
0x180: {  	v30 =	vor.u32 s10, v14;
	v25 =	vld.idx.msk [tilespmem:v25+s14+$0x0], $0xffff  }
0x181: {  	v31 =	vor.u32 s10, v15;
	v26 =	vld.idx.msk [tilespmem:v26+s14+$0x0], $0xffff  }
0x182: {  	s31 =	simm.s32 $0x800;
	v27 =	vld.idx.msk [tilespmem:v27+s14+$0x0], $0xffff  }
0x183: {  	v32 =	vor.u32 s31, v0;
	v28 =	vld.idx.msk [tilespmem:v28+s14+$0x0], $0xffff  }
0x184: {  	v33 =	vor.u32 s31, v1;
	v29 =	vld.idx.msk [tilespmem:v29+s14+$0x0], $0xffff  }
0x185: {  	v34 =	vor.u32 s31, v2;
	v30 =	vld.idx.msk [tilespmem:v30+s14+$0x0], $0xffff  }
0x186: {  	v22 =	vor.u32 s10, v6;
	v31 =	vld.idx.msk [tilespmem:v31+s14+$0x0], $0xffff  }
0x187: {  	v18 =	vor.u32 s10, v2;
	v37 =	vld [tilespmem:s23+$0x0]  }
0x188: {  	v19 =	vor.u32 s10, v3;
	v32 =	vld.idx.msk [tilespmem:v32+s14+$0x0], $0xffff  }
0x189: {  	v16 =	vor.u32 s10, v4;
	v33 =	vld.idx.msk [tilespmem:v33+s14+$0x0], $0xffff  }
0x18a: {  	v35 =	vor.u32 s31, v3;
	v34 =	vld.idx.msk [tilespmem:v34+s14+$0x0], $0xffff  }
0x18b: {  	v36 =	vor.u32 s31, v4;
	v22 =	vld.idx.msk [tilespmem:v22+s14+$0x0], $0xffff  }
0x18c: {  	v40 =	vor.u32 s31, v7;
	v18 =	vld.idx.msk [tilespmem:v18+s14+$0x0], $0xffff  }
0x18d: {  	v41 =	vor.u32 s31, v8;
	v19 =	vld.idx.msk [tilespmem:v19+s14+$0x0], $0xffff  }
0x18e: {  	v38 =	vor.u32 s31, v5;
	v16 =	vld.idx.msk [tilespmem:v16+s14+$0x0], $0xffff  }
0x18f: {  	v39 =	vor.u32 s31, v6;
	v35 =	vld.idx.msk [tilespmem:v35+s14+$0x0], $0xffff;
	v17 =	vadd.f32 v21, v17  }
0x190: {  	v36 =	vld.idx.msk [tilespmem:v36+s14+$0x0], $0xffff;
	v21 =	vor.u32 s31, v10;
	v24 =	vadd.f32 v25, v24;
	v25 =	vadd.f32 v27, v26  }
0x191: {  	v26 =	vld.idx.msk [tilespmem:v40+s14+$0x0], $0xffff;
	v28 =	vadd.f32 v29, v28;
	v29 =	vadd.f32 v31, v30;
	v31 =	vor.u32 s31, v13  }
0x192: {  	v42 =	vor.u32 s31, v9;
	v30 =	vld.idx.msk [tilespmem:v41+s14+$0x0], $0xffff;
	v18 =	vadd.f32 v19, v18  }
0x193: {  	s11 =	simm.s32 $0x1000;
	v27 =	vor.u32 s31, v12;
	v19 =	vld.idx.msk [tilespmem:v38+s14+$0x0], $0xffff;
	v16 =	vadd.f32 v20, v16;
	v20 =	vadd.f32 v23, v22  }
0x194: {  	v56 =	vor.u32 s11, v3;
	v24 =	vadd.f32 v25, v24;
	v25 =	vadd.f32 v29, v28;
	v22 =	vld.idx.msk [tilespmem:v39+s14+$0x0], $0xffff  }
0x195: {  	v23 =	vor.u32 s31, v11;
	v17 =	vadd.f32 v18, v17;
	v28 =	vld.idx.msk [tilespmem:v21+s14+$0x0], $0xffff;
	v16 =	vadd.f32 v20, v16  }
0x196: {  	v18 =	vor.u32 s31, v14;
	v29 =	vld.idx.msk [tilespmem:v31+s14+$0x0], $0xffff  }
0x197: {  	v21 =	vor.u32 s31, v15;
	v20 =	vld.idx.msk [tilespmem:v42+s14+$0x0], $0xffff;
	v16 =	vadd.f32 v16, v17;
	v17 =	vadd.f32 v25, v24  }
0x198: {  	v25 =	vld.idx.msk [tilespmem:v27+s14+$0x0], $0xffff;
	v27 =	vor.u32 s11, v1  }
0x199: {  	v24 =	vor.u32 s11, v0;
	v60 =	vadd.f32 v19, v36;
	v19 =	vld.idx.msk [tilespmem:v56+s14+$0x0], $0xffff;
	v16 =	vadd.f32 v17, v16  }
0x19a: {  	v31 =	vor.u32 s11, v2;
	v23 =	vld.idx.msk [tilespmem:v23+s14+$0x0], $0xffff  }
0x19b: {  	v58 =	vor.u32 s11, v4;
	v55 =	vld.idx.msk [tilespmem:v18+s14+$0x0], $0xffff;
	v17 =	vmul.f32 $5.000000000e-01, v16  }
0x19c: {  	v57 =	vld.idx.msk [tilespmem:v21+s14+$0x0], $0xffff  }
0x19d: {  	v37 =	vsub.f32 v17, v37;
	v17 =	vld.idx.msk [tilespmem:v27+s14+$0x0], $0xffff;
	v27 =	vor.u32 s11, v6  }
0x19e: {  	v32 =	vadd.f32 v33, v32;
	v21 =	vld.idx.msk [tilespmem:v24+s14+$0x0], $0xffff;
	v24 =	vor.u32 s11, v5  }
0x19f: {  	v59 =	vadd.f32 v35, v34;
	v26 =	vadd.f32 v26, v22;
	v18 =	vld.idx.msk [tilespmem:v31+s14+$0x0], $0xffff;
	v31 =	vor.u32 s11, v7  }
0x1a0: {  	v62 =	vor.u32 s11, v9;
	s10 =	simm.s32 $0xFC80;
	v30 =	vadd.f32 v20, v30;
	v20 =	vld.idx.msk [tilespmem:v58+s14+$0x0], $0xffff;
	v25 =	vadd.f32 v29, v25  }
0x1a1: {  	v61 =	vor.u32 s11, v8;
	v16 =	vld [tilespmem:s10+$0x0];
	v28 =	vadd.f32 v23, v28;
	v29 =	vadd.f32 v57, v55  }
0x1a2: {  	v33 =	vadd.f32 v59, v32;
	v26 =	vadd.f32 v26, v60;
	v23 =	vld.idx.msk [tilespmem:v27+s14+$0x0], $0xffff;
	v27 =	vor.u32 s11, v10  }
0x1a3: {  	v63 =	vadd.f32 v28, v30;
	v30 =	vor.u32 s11, v11;
	v29 =	vadd.f32 v29, v25;
	v22 =	vld.idx.msk [tilespmem:v24+s14+$0x0], $0xffff  }
0x1a4: {  	v24 =	vld.idx.msk [tilespmem:v31+s14+$0x0], $0xffff;
	v31 =	vor.u32 s11, v12  }
0x1a5: {  	v32 =	vor.u32 s11, v13;
	v28 =	vadd.f32 v26, v33;
	v26 =	vld.idx.msk [tilespmem:v62+s14+$0x0], $0xffff;
	v29 =	vadd.f32 v29, v63  }
0x1a6: {  	s13 =	simm.s32 $0x3;
	[tilespmem:s9+$0x0] =	vst v37;
	v33 =	vor.u32 s11, v14;
	v25 =	vld.idx.msk [tilespmem:v61+s14+$0x0], $0xffff  }
.LBB2_14:
0x1a7: {  	p2 =	sne.s32 s13, $0x4;
	v27 =	vld.idx.msk [tilespmem:v27+s14+$0x0], $0xffff;
	v34 =	vor.u32 s11, v15;
	v28 =	vadd.f32 v29, v28  }
0x1a8: {  	s11 =	sshll.u32 s13, $0xB;
	v29 =	vld.idx.msk [tilespmem:v30+s14+$0x0], $0xffff  }
0x1a9: {  	v30 =	vor.u32 s11, v0;
	v31 =	vld.idx.msk [tilespmem:v31+s14+$0x0], $0xffff;
	v28 =	vmul.f32 $5.000000000e-01, v28  }
0x1aa: {  	v35 =	vor.u32 s11, v1;
	v32 =	vld.idx.msk [tilespmem:v32+s14+$0x0], $0xffff  }
0x1ab: {  	v36 =	vor.u32 s11, v2;
	v33 =	vld.idx.msk [tilespmem:v33+s14+$0x0], $0xffff;
	v28 =	vsub.f32 v28, v16  }
0x1ac: {  	s10 =	sadd.s32 $0x80, s10;
	s9 =	sadd.s32 $0x10, s9;
	v37 =	vor.u32 s11, v3;
	v34 =	vld.idx.msk [tilespmem:v34+s14+$0x0], $0xffff  }
0x1ad: {  	v38 =	vor.u32 s11, v4;
	v16 =	vld [tilespmem:s10+$0x0];
	[tilespmem:s9+$0x0] =	vst v28  }
0x1ae: {  	v28 =	vld.idx.msk [tilespmem:v30+s14+$0x0], $0xffff;
	v30 =	vor.u32 s11, v5  }
0x1af: {  	v21 =	vadd.f32 v17, v21;
	v39 =	vor.u32 s11, v6;
	v17 =	vld.idx.msk [tilespmem:v35+s14+$0x0], $0xffff;
	v35 =	vadd.f32 v19, v18  }
0x1b0: {  	v40 =	vadd.f32 v22, v20;
	v23 =	vadd.f32 v24, v23;
	v18 =	vld.idx.msk [tilespmem:v36+s14+$0x0], $0xffff;
	v36 =	vor.u32 s11, v7  }
0x1b1: {  	v24 =	vadd.f32 v26, v25;
	v25 =	vadd.f32 v29, v27;
	v19 =	vld.idx.msk [tilespmem:v37+s14+$0x0], $0xffff;
	v37 =	vor.u32 s11, v8  }
0x1b2: {  	v26 =	vor.u32 s11, v9;
	v29 =	vadd.f32 v32, v31;
	v31 =	vadd.f32 v34, v33;
	v20 =	vld.idx.msk [tilespmem:v38+s14+$0x0], $0xffff  }
.Ltmp6:
0x1b3: {  	v27 =	vor.u32 s11, v10;
	v33 =	vadd.f32 v35, v21;
	v34 =	vadd.f32 v23, v40;
	v22 =	vld.idx.msk [tilespmem:v30+s14+$0x0], $0xffff;
	(pc) =	sbr.rel @p2 .LBB2_14-.Ltmp6, $4  }
0x1b4: {  	v35 =	vadd.f32 v25, v24;
	v30 =	vor.u32 s11, v11;
	v29 =	vadd.f32 v31, v29;
	v21 =	vmovc v28;
	v23 =	vld.idx.msk [tilespmem:v39+s14+$0x0], $0xffff  }
0x1b5: {  	v31 =	vor.u32 s11, v12;
	v24 =	vld.idx.msk [tilespmem:v36+s14+$0x0], $0xffff  }
0x1b6: {  	v32 =	vor.u32 s11, v13;
	v28 =	vadd.f32 v34, v33;
	v29 =	vadd.f32 v29, v35;
	v25 =	vld.idx.msk [tilespmem:v37+s14+$0x0], $0xffff  }
0x1b7: {  	s13 =	sadd.s32 $0x1, s13;
	v33 =	vor.u32 s11, v14;
	v26 =	vld.idx.msk [tilespmem:v26+s14+$0x0], $0xffff  }
0x1b8: {  	_ =	sdelay $0x3  }
0x1b9: {  	v27 =	vld.idx.msk [tilespmem:v27+s14+$0x0], $0xffff;
	v34 =	vor.u32 s11, v15  }
0x1ba: {  	v30 =	vld.idx.msk [tilespmem:v30+s14+$0x0], $0xffff  }
0x1bb: {  	v31 =	vld.idx.msk [tilespmem:v31+s14+$0x0], $0xffff  }
0x1bc: {  	v32 =	vld.idx.msk [tilespmem:v32+s14+$0x0], $0xffff  }
0x1bd: {  	v33 =	vld.idx.msk [tilespmem:v33+s14+$0x0], $0xffff  }
0x1be: {  	v34 =	vld.idx.msk [tilespmem:v34+s14+$0x0], $0xffff;
	_ =	sdelay $0x1  }
0x1bf: {  	v17 =	vadd.f32 v17, v21;
	v18 =	vadd.f32 v19, v18  }
0x1c0: {  	v19 =	vadd.f32 v22, v20;
	v20 =	vadd.f32 v24, v23  }
0x1c1: {  	v21 =	vadd.f32 v26, v25;
	v22 =	vadd.f32 v30, v27  }
0x1c2: {  	v23 =	vadd.f32 v32, v31;
	v24 =	vadd.f32 v34, v33  }
0x1c3: {  	v17 =	vadd.f32 v18, v17;
	v18 =	vadd.f32 v20, v19  }
0x1c4: {  	v19 =	vadd.f32 v22, v21;
	v20 =	vadd.f32 v24, v23;
	_ =	sdelay $0x1  }
0x1c5: {  	s10 =	sadd.s32 $0x80, s10;
	v17 =	vadd.f32 v18, v17;
	v18 =	vadd.f32 v20, v19  }
0x1c6: {  	v19 =	vadd.f32 v29, v28;
	v20 =	vld [tilespmem:s10+$0x0]  }
0x1c7: {  	v17 =	vadd.f32 v18, v17  }
0x1c8: {  	v18 =	vmul.f32 $5.000000000e-01, v19  }
0x1c9: {  	s23 =	smul.u32 $0x190, s5;
	v17 =	vmul.f32 $5.000000000e-01, v17  }
0x1ca: {  	v16 =	vsub.f32 v18, v16  }
0x1cb: {  	s9 =	sadd.s32 $0x10, s9;
	s13 =	sadd.s32 s8, s23;
	v17 =	vsub.f32 v17, v20  }
0x1cc: {  	s10 =	sshrl.u32 s13, $0x3;
	[tilespmem:s9+$0x0] =	vst v16;
	s9 =	sadd.s32 $0x10, s9  }
0x1cd: {  	s20 =	simm.s32 $0xD000;
	s18 =	sadd.s32 s3, s10;
	[tilespmem:s9+$0x0] =	vst v17;
	s9 =	simm.s32 @!p0 $0xB  }
0x1ce: {  	[hbm4b:s18+s6] =	stream.linear.scatter [tilespmem:s20], [sflag:$0x6], $0x50, $0x38;
	[tilespmem:$0x12B00] =	vst v63  }
0x1cf: {  	_ =	swait.ge @!p0 [sflag:s9], $0x50  }
0x1d0: {  	[sflag:s9] =	ssyncset.done @!p0 $0x0  }
0x1d1: {  	[sflag:s9] =	ssyncadd.s32 @!p0 $0xFFFFFFB0  }
0x1d2: {  	_ =	swait.ge @!p0 [sflag:s9], $0x50  }
0x1d3: {  	s11 =	simm.s32 @!p0 $0x800;
	[sflag:s9] =	ssyncset.done @!p0 $0x0  }
0x1d4: {  	s10 =	simm.s32 @!p0 $0x0;
	[sflag:s9] =	ssyncadd.s32 @!p0 $0xFFFFFFB0;
	s9 =	simm.s32 @!p0 $0x50  }
0x1d5: {  	[tilespmem:s11], [sflag:$0x1] =	stream.indirect.gather @!p0 [hbm4b:s1+s9], $0x80, s10, s9, $0xb8;
	[tilespmem:$0x12B00] =	vst v63  }
0x1d6: {  	_ =	swait.ge [sflag:s22], $0x2800  }
0x1d7: {  	[sflag:s22] =	ssyncset.done $0x0  }
0x1d8: {  	s25 =	simm.s32 $0x580;
	s29 =	simm.s32 $0x8000;
	[sflag:s22] =	ssyncadd.s32 $0xFFFFD800  }
0x1d9: {  	[tilespmem:s29], [sflag:$0x4] =	stream.indirect.gather.add.f32 [hbm:s1], $0x80, s25, s24, $0xb8;
	[tilespmem:$0x12B00] =	vst v63  }
0x1da: {  	_ =	swait.ge [sflag:s4], $0x2800  }
0x1db: {  	[sflag:s4] =	ssyncset.done $0x0  }
0x1dc: {  	[sflag:s4] =	ssyncadd.s32 $0xFFFFD800  }
0x1dd: {  	v16 =	vld [tilespmem:$0x80]  }
0x1de: {  	v17 =	vld [tilespmem:$0x480];
	_ =	sdelay $0x5  }
0x1df: {  	v18 =	vld [tilespmem:$0x90]  }
0x1e0: {  	v16 =	vld.idx.msk [tilespmem:v16+s16+$0x0], $0xffff  }
0x1e1: {  	v17 =	vld.idx.msk [tilespmem:v17+s16+$0x0], $0xffff  }
0x1e2: {  	v19 =	vld [tilespmem:$0x490];
	_ =	sdelay $0x3  }
0x1e3: {  	v16 =	vadd.f32 v17, v16;
	_ =	sdelay $0x1  }
0x1e4: {  	[tilespmem:$0xFC00] =	vst v16  }
0x1e5: {  	v16 =	vld.idx.msk [tilespmem:v18+s16+$0x0], $0xffff  }
0x1e6: {  	v17 =	vld.idx.msk [tilespmem:v19+s16+$0x0], $0xffff  }
0x1e7: {  	v18 =	vld [tilespmem:$0xA0]  }
0x1e8: {  	v19 =	vld [tilespmem:$0x4A0];
	_ =	sdelay $0x3  }
0x1e9: {  	v16 =	vadd.f32 v17, v16;
	_ =	sdelay $0x1  }
0x1ea: {  	[tilespmem:$0xFC80] =	vst v16  }
0x1eb: {  	v16 =	vld.idx.msk [tilespmem:v18+s16+$0x0], $0xffff  }
0x1ec: {  	v17 =	vld.idx.msk [tilespmem:v19+s16+$0x0], $0xffff  }
0x1ed: {  	v18 =	vld [tilespmem:$0xB0]  }
0x1ee: {  	v19 =	vld [tilespmem:$0x4B0];
	_ =	sdelay $0x3  }
0x1ef: {  	v16 =	vadd.f32 v17, v16;
	_ =	sdelay $0x1  }
0x1f0: {  	[tilespmem:$0xFD00] =	vst v16  }
0x1f1: {  	v16 =	vld.idx.msk [tilespmem:v18+s16+$0x0], $0xffff  }
0x1f2: {  	v17 =	vld.idx.msk [tilespmem:v19+s16+$0x0], $0xffff  }
0x1f3: {  	v18 =	vld [tilespmem:$0xC0]  }
0x1f4: {  	v19 =	vld [tilespmem:$0x4C0];
	_ =	sdelay $0x3  }
0x1f5: {  	v16 =	vadd.f32 v17, v16;
	_ =	sdelay $0x1  }
0x1f6: {  	[tilespmem:$0xFD80] =	vst v16  }
0x1f7: {  	v16 =	vld.idx.msk [tilespmem:v18+s16+$0x0], $0xffff  }
0x1f8: {  	v17 =	vld.idx.msk [tilespmem:v19+s16+$0x0], $0xffff;
	_ =	sdelay $0x3  }
0x1f9: {  	s9 =	rddreg [dreg:$0x16]  }
0x1fa: {  	s9 =	sadd.s32 @!p0 s23, s9;
	v16 =	vadd.f32 v17, v16  }
0x1fb: {  	s9 =	sshrl.u32 @!p0 s9, $0x3  }
0x1fc: {  	s13 =	simm.s32 @!p0 $0x80;
	s11 =	sadd.s32 @!p0 s7, s9;
	[tilespmem:$0xFE00] =	vst v16  }
0x1fd: {  	[tilespmem:s13], [sflag:$0xC] =	stream.linear.gather @!p0 [hbm4b:s11+s10], $0x50, $0x38;
	[tilespmem:$0x12B00] =	vst v63  }
0x1fe: {  	s9 =	sadd.s32 @!p0 s2, s9;
	s11 =	simm.s32 @!p0 $0x480  }
0x1ff: {  	[tilespmem:s11], [sflag:$0xC] =	stream.linear.gather @!p0 [hbm4b:s9+s10], $0x50, $0x38;
	[tilespmem:$0x12B00] =	vst v63  }
0x200: {  	s9 =	simm.s32 @!p1 $0x7  }
0x201: {  	_ =	swait.ge @!p1 [sflag:s9], $0x50  }
0x202: {  	[sflag:s9] =	ssyncset.done @!p1 $0x0  }
0x203: {  	s30 =	simm.s32 $0x31F0;
	[sflag:s9] =	ssyncadd.s32 @!p1 $0xFFFFFFB0  }
0x204: {  	v16 =	vld [tilespmem:s30+$0xFFFFFF90]  }
0x205: {  	v17 =	vld [tilespmem:s30+$0xFFFFFFA0]  }
0x206: {  	v18 =	vld [tilespmem:s30+$0xFFFFFFB0]  }
0x207: {  	v19 =	vld [tilespmem:s30+$0xFFFFFFC0]  }
0x208: {  	v20 =	vld [tilespmem:s30+$0xFFFFFFD0]  }
0x209: {  	v21 =	vld [tilespmem:s30+$0xFFFFFFE0]  }
0x20a: {  	v22 =	vld [tilespmem:s30+$0xFFFFFFF0]  }
0x20b: {  	v23 =	vld [tilespmem:s30+$0x0]  }
0x20c: {  	v24 =	vld [tilespmem:s30+$0xFFFFFE20]  }
0x20d: {  	v25 =	vld [tilespmem:s30+$0xFFFFFE30]  }
0x20e: {  	v26 =	vld [tilespmem:s30+$0xFFFFFE40]  }
0x20f: {  	v27 =	vld [tilespmem:s30+$0xFFFFFE50]  }
0x210: {  	v28 =	vld [tilespmem:s30+$0xFFFFFE60]  }
0x211: {  	v29 =	vld [tilespmem:s30+$0xFFFFFE70]  }
0x212: {  	v30 =	vld [tilespmem:s30+$0xFFFFFE80]  }
0x213: {  	v31 =	vld [tilespmem:s30+$0xFFFFFE90];
	v16 =	vmul.f32 v16, v16;
	v17 =	vmul.f32 v17, v17  }
0x214: {  	v58 =	vld [tilespmem:s30+$0xFFFFFEA0];
	v18 =	vmul.f32 v18, v18;
	v19 =	vmul.f32 v19, v19  }
0x215: {  	v59 =	vld [tilespmem:s30+$0xFFFFFEB0];
	v20 =	vmul.f32 v20, v20;
	v21 =	vmul.f32 v21, v21  }
0x216: {  	v60 =	vld [tilespmem:s30+$0xFFFFFEC0];
	v22 =	vmul.f32 v22, v22;
	v23 =	vmul.f32 v23, v23  }
0x217: {  	v16 =	vadd.f32 v17, v16;
	v17 =	vadd.f32 v19, v18;
	v18 =	vld [tilespmem:s30+$0xFFFFFED0]  }
0x218: {  	v19 =	vmul.f32 v25, v25;
	v20 =	vadd.f32 v21, v20;
	v21 =	vadd.f32 v23, v22;
	v22 =	vld [tilespmem:s30+$0xFFFFFEE0]  }
0x219: {  	v23 =	vmul.f32 v26, v26;
	v25 =	vmul.f32 v27, v27;
	v26 =	vld [tilespmem:s30+$0xFFFFFEF0]  }
0x21a: {  	v27 =	vld [tilespmem:s30+$0xFFFFFF00];
	v17 =	vadd.f32 v17, v16;
	v20 =	vadd.f32 v21, v20;
	v21 =	vmul.f32 v28, v28  }
0x21b: {  	v16 =	vadd.f32 v23, v19;
	v19 =	vmul.f32 v29, v29;
	v23 =	vmul.f32 v30, v30;
	v28 =	vld [tilespmem:s30+$0xFFFFFF10]  }
0x21c: {  	v30 =	vld [tilespmem:s30+$0xFFFFFF20];
	v29 =	vadd.f32 v20, v17;
	v17 =	vmul.f32 v31, v31;
	v20 =	vmul.f32 v58, v58  }
0x21d: {  	v61 =	vld [tilespmem:s30+$0xFFFFFF30];
	v25 =	vadd.f32 v21, v25;
	v21 =	vmul.f32 v59, v59;
	v31 =	vmul.f32 v60, v60  }
0x21e: {  	s20 =	simm.s32 $0x180;
	v62 =	vld [tilespmem:s30+$0xFFFFFF40];
	v23 =	vadd.f32 v23, v19;
	v18 =	vmul.f32 v18, v18;
	v22 =	vmul.f32 v22, v22  }
0x21f: {  	s18 =	simm.s32 $0x80;
	s20 =	sand.u32 $0x780, s20;
	s11 =	simm.s32 $0x0;
	v19 =	vld [tilespmem:s30+$0xFFFFFF50];
	v26 =	vmul.f32 v26, v26;
	v27 =	vmul.f32 v27, v27;
	v20 =	vadd.f32 v20, v17  }
0x220: {  	s18 =	sand.u32 $0x680, s18;
	s25 =	simm.s32 $0x100;
	s31 =	sand.u32 $0x3800, s11;
	v17 =	vmul.f32 v24, v24;
	v24 =	vadd.f32 v31, v21;
	v21 =	vld [tilespmem:s30+$0xFFFFFF60];
	v31 =	vadd.f32 v22, v18  }
0x221: {  	s25 =	sand.u32 $0x700, s25;
	s10 =	simm.s32 $0x0;
	s13 =	sadd.s32 $0xD400, s31;
	v63 =	vmul.f32 v28, v28;
	v26 =	vadd.f32 v27, v26;
	v30 =	vmul.f32 v30, v30;
	v22 =	vld [tilespmem:s30+$0xFFFFFF70]  }
0x222: {  	s29 =	sand.u32 $0x600, s11;
	s20 =	sadd.s32 s20, s13;
	s28 =	sadd.s32 s18, s13;
	v18 =	vadd.f32 v23, v25;
	v25 =	vmul.f32 v61, v61;
	v20 =	vadd.f32 v24, v20;
	v24 =	vld [tilespmem:s30+$0xFFFFFF80]  }
0x223: {  	s25 =	sadd.s32 s25, s13;
	[tilespmem:s20+$0x0] =	vst v29;
	s20 =	sadd.s32 s29, s13;
	s13 =	simm.s32 $0x33F0;
	v23 =	vld [tilespmem:s30+$0xFFFFFE10];
	v28 =	vmul.f32 v62, v62;
	v27 =	vadd.f32 v26, v31;
	v26 =	vadd.f32 v30, v63  }
.LBB2_16:
0x224: {  	v29 =	vld [tilespmem:s13+$0xFFFFFF90];
	v19 =	vmul.f32 v19, v19  }
0x225: {  	v30 =	vld [tilespmem:s13+$0xFFFFFFA0];
	v20 =	vadd.f32 v27, v20;
	v21 =	vmul.f32 v21, v21;
	v25 =	vadd.f32 v28, v25  }
0x226: {  	v27 =	vld [tilespmem:s13+$0xFFFFFFB0];
	v22 =	vmul.f32 v22, v22  }
0x227: {  	v28 =	vld [tilespmem:s13+$0xFFFFFFC0];
	[tilespmem:s28+$0x0] =	vst v20;
	v20 =	vmul.f32 v24, v24;
	v19 =	vadd.f32 v21, v19;
	v21 =	vadd.f32 v25, v26  }
0x228: {  	v24 =	vld [tilespmem:s13+$0xFFFFFFD0];
	v23 =	vmul.f32 v23, v23  }
0x229: {  	v25 =	vld [tilespmem:s13+$0xFFFFFFE0];
	v20 =	vadd.f32 v20, v22  }
0x22a: {  	v22 =	vld [tilespmem:s13+$0xFFFFFFF0];
	v17 =	vadd.f32 v17, v23  }
0x22b: {  	s10 =	sadd.s32 $0x4, s10;
	v23 =	vld [tilespmem:s13+$0x0];
	v19 =	vadd.f32 v20, v19  }
0x22c: {  	p2 =	slt.u32 s10, $0x4C;
	v20 =	vld [tilespmem:s13+$0xFFFFFE20];
	v16 =	vadd.f32 v16, v17  }
0x22d: {  	v29 =	vmul.f32 v29, v29;
	v30 =	vmul.f32 v30, v30;
	v26 =	vld [tilespmem:s13+$0xFFFFFE30];
	v17 =	vadd.f32 v19, v21  }
0x22e: {  	v21 =	vmul.f32 v27, v27;
	v27 =	vmul.f32 v28, v28;
	v19 =	vld [tilespmem:s13+$0xFFFFFE40];
	v16 =	vadd.f32 v18, v16  }
0x22f: {  	v24 =	vmul.f32 v24, v24;
	v25 =	vmul.f32 v25, v25;
	v18 =	vld [tilespmem:s13+$0xFFFFFE50];
	[tilespmem:s25+$0x0] =	vst v17  }
0x230: {  	v22 =	vmul.f32 v22, v22;
	v28 =	vld [tilespmem:s13+$0xFFFFFE60];
	v23 =	vmul.f32 v23, v23;
	[tilespmem:s20+$0x0] =	vst v16  }
0x231: {  	v21 =	vadd.f32 v27, v21;
	v16 =	vadd.f32 v30, v29;
	v17 =	vmul.f32 v20, v20;
	v20 =	vld [tilespmem:s13+$0xFFFFFE70]  }
0x232: {  	v24 =	vadd.f32 v25, v24;
	v26 =	vmul.f32 v26, v26;
	v27 =	vld [tilespmem:s13+$0xFFFFFE80];
	v22 =	vadd.f32 v23, v22  }
0x233: {  	v19 =	vmul.f32 v19, v19;
	v23 =	vld [tilespmem:s13+$0xFFFFFE90]  }
0x234: {  	s18 =	simm.s32 $0xFC00;
	s9 =	simm.s32 $0xD080;
	s11 =	sadd.s32 $0x200, s11;
	v21 =	vadd.f32 v21, v16;
	v18 =	vmul.f32 v18, v18;
	v25 =	vld [tilespmem:s13+$0xFFFFFEA0];
	v22 =	vadd.f32 v22, v24  }
0x235: {  	s28 =	sadd.s32 $0x180, s11;
	s25 =	sadd.s32 $0x80, s11;
	s20 =	sand.u32 $0x3800, s11;
	v24 =	vmul.f32 v28, v28;
	v16 =	vadd.f32 v19, v26;
	v19 =	vld [tilespmem:s13+$0xFFFFFEB0]  }
0x236: {  	s29 =	sadd.s32 $0x100, s11;
	s28 =	sand.u32 $0x780, s28;
	s20 =	sadd.s32 $0xD400, s20;
	v20 =	vmul.f32 v20, v20;
	v26 =	vld [tilespmem:s13+$0xFFFFFEC0];
	v21 =	vadd.f32 v22, v21  }
0x237: {  	s29 =	sand.u32 $0x700, s29;
	s25 =	sand.u32 $0x680, s25;
	s30 =	sadd.s32 s28, s20;
	v22 =	vmul.f32 v27, v27;
	v18 =	vadd.f32 v24, v18;
	v24 =	vld [tilespmem:s13+$0xFFFFFED0]  }
0x238: {  	s31 =	sand.u32 $0x600, s11;
	s28 =	sadd.s32 s25, s20;
	s25 =	sadd.s32 s29, s20;
	v23 =	vmul.f32 v23, v23;
	v27 =	vld [tilespmem:s13+$0xFFFFFEE0];
	[tilespmem:s30+$0x0] =	vst v21  }
0x239: {  	s20 =	sadd.s32 s31, s20;
	v20 =	vadd.f32 v22, v20;
	v21 =	vmul.f32 v25, v25;
	v22 =	vld [tilespmem:s13+$0xFFFFFEF0]  }
0x23a: {  	v19 =	vmul.f32 v19, v19;
	v25 =	vld [tilespmem:s13+$0xFFFFFF00]  }
0x23b: {  	v18 =	vadd.f32 v20, v18;
	v20 =	vmul.f32 v26, v26;
	v21 =	vadd.f32 v21, v23;
	v23 =	vld [tilespmem:s13+$0xFFFFFF10]  }
0x23c: {  	v24 =	vmul.f32 v24, v24;
	v26 =	vld [tilespmem:s13+$0xFFFFFF20]  }
0x23d: {  	v27 =	vmul.f32 v27, v27;
	v19 =	vadd.f32 v20, v19;
	v28 =	vld [tilespmem:s13+$0xFFFFFF30]  }
0x23e: {  	v22 =	vmul.f32 v22, v22;
	v29 =	vld [tilespmem:s13+$0xFFFFFF40]  }
.Ltmp7:
0x23f: {  	v25 =	vmul.f32 v25, v25;
	v27 =	vadd.f32 v27, v24;
	v20 =	vadd.f32 v19, v21;
	v19 =	vld [tilespmem:s13+$0xFFFFFF50];
	(pc) =	sbr.rel @p2 .LBB2_16-.Ltmp7, $4  }
0x240: {  	v30 =	vmul.f32 v23, v23;
	v21 =	vld [tilespmem:s13+$0xFFFFFF60]  }
0x241: {  	v31 =	vadd.f32 v25, v22;
	v26 =	vmul.f32 v26, v26;
	v22 =	vld [tilespmem:s13+$0xFFFFFF70]  }
0x242: {  	v25 =	vmul.f32 v28, v28;
	v24 =	vld [tilespmem:s13+$0xFFFFFF80]  }
0x243: {  	v23 =	vld [tilespmem:s13+$0xFFFFFE10];
	v27 =	vadd.f32 v31, v27;
	v28 =	vmul.f32 v29, v29;
	v26 =	vadd.f32 v26, v30;
	s13 =	sadd.s32 $0x200, s13  }
0x244: {  	_ =	sdelay $0x1  }
0x245: {  	v19 =	vmul.f32 v19, v19;
	v21 =	vmul.f32 v21, v21  }
0x246: {  	v22 =	vmul.f32 v22, v22;
	v24 =	vmul.f32 v24, v24  }
0x247: {  	v25 =	vadd.f32 v28, v25;
	v23 =	vmul.f32 v23, v23  }
0x248: {  	v19 =	vadd.f32 v21, v19;
	v21 =	vadd.f32 v24, v22  }
0x249: {  	v17 =	vadd.f32 v17, v23  }
0x24a: {  	s10 =	simm.s32 $0x0;
	v22 =	vadd.f32 v25, v26;
	v19 =	vadd.f32 v21, v19  }
0x24b: {  	v20 =	vadd.f32 v27, v20;
	v16 =	vadd.f32 v16, v17;
	v17 =	vor.u32 s10, v0  }
0x24c: {  	v21 =	vor.u32 s10, v1;
	v19 =	vadd.f32 v19, v22  }
0x24d: {  	[tilespmem:s28+$0x0] =	vst v20;
	v20 =	vor.u32 s10, v5;
	v16 =	vadd.f32 v18, v16  }
0x24e: {  	v23 =	vor.u32 s10, v7;
	[tilespmem:s25+$0x0] =	vst v19  }
0x24f: {  	v24 =	vor.u32 s10, v8;
	[tilespmem:s20+$0x0] =	vst v16  }
0x250: {  	v25 =	vor.u32 s10, v9;
	v17 =	vld.idx.msk [tilespmem:v17+s14+$0x0], $0xffff  }
0x251: {  	v26 =	vor.u32 s10, v10;
	v21 =	vld.idx.msk [tilespmem:v21+s14+$0x0], $0xffff  }
0x252: {  	v27 =	vor.u32 s10, v11;
	v20 =	vld.idx.msk [tilespmem:v20+s14+$0x0], $0xffff  }
0x253: {  	v28 =	vor.u32 s10, v12;
	v23 =	vld.idx.msk [tilespmem:v23+s14+$0x0], $0xffff  }
0x254: {  	v29 =	vor.u32 s10, v13;
	v24 =	vld.idx.msk [tilespmem:v24+s14+$0x0], $0xffff  }
0x255: {  	v30 =	vor.u32 s10, v14;
	v25 =	vld.idx.msk [tilespmem:v25+s14+$0x0], $0xffff  }
0x256: {  	v31 =	vor.u32 s10, v15;
	v26 =	vld.idx.msk [tilespmem:v26+s14+$0x0], $0xffff  }
0x257: {  	s31 =	simm.s32 $0x800;
	v27 =	vld.idx.msk [tilespmem:v27+s14+$0x0], $0xffff  }
0x258: {  	v32 =	vor.u32 s31, v0;
	v28 =	vld.idx.msk [tilespmem:v28+s14+$0x0], $0xffff  }
0x259: {  	v33 =	vor.u32 s31, v1;
	v29 =	vld.idx.msk [tilespmem:v29+s14+$0x0], $0xffff  }
0x25a: {  	v34 =	vor.u32 s31, v2;
	v30 =	vld.idx.msk [tilespmem:v30+s14+$0x0], $0xffff  }
0x25b: {  	v22 =	vor.u32 s10, v6;
	v31 =	vld.idx.msk [tilespmem:v31+s14+$0x0], $0xffff  }
0x25c: {  	v18 =	vor.u32 s10, v2;
	v37 =	vld [tilespmem:s18+$0x0]  }
0x25d: {  	v19 =	vor.u32 s10, v3;
	v32 =	vld.idx.msk [tilespmem:v32+s14+$0x0], $0xffff  }
0x25e: {  	v16 =	vor.u32 s10, v4;
	v33 =	vld.idx.msk [tilespmem:v33+s14+$0x0], $0xffff  }
0x25f: {  	v35 =	vor.u32 s31, v3;
	v34 =	vld.idx.msk [tilespmem:v34+s14+$0x0], $0xffff  }
0x260: {  	v36 =	vor.u32 s31, v4;
	v22 =	vld.idx.msk [tilespmem:v22+s14+$0x0], $0xffff  }
0x261: {  	v40 =	vor.u32 s31, v7;
	v18 =	vld.idx.msk [tilespmem:v18+s14+$0x0], $0xffff  }
0x262: {  	v41 =	vor.u32 s31, v8;
	v19 =	vld.idx.msk [tilespmem:v19+s14+$0x0], $0xffff  }
0x263: {  	v38 =	vor.u32 s31, v5;
	v16 =	vld.idx.msk [tilespmem:v16+s14+$0x0], $0xffff  }
0x264: {  	v39 =	vor.u32 s31, v6;
	v35 =	vld.idx.msk [tilespmem:v35+s14+$0x0], $0xffff;
	v17 =	vadd.f32 v21, v17  }
0x265: {  	v36 =	vld.idx.msk [tilespmem:v36+s14+$0x0], $0xffff;
	v21 =	vor.u32 s31, v10;
	v24 =	vadd.f32 v25, v24;
	v25 =	vadd.f32 v27, v26  }
0x266: {  	v26 =	vld.idx.msk [tilespmem:v40+s14+$0x0], $0xffff;
	v28 =	vadd.f32 v29, v28;
	v29 =	vadd.f32 v31, v30;
	v31 =	vor.u32 s31, v13  }
0x267: {  	v42 =	vor.u32 s31, v9;
	v30 =	vld.idx.msk [tilespmem:v41+s14+$0x0], $0xffff;
	v18 =	vadd.f32 v19, v18  }
0x268: {  	s11 =	simm.s32 $0x1000;
	v27 =	vor.u32 s31, v12;
	v19 =	vld.idx.msk [tilespmem:v38+s14+$0x0], $0xffff;
	v16 =	vadd.f32 v20, v16;
	v20 =	vadd.f32 v23, v22  }
0x269: {  	v56 =	vor.u32 s11, v3;
	v24 =	vadd.f32 v25, v24;
	v25 =	vadd.f32 v29, v28;
	v22 =	vld.idx.msk [tilespmem:v39+s14+$0x0], $0xffff  }
0x26a: {  	v23 =	vor.u32 s31, v11;
	v17 =	vadd.f32 v18, v17;
	v28 =	vld.idx.msk [tilespmem:v21+s14+$0x0], $0xffff;
	v16 =	vadd.f32 v20, v16  }
0x26b: {  	v18 =	vor.u32 s31, v14;
	v29 =	vld.idx.msk [tilespmem:v31+s14+$0x0], $0xffff  }
0x26c: {  	v21 =	vor.u32 s31, v15;
	v20 =	vld.idx.msk [tilespmem:v42+s14+$0x0], $0xffff;
	v16 =	vadd.f32 v16, v17;
	v17 =	vadd.f32 v25, v24  }
0x26d: {  	v25 =	vld.idx.msk [tilespmem:v27+s14+$0x0], $0xffff;
	v27 =	vor.u32 s11, v1  }
0x26e: {  	v24 =	vor.u32 s11, v0;
	v60 =	vadd.f32 v19, v36;
	v19 =	vld.idx.msk [tilespmem:v56+s14+$0x0], $0xffff;
	v16 =	vadd.f32 v17, v16  }
0x26f: {  	v31 =	vor.u32 s11, v2;
	v23 =	vld.idx.msk [tilespmem:v23+s14+$0x0], $0xffff  }
0x270: {  	v58 =	vor.u32 s11, v4;
	v55 =	vld.idx.msk [tilespmem:v18+s14+$0x0], $0xffff;
	v17 =	vmul.f32 $5.000000000e-01, v16  }
0x271: {  	v57 =	vld.idx.msk [tilespmem:v21+s14+$0x0], $0xffff  }
0x272: {  	v37 =	vsub.f32 v17, v37;
	v17 =	vld.idx.msk [tilespmem:v27+s14+$0x0], $0xffff;
	v27 =	vor.u32 s11, v6  }
0x273: {  	v32 =	vadd.f32 v33, v32;
	v21 =	vld.idx.msk [tilespmem:v24+s14+$0x0], $0xffff;
	v24 =	vor.u32 s11, v5  }
0x274: {  	v59 =	vadd.f32 v35, v34;
	v26 =	vadd.f32 v26, v22;
	v18 =	vld.idx.msk [tilespmem:v31+s14+$0x0], $0xffff;
	v31 =	vor.u32 s11, v7  }
0x275: {  	v62 =	vor.u32 s11, v9;
	s10 =	simm.s32 $0xFC80;
	v30 =	vadd.f32 v20, v30;
	v20 =	vld.idx.msk [tilespmem:v58+s14+$0x0], $0xffff;
	v25 =	vadd.f32 v29, v25  }
0x276: {  	v61 =	vor.u32 s11, v8;
	v16 =	vld [tilespmem:s10+$0x0];
	v28 =	vadd.f32 v23, v28;
	v29 =	vadd.f32 v57, v55  }
0x277: {  	v33 =	vadd.f32 v59, v32;
	v26 =	vadd.f32 v26, v60;
	v23 =	vld.idx.msk [tilespmem:v27+s14+$0x0], $0xffff;
	v27 =	vor.u32 s11, v10  }
0x278: {  	v63 =	vadd.f32 v28, v30;
	v30 =	vor.u32 s11, v11;
	v29 =	vadd.f32 v29, v25;
	v22 =	vld.idx.msk [tilespmem:v24+s14+$0x0], $0xffff  }
0x279: {  	v24 =	vld.idx.msk [tilespmem:v31+s14+$0x0], $0xffff;
	v31 =	vor.u32 s11, v12  }
0x27a: {  	v32 =	vor.u32 s11, v13;
	v28 =	vadd.f32 v26, v33;
	v26 =	vld.idx.msk [tilespmem:v62+s14+$0x0], $0xffff;
	v29 =	vadd.f32 v29, v63  }
0x27b: {  	s13 =	simm.s32 $0x3;
	[tilespmem:s9+$0x0] =	vst v37;
	v33 =	vor.u32 s11, v14;
	v25 =	vld.idx.msk [tilespmem:v61+s14+$0x0], $0xffff  }
.LBB2_18:
0x27c: {  	p2 =	sne.s32 s13, $0x4;
	v27 =	vld.idx.msk [tilespmem:v27+s14+$0x0], $0xffff;
	v34 =	vor.u32 s11, v15;
	v28 =	vadd.f32 v29, v28  }
0x27d: {  	s11 =	sshll.u32 s13, $0xB;
	v29 =	vld.idx.msk [tilespmem:v30+s14+$0x0], $0xffff  }
0x27e: {  	v30 =	vor.u32 s11, v0;
	v31 =	vld.idx.msk [tilespmem:v31+s14+$0x0], $0xffff;
	v28 =	vmul.f32 $5.000000000e-01, v28  }
0x27f: {  	v35 =	vor.u32 s11, v1;
	v32 =	vld.idx.msk [tilespmem:v32+s14+$0x0], $0xffff  }
0x280: {  	v36 =	vor.u32 s11, v2;
	v33 =	vld.idx.msk [tilespmem:v33+s14+$0x0], $0xffff;
	v28 =	vsub.f32 v28, v16  }
0x281: {  	s10 =	sadd.s32 $0x80, s10;
	s9 =	sadd.s32 $0x10, s9;
	v37 =	vor.u32 s11, v3;
	v34 =	vld.idx.msk [tilespmem:v34+s14+$0x0], $0xffff  }
0x282: {  	v38 =	vor.u32 s11, v4;
	v16 =	vld [tilespmem:s10+$0x0];
	[tilespmem:s9+$0x0] =	vst v28  }
0x283: {  	v28 =	vld.idx.msk [tilespmem:v30+s14+$0x0], $0xffff;
	v30 =	vor.u32 s11, v5  }
0x284: {  	v21 =	vadd.f32 v17, v21;
	v39 =	vor.u32 s11, v6;
	v17 =	vld.idx.msk [tilespmem:v35+s14+$0x0], $0xffff;
	v35 =	vadd.f32 v19, v18  }
0x285: {  	v40 =	vadd.f32 v22, v20;
	v23 =	vadd.f32 v24, v23;
	v18 =	vld.idx.msk [tilespmem:v36+s14+$0x0], $0xffff;
	v36 =	vor.u32 s11, v7  }
0x286: {  	v24 =	vadd.f32 v26, v25;
	v25 =	vadd.f32 v29, v27;
	v19 =	vld.idx.msk [tilespmem:v37+s14+$0x0], $0xffff;
	v37 =	vor.u32 s11, v8  }
0x287: {  	v26 =	vor.u32 s11, v9;
	v29 =	vadd.f32 v32, v31;
	v31 =	vadd.f32 v34, v33;
	v20 =	vld.idx.msk [tilespmem:v38+s14+$0x0], $0xffff  }
.Ltmp8:
0x288: {  	v27 =	vor.u32 s11, v10;
	v33 =	vadd.f32 v35, v21;
	v34 =	vadd.f32 v23, v40;
	v22 =	vld.idx.msk [tilespmem:v30+s14+$0x0], $0xffff;
	(pc) =	sbr.rel @p2 .LBB2_18-.Ltmp8, $4  }
0x289: {  	v35 =	vadd.f32 v25, v24;
	v30 =	vor.u32 s11, v11;
	v29 =	vadd.f32 v31, v29;
	v21 =	vmovc v28;
	v23 =	vld.idx.msk [tilespmem:v39+s14+$0x0], $0xffff  }
0x28a: {  	v31 =	vor.u32 s11, v12;
	v24 =	vld.idx.msk [tilespmem:v36+s14+$0x0], $0xffff  }
0x28b: {  	v32 =	vor.u32 s11, v13;
	v28 =	vadd.f32 v34, v33;
	v29 =	vadd.f32 v29, v35;
	v25 =	vld.idx.msk [tilespmem:v37+s14+$0x0], $0xffff  }
0x28c: {  	s13 =	sadd.s32 $0x1, s13;
	v33 =	vor.u32 s11, v14;
	v26 =	vld.idx.msk [tilespmem:v26+s14+$0x0], $0xffff  }
0x28d: {  	_ =	sdelay $0x3  }
0x28e: {  	v27 =	vld.idx.msk [tilespmem:v27+s14+$0x0], $0xffff;
	v34 =	vor.u32 s11, v15  }
0x28f: {  	v30 =	vld.idx.msk [tilespmem:v30+s14+$0x0], $0xffff  }
0x290: {  	v31 =	vld.idx.msk [tilespmem:v31+s14+$0x0], $0xffff  }
0x291: {  	v32 =	vld.idx.msk [tilespmem:v32+s14+$0x0], $0xffff  }
0x292: {  	v33 =	vld.idx.msk [tilespmem:v33+s14+$0x0], $0xffff  }
0x293: {  	v34 =	vld.idx.msk [tilespmem:v34+s14+$0x0], $0xffff;
	_ =	sdelay $0x1  }
0x294: {  	v17 =	vadd.f32 v17, v21;
	v18 =	vadd.f32 v19, v18  }
0x295: {  	v19 =	vadd.f32 v22, v20;
	v20 =	vadd.f32 v24, v23  }
0x296: {  	v21 =	vadd.f32 v26, v25;
	v22 =	vadd.f32 v30, v27  }
0x297: {  	v23 =	vadd.f32 v32, v31;
	v24 =	vadd.f32 v34, v33  }
0x298: {  	v17 =	vadd.f32 v18, v17;
	v18 =	vadd.f32 v20, v19  }
0x299: {  	v19 =	vadd.f32 v22, v21;
	v20 =	vadd.f32 v24, v23;
	_ =	sdelay $0x1  }
0x29a: {  	s10 =	sadd.s32 $0x80, s10;
	v17 =	vadd.f32 v18, v17;
	v18 =	vadd.f32 v20, v19  }
0x29b: {  	v19 =	vadd.f32 v29, v28;
	v20 =	vld [tilespmem:s10+$0x0]  }
0x29c: {  	v17 =	vadd.f32 v18, v17  }
0x29d: {  	v18 =	vmul.f32 $5.000000000e-01, v19  }
0x29e: {  	v17 =	vmul.f32 $5.000000000e-01, v17  }
0x29f: {  	s20 =	rddreg [dreg:$0x8];
	v16 =	vsub.f32 v18, v16  }
0x2a0: {  	s9 =	sadd.s32 $0x10, s9;
	s10 =	sadd.s32 s23, s20;
	v17 =	vsub.f32 v17, v20  }
0x2a1: {  	s10 =	sshrl.u32 s10, $0x3;
	[tilespmem:s9+$0x0] =	vst v16;
	s9 =	sadd.s32 $0x10, s9  }
0x2a2: {  	s28 =	simm.s32 $0xD080;
	s25 =	sadd.s32 s3, s10;
	[tilespmem:s9+$0x0] =	vst v17;
	s9 =	simm.s32 @!p0 $0xC  }
0x2a3: {  	[hbm4b:s25+s6] =	stream.linear.scatter [tilespmem:s28], [sflag:$0x7], $0x50, $0x38;
	[tilespmem:$0x12B00] =	vst v63  }
0x2a4: {  	_ =	swait.ge @!p0 [sflag:s9], $0x50  }
0x2a5: {  	[sflag:s9] =	ssyncset.done @!p0 $0x0  }
0x2a6: {  	[sflag:s9] =	ssyncadd.s32 @!p0 $0xFFFFFFB0  }
0x2a7: {  	_ =	swait.ge @!p0 [sflag:s9], $0x50  }
0x2a8: {  	s11 =	simm.s32 @!p0 $0x3000;
	[sflag:s9] =	ssyncset.done @!p0 $0x0  }
0x2a9: {  	s10 =	simm.s32 @!p0 $0x80;
	[sflag:s9] =	ssyncadd.s32 @!p0 $0xFFFFFFB0;
	s9 =	simm.s32 @!p0 $0x50  }
0x2aa: {  	[tilespmem:s11], [sflag:$0x2] =	stream.indirect.gather @!p0 [hbm4b:s1+s9], $0x80, s10, s9, $0xb8;
	[tilespmem:$0x12B00] =	vst v63  }
0x2ab: {  	_ =	swait.ge [sflag:s26], $0x2800  }
0x2ac: {  	[sflag:s26] =	ssyncset.done $0x0  }
0x2ad: {  	s29 =	simm.s32 $0x600;
	[sflag:s26] =	ssyncadd.s32 $0xFFFFD800  }
0x2ae: {  	[tilespmem:s19], [sflag:$0x5] =	stream.indirect.gather.add.f32 [hbm:s1], $0x80, s29, s24, $0xb8;
	[tilespmem:$0x12B00] =	vst v63  }
0x2af: {  	_ =	swait.ge [sflag:s21], $0x2800  }
0x2b0: {  	[sflag:s21] =	ssyncset.done $0x0  }
0x2b1: {  	[sflag:s21] =	ssyncadd.s32 $0xFFFFD800  }
0x2b2: {  	v16 =	vld [tilespmem:$0x100]  }
0x2b3: {  	v17 =	vld [tilespmem:$0x500];
	_ =	sdelay $0x5  }
0x2b4: {  	v18 =	vld [tilespmem:$0x110]  }
0x2b5: {  	v16 =	vld.idx.msk [tilespmem:v16+s16+$0x0], $0xffff  }
0x2b6: {  	v17 =	vld.idx.msk [tilespmem:v17+s16+$0x0], $0xffff  }
0x2b7: {  	v19 =	vld [tilespmem:$0x510];
	_ =	sdelay $0x3  }
0x2b8: {  	v16 =	vadd.f32 v17, v16;
	_ =	sdelay $0x1  }
0x2b9: {  	[tilespmem:$0xFC00] =	vst v16  }
0x2ba: {  	v16 =	vld.idx.msk [tilespmem:v18+s16+$0x0], $0xffff  }
0x2bb: {  	v17 =	vld.idx.msk [tilespmem:v19+s16+$0x0], $0xffff  }
0x2bc: {  	v18 =	vld [tilespmem:$0x120]  }
0x2bd: {  	v19 =	vld [tilespmem:$0x520];
	_ =	sdelay $0x3  }
0x2be: {  	v16 =	vadd.f32 v17, v16;
	_ =	sdelay $0x1  }
0x2bf: {  	[tilespmem:$0xFC80] =	vst v16  }
0x2c0: {  	v16 =	vld.idx.msk [tilespmem:v18+s16+$0x0], $0xffff  }
0x2c1: {  	v17 =	vld.idx.msk [tilespmem:v19+s16+$0x0], $0xffff  }
0x2c2: {  	v18 =	vld [tilespmem:$0x130]  }
0x2c3: {  	v19 =	vld [tilespmem:$0x530];
	_ =	sdelay $0x3  }
0x2c4: {  	v16 =	vadd.f32 v17, v16;
	_ =	sdelay $0x1  }
0x2c5: {  	[tilespmem:$0xFD00] =	vst v16  }
0x2c6: {  	v16 =	vld.idx.msk [tilespmem:v18+s16+$0x0], $0xffff  }
0x2c7: {  	v17 =	vld.idx.msk [tilespmem:v19+s16+$0x0], $0xffff  }
0x2c8: {  	v18 =	vld [tilespmem:$0x140]  }
0x2c9: {  	v19 =	vld [tilespmem:$0x540];
	_ =	sdelay $0x3  }
0x2ca: {  	v16 =	vadd.f32 v17, v16;
	_ =	sdelay $0x1  }
0x2cb: {  	[tilespmem:$0xFD80] =	vst v16  }
0x2cc: {  	v16 =	vld.idx.msk [tilespmem:v18+s16+$0x0], $0xffff  }
0x2cd: {  	v17 =	vld.idx.msk [tilespmem:v19+s16+$0x0], $0xffff;
	_ =	sdelay $0x3  }
0x2ce: {  	s9 =	rddreg [dreg:$0x17]  }
0x2cf: {  	s9 =	sadd.s32 @!p0 s23, s9;
	v16 =	vadd.f32 v17, v16  }
0x2d0: {  	s9 =	sshrl.u32 @!p0 s9, $0x3  }
0x2d1: {  	s13 =	simm.s32 @!p0 $0x100;
	s11 =	simm.s32 @!p0 $0x0;
	s10 =	sadd.s32 @!p0 s7, s9;
	[tilespmem:$0xFE00] =	vst v16  }
0x2d2: {  	[tilespmem:s13], [sflag:$0xD] =	stream.linear.gather @!p0 [hbm4b:s10+s11], $0x50, $0x38;
	[tilespmem:$0x12B00] =	vst v63  }
0x2d3: {  	s9 =	sadd.s32 @!p0 s2, s9;
	s10 =	simm.s32 @!p0 $0x500  }
0x2d4: {  	[tilespmem:s10], [sflag:$0xD] =	stream.linear.gather @!p0 [hbm4b:s9+s11], $0x50, $0x38;
	[tilespmem:$0x12B00] =	vst v63  }
0x2d5: {  	s9 =	simm.s32 @!p1 $0x8  }
0x2d6: {  	_ =	swait.ge @!p1 [sflag:s9], $0x50  }
0x2d7: {  	[sflag:s9] =	ssyncset.done @!p1 $0x0  }
0x2d8: {  	s30 =	simm.s32 $0x59F0;
	[sflag:s9] =	ssyncadd.s32 @!p1 $0xFFFFFFB0  }
0x2d9: {  	v16 =	vld [tilespmem:s30+$0xFFFFFF90]  }
0x2da: {  	v17 =	vld [tilespmem:s30+$0xFFFFFFA0]  }
0x2db: {  	v18 =	vld [tilespmem:s30+$0xFFFFFFB0]  }
0x2dc: {  	v19 =	vld [tilespmem:s30+$0xFFFFFFC0]  }
0x2dd: {  	v20 =	vld [tilespmem:s30+$0xFFFFFFD0]  }
0x2de: {  	v21 =	vld [tilespmem:s30+$0xFFFFFFE0]  }
0x2df: {  	v22 =	vld [tilespmem:s30+$0xFFFFFFF0]  }
0x2e0: {  	v23 =	vld [tilespmem:s30+$0x0]  }
0x2e1: {  	v24 =	vld [tilespmem:s30+$0xFFFFFE10]  }
0x2e2: {  	v25 =	vld [tilespmem:s30+$0xFFFFFE20]  }
0x2e3: {  	v26 =	vld [tilespmem:s30+$0xFFFFFE30]  }
0x2e4: {  	v27 =	vld [tilespmem:s30+$0xFFFFFE40]  }
0x2e5: {  	v56 =	vld [tilespmem:s30+$0xFFFFFE80]  }
0x2e6: {  	v53 =	vld [tilespmem:s30+$0xFFFFFE50];
	v16 =	vmul.f32 v16, v16  }
0x2e7: {  	v54 =	vld [tilespmem:s30+$0xFFFFFE60];
	v17 =	vmul.f32 v17, v17;
	v18 =	vmul.f32 v18, v18  }
0x2e8: {  	v55 =	vld [tilespmem:s30+$0xFFFFFE70];
	v19 =	vmul.f32 v19, v19;
	v20 =	vmul.f32 v20, v20  }
0x2e9: {  	v57 =	vld [tilespmem:s30+$0xFFFFFE90];
	v21 =	vmul.f32 v21, v21;
	v22 =	vmul.f32 v22, v22  }
0x2ea: {  	v58 =	vld [tilespmem:s30+$0xFFFFFEA0];
	v23 =	vmul.f32 v23, v23;
	v59 =	vmul.f32 v56, v56  }
0x2eb: {  	v60 =	vld [tilespmem:s30+$0xFFFFFF00];
	v16 =	vadd.f32 v17, v16;
	v17 =	vadd.f32 v19, v18;
	v19 =	vmul.f32 v24, v24  }
0x2ec: {  	v18 =	vld [tilespmem:s30+$0xFFFFFEB0];
	v20 =	vadd.f32 v21, v20;
	v21 =	vadd.f32 v23, v22;
	v23 =	vmul.f32 v25, v25  }
0x2ed: {  	v22 =	vld [tilespmem:s30+$0xFFFFFEC0];
	v24 =	vmul.f32 v26, v26;
	v26 =	vmul.f32 v27, v27;
	v16 =	vadd.f32 v17, v16  }
0x2ee: {  	v25 =	vld [tilespmem:s30+$0xFFFFFED0];
	v17 =	vadd.f32 v21, v20;
	v21 =	vmul.f32 v53, v53;
	v19 =	vadd.f32 v23, v19  }
0x2ef: {  	v20 =	vld [tilespmem:s30+$0xFFFFFEE0];
	v23 =	vmul.f32 v54, v54;
	v24 =	vadd.f32 v26, v24;
	v26 =	vmul.f32 v55, v55  }
0x2f0: {  	v61 =	vmul.f32 v58, v58;
	v27 =	vld [tilespmem:s30+$0xFFFFFEF0];
	v17 =	vadd.f32 v17, v16  }
0x2f1: {  	v62 =	vld [tilespmem:s30+$0xFFFFFF20];
	v16 =	vadd.f32 v23, v21;
	v23 =	vmul.f32 v57, v57;
	v26 =	vadd.f32 v59, v26  }
0x2f2: {  	s31 =	simm.s32 $0x0;
	v21 =	vld [tilespmem:s30+$0xFFFFFF10];
	v18 =	vmul.f32 v18, v18;
	v22 =	vmul.f32 v22, v22  }
0x2f3: {  	s18 =	sand.u32 $0x3800, s31;
	s10 =	simm.s32 $0x180;
	v19 =	vadd.f32 v24, v19;
	v24 =	vld [tilespmem:s30+$0xFFFFFF30];
	v25 =	vmul.f32 v25, v25;
	v26 =	vadd.f32 v26, v16  }
0x2f4: {  	s18 =	sadd.s32 $0xD400, s18;
	s25 =	sand.u32 $0x780, s10;
	v23 =	vadd.f32 v61, v23;
	v16 =	vld [tilespmem:s30+$0xFFFFFF40];
	v20 =	vmul.f32 v20, v20;
	v22 =	vadd.f32 v22, v18  }
0x2f5: {  	s13 =	sand.u32 $0x600, s31;
	s25 =	sadd.s32 s25, s18;
	v63 =	vmul.f32 v60, v60;
	v27 =	vmul.f32 v27, v27;
	v18 =	vld [tilespmem:s30+$0xFFFFFF50];
	v26 =	vadd.f32 v26, v19  }
0x2f6: {  	s20 =	simm.s32 $0x80;
	s28 =	simm.s32 $0x100;
	s13 =	sadd.s32 s13, s18;
	[tilespmem:s25+$0x0] =	vst v17;
	v19 =	vld [tilespmem:s30+$0xFFFFFF60];
	v20 =	vadd.f32 v20, v25;
	v17 =	vadd.f32 v22, v23  }
0x2f7: {  	s20 =	sand.u32 $0x680, s20;
	s28 =	sand.u32 $0x700, s28;
	s11 =	simm.s32 $0x0;
	v22 =	vmul.f32 v21, v21;
	v21 =	vld [tilespmem:s30+$0xFFFFFF70];
	v25 =	vadd.f32 v63, v27;
	[tilespmem:s13+$0x0] =	vst v26;
	v26 =	vmul.f32 v62, v62  }
0x2f8: {  	s25 =	sadd.s32 s20, s18;
	s18 =	sadd.s32 s28, s18;
	v24 =	vmul.f32 v24, v24;
	v23 =	vld [tilespmem:s30+$0xFFFFFF80];
	s13 =	simm.s32 $0x5BF0  }
.LBB2_20:
0x2f9: {  	v27 =	vld [tilespmem:s13+$0xFFFFFF90];
	v20 =	vadd.f32 v25, v20;
	v16 =	vmul.f32 v16, v16;
	v22 =	vadd.f32 v26, v22  }
0x2fa: {  	v25 =	vld [tilespmem:s13+$0xFFFFFFA0];
	v18 =	vmul.f32 v18, v18  }
0x2fb: {  	v26 =	vld [tilespmem:s13+$0xFFFFFFB0];
	v17 =	vadd.f32 v20, v17;
	v19 =	vmul.f32 v19, v19;
	v16 =	vadd.f32 v16, v24  }
0x2fc: {  	v20 =	vld [tilespmem:s13+$0xFFFFFFC0];
	v21 =	vmul.f32 v21, v21  }
0x2fd: {  	v24 =	vld [tilespmem:s13+$0xFFFFFFD0];
	[tilespmem:s25+$0x0] =	vst v17;
	v17 =	vmul.f32 v23, v23;
	v18 =	vadd.f32 v19, v18;
	v16 =	vadd.f32 v16, v22  }
0x2fe: {  	v19 =	vld [tilespmem:s13+$0xFFFFFFE0]  }
0x2ff: {  	v22 =	vld [tilespmem:s13+$0xFFFFFFF0];
	v17 =	vadd.f32 v17, v21  }
0x300: {  	s11 =	sadd.s32 $0x4, s11;
	v21 =	vld [tilespmem:s13+$0x0]  }
0x301: {  	p2 =	slt.u32 s11, $0x4C;
	v23 =	vld [tilespmem:s13+$0xFFFFFE10];
	v17 =	vadd.f32 v17, v18  }
0x302: {  	v27 =	vmul.f32 v27, v27;
	v25 =	vmul.f32 v25, v25;
	v18 =	vld [tilespmem:s13+$0xFFFFFE20]  }
0x303: {  	v26 =	vmul.f32 v26, v26;
	v20 =	vmul.f32 v20, v20;
	v28 =	vld [tilespmem:s13+$0xFFFFFE30];
	v16 =	vadd.f32 v17, v16  }
0x304: {  	v24 =	vmul.f32 v24, v24;
	v19 =	vmul.f32 v19, v19;
	v17 =	vld [tilespmem:s13+$0xFFFFFE40]  }
0x305: {  	v22 =	vmul.f32 v22, v22;
	v29 =	vld [tilespmem:s13+$0xFFFFFE50];
	v21 =	vmul.f32 v21, v21;
	[tilespmem:s18+$0x0] =	vst v16  }
0x306: {  	v25 =	vadd.f32 v25, v27;
	v20 =	vadd.f32 v20, v26;
	v16 =	vmul.f32 v23, v23;
	v23 =	vld [tilespmem:s13+$0xFFFFFE60]  }
0x307: {  	v19 =	vadd.f32 v19, v24;
	v18 =	vmul.f32 v18, v18;
	v26 =	vld [tilespmem:s13+$0xFFFFFE70];
	v21 =	vadd.f32 v21, v22  }
0x308: {  	s9 =	simm.s32 $0xD100;
	s10 =	sadd.s32 $0x200, s10;
	v22 =	vmul.f32 v28, v28;
	v24 =	vld [tilespmem:s13+$0xFFFFFE80]  }
0x309: {  	s20 =	sadd.s32 $0xFFFFFF00, s10;
	s25 =	sadd.s32 $0xFFFFFF80, s10;
	s18 =	sadd.s32 $0xFFFFFE80, s10;
	v20 =	vadd.f32 v20, v25;
	v17 =	vmul.f32 v17, v17;
	v27 =	vld [tilespmem:s13+$0xFFFFFE90];
	v19 =	vadd.f32 v21, v19  }
0x30a: {  	s20 =	sand.u32 $0x680, s20;
	s28 =	sand.u32 $0x3800, s18;
	s18 =	sand.u32 $0x600, s18;
	v16 =	vadd.f32 v18, v16;
	v21 =	vmul.f32 v29, v29;
	v18 =	vld [tilespmem:s13+$0xFFFFFEA0]  }
0x30b: {  	s30 =	sand.u32 $0x780, s10;
	s29 =	sand.u32 $0x700, s25;
	s28 =	sadd.s32 $0xD400, s28;
	v23 =	vmul.f32 v23, v23;
	v17 =	vadd.f32 v17, v22;
	v22 =	vld [tilespmem:s13+$0xFFFFFEB0];
	v19 =	vadd.f32 v19, v20  }
0x30c: {  	s31 =	sadd.s32 s18, s28;
	s25 =	sadd.s32 s20, s28;
	s20 =	sadd.s32 s30, s28;
	v20 =	vmul.f32 v26, v26;
	v25 =	vld [tilespmem:s13+$0xFFFFFEC0]  }
0x30d: {  	s18 =	sadd.s32 s29, s28;
	v24 =	vmul.f32 v24, v24;
	v21 =	vadd.f32 v23, v21;
	v16 =	vadd.f32 v17, v16;
	v17 =	vld [tilespmem:s13+$0xFFFFFED0];
	[tilespmem:s20+$0x0] =	vst v19;
	s20 =	simm.s32 $0xFC00  }
0x30e: {  	v19 =	vmul.f32 v27, v27;
	v23 =	vld [tilespmem:s13+$0xFFFFFEE0]  }
0x30f: {  	v20 =	vadd.f32 v24, v20;
	v18 =	vmul.f32 v18, v18;
	v24 =	vld [tilespmem:s13+$0xFFFFFEF0]  }
0x310: {  	v22 =	vmul.f32 v22, v22;
	v26 =	vld [tilespmem:s13+$0xFFFFFF00]  }
0x311: {  	v20 =	vadd.f32 v20, v21;
	v21 =	vmul.f32 v25, v25;
	v18 =	vadd.f32 v18, v19;
	v19 =	vld [tilespmem:s13+$0xFFFFFF10]  }
0x312: {  	v17 =	vmul.f32 v17, v17;
	v27 =	vld [tilespmem:s13+$0xFFFFFF20]  }
0x313: {  	v20 =	vadd.f32 v20, v16;
	v23 =	vmul.f32 v23, v23;
	v21 =	vadd.f32 v21, v22;
	v28 =	vld [tilespmem:s13+$0xFFFFFF30]  }
.Ltmp9:
0x314: {  	v24 =	vmul.f32 v24, v24;
	v16 =	vld [tilespmem:s13+$0xFFFFFF40];
	(pc) =	sbr.rel @p2 .LBB2_20-.Ltmp9, $4  }
0x315: {  	[tilespmem:s31+$0x0] =	vst v20;
	v25 =	vmul.f32 v26, v26;
	v20 =	vadd.f32 v23, v17;
	v17 =	vadd.f32 v21, v18;
	v18 =	vld [tilespmem:s13+$0xFFFFFF50]  }
0x316: {  	v22 =	vmul.f32 v19, v19;
	v19 =	vld [tilespmem:s13+$0xFFFFFF60]  }
0x317: {  	v25 =	vadd.f32 v25, v24;
	v26 =	vmul.f32 v27, v27;
	v21 =	vld [tilespmem:s13+$0xFFFFFF70]  }
0x318: {  	v24 =	vmul.f32 v28, v28;
	v23 =	vld [tilespmem:s13+$0xFFFFFF80];
	s13 =	sadd.s32 $0x200, s13  }
0x319: {  	_ =	sdelay $0x1  }
0x31a: {  	v16 =	vmul.f32 v16, v16  }
0x31b: {  	v18 =	vmul.f32 v18, v18;
	v19 =	vmul.f32 v19, v19  }
0x31c: {  	v22 =	vadd.f32 v26, v22;
	v21 =	vmul.f32 v21, v21;
	v23 =	vmul.f32 v23, v23  }
0x31d: {  	v20 =	vadd.f32 v25, v20;
	v16 =	vadd.f32 v16, v24  }
0x31e: {  	v18 =	vadd.f32 v19, v18;
	v19 =	vadd.f32 v23, v21  }
0x31f: {  	s10 =	simm.s32 $0x0;
	v17 =	vadd.f32 v20, v17  }
0x320: {  	v16 =	vadd.f32 v16, v22;
	v18 =	vadd.f32 v19, v18;
	v19 =	vor.u32 s10, v0  }
0x321: {  	v20 =	vor.u32 s10, v1  }
0x322: {  	[tilespmem:s25+$0x0] =	vst v17;
	v17 =	vor.u32 s10, v3;
	v16 =	vadd.f32 v18, v16  }
0x323: {  	v21 =	vor.u32 s10, v5  }
0x324: {  	v22 =	vor.u32 s10, v6;
	[tilespmem:s18+$0x0] =	vst v16  }
0x325: {  	v23 =	vor.u32 s10, v7;
	v19 =	vld.idx.msk [tilespmem:v19+s14+$0x0], $0xffff  }
0x326: {  	v24 =	vor.u32 s10, v8;
	v20 =	vld.idx.msk [tilespmem:v20+s14+$0x0], $0xffff  }
0x327: {  	v25 =	vor.u32 s10, v9;
	v17 =	vld.idx.msk [tilespmem:v17+s14+$0x0], $0xffff  }
0x328: {  	v26 =	vor.u32 s10, v10;
	v21 =	vld.idx.msk [tilespmem:v21+s14+$0x0], $0xffff  }
0x329: {  	v27 =	vor.u32 s10, v11;
	v22 =	vld.idx.msk [tilespmem:v22+s14+$0x0], $0xffff  }
0x32a: {  	v28 =	vor.u32 s10, v12;
	v23 =	vld.idx.msk [tilespmem:v23+s14+$0x0], $0xffff  }
0x32b: {  	v29 =	vor.u32 s10, v13;
	v24 =	vld.idx.msk [tilespmem:v24+s14+$0x0], $0xffff  }
0x32c: {  	v30 =	vor.u32 s10, v14;
	v25 =	vld.idx.msk [tilespmem:v25+s14+$0x0], $0xffff  }
0x32d: {  	v31 =	vor.u32 s10, v15;
	v26 =	vld.idx.msk [tilespmem:v26+s14+$0x0], $0xffff  }
0x32e: {  	s31 =	simm.s32 $0x800;
	v27 =	vld.idx.msk [tilespmem:v27+s14+$0x0], $0xffff  }
0x32f: {  	v32 =	vor.u32 s31, v0;
	v28 =	vld.idx.msk [tilespmem:v28+s14+$0x0], $0xffff  }
0x330: {  	v33 =	vor.u32 s31, v1;
	v29 =	vld.idx.msk [tilespmem:v29+s14+$0x0], $0xffff  }
0x331: {  	v18 =	vor.u32 s10, v2;
	v30 =	vld.idx.msk [tilespmem:v30+s14+$0x0], $0xffff  }
0x332: {  	v16 =	vor.u32 s10, v4;
	v31 =	vld.idx.msk [tilespmem:v31+s14+$0x0], $0xffff  }
0x333: {  	v34 =	vor.u32 s31, v2;
	v37 =	vld [tilespmem:s20+$0x0]  }
0x334: {  	v35 =	vor.u32 s31, v3;
	v32 =	vld.idx.msk [tilespmem:v32+s14+$0x0], $0xffff  }
0x335: {  	v36 =	vor.u32 s31, v4;
	v33 =	vld.idx.msk [tilespmem:v33+s14+$0x0], $0xffff  }
0x336: {  	v38 =	vor.u32 s31, v5;
	v18 =	vld.idx.msk [tilespmem:v18+s14+$0x0], $0xffff  }
0x337: {  	v42 =	vor.u32 s31, v9;
	v16 =	vld.idx.msk [tilespmem:v16+s14+$0x0], $0xffff  }
0x338: {  	v40 =	vor.u32 s31, v7;
	v34 =	vld.idx.msk [tilespmem:v34+s14+$0x0], $0xffff  }
0x339: {  	v41 =	vor.u32 s31, v8;
	v35 =	vld.idx.msk [tilespmem:v35+s14+$0x0], $0xffff  }
0x33a: {  	s11 =	simm.s32 $0x1000;
	v39 =	vor.u32 s31, v6;
	v36 =	vld.idx.msk [tilespmem:v36+s14+$0x0], $0xffff;
	v19 =	vadd.f32 v20, v19;
	v24 =	vadd.f32 v25, v24  }
0x33b: {  	v56 =	vor.u32 s11, v4;
	v20 =	vld.idx.msk [tilespmem:v38+s14+$0x0], $0xffff;
	v25 =	vadd.f32 v27, v26;
	v17 =	vadd.f32 v17, v18  }
0x33c: {  	v54 =	vld.idx.msk [tilespmem:v42+s14+$0x0], $0xffff;
	v18 =	vor.u32 s31, v10;
	v16 =	vadd.f32 v21, v16;
	v21 =	vadd.f32 v23, v22  }
0x33d: {  	v26 =	vld.idx.msk [tilespmem:v40+s14+$0x0], $0xffff;
	v27 =	vor.u32 s31, v12;
	v28 =	vadd.f32 v29, v28;
	v29 =	vadd.f32 v31, v30  }
0x33e: {  	v30 =	vld.idx.msk [tilespmem:v41+s14+$0x0], $0xffff;
	v31 =	vor.u32 s31, v13;
	v17 =	vadd.f32 v17, v19;
	v16 =	vadd.f32 v21, v16  }
0x33f: {  	v22 =	vld.idx.msk [tilespmem:v39+s14+$0x0], $0xffff;
	v23 =	vor.u32 s31, v11;
	v21 =	vadd.f32 v25, v24;
	v24 =	vadd.f32 v29, v28  }
0x340: {  	v19 =	vor.u32 s31, v14;
	v59 =	vadd.f32 v20, v36;
	v20 =	vld.idx.msk [tilespmem:v56+s14+$0x0], $0xffff  }
0x341: {  	v25 =	vld.idx.msk [tilespmem:v18+s14+$0x0], $0xffff;
	v18 =	vor.u32 s31, v15;
	v16 =	vadd.f32 v16, v17;
	v17 =	vadd.f32 v24, v21  }
0x342: {  	v24 =	vld.idx.msk [tilespmem:v27+s14+$0x0], $0xffff;
	v27 =	vor.u32 s11, v1  }
0x343: {  	v57 =	vor.u32 s11, v5;
	v28 =	vld.idx.msk [tilespmem:v31+s14+$0x0], $0xffff;
	v16 =	vadd.f32 v17, v16  }
0x344: {  	v23 =	vld.idx.msk [tilespmem:v23+s14+$0x0], $0xffff  }
0x345: {  	v29 =	vor.u32 s11, v2;
	v31 =	vld.idx.msk [tilespmem:v19+s14+$0x0], $0xffff;
	v17 =	vmul.f32 $5.000000000e-01, v16  }
0x346: {  	v21 =	vor.u32 s11, v0;
	v55 =	vld.idx.msk [tilespmem:v18+s14+$0x0], $0xffff  }
0x347: {  	v37 =	vsub.f32 v17, v37;
	v17 =	vld.idx.msk [tilespmem:v27+s14+$0x0], $0xffff;
	v27 =	vor.u32 s11, v6  }
0x348: {  	s10 =	simm.s32 $0xFC80;
	v19 =	vor.u32 s11, v3;
	v26 =	vadd.f32 v26, v22;
	v22 =	vld.idx.msk [tilespmem:v57+s14+$0x0], $0xffff  }
0x349: {  	v60 =	vor.u32 s11, v8;
	v32 =	vadd.f32 v33, v32;
	v58 =	vadd.f32 v35, v34;
	v16 =	vld [tilespmem:s10+$0x0]  }
0x34a: {  	v30 =	vadd.f32 v54, v30;
	v18 =	vld.idx.msk [tilespmem:v29+s14+$0x0], $0xffff;
	v29 =	vor.u32 s11, v7;
	v24 =	vadd.f32 v28, v24  }
0x34b: {  	v61 =	vor.u32 s11, v9;
	v21 =	vld.idx.msk [tilespmem:v21+s14+$0x0], $0xffff;
	v25 =	vadd.f32 v23, v25;
	v28 =	vadd.f32 v55, v31  }
0x34c: {  	v33 =	vadd.f32 v58, v32;
	v26 =	vadd.f32 v26, v59;
	v23 =	vld.idx.msk [tilespmem:v27+s14+$0x0], $0xffff;
	v27 =	vor.u32 s11, v10  }
0x34d: {  	v19 =	vld.idx.msk [tilespmem:v19+s14+$0x0], $0xffff;
	v62 =	vadd.f32 v25, v30;
	v30 =	vor.u32 s11, v11;
	v63 =	vadd.f32 v28, v24  }
0x34e: {  	v25 =	vld.idx.msk [tilespmem:v60+s14+$0x0], $0xffff;
	v31 =	vor.u32 s11, v12  }
0x34f: {  	v32 =	vor.u32 s11, v13;
	v24 =	vld.idx.msk [tilespmem:v29+s14+$0x0], $0xffff;
	v28 =	vadd.f32 v26, v33;
	v29 =	vadd.f32 v63, v62  }
0x350: {  	s13 =	simm.s32 $0x3;
	[tilespmem:s9+$0x0] =	vst v37;
	v26 =	vld.idx.msk [tilespmem:v61+s14+$0x0], $0xffff;
	v33 =	vor.u32 s11, v14  }
.LBB2_22:
0x351: {  	p2 =	sne.s32 s13, $0x4;
	v27 =	vld.idx.msk [tilespmem:v27+s14+$0x0], $0xffff;
	v34 =	vor.u32 s11, v15;
	v28 =	vadd.f32 v29, v28  }
0x352: {  	s11 =	sshll.u32 s13, $0xB;
	v29 =	vld.idx.msk [tilespmem:v30+s14+$0x0], $0xffff  }
0x353: {  	v30 =	vor.u32 s11, v0;
	v31 =	vld.idx.msk [tilespmem:v31+s14+$0x0], $0xffff;
	v28 =	vmul.f32 $5.000000000e-01, v28  }
0x354: {  	v35 =	vor.u32 s11, v1;
	v32 =	vld.idx.msk [tilespmem:v32+s14+$0x0], $0xffff  }
0x355: {  	v36 =	vor.u32 s11, v2;
	v33 =	vld.idx.msk [tilespmem:v33+s14+$0x0], $0xffff;
	v28 =	vsub.f32 v28, v16  }
0x356: {  	s10 =	sadd.s32 $0x80, s10;
	s9 =	sadd.s32 $0x10, s9;
	v37 =	vor.u32 s11, v3;
	v34 =	vld.idx.msk [tilespmem:v34+s14+$0x0], $0xffff  }
0x357: {  	v38 =	vor.u32 s11, v4;
	v16 =	vld [tilespmem:s10+$0x0];
	[tilespmem:s9+$0x0] =	vst v28  }
0x358: {  	v28 =	vld.idx.msk [tilespmem:v30+s14+$0x0], $0xffff;
	v30 =	vor.u32 s11, v5  }
0x359: {  	v21 =	vadd.f32 v17, v21;
	v39 =	vor.u32 s11, v6;
	v17 =	vld.idx.msk [tilespmem:v35+s14+$0x0], $0xffff;
	v35 =	vadd.f32 v19, v18  }
0x35a: {  	v40 =	vadd.f32 v22, v20;
	v23 =	vadd.f32 v24, v23;
	v18 =	vld.idx.msk [tilespmem:v36+s14+$0x0], $0xffff;
	v36 =	vor.u32 s11, v7  }
0x35b: {  	v24 =	vadd.f32 v26, v25;
	v25 =	vadd.f32 v29, v27;
	v19 =	vld.idx.msk [tilespmem:v37+s14+$0x0], $0xffff;
	v37 =	vor.u32 s11, v8  }
0x35c: {  	v26 =	vor.u32 s11, v9;
	v29 =	vadd.f32 v32, v31;
	v31 =	vadd.f32 v34, v33;
	v20 =	vld.idx.msk [tilespmem:v38+s14+$0x0], $0xffff  }
.Ltmp10:
0x35d: {  	v27 =	vor.u32 s11, v10;
	v33 =	vadd.f32 v35, v21;
	v34 =	vadd.f32 v23, v40;
	v22 =	vld.idx.msk [tilespmem:v30+s14+$0x0], $0xffff;
	(pc) =	sbr.rel @p2 .LBB2_22-.Ltmp10, $4  }
0x35e: {  	v35 =	vadd.f32 v25, v24;
	v30 =	vor.u32 s11, v11;
	v29 =	vadd.f32 v31, v29;
	v21 =	vmovc v28;
	v23 =	vld.idx.msk [tilespmem:v39+s14+$0x0], $0xffff  }
0x35f: {  	v31 =	vor.u32 s11, v12;
	v24 =	vld.idx.msk [tilespmem:v36+s14+$0x0], $0xffff  }
0x360: {  	v32 =	vor.u32 s11, v13;
	v28 =	vadd.f32 v34, v33;
	v29 =	vadd.f32 v29, v35;
	v25 =	vld.idx.msk [tilespmem:v37+s14+$0x0], $0xffff  }
0x361: {  	s13 =	sadd.s32 $0x1, s13;
	v33 =	vor.u32 s11, v14;
	v26 =	vld.idx.msk [tilespmem:v26+s14+$0x0], $0xffff  }
0x362: {  	_ =	sdelay $0x3  }
0x363: {  	v27 =	vld.idx.msk [tilespmem:v27+s14+$0x0], $0xffff;
	v34 =	vor.u32 s11, v15  }
0x364: {  	v30 =	vld.idx.msk [tilespmem:v30+s14+$0x0], $0xffff  }
0x365: {  	v31 =	vld.idx.msk [tilespmem:v31+s14+$0x0], $0xffff  }
0x366: {  	v32 =	vld.idx.msk [tilespmem:v32+s14+$0x0], $0xffff  }
0x367: {  	v33 =	vld.idx.msk [tilespmem:v33+s14+$0x0], $0xffff  }
0x368: {  	v34 =	vld.idx.msk [tilespmem:v34+s14+$0x0], $0xffff;
	_ =	sdelay $0x1  }
0x369: {  	v17 =	vadd.f32 v17, v21;
	v18 =	vadd.f32 v19, v18  }
0x36a: {  	v19 =	vadd.f32 v22, v20;
	v20 =	vadd.f32 v24, v23  }
0x36b: {  	v21 =	vadd.f32 v26, v25;
	v22 =	vadd.f32 v30, v27  }
0x36c: {  	v23 =	vadd.f32 v32, v31;
	v24 =	vadd.f32 v34, v33  }
0x36d: {  	v17 =	vadd.f32 v18, v17;
	v18 =	vadd.f32 v20, v19  }
0x36e: {  	v19 =	vadd.f32 v22, v21;
	v20 =	vadd.f32 v24, v23;
	_ =	sdelay $0x1  }
0x36f: {  	s10 =	sadd.s32 $0x80, s10;
	v17 =	vadd.f32 v18, v17;
	v18 =	vadd.f32 v20, v19  }
0x370: {  	v19 =	vadd.f32 v29, v28;
	v20 =	vld [tilespmem:s10+$0x0]  }
0x371: {  	v17 =	vadd.f32 v18, v17  }
0x372: {  	v18 =	vmul.f32 $5.000000000e-01, v19  }
0x373: {  	v17 =	vmul.f32 $5.000000000e-01, v17  }
0x374: {  	s25 =	rddreg [dreg:$0xd];
	v16 =	vsub.f32 v18, v16  }
0x375: {  	s9 =	sadd.s32 $0x10, s9;
	s10 =	sadd.s32 s23, s25;
	v17 =	vsub.f32 v17, v20  }
0x376: {  	s10 =	sshrl.u32 s10, $0x3;
	[tilespmem:s9+$0x0] =	vst v16;
	s9 =	sadd.s32 $0x10, s9  }
0x377: {  	s29 =	simm.s32 $0xD100;
	s28 =	sadd.s32 s3, s10;
	[tilespmem:s9+$0x0] =	vst v17;
	s9 =	simm.s32 @!p0 $0xD  }
0x378: {  	[hbm4b:s28+s6] =	stream.linear.scatter [tilespmem:s29], [sflag:$0x8], $0x50, $0x38;
	[tilespmem:$0x12B00] =	vst v63  }
0x379: {  	_ =	swait.ge @!p0 [sflag:s9], $0x50  }
0x37a: {  	[sflag:s9] =	ssyncset.done @!p0 $0x0  }
0x37b: {  	[sflag:s9] =	ssyncadd.s32 @!p0 $0xFFFFFFB0  }
0x37c: {  	_ =	swait.ge @!p0 [sflag:s9], $0x50  }
0x37d: {  	s11 =	simm.s32 @!p0 $0x5800;
	[sflag:s9] =	ssyncset.done @!p0 $0x0  }
0x37e: {  	s10 =	simm.s32 @!p0 $0x100;
	[sflag:s9] =	ssyncadd.s32 @!p0 $0xFFFFFFB0;
	s9 =	simm.s32 @!p0 $0x50  }
0x37f: {  	[tilespmem:s11], [sflag:$0x3] =	stream.indirect.gather @!p0 [hbm4b:s1+s9], $0x80, s10, s9, $0xb8;
	[tilespmem:$0x12B00] =	vst v63  }
0x380: {  	s10 =	simm.s32 @!p0 $0x1  }
0x381: {  	_ =	swait.ge @!p0 [sflag:s10], $0x2800  }
0x382: {  	[sflag:s10] =	ssyncset.done @!p0 $0x0  }
0x383: {  	s11 =	simm.s32 @!p0 $0x800;
	[sflag:s10] =	ssyncadd.s32 @!p0 $0xFFFFD800;
	s10 =	simm.s32 @!p0 $0x400  }
0x384: {  	[tilespmem:s11], [sflag:$0x1] =	stream.indirect.gather.add.f32 @!p0 [hbm:s1], $0x80, s10, s9, $0xb8;
	[tilespmem:$0x12B00] =	vst v63  }
0x385: {  	_ =	swait.ge [sflag:s22], $0x2800  }
0x386: {  	[sflag:s22] =	ssyncset.done $0x0  }
0x387: {  	[sflag:s22] =	ssyncadd.s32 $0xFFFFD800  }
0x388: {  	v16 =	vld [tilespmem:$0x180]  }
0x389: {  	v17 =	vld [tilespmem:$0x580];
	_ =	sdelay $0x5  }
0x38a: {  	v18 =	vld [tilespmem:$0x190]  }
0x38b: {  	v16 =	vld.idx.msk [tilespmem:v16+s16+$0x0], $0xffff  }
0x38c: {  	v17 =	vld.idx.msk [tilespmem:v17+s16+$0x0], $0xffff  }
0x38d: {  	v19 =	vld [tilespmem:$0x590];
	_ =	sdelay $0x3  }
0x38e: {  	v16 =	vadd.f32 v17, v16;
	_ =	sdelay $0x1  }
0x38f: {  	[tilespmem:$0xFC00] =	vst v16  }
0x390: {  	v16 =	vld.idx.msk [tilespmem:v18+s16+$0x0], $0xffff  }
0x391: {  	v17 =	vld.idx.msk [tilespmem:v19+s16+$0x0], $0xffff  }
0x392: {  	v18 =	vld [tilespmem:$0x1A0]  }
0x393: {  	v19 =	vld [tilespmem:$0x5A0];
	_ =	sdelay $0x3  }
0x394: {  	v16 =	vadd.f32 v17, v16;
	_ =	sdelay $0x1  }
0x395: {  	[tilespmem:$0xFC80] =	vst v16  }
0x396: {  	v16 =	vld.idx.msk [tilespmem:v18+s16+$0x0], $0xffff  }
0x397: {  	v17 =	vld.idx.msk [tilespmem:v19+s16+$0x0], $0xffff  }
0x398: {  	v18 =	vld [tilespmem:$0x1B0]  }
0x399: {  	v19 =	vld [tilespmem:$0x5B0];
	_ =	sdelay $0x3  }
0x39a: {  	v16 =	vadd.f32 v17, v16;
	_ =	sdelay $0x1  }
0x39b: {  	[tilespmem:$0xFD00] =	vst v16  }
0x39c: {  	v16 =	vld.idx.msk [tilespmem:v18+s16+$0x0], $0xffff  }
0x39d: {  	v17 =	vld.idx.msk [tilespmem:v19+s16+$0x0], $0xffff  }
0x39e: {  	v18 =	vld [tilespmem:$0x1C0]  }
0x39f: {  	v19 =	vld [tilespmem:$0x5C0];
	_ =	sdelay $0x3  }
0x3a0: {  	v16 =	vadd.f32 v17, v16;
	_ =	sdelay $0x1  }
0x3a1: {  	[tilespmem:$0xFD80] =	vst v16  }
0x3a2: {  	v16 =	vld.idx.msk [tilespmem:v18+s16+$0x0], $0xffff  }
0x3a3: {  	v17 =	vld.idx.msk [tilespmem:v19+s16+$0x0], $0xffff;
	_ =	sdelay $0x3  }
0x3a4: {  	s9 =	rddreg [dreg:$0x18]  }
0x3a5: {  	s9 =	sadd.s32 @!p0 s23, s9;
	v16 =	vadd.f32 v17, v16  }
0x3a6: {  	s9 =	sshrl.u32 @!p0 s9, $0x3  }
0x3a7: {  	s13 =	simm.s32 @!p0 $0x180;
	s11 =	simm.s32 @!p0 $0x0;
	s10 =	sadd.s32 @!p0 s7, s9;
	[tilespmem:$0xFE00] =	vst v16  }
0x3a8: {  	[tilespmem:s13], [sflag:$0xE] =	stream.linear.gather @!p0 [hbm4b:s10+s11], $0x50, $0x38;
	[tilespmem:$0x12B00] =	vst v63  }
0x3a9: {  	s9 =	sadd.s32 @!p0 s2, s9;
	s10 =	simm.s32 @!p0 $0x580  }
0x3aa: {  	[tilespmem:s10], [sflag:$0xE] =	stream.linear.gather @!p0 [hbm4b:s9+s11], $0x50, $0x38;
	[tilespmem:$0x12B00] =	vst v63  }
0x3ab: {  	s9 =	simm.s32 @!p1 $0x9  }
0x3ac: {  	_ =	swait.ge @!p1 [sflag:s9], $0x50  }
0x3ad: {  	[sflag:s9] =	ssyncset.done @!p1 $0x0  }
0x3ae: {  	s30 =	simm.s32 $0x81F0;
	[sflag:s9] =	ssyncadd.s32 @!p1 $0xFFFFFFB0  }
0x3af: {  	v16 =	vld [tilespmem:s30+$0xFFFFFF90]  }
0x3b0: {  	v17 =	vld [tilespmem:s30+$0xFFFFFFA0]  }
0x3b1: {  	v18 =	vld [tilespmem:s30+$0xFFFFFFB0]  }
0x3b2: {  	v19 =	vld [tilespmem:s30+$0xFFFFFFC0]  }
0x3b3: {  	v20 =	vld [tilespmem:s30+$0xFFFFFFD0]  }
0x3b4: {  	v21 =	vld [tilespmem:s30+$0xFFFFFFE0]  }
0x3b5: {  	v22 =	vld [tilespmem:s30+$0xFFFFFFF0]  }
0x3b6: {  	v23 =	vld [tilespmem:s30+$0x0]  }
0x3b7: {  	v24 =	vld [tilespmem:s30+$0xFFFFFE10]  }
0x3b8: {  	v25 =	vld [tilespmem:s30+$0xFFFFFE20]  }
0x3b9: {  	v26 =	vld [tilespmem:s30+$0xFFFFFE30]  }
0x3ba: {  	v27 =	vld [tilespmem:s30+$0xFFFFFE40]  }
0x3bb: {  	v56 =	vld [tilespmem:s30+$0xFFFFFE80]  }
0x3bc: {  	v53 =	vld [tilespmem:s30+$0xFFFFFE50];
	v16 =	vmul.f32 v16, v16  }
0x3bd: {  	v54 =	vld [tilespmem:s30+$0xFFFFFE60];
	v17 =	vmul.f32 v17, v17;
	v18 =	vmul.f32 v18, v18  }
0x3be: {  	v55 =	vld [tilespmem:s30+$0xFFFFFE70];
	v19 =	vmul.f32 v19, v19;
	v20 =	vmul.f32 v20, v20  }
0x3bf: {  	v57 =	vld [tilespmem:s30+$0xFFFFFE90];
	v21 =	vmul.f32 v21, v21;
	v22 =	vmul.f32 v22, v22  }
0x3c0: {  	v58 =	vld [tilespmem:s30+$0xFFFFFEA0];
	v23 =	vmul.f32 v23, v23;
	v59 =	vmul.f32 v56, v56  }
0x3c1: {  	v60 =	vld [tilespmem:s30+$0xFFFFFF00];
	v16 =	vadd.f32 v17, v16;
	v17 =	vadd.f32 v19, v18;
	v19 =	vmul.f32 v24, v24  }
0x3c2: {  	v18 =	vld [tilespmem:s30+$0xFFFFFEB0];
	v20 =	vadd.f32 v21, v20;
	v21 =	vadd.f32 v23, v22;
	v23 =	vmul.f32 v25, v25  }
0x3c3: {  	v22 =	vld [tilespmem:s30+$0xFFFFFEC0];
	v24 =	vmul.f32 v26, v26;
	v26 =	vmul.f32 v27, v27;
	v16 =	vadd.f32 v17, v16  }
0x3c4: {  	v25 =	vld [tilespmem:s30+$0xFFFFFED0];
	v17 =	vadd.f32 v21, v20;
	v21 =	vmul.f32 v53, v53;
	v19 =	vadd.f32 v23, v19  }
0x3c5: {  	v20 =	vld [tilespmem:s30+$0xFFFFFEE0];
	v23 =	vmul.f32 v54, v54;
	v24 =	vadd.f32 v26, v24;
	v26 =	vmul.f32 v55, v55  }
0x3c6: {  	v61 =	vmul.f32 v58, v58;
	v27 =	vld [tilespmem:s30+$0xFFFFFEF0];
	v17 =	vadd.f32 v17, v16  }
0x3c7: {  	v62 =	vld [tilespmem:s30+$0xFFFFFF20];
	v16 =	vadd.f32 v23, v21;
	v23 =	vmul.f32 v57, v57;
	v26 =	vadd.f32 v59, v26  }
0x3c8: {  	s31 =	simm.s32 $0x0;
	v21 =	vld [tilespmem:s30+$0xFFFFFF10];
	v18 =	vmul.f32 v18, v18;
	v22 =	vmul.f32 v22, v22  }
0x3c9: {  	s18 =	sand.u32 $0x3800, s31;
	s10 =	simm.s32 $0x180;
	v19 =	vadd.f32 v24, v19;
	v24 =	vld [tilespmem:s30+$0xFFFFFF30];
	v25 =	vmul.f32 v25, v25;
	v26 =	vadd.f32 v26, v16  }
0x3ca: {  	s18 =	sadd.s32 $0xD400, s18;
	s25 =	sand.u32 $0x780, s10;
	v23 =	vadd.f32 v61, v23;
	v16 =	vld [tilespmem:s30+$0xFFFFFF40];
	v20 =	vmul.f32 v20, v20;
	v22 =	vadd.f32 v22, v18  }
0x3cb: {  	s13 =	sand.u32 $0x600, s31;
	s25 =	sadd.s32 s25, s18;
	v63 =	vmul.f32 v60, v60;
	v27 =	vmul.f32 v27, v27;
	v18 =	vld [tilespmem:s30+$0xFFFFFF50];
	v26 =	vadd.f32 v26, v19  }
0x3cc: {  	s20 =	simm.s32 $0x80;
	s28 =	simm.s32 $0x100;
	s13 =	sadd.s32 s13, s18;
	[tilespmem:s25+$0x0] =	vst v17;
	v19 =	vld [tilespmem:s30+$0xFFFFFF60];
	v20 =	vadd.f32 v20, v25;
	v17 =	vadd.f32 v22, v23  }
0x3cd: {  	s20 =	sand.u32 $0x680, s20;
	s28 =	sand.u32 $0x700, s28;
	s11 =	simm.s32 $0x0;
	v22 =	vmul.f32 v21, v21;
	v21 =	vld [tilespmem:s30+$0xFFFFFF70];
	v25 =	vadd.f32 v63, v27;
	[tilespmem:s13+$0x0] =	vst v26;
	v26 =	vmul.f32 v62, v62  }
0x3ce: {  	s25 =	sadd.s32 s20, s18;
	s18 =	sadd.s32 s28, s18;
	v24 =	vmul.f32 v24, v24;
	v23 =	vld [tilespmem:s30+$0xFFFFFF80];
	s13 =	simm.s32 $0x83F0  }
.LBB2_24:
0x3cf: {  	v27 =	vld [tilespmem:s13+$0xFFFFFF90];
	v20 =	vadd.f32 v25, v20;
	v16 =	vmul.f32 v16, v16;
	v22 =	vadd.f32 v26, v22  }
0x3d0: {  	v25 =	vld [tilespmem:s13+$0xFFFFFFA0];
	v18 =	vmul.f32 v18, v18  }
0x3d1: {  	v26 =	vld [tilespmem:s13+$0xFFFFFFB0];
	v17 =	vadd.f32 v20, v17;
	v19 =	vmul.f32 v19, v19;
	v16 =	vadd.f32 v16, v24  }
0x3d2: {  	v20 =	vld [tilespmem:s13+$0xFFFFFFC0];
	v21 =	vmul.f32 v21, v21  }
0x3d3: {  	v24 =	vld [tilespmem:s13+$0xFFFFFFD0];
	[tilespmem:s25+$0x0] =	vst v17;
	v17 =	vmul.f32 v23, v23;
	v18 =	vadd.f32 v19, v18;
	v16 =	vadd.f32 v16, v22  }
0x3d4: {  	v19 =	vld [tilespmem:s13+$0xFFFFFFE0]  }
0x3d5: {  	v22 =	vld [tilespmem:s13+$0xFFFFFFF0];
	v17 =	vadd.f32 v17, v21  }
0x3d6: {  	s11 =	sadd.s32 $0x4, s11;
	v21 =	vld [tilespmem:s13+$0x0]  }
0x3d7: {  	p2 =	slt.u32 s11, $0x4C;
	v23 =	vld [tilespmem:s13+$0xFFFFFE10];
	v17 =	vadd.f32 v17, v18  }
0x3d8: {  	v27 =	vmul.f32 v27, v27;
	v25 =	vmul.f32 v25, v25;
	v18 =	vld [tilespmem:s13+$0xFFFFFE20]  }
0x3d9: {  	v26 =	vmul.f32 v26, v26;
	v20 =	vmul.f32 v20, v20;
	v28 =	vld [tilespmem:s13+$0xFFFFFE30];
	v16 =	vadd.f32 v17, v16  }
0x3da: {  	v24 =	vmul.f32 v24, v24;
	v19 =	vmul.f32 v19, v19;
	v17 =	vld [tilespmem:s13+$0xFFFFFE40]  }
0x3db: {  	v22 =	vmul.f32 v22, v22;
	v29 =	vld [tilespmem:s13+$0xFFFFFE50];
	v21 =	vmul.f32 v21, v21;
	[tilespmem:s18+$0x0] =	vst v16  }
0x3dc: {  	v25 =	vadd.f32 v25, v27;
	v20 =	vadd.f32 v20, v26;
	v16 =	vmul.f32 v23, v23;
	v23 =	vld [tilespmem:s13+$0xFFFFFE60]  }
0x3dd: {  	v19 =	vadd.f32 v19, v24;
	v18 =	vmul.f32 v18, v18;
	v26 =	vld [tilespmem:s13+$0xFFFFFE70];
	v21 =	vadd.f32 v21, v22  }
0x3de: {  	s9 =	simm.s32 $0xD180;
	s10 =	sadd.s32 $0x200, s10;
	v22 =	vmul.f32 v28, v28;
	v24 =	vld [tilespmem:s13+$0xFFFFFE80]  }
0x3df: {  	s20 =	sadd.s32 $0xFFFFFF00, s10;
	s25 =	sadd.s32 $0xFFFFFF80, s10;
	s18 =	sadd.s32 $0xFFFFFE80, s10;
	v20 =	vadd.f32 v20, v25;
	v17 =	vmul.f32 v17, v17;
	v27 =	vld [tilespmem:s13+$0xFFFFFE90];
	v19 =	vadd.f32 v21, v19  }
0x3e0: {  	s20 =	sand.u32 $0x680, s20;
	s28 =	sand.u32 $0x3800, s18;
	s18 =	sand.u32 $0x600, s18;
	v16 =	vadd.f32 v18, v16;
	v21 =	vmul.f32 v29, v29;
	v18 =	vld [tilespmem:s13+$0xFFFFFEA0]  }
0x3e1: {  	s30 =	sand.u32 $0x780, s10;
	s29 =	sand.u32 $0x700, s25;
	s28 =	sadd.s32 $0xD400, s28;
	v23 =	vmul.f32 v23, v23;
	v17 =	vadd.f32 v17, v22;
	v22 =	vld [tilespmem:s13+$0xFFFFFEB0];
	v19 =	vadd.f32 v19, v20  }
0x3e2: {  	s31 =	sadd.s32 s18, s28;
	s25 =	sadd.s32 s20, s28;
	s20 =	sadd.s32 s30, s28;
	v20 =	vmul.f32 v26, v26;
	v25 =	vld [tilespmem:s13+$0xFFFFFEC0]  }
0x3e3: {  	s18 =	sadd.s32 s29, s28;
	v24 =	vmul.f32 v24, v24;
	v21 =	vadd.f32 v23, v21;
	v16 =	vadd.f32 v17, v16;
	v17 =	vld [tilespmem:s13+$0xFFFFFED0];
	[tilespmem:s20+$0x0] =	vst v19;
	s20 =	simm.s32 $0xFC00  }
0x3e4: {  	v19 =	vmul.f32 v27, v27;
	v23 =	vld [tilespmem:s13+$0xFFFFFEE0]  }
0x3e5: {  	v20 =	vadd.f32 v24, v20;
	v18 =	vmul.f32 v18, v18;
	v24 =	vld [tilespmem:s13+$0xFFFFFEF0]  }
0x3e6: {  	v22 =	vmul.f32 v22, v22;
	v26 =	vld [tilespmem:s13+$0xFFFFFF00]  }
0x3e7: {  	v20 =	vadd.f32 v20, v21;
	v21 =	vmul.f32 v25, v25;
	v18 =	vadd.f32 v18, v19;
	v19 =	vld [tilespmem:s13+$0xFFFFFF10]  }
0x3e8: {  	v17 =	vmul.f32 v17, v17;
	v27 =	vld [tilespmem:s13+$0xFFFFFF20]  }
0x3e9: {  	v20 =	vadd.f32 v20, v16;
	v23 =	vmul.f32 v23, v23;
	v21 =	vadd.f32 v21, v22;
	v28 =	vld [tilespmem:s13+$0xFFFFFF30]  }
.Ltmp11:
0x3ea: {  	v24 =	vmul.f32 v24, v24;
	v16 =	vld [tilespmem:s13+$0xFFFFFF40];
	(pc) =	sbr.rel @p2 .LBB2_24-.Ltmp11, $4  }
0x3eb: {  	[tilespmem:s31+$0x0] =	vst v20;
	v25 =	vmul.f32 v26, v26;
	v20 =	vadd.f32 v23, v17;
	v17 =	vadd.f32 v21, v18;
	v18 =	vld [tilespmem:s13+$0xFFFFFF50]  }
0x3ec: {  	v22 =	vmul.f32 v19, v19;
	v19 =	vld [tilespmem:s13+$0xFFFFFF60]  }
0x3ed: {  	v25 =	vadd.f32 v25, v24;
	v26 =	vmul.f32 v27, v27;
	v21 =	vld [tilespmem:s13+$0xFFFFFF70]  }
0x3ee: {  	v24 =	vmul.f32 v28, v28;
	v23 =	vld [tilespmem:s13+$0xFFFFFF80];
	s13 =	sadd.s32 $0x200, s13  }
0x3ef: {  	_ =	sdelay $0x1  }
0x3f0: {  	v16 =	vmul.f32 v16, v16  }
0x3f1: {  	v18 =	vmul.f32 v18, v18;
	v19 =	vmul.f32 v19, v19  }
0x3f2: {  	v22 =	vadd.f32 v26, v22;
	v21 =	vmul.f32 v21, v21;
	v23 =	vmul.f32 v23, v23  }
0x3f3: {  	v20 =	vadd.f32 v25, v20;
	v16 =	vadd.f32 v16, v24  }
0x3f4: {  	v18 =	vadd.f32 v19, v18;
	v19 =	vadd.f32 v23, v21  }
0x3f5: {  	s10 =	simm.s32 $0x0;
	v17 =	vadd.f32 v20, v17  }
0x3f6: {  	v16 =	vadd.f32 v16, v22;
	v18 =	vadd.f32 v19, v18;
	v19 =	vor.u32 s10, v0  }
0x3f7: {  	v20 =	vor.u32 s10, v1  }
0x3f8: {  	[tilespmem:s25+$0x0] =	vst v17;
	v17 =	vor.u32 s10, v3;
	v16 =	vadd.f32 v18, v16  }
0x3f9: {  	v21 =	vor.u32 s10, v5  }
0x3fa: {  	v22 =	vor.u32 s10, v6;
	[tilespmem:s18+$0x0] =	vst v16  }
0x3fb: {  	v23 =	vor.u32 s10, v7;
	v19 =	vld.idx.msk [tilespmem:v19+s14+$0x0], $0xffff  }
0x3fc: {  	v24 =	vor.u32 s10, v8;
	v20 =	vld.idx.msk [tilespmem:v20+s14+$0x0], $0xffff  }
0x3fd: {  	v25 =	vor.u32 s10, v9;
	v17 =	vld.idx.msk [tilespmem:v17+s14+$0x0], $0xffff  }
0x3fe: {  	v26 =	vor.u32 s10, v10;
	v21 =	vld.idx.msk [tilespmem:v21+s14+$0x0], $0xffff  }
0x3ff: {  	v27 =	vor.u32 s10, v11;
	v22 =	vld.idx.msk [tilespmem:v22+s14+$0x0], $0xffff  }
0x400: {  	v28 =	vor.u32 s10, v12;
	v23 =	vld.idx.msk [tilespmem:v23+s14+$0x0], $0xffff  }
0x401: {  	v29 =	vor.u32 s10, v13;
	v24 =	vld.idx.msk [tilespmem:v24+s14+$0x0], $0xffff  }
0x402: {  	v30 =	vor.u32 s10, v14;
	v25 =	vld.idx.msk [tilespmem:v25+s14+$0x0], $0xffff  }
0x403: {  	v31 =	vor.u32 s10, v15;
	v26 =	vld.idx.msk [tilespmem:v26+s14+$0x0], $0xffff  }
0x404: {  	s31 =	simm.s32 $0x800;
	v27 =	vld.idx.msk [tilespmem:v27+s14+$0x0], $0xffff  }
0x405: {  	v32 =	vor.u32 s31, v0;
	v28 =	vld.idx.msk [tilespmem:v28+s14+$0x0], $0xffff  }
0x406: {  	v33 =	vor.u32 s31, v1;
	v29 =	vld.idx.msk [tilespmem:v29+s14+$0x0], $0xffff  }
0x407: {  	v18 =	vor.u32 s10, v2;
	v30 =	vld.idx.msk [tilespmem:v30+s14+$0x0], $0xffff  }
0x408: {  	v16 =	vor.u32 s10, v4;
	v31 =	vld.idx.msk [tilespmem:v31+s14+$0x0], $0xffff  }
0x409: {  	v34 =	vor.u32 s31, v2;
	v37 =	vld [tilespmem:s20+$0x0]  }
0x40a: {  	v35 =	vor.u32 s31, v3;
	v32 =	vld.idx.msk [tilespmem:v32+s14+$0x0], $0xffff  }
0x40b: {  	v36 =	vor.u32 s31, v4;
	v33 =	vld.idx.msk [tilespmem:v33+s14+$0x0], $0xffff  }
0x40c: {  	v38 =	vor.u32 s31, v5;
	v18 =	vld.idx.msk [tilespmem:v18+s14+$0x0], $0xffff  }
0x40d: {  	v42 =	vor.u32 s31, v9;
	v16 =	vld.idx.msk [tilespmem:v16+s14+$0x0], $0xffff  }
0x40e: {  	v40 =	vor.u32 s31, v7;
	v34 =	vld.idx.msk [tilespmem:v34+s14+$0x0], $0xffff  }
0x40f: {  	v41 =	vor.u32 s31, v8;
	v35 =	vld.idx.msk [tilespmem:v35+s14+$0x0], $0xffff  }
0x410: {  	s11 =	simm.s32 $0x1000;
	v39 =	vor.u32 s31, v6;
	v36 =	vld.idx.msk [tilespmem:v36+s14+$0x0], $0xffff;
	v19 =	vadd.f32 v20, v19;
	v24 =	vadd.f32 v25, v24  }
0x411: {  	v56 =	vor.u32 s11, v4;
	v20 =	vld.idx.msk [tilespmem:v38+s14+$0x0], $0xffff;
	v25 =	vadd.f32 v27, v26;
	v17 =	vadd.f32 v17, v18  }
0x412: {  	v54 =	vld.idx.msk [tilespmem:v42+s14+$0x0], $0xffff;
	v18 =	vor.u32 s31, v10;
	v16 =	vadd.f32 v21, v16;
	v21 =	vadd.f32 v23, v22  }
0x413: {  	v26 =	vld.idx.msk [tilespmem:v40+s14+$0x0], $0xffff;
	v27 =	vor.u32 s31, v12;
	v28 =	vadd.f32 v29, v28;
	v29 =	vadd.f32 v31, v30  }
0x414: {  	v30 =	vld.idx.msk [tilespmem:v41+s14+$0x0], $0xffff;
	v31 =	vor.u32 s31, v13;
	v17 =	vadd.f32 v17, v19;
	v16 =	vadd.f32 v21, v16  }
0x415: {  	v22 =	vld.idx.msk [tilespmem:v39+s14+$0x0], $0xffff;
	v23 =	vor.u32 s31, v11;
	v21 =	vadd.f32 v25, v24;
	v24 =	vadd.f32 v29, v28  }
0x416: {  	v19 =	vor.u32 s31, v14;
	v59 =	vadd.f32 v20, v36;
	v20 =	vld.idx.msk [tilespmem:v56+s14+$0x0], $0xffff  }
0x417: {  	v25 =	vld.idx.msk [tilespmem:v18+s14+$0x0], $0xffff;
	v18 =	vor.u32 s31, v15;
	v16 =	vadd.f32 v16, v17;
	v17 =	vadd.f32 v24, v21  }
0x418: {  	v24 =	vld.idx.msk [tilespmem:v27+s14+$0x0], $0xffff;
	v27 =	vor.u32 s11, v1  }
0x419: {  	v57 =	vor.u32 s11, v5;
	v28 =	vld.idx.msk [tilespmem:v31+s14+$0x0], $0xffff;
	v16 =	vadd.f32 v17, v16  }
0x41a: {  	v23 =	vld.idx.msk [tilespmem:v23+s14+$0x0], $0xffff  }
0x41b: {  	v29 =	vor.u32 s11, v2;
	v31 =	vld.idx.msk [tilespmem:v19+s14+$0x0], $0xffff;
	v17 =	vmul.f32 $5.000000000e-01, v16  }
0x41c: {  	v21 =	vor.u32 s11, v0;
	v55 =	vld.idx.msk [tilespmem:v18+s14+$0x0], $0xffff  }
0x41d: {  	v37 =	vsub.f32 v17, v37;
	v17 =	vld.idx.msk [tilespmem:v27+s14+$0x0], $0xffff;
	v27 =	vor.u32 s11, v6  }
0x41e: {  	s10 =	simm.s32 $0xFC80;
	v19 =	vor.u32 s11, v3;
	v26 =	vadd.f32 v26, v22;
	v22 =	vld.idx.msk [tilespmem:v57+s14+$0x0], $0xffff  }
0x41f: {  	v60 =	vor.u32 s11, v8;
	v32 =	vadd.f32 v33, v32;
	v58 =	vadd.f32 v35, v34;
	v16 =	vld [tilespmem:s10+$0x0]  }
0x420: {  	v30 =	vadd.f32 v54, v30;
	v18 =	vld.idx.msk [tilespmem:v29+s14+$0x0], $0xffff;
	v29 =	vor.u32 s11, v7;
	v24 =	vadd.f32 v28, v24  }
0x421: {  	v61 =	vor.u32 s11, v9;
	v21 =	vld.idx.msk [tilespmem:v21+s14+$0x0], $0xffff;
	v25 =	vadd.f32 v23, v25;
	v28 =	vadd.f32 v55, v31  }
0x422: {  	v33 =	vadd.f32 v58, v32;
	v26 =	vadd.f32 v26, v59;
	v23 =	vld.idx.msk [tilespmem:v27+s14+$0x0], $0xffff;
	v27 =	vor.u32 s11, v10  }
0x423: {  	v19 =	vld.idx.msk [tilespmem:v19+s14+$0x0], $0xffff;
	v62 =	vadd.f32 v25, v30;
	v30 =	vor.u32 s11, v11;
	v63 =	vadd.f32 v28, v24  }
0x424: {  	v25 =	vld.idx.msk [tilespmem:v60+s14+$0x0], $0xffff;
	v31 =	vor.u32 s11, v12  }
0x425: {  	v32 =	vor.u32 s11, v13;
	v24 =	vld.idx.msk [tilespmem:v29+s14+$0x0], $0xffff;
	v28 =	vadd.f32 v26, v33;
	v29 =	vadd.f32 v63, v62  }
0x426: {  	s13 =	simm.s32 $0x3;
	[tilespmem:s9+$0x0] =	vst v37;
	v26 =	vld.idx.msk [tilespmem:v61+s14+$0x0], $0xffff;
	v33 =	vor.u32 s11, v14  }
.LBB2_26:
0x427: {  	p2 =	sne.s32 s13, $0x4;
	v27 =	vld.idx.msk [tilespmem:v27+s14+$0x0], $0xffff;
	v34 =	vor.u32 s11, v15;
	v28 =	vadd.f32 v29, v28  }
0x428: {  	s11 =	sshll.u32 s13, $0xB;
	v29 =	vld.idx.msk [tilespmem:v30+s14+$0x0], $0xffff  }
0x429: {  	v30 =	vor.u32 s11, v0;
	v31 =	vld.idx.msk [tilespmem:v31+s14+$0x0], $0xffff;
	v28 =	vmul.f32 $5.000000000e-01, v28  }
0x42a: {  	v35 =	vor.u32 s11, v1;
	v32 =	vld.idx.msk [tilespmem:v32+s14+$0x0], $0xffff  }
0x42b: {  	v36 =	vor.u32 s11, v2;
	v33 =	vld.idx.msk [tilespmem:v33+s14+$0x0], $0xffff;
	v28 =	vsub.f32 v28, v16  }
0x42c: {  	s10 =	sadd.s32 $0x80, s10;
	s9 =	sadd.s32 $0x10, s9;
	v37 =	vor.u32 s11, v3;
	v34 =	vld.idx.msk [tilespmem:v34+s14+$0x0], $0xffff  }
0x42d: {  	v38 =	vor.u32 s11, v4;
	v16 =	vld [tilespmem:s10+$0x0];
	[tilespmem:s9+$0x0] =	vst v28  }
0x42e: {  	v28 =	vld.idx.msk [tilespmem:v30+s14+$0x0], $0xffff;
	v30 =	vor.u32 s11, v5  }
0x42f: {  	v21 =	vadd.f32 v17, v21;
	v39 =	vor.u32 s11, v6;
	v17 =	vld.idx.msk [tilespmem:v35+s14+$0x0], $0xffff;
	v35 =	vadd.f32 v19, v18  }
0x430: {  	v40 =	vadd.f32 v22, v20;
	v23 =	vadd.f32 v24, v23;
	v18 =	vld.idx.msk [tilespmem:v36+s14+$0x0], $0xffff;
	v36 =	vor.u32 s11, v7  }
0x431: {  	v24 =	vadd.f32 v26, v25;
	v25 =	vadd.f32 v29, v27;
	v19 =	vld.idx.msk [tilespmem:v37+s14+$0x0], $0xffff;
	v37 =	vor.u32 s11, v8  }
0x432: {  	v26 =	vor.u32 s11, v9;
	v29 =	vadd.f32 v32, v31;
	v31 =	vadd.f32 v34, v33;
	v20 =	vld.idx.msk [tilespmem:v38+s14+$0x0], $0xffff  }
.Ltmp12:
0x433: {  	v27 =	vor.u32 s11, v10;
	v33 =	vadd.f32 v35, v21;
	v34 =	vadd.f32 v23, v40;
	v22 =	vld.idx.msk [tilespmem:v30+s14+$0x0], $0xffff;
	(pc) =	sbr.rel @p2 .LBB2_26-.Ltmp12, $4  }
0x434: {  	v35 =	vadd.f32 v25, v24;
	v30 =	vor.u32 s11, v11;
	v29 =	vadd.f32 v31, v29;
	v21 =	vmovc v28;
	v23 =	vld.idx.msk [tilespmem:v39+s14+$0x0], $0xffff  }
0x435: {  	v31 =	vor.u32 s11, v12;
	v24 =	vld.idx.msk [tilespmem:v36+s14+$0x0], $0xffff  }
0x436: {  	v32 =	vor.u32 s11, v13;
	v28 =	vadd.f32 v34, v33;
	v29 =	vadd.f32 v29, v35;
	v25 =	vld.idx.msk [tilespmem:v37+s14+$0x0], $0xffff  }
0x437: {  	s13 =	sadd.s32 $0x1, s13;
	v33 =	vor.u32 s11, v14;
	v26 =	vld.idx.msk [tilespmem:v26+s14+$0x0], $0xffff  }
0x438: {  	_ =	sdelay $0x3  }
0x439: {  	v27 =	vld.idx.msk [tilespmem:v27+s14+$0x0], $0xffff;
	v34 =	vor.u32 s11, v15  }
0x43a: {  	v30 =	vld.idx.msk [tilespmem:v30+s14+$0x0], $0xffff  }
0x43b: {  	v31 =	vld.idx.msk [tilespmem:v31+s14+$0x0], $0xffff  }
0x43c: {  	v32 =	vld.idx.msk [tilespmem:v32+s14+$0x0], $0xffff  }
0x43d: {  	v33 =	vld.idx.msk [tilespmem:v33+s14+$0x0], $0xffff  }
0x43e: {  	v34 =	vld.idx.msk [tilespmem:v34+s14+$0x0], $0xffff;
	_ =	sdelay $0x1  }
0x43f: {  	v17 =	vadd.f32 v17, v21;
	v18 =	vadd.f32 v19, v18  }
0x440: {  	v19 =	vadd.f32 v22, v20;
	v20 =	vadd.f32 v24, v23  }
0x441: {  	v21 =	vadd.f32 v26, v25;
	v22 =	vadd.f32 v30, v27  }
0x442: {  	v23 =	vadd.f32 v32, v31;
	v24 =	vadd.f32 v34, v33  }
0x443: {  	v17 =	vadd.f32 v18, v17;
	v18 =	vadd.f32 v20, v19  }
0x444: {  	v19 =	vadd.f32 v22, v21;
	v20 =	vadd.f32 v24, v23;
	_ =	sdelay $0x1  }
0x445: {  	s10 =	sadd.s32 $0x80, s10;
	v17 =	vadd.f32 v18, v17;
	v18 =	vadd.f32 v20, v19  }
0x446: {  	v19 =	vadd.f32 v29, v28;
	v20 =	vld [tilespmem:s10+$0x0]  }
0x447: {  	v17 =	vadd.f32 v18, v17  }
0x448: {  	v18 =	vmul.f32 $5.000000000e-01, v19  }
0x449: {  	v17 =	vmul.f32 $5.000000000e-01, v17  }
0x44a: {  	s25 =	rddreg [dreg:$0xf];
	v16 =	vsub.f32 v18, v16  }
0x44b: {  	s9 =	sadd.s32 $0x10, s9;
	s10 =	sadd.s32 s23, s25;
	v17 =	vsub.f32 v17, v20  }
0x44c: {  	s10 =	sshrl.u32 s10, $0x3;
	[tilespmem:s9+$0x0] =	vst v16;
	s9 =	sadd.s32 $0x10, s9  }
0x44d: {  	s29 =	simm.s32 $0xD180;
	s28 =	sadd.s32 s3, s10;
	[tilespmem:s9+$0x0] =	vst v17;
	s9 =	simm.s32 @!p0 $0xE  }
0x44e: {  	[hbm4b:s28+s6] =	stream.linear.scatter [tilespmem:s29], [sflag:$0x9], $0x50, $0x38;
	[tilespmem:$0x12B00] =	vst v63  }
0x44f: {  	_ =	swait.ge @!p0 [sflag:s9], $0x50  }
0x450: {  	[sflag:s9] =	ssyncset.done @!p0 $0x0  }
0x451: {  	[sflag:s9] =	ssyncadd.s32 @!p0 $0xFFFFFFB0  }
0x452: {  	_ =	swait.ge @!p0 [sflag:s9], $0x50  }
0x453: {  	s11 =	simm.s32 @!p0 $0x8000;
	[sflag:s9] =	ssyncset.done @!p0 $0x0  }
0x454: {  	s10 =	simm.s32 @!p0 $0x180;
	[sflag:s9] =	ssyncadd.s32 @!p0 $0xFFFFFFB0;
	s9 =	simm.s32 @!p0 $0x50  }
0x455: {  	[tilespmem:s11], [sflag:$0x4] =	stream.indirect.gather @!p0 [hbm4b:s1+s9], $0x80, s10, s9, $0xb8;
	[tilespmem:$0x12B00] =	vst v63  }
0x456: {  	s10 =	simm.s32 @!p0 $0x2  }
0x457: {  	_ =	swait.ge @!p0 [sflag:s10], $0x2800  }
0x458: {  	[sflag:s10] =	ssyncset.done @!p0 $0x0  }
0x459: {  	s11 =	simm.s32 @!p0 $0x3000;
	[sflag:s10] =	ssyncadd.s32 @!p0 $0xFFFFD800;
	s10 =	simm.s32 @!p0 $0x480  }
0x45a: {  	[tilespmem:s11], [sflag:$0x2] =	stream.indirect.gather.add.f32 @!p0 [hbm:s1], $0x80, s10, s9, $0xb8;
	[tilespmem:$0x12B00] =	vst v63  }
0x45b: {  	_ =	swait.ge [sflag:s26], $0x2800  }
0x45c: {  	[sflag:s26] =	ssyncset.done $0x0  }
0x45d: {  	[sflag:s26] =	ssyncadd.s32 $0xFFFFD800  }
0x45e: {  	v16 =	vld [tilespmem:$0x200]  }
0x45f: {  	v17 =	vld [tilespmem:$0x600];
	_ =	sdelay $0x5  }
0x460: {  	v18 =	vld [tilespmem:$0x210]  }
0x461: {  	v16 =	vld.idx.msk [tilespmem:v16+s16+$0x0], $0xffff  }
0x462: {  	v17 =	vld.idx.msk [tilespmem:v17+s16+$0x0], $0xffff  }
0x463: {  	v19 =	vld [tilespmem:$0x610];
	_ =	sdelay $0x3  }
0x464: {  	v16 =	vadd.f32 v17, v16;
	_ =	sdelay $0x1  }
0x465: {  	[tilespmem:$0xFC00] =	vst v16  }
0x466: {  	v16 =	vld.idx.msk [tilespmem:v18+s16+$0x0], $0xffff  }
0x467: {  	v17 =	vld.idx.msk [tilespmem:v19+s16+$0x0], $0xffff  }
0x468: {  	v18 =	vld [tilespmem:$0x220]  }
0x469: {  	v19 =	vld [tilespmem:$0x620];
	_ =	sdelay $0x3  }
0x46a: {  	v16 =	vadd.f32 v17, v16;
	_ =	sdelay $0x1  }
0x46b: {  	[tilespmem:$0xFC80] =	vst v16  }
0x46c: {  	v16 =	vld.idx.msk [tilespmem:v18+s16+$0x0], $0xffff  }
0x46d: {  	v17 =	vld.idx.msk [tilespmem:v19+s16+$0x0], $0xffff  }
0x46e: {  	v18 =	vld [tilespmem:$0x230]  }
0x46f: {  	v19 =	vld [tilespmem:$0x630];
	_ =	sdelay $0x3  }
0x470: {  	v16 =	vadd.f32 v17, v16;
	_ =	sdelay $0x1  }
0x471: {  	[tilespmem:$0xFD00] =	vst v16  }
0x472: {  	v16 =	vld.idx.msk [tilespmem:v18+s16+$0x0], $0xffff  }
0x473: {  	v17 =	vld.idx.msk [tilespmem:v19+s16+$0x0], $0xffff  }
0x474: {  	v18 =	vld [tilespmem:$0x240]  }
0x475: {  	v19 =	vld [tilespmem:$0x640];
	_ =	sdelay $0x3  }
0x476: {  	v16 =	vadd.f32 v17, v16;
	_ =	sdelay $0x1  }
0x477: {  	[tilespmem:$0xFD80] =	vst v16  }
0x478: {  	v16 =	vld.idx.msk [tilespmem:v18+s16+$0x0], $0xffff  }
0x479: {  	v17 =	vld.idx.msk [tilespmem:v19+s16+$0x0], $0xffff;
	_ =	sdelay $0x3  }
0x47a: {  	s9 =	rddreg [dreg:$0x19]  }
0x47b: {  	s9 =	sadd.s32 @!p0 s23, s9;
	v16 =	vadd.f32 v17, v16  }
0x47c: {  	s9 =	sshrl.u32 @!p0 s9, $0x3  }
0x47d: {  	s13 =	simm.s32 @!p0 $0x200;
	s11 =	simm.s32 @!p0 $0x0;
	s10 =	sadd.s32 @!p0 s7, s9;
	[tilespmem:$0xFE00] =	vst v16  }
0x47e: {  	[tilespmem:s13], [sflag:$0xF] =	stream.linear.gather @!p0 [hbm4b:s10+s11], $0x50, $0x38;
	[tilespmem:$0x12B00] =	vst v63  }
0x47f: {  	s9 =	sadd.s32 @!p0 s2, s9;
	s10 =	simm.s32 @!p0 $0x600  }
0x480: {  	[tilespmem:s10], [sflag:$0xF] =	stream.linear.gather @!p0 [hbm4b:s9+s11], $0x50, $0x38;
	[tilespmem:$0x12B00] =	vst v63  }
0x481: {  	p0 =	por p0, !p1  }
0x482: {  	s9 =	simm.s32 @p0 $0xA  }
0x483: {  	_ =	swait.ge @p0 [sflag:s9], $0x50  }
0x484: {  	[sflag:s9] =	ssyncset.done @p0 $0x0  }
0x485: {  	s30 =	simm.s32 $0xA9F0;
	[sflag:s9] =	ssyncadd.s32 @p0 $0xFFFFFFB0  }
0x486: {  	v16 =	vld [tilespmem:s30+$0xFFFFFF90]  }
0x487: {  	v17 =	vld [tilespmem:s30+$0xFFFFFFA0]  }
0x488: {  	v18 =	vld [tilespmem:s30+$0xFFFFFFB0]  }
0x489: {  	v19 =	vld [tilespmem:s30+$0xFFFFFFC0]  }
0x48a: {  	v20 =	vld [tilespmem:s30+$0xFFFFFFD0]  }
0x48b: {  	v21 =	vld [tilespmem:s30+$0xFFFFFFE0]  }
0x48c: {  	v22 =	vld [tilespmem:s30+$0xFFFFFFF0]  }
0x48d: {  	v23 =	vld [tilespmem:s30+$0x0]  }
0x48e: {  	v24 =	vld [tilespmem:s30+$0xFFFFFE10]  }
0x48f: {  	v25 =	vld [tilespmem:s30+$0xFFFFFE20]  }
0x490: {  	v26 =	vld [tilespmem:s30+$0xFFFFFE30]  }
0x491: {  	v27 =	vld [tilespmem:s30+$0xFFFFFE40]  }
0x492: {  	v54 =	vld [tilespmem:s30+$0xFFFFFE50]  }
0x493: {  	v55 =	vld [tilespmem:s30+$0xFFFFFE60];
	v16 =	vmul.f32 v16, v16;
	v17 =	vmul.f32 v17, v17  }
0x494: {  	v56 =	vld [tilespmem:s30+$0xFFFFFE70];
	v18 =	vmul.f32 v18, v18;
	v19 =	vmul.f32 v19, v19  }
0x495: {  	v57 =	vld [tilespmem:s30+$0xFFFFFE80];
	v20 =	vmul.f32 v20, v20;
	v21 =	vmul.f32 v21, v21  }
0x496: {  	v58 =	vld [tilespmem:s30+$0xFFFFFE90];
	v22 =	vmul.f32 v22, v22;
	v23 =	vmul.f32 v23, v23  }
0x497: {  	v59 =	vld [tilespmem:s30+$0xFFFFFEA0];
	v16 =	vadd.f32 v17, v16;
	v17 =	vadd.f32 v19, v18  }
0x498: {  	v61 =	vld [tilespmem:s30+$0xFFFFFF00];
	v19 =	vadd.f32 v21, v20;
	v20 =	vadd.f32 v23, v22;
	v22 =	vmul.f32 v24, v24  }
0x499: {  	v18 =	vld [tilespmem:s30+$0xFFFFFEB0];
	v23 =	vmul.f32 v25, v25;
	v24 =	vmul.f32 v26, v26  }
0x49a: {  	v21 =	vld [tilespmem:s30+$0xFFFFFEC0];
	v25 =	vmul.f32 v27, v27;
	v26 =	vmul.f32 v54, v54;
	v16 =	vadd.f32 v17, v16  }
0x49b: {  	v17 =	vld [tilespmem:s30+$0xFFFFFED0];
	v19 =	vadd.f32 v20, v19;
	v22 =	vadd.f32 v23, v22;
	v23 =	vmul.f32 v55, v55  }
0x49c: {  	v60 =	vmul.f32 v57, v57;
	v20 =	vld [tilespmem:s30+$0xFFFFFEE0];
	v24 =	vadd.f32 v25, v24;
	v25 =	vmul.f32 v56, v56  }
0x49d: {  	v27 =	vld [tilespmem:s30+$0xFFFFFEF0];
	v62 =	vadd.f32 v19, v16;
	v16 =	vadd.f32 v23, v26  }
0x49e: {  	v63 =	vld [tilespmem:s30+$0xFFFFFF20];
	v19 =	vmul.f32 v58, v58;
	v25 =	vadd.f32 v60, v25;
	v26 =	vmul.f32 v59, v59  }
0x49f: {  	v23 =	vld [tilespmem:s30+$0xFFFFFF10];
	v22 =	vadd.f32 v24, v22;
	v18 =	vmul.f32 v18, v18;
	v21 =	vmul.f32 v21, v21  }
0x4a0: {  	s31 =	simm.s32 $0x0;
	s20 =	simm.s32 $0x80;
	v24 =	vld [tilespmem:s30+$0xFFFFFF30];
	v25 =	vadd.f32 v25, v16;
	v26 =	vadd.f32 v26, v19  }
0x4a1: {  	s18 =	sand.u32 $0x3800, s31;
	s20 =	sand.u32 $0x680, s20;
	v16 =	vld [tilespmem:s30+$0xFFFFFF40];
	v17 =	vmul.f32 v17, v17;
	v20 =	vmul.f32 v20, v20;
	v21 =	vadd.f32 v21, v18  }
0x4a2: {  	s18 =	sadd.s32 $0xD400, s18;
	s13 =	sand.u32 $0x600, s31;
	s10 =	simm.s32 $0x180;
	v29 =	vmul.f32 v61, v61;
	v27 =	vmul.f32 v27, v27;
	v18 =	vld [tilespmem:s30+$0xFFFFFF50];
	v25 =	vadd.f32 v25, v22  }
0x4a3: {  	s28 =	simm.s32 $0x100;
	s13 =	sadd.s32 s13, s18;
	s25 =	sand.u32 $0x780, s10;
	v19 =	vld [tilespmem:s30+$0xFFFFFF60];
	v20 =	vadd.f32 v20, v17;
	v17 =	vadd.f32 v21, v26  }
0x4a4: {  	s28 =	sand.u32 $0x700, s28;
	s11 =	simm.s32 $0x0;
	s25 =	sadd.s32 s25, s18;
	v22 =	vmul.f32 v23, v23;
	v21 =	vld [tilespmem:s30+$0xFFFFFF70];
	v26 =	vmul.f32 v63, v63;
	[tilespmem:s13+$0x0] =	vst v25;
	v25 =	vadd.f32 v29, v27  }
0x4a5: {  	[tilespmem:s25+$0x0] =	vst v62;
	s25 =	sadd.s32 s20, s18;
	s18 =	sadd.s32 s28, s18;
	v24 =	vmul.f32 v24, v24;
	v23 =	vld [tilespmem:s30+$0xFFFFFF80];
	s13 =	simm.s32 $0xABF0  }
.LBB2_28:
0x4a6: {  	v27 =	vld [tilespmem:s13+$0xFFFFFF90];
	v20 =	vadd.f32 v25, v20;
	v16 =	vmul.f32 v16, v16;
	v22 =	vadd.f32 v26, v22  }
0x4a7: {  	v25 =	vld [tilespmem:s13+$0xFFFFFFA0];
	v18 =	vmul.f32 v18, v18  }
0x4a8: {  	v26 =	vld [tilespmem:s13+$0xFFFFFFB0];
	v17 =	vadd.f32 v20, v17;
	v19 =	vmul.f32 v19, v19;
	v16 =	vadd.f32 v16, v24  }
0x4a9: {  	v20 =	vld [tilespmem:s13+$0xFFFFFFC0];
	v21 =	vmul.f32 v21, v21  }
0x4aa: {  	v24 =	vld [tilespmem:s13+$0xFFFFFFD0];
	[tilespmem:s25+$0x0] =	vst v17;
	v17 =	vmul.f32 v23, v23;
	v18 =	vadd.f32 v19, v18;
	v16 =	vadd.f32 v16, v22  }
0x4ab: {  	v19 =	vld [tilespmem:s13+$0xFFFFFFE0]  }
0x4ac: {  	v22 =	vld [tilespmem:s13+$0xFFFFFFF0];
	v17 =	vadd.f32 v17, v21  }
0x4ad: {  	s11 =	sadd.s32 $0x4, s11;
	v21 =	vld [tilespmem:s13+$0x0]  }
0x4ae: {  	p0 =	slt.u32 s11, $0x4C;
	v23 =	vld [tilespmem:s13+$0xFFFFFE10];
	v17 =	vadd.f32 v17, v18  }
0x4af: {  	v27 =	vmul.f32 v27, v27;
	v25 =	vmul.f32 v25, v25;
	v18 =	vld [tilespmem:s13+$0xFFFFFE20]  }
0x4b0: {  	v26 =	vmul.f32 v26, v26;
	v20 =	vmul.f32 v20, v20;
	v28 =	vld [tilespmem:s13+$0xFFFFFE30];
	v16 =	vadd.f32 v17, v16  }
0x4b1: {  	v24 =	vmul.f32 v24, v24;
	v19 =	vmul.f32 v19, v19;
	v17 =	vld [tilespmem:s13+$0xFFFFFE40]  }
0x4b2: {  	v22 =	vmul.f32 v22, v22;
	v29 =	vld [tilespmem:s13+$0xFFFFFE50];
	v21 =	vmul.f32 v21, v21;
	[tilespmem:s18+$0x0] =	vst v16  }
0x4b3: {  	v25 =	vadd.f32 v25, v27;
	v20 =	vadd.f32 v20, v26;
	v16 =	vmul.f32 v23, v23;
	v23 =	vld [tilespmem:s13+$0xFFFFFE60]  }
0x4b4: {  	v19 =	vadd.f32 v19, v24;
	v18 =	vmul.f32 v18, v18;
	v26 =	vld [tilespmem:s13+$0xFFFFFE70];
	v21 =	vadd.f32 v21, v22  }
0x4b5: {  	s9 =	simm.s32 $0xD200;
	s10 =	sadd.s32 $0x200, s10;
	v22 =	vmul.f32 v28, v28;
	v24 =	vld [tilespmem:s13+$0xFFFFFE80]  }
0x4b6: {  	s20 =	sadd.s32 $0xFFFFFF00, s10;
	s25 =	sadd.s32 $0xFFFFFF80, s10;
	s18 =	sadd.s32 $0xFFFFFE80, s10;
	v20 =	vadd.f32 v20, v25;
	v17 =	vmul.f32 v17, v17;
	v27 =	vld [tilespmem:s13+$0xFFFFFE90];
	v19 =	vadd.f32 v21, v19  }
0x4b7: {  	s20 =	sand.u32 $0x680, s20;
	s28 =	sand.u32 $0x3800, s18;
	s18 =	sand.u32 $0x600, s18;
	v16 =	vadd.f32 v18, v16;
	v21 =	vmul.f32 v29, v29;
	v18 =	vld [tilespmem:s13+$0xFFFFFEA0]  }
0x4b8: {  	s30 =	sand.u32 $0x780, s10;
	s29 =	sand.u32 $0x700, s25;
	s28 =	sadd.s32 $0xD400, s28;
	v23 =	vmul.f32 v23, v23;
	v17 =	vadd.f32 v17, v22;
	v22 =	vld [tilespmem:s13+$0xFFFFFEB0];
	v19 =	vadd.f32 v19, v20  }
0x4b9: {  	s31 =	sadd.s32 s18, s28;
	s25 =	sadd.s32 s20, s28;
	s20 =	sadd.s32 s30, s28;
	v20 =	vmul.f32 v26, v26;
	v25 =	vld [tilespmem:s13+$0xFFFFFEC0]  }
0x4ba: {  	s18 =	sadd.s32 s29, s28;
	v24 =	vmul.f32 v24, v24;
	v21 =	vadd.f32 v23, v21;
	v16 =	vadd.f32 v17, v16;
	v17 =	vld [tilespmem:s13+$0xFFFFFED0];
	[tilespmem:s20+$0x0] =	vst v19;
	s20 =	simm.s32 $0xFC00  }
0x4bb: {  	v19 =	vmul.f32 v27, v27;
	v23 =	vld [tilespmem:s13+$0xFFFFFEE0]  }
0x4bc: {  	v20 =	vadd.f32 v24, v20;
	v18 =	vmul.f32 v18, v18;
	v24 =	vld [tilespmem:s13+$0xFFFFFEF0]  }
0x4bd: {  	v22 =	vmul.f32 v22, v22;
	v26 =	vld [tilespmem:s13+$0xFFFFFF00]  }
0x4be: {  	v20 =	vadd.f32 v20, v21;
	v21 =	vmul.f32 v25, v25;
	v18 =	vadd.f32 v18, v19;
	v19 =	vld [tilespmem:s13+$0xFFFFFF10]  }
0x4bf: {  	v17 =	vmul.f32 v17, v17;
	v27 =	vld [tilespmem:s13+$0xFFFFFF20]  }
0x4c0: {  	v20 =	vadd.f32 v20, v16;
	v23 =	vmul.f32 v23, v23;
	v21 =	vadd.f32 v21, v22;
	v28 =	vld [tilespmem:s13+$0xFFFFFF30]  }
.Ltmp13:
0x4c1: {  	v24 =	vmul.f32 v24, v24;
	v16 =	vld [tilespmem:s13+$0xFFFFFF40];
	(pc) =	sbr.rel @p0 .LBB2_28-.Ltmp13, $4  }
0x4c2: {  	[tilespmem:s31+$0x0] =	vst v20;
	v25 =	vmul.f32 v26, v26;
	v20 =	vadd.f32 v23, v17;
	v17 =	vadd.f32 v21, v18;
	v18 =	vld [tilespmem:s13+$0xFFFFFF50]  }
0x4c3: {  	v22 =	vmul.f32 v19, v19;
	v19 =	vld [tilespmem:s13+$0xFFFFFF60]  }
0x4c4: {  	v25 =	vadd.f32 v25, v24;
	v26 =	vmul.f32 v27, v27;
	v21 =	vld [tilespmem:s13+$0xFFFFFF70]  }
0x4c5: {  	v24 =	vmul.f32 v28, v28;
	v23 =	vld [tilespmem:s13+$0xFFFFFF80];
	s13 =	sadd.s32 $0x200, s13  }
0x4c6: {  	_ =	sdelay $0x1  }
0x4c7: {  	v16 =	vmul.f32 v16, v16  }
0x4c8: {  	v18 =	vmul.f32 v18, v18;
	v19 =	vmul.f32 v19, v19  }
0x4c9: {  	v22 =	vadd.f32 v26, v22;
	v21 =	vmul.f32 v21, v21;
	v23 =	vmul.f32 v23, v23  }
0x4ca: {  	v20 =	vadd.f32 v25, v20;
	v16 =	vadd.f32 v16, v24  }
0x4cb: {  	v18 =	vadd.f32 v19, v18;
	v19 =	vadd.f32 v23, v21  }
0x4cc: {  	s10 =	simm.s32 $0x0;
	v17 =	vadd.f32 v20, v17  }
0x4cd: {  	v16 =	vadd.f32 v16, v22;
	v18 =	vadd.f32 v19, v18;
	v19 =	vor.u32 s10, v0  }
0x4ce: {  	v20 =	vor.u32 s10, v1  }
0x4cf: {  	[tilespmem:s25+$0x0] =	vst v17;
	v17 =	vor.u32 s10, v3;
	v16 =	vadd.f32 v18, v16  }
0x4d0: {  	v21 =	vor.u32 s10, v5  }
0x4d1: {  	v22 =	vor.u32 s10, v6;
	[tilespmem:s18+$0x0] =	vst v16  }
0x4d2: {  	v23 =	vor.u32 s10, v7;
	v19 =	vld.idx.msk [tilespmem:v19+s14+$0x0], $0xffff  }
0x4d3: {  	v24 =	vor.u32 s10, v8;
	v20 =	vld.idx.msk [tilespmem:v20+s14+$0x0], $0xffff  }
0x4d4: {  	v25 =	vor.u32 s10, v9;
	v17 =	vld.idx.msk [tilespmem:v17+s14+$0x0], $0xffff  }
0x4d5: {  	v26 =	vor.u32 s10, v10;
	v21 =	vld.idx.msk [tilespmem:v21+s14+$0x0], $0xffff  }
0x4d6: {  	v27 =	vor.u32 s10, v11;
	v22 =	vld.idx.msk [tilespmem:v22+s14+$0x0], $0xffff  }
0x4d7: {  	v28 =	vor.u32 s10, v12;
	v23 =	vld.idx.msk [tilespmem:v23+s14+$0x0], $0xffff  }
0x4d8: {  	v29 =	vor.u32 s10, v13;
	v24 =	vld.idx.msk [tilespmem:v24+s14+$0x0], $0xffff  }
0x4d9: {  	v30 =	vor.u32 s10, v14;
	v25 =	vld.idx.msk [tilespmem:v25+s14+$0x0], $0xffff  }
0x4da: {  	v31 =	vor.u32 s10, v15;
	v26 =	vld.idx.msk [tilespmem:v26+s14+$0x0], $0xffff  }
0x4db: {  	s31 =	simm.s32 $0x800;
	v27 =	vld.idx.msk [tilespmem:v27+s14+$0x0], $0xffff  }
0x4dc: {  	v32 =	vor.u32 s31, v0;
	v28 =	vld.idx.msk [tilespmem:v28+s14+$0x0], $0xffff  }
0x4dd: {  	v33 =	vor.u32 s31, v1;
	v29 =	vld.idx.msk [tilespmem:v29+s14+$0x0], $0xffff  }
0x4de: {  	v18 =	vor.u32 s10, v2;
	v30 =	vld.idx.msk [tilespmem:v30+s14+$0x0], $0xffff  }
0x4df: {  	v16 =	vor.u32 s10, v4;
	v31 =	vld.idx.msk [tilespmem:v31+s14+$0x0], $0xffff  }
0x4e0: {  	v34 =	vor.u32 s31, v2;
	v37 =	vld [tilespmem:s20+$0x0]  }
0x4e1: {  	v35 =	vor.u32 s31, v3;
	v32 =	vld.idx.msk [tilespmem:v32+s14+$0x0], $0xffff  }
0x4e2: {  	v36 =	vor.u32 s31, v4;
	v33 =	vld.idx.msk [tilespmem:v33+s14+$0x0], $0xffff  }
0x4e3: {  	v38 =	vor.u32 s31, v5;
	v18 =	vld.idx.msk [tilespmem:v18+s14+$0x0], $0xffff  }
0x4e4: {  	v42 =	vor.u32 s31, v9;
	v16 =	vld.idx.msk [tilespmem:v16+s14+$0x0], $0xffff  }
0x4e5: {  	v40 =	vor.u32 s31, v7;
	v34 =	vld.idx.msk [tilespmem:v34+s14+$0x0], $0xffff  }
0x4e6: {  	v41 =	vor.u32 s31, v8;
	v35 =	vld.idx.msk [tilespmem:v35+s14+$0x0], $0xffff  }
0x4e7: {  	s11 =	simm.s32 $0x1000;
	v39 =	vor.u32 s31, v6;
	v36 =	vld.idx.msk [tilespmem:v36+s14+$0x0], $0xffff;
	v19 =	vadd.f32 v20, v19;
	v24 =	vadd.f32 v25, v24  }
0x4e8: {  	v56 =	vor.u32 s11, v4;
	v20 =	vld.idx.msk [tilespmem:v38+s14+$0x0], $0xffff;
	v25 =	vadd.f32 v27, v26;
	v17 =	vadd.f32 v17, v18  }
0x4e9: {  	v54 =	vld.idx.msk [tilespmem:v42+s14+$0x0], $0xffff;
	v18 =	vor.u32 s31, v10;
	v16 =	vadd.f32 v21, v16;
	v21 =	vadd.f32 v23, v22  }
0x4ea: {  	v26 =	vld.idx.msk [tilespmem:v40+s14+$0x0], $0xffff;
	v27 =	vor.u32 s31, v12;
	v28 =	vadd.f32 v29, v28;
	v29 =	vadd.f32 v31, v30  }
0x4eb: {  	v30 =	vld.idx.msk [tilespmem:v41+s14+$0x0], $0xffff;
	v31 =	vor.u32 s31, v13;
	v17 =	vadd.f32 v17, v19;
	v16 =	vadd.f32 v21, v16  }
0x4ec: {  	v22 =	vld.idx.msk [tilespmem:v39+s14+$0x0], $0xffff;
	v23 =	vor.u32 s31, v11;
	v21 =	vadd.f32 v25, v24;
	v24 =	vadd.f32 v29, v28  }
0x4ed: {  	v19 =	vor.u32 s31, v14;
	v59 =	vadd.f32 v20, v36;
	v20 =	vld.idx.msk [tilespmem:v56+s14+$0x0], $0xffff  }
0x4ee: {  	v25 =	vld.idx.msk [tilespmem:v18+s14+$0x0], $0xffff;
	v18 =	vor.u32 s31, v15;
	v16 =	vadd.f32 v16, v17;
	v17 =	vadd.f32 v24, v21  }
0x4ef: {  	v24 =	vld.idx.msk [tilespmem:v27+s14+$0x0], $0xffff;
	v27 =	vor.u32 s11, v1  }
0x4f0: {  	v57 =	vor.u32 s11, v5;
	v28 =	vld.idx.msk [tilespmem:v31+s14+$0x0], $0xffff;
	v16 =	vadd.f32 v17, v16  }
0x4f1: {  	v23 =	vld.idx.msk [tilespmem:v23+s14+$0x0], $0xffff  }
0x4f2: {  	v29 =	vor.u32 s11, v2;
	v31 =	vld.idx.msk [tilespmem:v19+s14+$0x0], $0xffff;
	v17 =	vmul.f32 $5.000000000e-01, v16  }
0x4f3: {  	v21 =	vor.u32 s11, v0;
	v55 =	vld.idx.msk [tilespmem:v18+s14+$0x0], $0xffff  }
0x4f4: {  	v37 =	vsub.f32 v17, v37;
	v17 =	vld.idx.msk [tilespmem:v27+s14+$0x0], $0xffff;
	v27 =	vor.u32 s11, v6  }
0x4f5: {  	s10 =	simm.s32 $0xFC80;
	v19 =	vor.u32 s11, v3;
	v26 =	vadd.f32 v26, v22;
	v22 =	vld.idx.msk [tilespmem:v57+s14+$0x0], $0xffff  }
0x4f6: {  	v60 =	vor.u32 s11, v8;
	v32 =	vadd.f32 v33, v32;
	v58 =	vadd.f32 v35, v34;
	v16 =	vld [tilespmem:s10+$0x0]  }
0x4f7: {  	v30 =	vadd.f32 v54, v30;
	v18 =	vld.idx.msk [tilespmem:v29+s14+$0x0], $0xffff;
	v29 =	vor.u32 s11, v7;
	v24 =	vadd.f32 v28, v24  }
0x4f8: {  	v61 =	vor.u32 s11, v9;
	v21 =	vld.idx.msk [tilespmem:v21+s14+$0x0], $0xffff;
	v25 =	vadd.f32 v23, v25;
	v28 =	vadd.f32 v55, v31  }
0x4f9: {  	v33 =	vadd.f32 v58, v32;
	v26 =	vadd.f32 v26, v59;
	v23 =	vld.idx.msk [tilespmem:v27+s14+$0x0], $0xffff;
	v27 =	vor.u32 s11, v10  }
0x4fa: {  	v19 =	vld.idx.msk [tilespmem:v19+s14+$0x0], $0xffff;
	v62 =	vadd.f32 v25, v30;
	v30 =	vor.u32 s11, v11;
	v63 =	vadd.f32 v28, v24  }
0x4fb: {  	v25 =	vld.idx.msk [tilespmem:v60+s14+$0x0], $0xffff;
	v31 =	vor.u32 s11, v12  }
0x4fc: {  	v32 =	vor.u32 s11, v13;
	v24 =	vld.idx.msk [tilespmem:v29+s14+$0x0], $0xffff;
	v28 =	vadd.f32 v26, v33;
	v29 =	vadd.f32 v63, v62  }
0x4fd: {  	s13 =	simm.s32 $0x3;
	[tilespmem:s9+$0x0] =	vst v37;
	v26 =	vld.idx.msk [tilespmem:v61+s14+$0x0], $0xffff;
	v33 =	vor.u32 s11, v14  }
.LBB2_30:
0x4fe: {  	p0 =	sne.s32 s13, $0x4;
	v27 =	vld.idx.msk [tilespmem:v27+s14+$0x0], $0xffff;
	v34 =	vor.u32 s11, v15;
	v28 =	vadd.f32 v29, v28  }
0x4ff: {  	s11 =	sshll.u32 s13, $0xB;
	v29 =	vld.idx.msk [tilespmem:v30+s14+$0x0], $0xffff  }
0x500: {  	v30 =	vor.u32 s11, v0;
	v31 =	vld.idx.msk [tilespmem:v31+s14+$0x0], $0xffff;
	v28 =	vmul.f32 $5.000000000e-01, v28  }
0x501: {  	v35 =	vor.u32 s11, v1;
	v32 =	vld.idx.msk [tilespmem:v32+s14+$0x0], $0xffff  }
0x502: {  	v36 =	vor.u32 s11, v2;
	v33 =	vld.idx.msk [tilespmem:v33+s14+$0x0], $0xffff;
	v28 =	vsub.f32 v28, v16  }
0x503: {  	s10 =	sadd.s32 $0x80, s10;
	s9 =	sadd.s32 $0x10, s9;
	v37 =	vor.u32 s11, v3;
	v34 =	vld.idx.msk [tilespmem:v34+s14+$0x0], $0xffff  }
0x504: {  	v38 =	vor.u32 s11, v4;
	v16 =	vld [tilespmem:s10+$0x0];
	[tilespmem:s9+$0x0] =	vst v28  }
0x505: {  	v28 =	vld.idx.msk [tilespmem:v30+s14+$0x0], $0xffff;
	v30 =	vor.u32 s11, v5  }
0x506: {  	v21 =	vadd.f32 v17, v21;
	v39 =	vor.u32 s11, v6;
	v17 =	vld.idx.msk [tilespmem:v35+s14+$0x0], $0xffff;
	v35 =	vadd.f32 v19, v18  }
0x507: {  	v40 =	vadd.f32 v22, v20;
	v23 =	vadd.f32 v24, v23;
	v18 =	vld.idx.msk [tilespmem:v36+s14+$0x0], $0xffff;
	v36 =	vor.u32 s11, v7  }
0x508: {  	v24 =	vadd.f32 v26, v25;
	v25 =	vadd.f32 v29, v27;
	v19 =	vld.idx.msk [tilespmem:v37+s14+$0x0], $0xffff;
	v37 =	vor.u32 s11, v8  }
0x509: {  	v26 =	vor.u32 s11, v9;
	v29 =	vadd.f32 v32, v31;
	v31 =	vadd.f32 v34, v33;
	v20 =	vld.idx.msk [tilespmem:v38+s14+$0x0], $0xffff  }
.Ltmp14:
0x50a: {  	v27 =	vor.u32 s11, v10;
	v33 =	vadd.f32 v35, v21;
	v34 =	vadd.f32 v23, v40;
	v22 =	vld.idx.msk [tilespmem:v30+s14+$0x0], $0xffff;
	(pc) =	sbr.rel @p0 .LBB2_30-.Ltmp14, $4  }
0x50b: {  	v35 =	vadd.f32 v25, v24;
	v30 =	vor.u32 s11, v11;
	v29 =	vadd.f32 v31, v29;
	v21 =	vmovc v28;
	v23 =	vld.idx.msk [tilespmem:v39+s14+$0x0], $0xffff  }
0x50c: {  	v31 =	vor.u32 s11, v12;
	v24 =	vld.idx.msk [tilespmem:v36+s14+$0x0], $0xffff  }
0x50d: {  	v32 =	vor.u32 s11, v13;
	v28 =	vadd.f32 v34, v33;
	v29 =	vadd.f32 v29, v35;
	v25 =	vld.idx.msk [tilespmem:v37+s14+$0x0], $0xffff  }
0x50e: {  	s13 =	sadd.s32 $0x1, s13;
	v33 =	vor.u32 s11, v14;
	v26 =	vld.idx.msk [tilespmem:v26+s14+$0x0], $0xffff  }
0x50f: {  	_ =	sdelay $0x3  }
0x510: {  	v27 =	vld.idx.msk [tilespmem:v27+s14+$0x0], $0xffff;
	v34 =	vor.u32 s11, v15  }
0x511: {  	v30 =	vld.idx.msk [tilespmem:v30+s14+$0x0], $0xffff  }
0x512: {  	v31 =	vld.idx.msk [tilespmem:v31+s14+$0x0], $0xffff  }
0x513: {  	v32 =	vld.idx.msk [tilespmem:v32+s14+$0x0], $0xffff  }
0x514: {  	v33 =	vld.idx.msk [tilespmem:v33+s14+$0x0], $0xffff  }
0x515: {  	v34 =	vld.idx.msk [tilespmem:v34+s14+$0x0], $0xffff;
	_ =	sdelay $0x1  }
0x516: {  	v17 =	vadd.f32 v17, v21;
	v18 =	vadd.f32 v19, v18  }
0x517: {  	v51 =	vadd.f32 v22, v20;
	v52 =	vadd.f32 v24, v23  }
0x518: {  	v53 =	vadd.f32 v26, v25;
	v54 =	vadd.f32 v30, v27  }
0x519: {  	v55 =	vadd.f32 v32, v31;
	v56 =	vadd.f32 v34, v33  }
0x51a: {  	v17 =	vadd.f32 v18, v17;
	v57 =	vadd.f32 v52, v51  }
0x51b: {  	v58 =	vadd.f32 v54, v53;
	v59 =	vadd.f32 v56, v55;
	_ =	sdelay $0x1  }
0x51c: {  	s10 =	sadd.s32 $0x80, s10;
	v17 =	vadd.f32 v57, v17;
	v60 =	vadd.f32 v59, v58  }
0x51d: {  	v61 =	vadd.f32 v29, v28;
	v62 =	vld [tilespmem:s10+$0x0]  }
0x51e: {  	v17 =	vadd.f32 v60, v17  }
0x51f: {  	s5 =	sadd.s32 $0x1, s5;
	v63 =	vmul.f32 $5.000000000e-01, v61  }
0x520: {  	p0 =	sne.s32 s5, $0x19;
	v17 =	vmul.f32 $5.000000000e-01, v17  }
.Ltmp15:
0x521: {  	s29 =	rddreg [dreg:$0x1a];
	v16 =	vsub.f32 v63, v16;
	(pc) =	sbr.rel @p0 .LBB2_8-.Ltmp15, $4  }
0x522: {  	s9 =	sadd.s32 $0x10, s9;
	s10 =	sadd.s32 s23, s29;
	v17 =	vsub.f32 v17, v62  }
0x523: {  	s10 =	sshrl.u32 s10, $0x3;
	[tilespmem:s9+$0x0] =	vst v16;
	s9 =	sadd.s32 $0x10, s9  }
0x524: {  	s31 =	simm.s32 $0xD200;
	s30 =	sadd.s32 s3, s10;
	[tilespmem:s9+$0x0] =	vst v17  }
0x525: {  	[hbm4b:s30+s6] =	stream.linear.scatter [tilespmem:s31], [sflag:$0xA], $0x50, $0x38;
	[tilespmem:$0x12B00] =	vst v63  }
0x526: {  	s5 =	simm.s32 $0x6  }
0x527: {  	_ =	swait.ge [sflag:s5], $0x50  }
0x528: {  	[sflag:s5] =	ssyncset.done $0x0  }
0x529: {  	s28 =	simm.s32 $0x7;
	[sflag:s5] =	ssyncadd.s32 $0xFFFFFFB0  }
0x52a: {  	_ =	swait.ge [sflag:s28], $0x50  }
0x52b: {  	[sflag:s28] =	ssyncset.done $0x0  }
0x52c: {  	s29 =	simm.s32 $0x8;
	[sflag:s28] =	ssyncadd.s32 $0xFFFFFFB0  }
0x52d: {  	_ =	swait.ge [sflag:s29], $0x50  }
0x52e: {  	[sflag:s29] =	ssyncset.done $0x0  }
0x52f: {  	s30 =	simm.s32 $0x9;
	[sflag:s29] =	ssyncadd.s32 $0xFFFFFFB0  }
0x530: {  	_ =	swait.ge [sflag:s30], $0x50  }
0x531: {  	[sflag:s30] =	ssyncset.done $0x0  }
0x532: {  	s9 =	simm.s32 $0xA;
	[sflag:s30] =	ssyncadd.s32 $0xFFFFFFB0  }
0x533: {  	_ =	swait.ge [sflag:s9], $0x50  }
0x534: {  	s10 =	rddreg [dreg:$0x1b]  }
0x535: {  	s31 =	rddreg [dreg:$0x14];
	s10 =	sadd.s32 $0x1, s10  }
0x536: {  	p0 =	sne.s32 s10, s31  }
.Ltmp16:
0x537: {  	_ = 	snop;
	(pc) =	sbr.rel @p0 .LBB2_1-.Ltmp16, $3  }
0x538: {  	_ =	sdelay $0x1  }
0x539: {  	[sflag:s9] =	ssyncset.done $0x0  }
0x53a: {  	[sflag:s9] =	ssyncadd.s32 $0xFFFFFFB0  }
0x53b: {  	_ =	sfence.sel $0x180000  }
0x53c: {  	[bflag:$0x0] =	sbarrier.arrive $0xFFFF  }
0x53d: {  	_ =	strace $0x90000047  }
0x53e: {  	s0 =	stileid.u32;
	[bflag:$0x2] =	sbarrier.arrive $0xFFFF  }
0x53f: {  	p0 =	sne.s32 s0, $0x0;
	s0 =	rddreg [dreg:$0x4]  }
0x540: {  	s0 =	sadd.s32 @!p0 $0x100000, s0  }
0x541: {  	[sflag:s0] =	ssyncadd.tile.s32 @!p0 $0x1;
	_ =	shalt  }
.Lfunc_end2:
_tile_overlayer_lowered:
.L_overlay_start_2:
0x542: {  	(tag) =	ssettag $0x2  }
0x543: {  	s0 =	rddreg [dreg:$0x0];
	s2 =	stileid.u32  }
0x544: {  	s1 =	rddreg [dreg:$0x1];
	p0 =	sne.s32 s2, $0x0  }
0x545: {  	s3 =	rddreg [dreg:$0x2];
	[bflag:$0x3] =	sbarrier.arrive $0xFFFF;
	s2 =	simm.s32 @!p0 $0x1C10  }
0x546: {  	[timem:s3], [sflag:s2] =	dma.local @!p0 [hbm:s0], s1  }
0x547: {  	s0 =	simm.s32 @!p0 $0x10  }
0x548: {  	_ =	swait.ge @!p0 [sflag:s0], s1  }
0x549: {  	s1 =	ssub.s32 @!p0 $0x0, s1;
	[sflag:s0] =	ssyncset.done @!p0 $0x0  }
0x54a: {  	[sflag:s0] =	ssyncadd.s32 @!p0 s1  }
0x54b: {  	[bflag:$0x3] =	sbarrier.arrive $0xFFFF  }
0x54c: {  	_ =	shalt  }

</sc_bundles>
